<compile_context>
chip_gen: v7x
topology: tpu7x:2x2x1
jax: 0.10.2.dev20260603
libtpu: 0.0.44.dev20260713+nightly
codegen_flags: <defaults>
</compile_context>

<pallas_src>
import functools

import jax
import jax.numpy as jnp
from jax import lax
from jax.experimental import pallas as pl
from jax.experimental.pallas import tpu as pltpu
from jax.experimental.pallas import tpu_sc as plsc

N_NODES = 10000
NPAD = 10240
E = 320000
N_SUB = 512
H = 128
AW = 4

HH = H // 2

CH = 80
NCHUNK = E // CH
CPH = NCHUNK // 2 // 16
TILE_ROWS = NPAD // 16

R = 1000
NB = N_NODES // R


def _sc_segment_sums(xs, srcdst, e0, e1, e2, ones_e, zg, za):
    mesh = plsc.VectorSubcoreMesh(core_axis_name="c", subcore_axis_name="s")
    HCH = CPH * CH

    @functools.partial(
        pl.kernel,
        out_type=[
            jax.ShapeDtypeStruct((NPAD, H), jnp.float32),
            jax.ShapeDtypeStruct((2, AW, NPAD), jnp.float32),
        ],
        mesh=mesh,
        compiler_params=pltpu.CompilerParams(use_tc_tiling_on_sc=False),
        scratch_types=[
            pltpu.VMEM((CPH, CH), jnp.int32),
            pltpu.VMEM((CPH, CH), jnp.int32),
            pltpu.VMEM((CH, HH), jnp.float32),
            pltpu.VMEM((CH, HH), jnp.float32),
            pltpu.VMEM((CH, HH), jnp.float32),
            pltpu.VMEM((CH, HH), jnp.float32),
            pltpu.VMEM((CH, HH), jnp.float32),
            pltpu.VMEM((HCH,), jnp.float32),
            pltpu.VMEM((HCH,), jnp.float32),
            pltpu.VMEM((HCH,), jnp.float32),
            pltpu.VMEM((CH,), jnp.float32),
            pltpu.VMEM((TILE_ROWS // 4, HH), jnp.float32),
            pltpu.VMEM((TILE_ROWS,), jnp.float32),
            pltpu.VMEM_SHARED((NPAD, HH), jnp.float32),
            pltpu.VMEM_SHARED((AW, NPAD), jnp.float32),
            pltpu.SemaphoreType.DMA,
            pltpu.SemaphoreType.DMA,
            pltpu.SemaphoreType.DMA,
            pltpu.SemaphoreType.DMA,
            pltpu.SemaphoreType.DMA,
            pltpu.SemaphoreType.DMA,
        ],
    )
    def sc_kernel(xs_hbm, srcdst_hbm, e0_hbm, e1_hbm, e2_hbm,
                  ones_hbm, zg_hbm, za_hbm, g_out, a_out,
                  srcblk, dstblk, rowb0, rowb1, rowb2, rowb3, rowb4,
                  ec0, ec1, ec2, onesb,
                  stg_g, stg_a, gacc, aacc,
                  sem0, sem1, sem3, sem4, sem5, sem2):
        cid = lax.axis_index("c")
        sid = lax.axis_index("s")
        r0 = sid * TILE_ROWS
        rb = (rowb0, rowb1, rowb2, rowb3, rowb4)
        sems = (sem0, sem1, sem3, sem4, sem5)

        QR = TILE_ROWS // 4
        for q in range(4):
            pltpu.sync_copy(zg_hbm.at[pl.ds(r0 + q * QR, QR)], stg_g)
            pltpu.sync_copy(stg_g, gacc.at[pl.ds(r0 + q * QR, QR)])
        pltpu.sync_copy(za_hbm.at[pl.ds(r0, TILE_ROWS)], stg_a)
        for c in range(AW):
            pltpu.sync_copy(stg_a, aacc.at[c].at[pl.ds(r0, TILE_ROWS)])
        pltpu.sync_copy(ones_hbm, onesb)
        plsc.subcore_barrier()

        own0 = cid * (NCHUNK // 2) + sid * CPH
        oth0 = (1 - cid) * (NCHUNK // 2) + sid * CPH

        def run_half(c0, own):
            pltpu.sync_copy(srcdst_hbm.at[0].at[pl.ds(c0, CPH)], srcblk)
            pltpu.sync_copy(srcdst_hbm.at[1].at[pl.ds(c0, CPH)], dstblk)
            if own:
                pltpu.sync_copy(e0_hbm.at[pl.ds(c0 * CH, HCH)], ec0)
                pltpu.sync_copy(e1_hbm.at[pl.ds(c0 * CH, HCH)], ec1)
                pltpu.sync_copy(e2_hbm.at[pl.ds(c0 * CH, HCH)], ec2)
            xh = xs_hbm.at[cid]

            def fire(i, p):
                pltpu.async_copy(xh.at[srcblk.at[i]], rb[p], sems[p])

            def drain(i, p):
                pltpu.make_async_copy(
                    xh.at[srcblk.at[i]], rb[p], sems[p]).wait()
                if own:
                    dsts = dstblk.at[i]
                    cs0 = pltpu.async_copy(ec0.at[pl.ds(i * CH, CH)],
                                           aacc.at[0].at[dsts], sem2,
                                           add=True)
                    cs1 = pltpu.async_copy(ec1.at[pl.ds(i * CH, CH)],
                                           aacc.at[1].at[dsts], sem2,
                                           add=True)
                    cs2 = pltpu.async_copy(ec2.at[pl.ds(i * CH, CH)],
                                           aacc.at[2].at[dsts], sem2,
                                           add=True)
                    cs3 = pltpu.async_copy(onesb, aacc.at[3].at[dsts],
                                           sem2, add=True)
                    pltpu.sync_copy(rb[p], gacc.at[dstblk.at[i]], add=True)
                    cs0.wait()
                    cs1.wait()
                    cs2.wait()
                    cs3.wait()
                else:
                    pltpu.sync_copy(rb[p], gacc.at[dstblk.at[i]], add=True)

            NBUF = 5
            for b in range(NBUF):
                fire(b, b)

            def ring(k, carry):
                i = NBUF * k
                for b in range(NBUF):
                    drain(i + b, b)
                    fire(i + NBUF + b, b)
                return carry

            lax.fori_loop(0, CPH // NBUF - 1, ring, 0)
            for b in range(NBUF):
                drain(CPH - NBUF + b, b)

        run_half(own0, True)
        run_half(oth0, False)
        plsc.subcore_barrier()

        for q in range(4):
            pltpu.sync_copy(gacc.at[pl.ds(r0 + q * QR, QR)], stg_g)
            pltpu.sync_copy(
                stg_g,
                g_out.at[pl.ds(r0 + q * QR, QR), pl.ds(cid * HH, HH)])
        for c in range(AW):
            pltpu.sync_copy(aacc.at[c].at[pl.ds(r0, TILE_ROWS)], stg_a)
            pltpu.sync_copy(
                stg_a, a_out.at[cid].at[c].at[pl.ds(r0, TILE_ROWS)])

    gp, ap = sc_kernel(xs, srcdst, e0, e1, e2, ones_e, zg, za)
    return gp, ap


def _tc_xw_body(x_ref, wn_ref, t_ref):
    t_ref[...] = jnp.dot(x_ref[...], wn_ref[...],
                         preferred_element_type=jnp.float32)


def _tc_body(t1_ref, gp_ref, ap_ref, batch_ref, wn_ref, we_ref, wu_ref,
             bn_ref, bu_ref, out_ref, cnt_ref):
    i = pl.program_id(0)

    @pl.when(i == 0)
    def _init():
        out_ref[...] = jnp.zeros_like(out_ref)
        cnt_ref[...] = jnp.zeros_like(cnt_ref)

    a = ap_ref[0] + ap_ref[1]
    z = (
        t1_ref[...]
        + jnp.dot(gp_ref[...], wn_ref[...], preferred_element_type=jnp.float32)
        + jnp.dot(a, we_ref[...], preferred_element_type=jnp.float32)
        + bn_ref[...]
    )
    y = jnp.maximum(jnp.dot(z, wu_ref[...], preferred_element_type=jnp.float32)
                    + bu_ref[...], 0.0)

    seg = batch_ref[0]
    onehot = (seg == lax.broadcasted_iota(jnp.int32, (N_SUB, R), 0)
              ).astype(jnp.float32)
    out_ref[...] += jnp.dot(onehot, y, preferred_element_type=jnp.float32)
    cnt_ref[...] += jnp.sum(onehot, axis=1, keepdims=True)

    @pl.when(i == NB - 1)
    def _fin():
        out_ref[...] = out_ref[...] / jnp.maximum(cnt_ref[...], 1.0)


def kernel(x, edge_attr, W_node, b_node, W_edge, b_edge, W_upd, b_upd,
           batch, subgraph_idx_batch, edge_index):
    we4 = jnp.concatenate([W_edge, (b_node + b_edge)[None, :]], axis=0)
    zg = jnp.zeros((NPAD, HH), jnp.float32)
    za = jnp.zeros((NPAD,), jnp.float32)
    ones_e = jnp.ones((CH,), jnp.float32)
    xs = jnp.stack([x[:, :HH], x[:, HH:]])

    gp, ap = _sc_segment_sums(
        xs, edge_index.reshape(2, NCHUNK, CH),
        edge_attr[:, 0], edge_attr[:, 1], edge_attr[:, 2],
        ones_e, zg, za)

    t1 = pl.pallas_call(
        _tc_xw_body,
        grid=(NB,),
        in_specs=[
            pl.BlockSpec((R, H), lambda i: (i, 0)),
            pl.BlockSpec((H, H), lambda i: (0, 0)),
        ],
        out_specs=pl.BlockSpec((R, H), lambda i: (i, 0)),
        out_shape=jax.ShapeDtypeStruct((N_NODES, H), jnp.float32),
    )(x, W_node)

    out = pl.pallas_call(
        _tc_body,
        grid=(NB,),
        in_specs=[
            pl.BlockSpec((R, H), lambda i: (i, 0)),
            pl.BlockSpec((R, H), lambda i: (i, 0)),
            pl.BlockSpec((2, R, AW), lambda i: (0, i, 0)),
            pl.BlockSpec((1, 1, R), lambda i: (i, 0, 0)),
            pl.BlockSpec((H, H), lambda i: (0, 0)),
            pl.BlockSpec((AW, H), lambda i: (0, 0)),
            pl.BlockSpec((H, H), lambda i: (0, 0)),
            pl.BlockSpec((1, H), lambda i: (0, 0)),
            pl.BlockSpec((1, H), lambda i: (0, 0)),
        ],
        out_specs=pl.BlockSpec((N_SUB, H), lambda i: (0, 0)),
        out_shape=jax.ShapeDtypeStruct((N_SUB, H), jnp.float32),
        scratch_shapes=[pltpu.VMEM((N_SUB, H), jnp.float32)],
    )(t1, gp, jnp.swapaxes(ap, 1, 2), batch.reshape(NB, 1, R), W_node,
      we4, W_upd,
      b_node[None, :], b_upd[None, :])
    return out

# --- scband reference (transcript-rebuilt; emitter-appended) ---
"""Pipeline reference for scband-frag-esanencoder-87273735455439 (READ-ONLY COPY).

The authoritative reference and input builder live on the scoring server;
editing this copy changes nothing except your own understanding.
"""

import jax, jax.numpy as jnp
import numpy as np

N_NODES = 10000
E = 320000
N_SUB = 512
D_IN = 128
H = 128
D_EDGE = 3


def setup_inputs(seed: int = 0) -> dict:
    key = jax.random.key(seed)
    ks = jax.random.split(key, 10)
    x = jax.random.normal(ks[0], (N_NODES, D_IN), dtype=jnp.float32)
    batch = jnp.sort(jax.random.randint(ks[1], (N_NODES,), 0, N_SUB)).astype(jnp.int32)
    subgraph_idx_batch = jnp.sort(jax.random.randint(ks[2], (N_SUB,), 0, 64)).astype(jnp.int32)
    edge_index = jax.random.randint(ks[3], (2, E), 0, N_NODES).astype(jnp.int32)
    edge_attr = jax.random.normal(ks[4], (E, D_EDGE), dtype=jnp.float32)
    W_node = jax.random.normal(ks[5], (D_IN, H), dtype=jnp.float32) * 0.05
    b_node = jnp.zeros((H,), dtype=jnp.float32)
    W_edge = jax.random.normal(ks[6], (D_EDGE, H), dtype=jnp.float32) * 0.05
    b_edge = jnp.zeros((H,), dtype=jnp.float32)
    W_upd = jax.random.normal(ks[7], (H, H), dtype=jnp.float32) * 0.05
    b_upd = jnp.zeros((H,), dtype=jnp.float32)
    return {
        'x': x, 'edge_attr': edge_attr,
        'W_node': W_node, 'b_node': b_node,
        'W_edge': W_edge, 'b_edge': b_edge,
        'W_upd': W_upd, 'b_upd': b_upd,
        'batch': batch, 'subgraph_idx_batch': subgraph_idx_batch,
        'edge_index': edge_index,
    }


def reference(x, edge_attr, W_node, b_node, W_edge, b_edge, W_upd, b_upd,
              batch, subgraph_idx_batch, edge_index):
    # node_embed: Linear(input_dim, hidden)
    h = x @ W_node + b_node
    # edge_encoder: Linear(EDGE_INPUT_DIM_FULL, hidden)
    e = edge_attr @ W_edge + b_edge
    # Encoder2D (one message-passing layer): gather src, add edge emb, scatter-add to dst
    src = edge_index[0]
    dst = edge_index[1]
    msg = h[src] + e
    agg = jax.ops.segment_sum(msg, dst, num_segments=N_NODES)
    out = jax.nn.relu((h + agg) @ W_upd + b_upd)
    # node_pool with nodes_pool='mean': scatter-mean over subgraph index `batch`
    sums = jax.ops.segment_sum(out, batch, num_segments=N_SUB)
    counts = jax.ops.segment_sum(jnp.ones((N_NODES,), jnp.float32), batch, num_segments=N_SUB)
    h_subgraph = sums / jnp.clip(counts, 1.0)[:, None]
    # ssl=True / features_only=True -> return h_subgraph (downstream head not applied)
    return h_subgraph

if __name__ == "__main__":
    import jax
    _d = setup_inputs()
    print(jax.jit(kernel)(*tuple(_d.values())))

</pallas_src>

<mosaic_0001>
#map = affine_map<(d0, d1) -> (0, 0, 0)>
#map1 = affine_map<(d0, d1) -> (0)>
#map2 = affine_map<(d0, d1) -> (0, 0)>
module attributes {stable_mosaic.version = 14 : i64} {
  func.func @sc_kernel(%arg0: i32, %arg1: i32, %arg2: memref<2x10000x64xf32, #tpu.memory_space<hbm>>, %arg3: memref<2x4000x80xi32, #tpu.memory_space<hbm>>, %arg4: memref<320000xf32, #tpu.memory_space<hbm>>, %arg5: memref<320000xf32, #tpu.memory_space<hbm>>, %arg6: memref<320000xf32, #tpu.memory_space<hbm>>, %arg7: memref<80xf32, #tpu.memory_space<hbm>>, %arg8: memref<10240x64xf32, #tpu.memory_space<hbm>>, %arg9: memref<10240xf32, #tpu.memory_space<hbm>>, %arg10: memref<10240x128xf32, #tpu.memory_space<hbm>>, %arg11: memref<2x4x10240xf32, #tpu.memory_space<hbm>>, %arg12: memref<125x80xi32, #tpu.memory_space<vmem>>, %arg13: memref<125x80xi32, #tpu.memory_space<vmem>>, %arg14: memref<80x64xf32, #tpu.memory_space<vmem>>, %arg15: memref<80x64xf32, #tpu.memory_space<vmem>>, %arg16: memref<80x64xf32, #tpu.memory_space<vmem>>, %arg17: memref<80x64xf32, #tpu.memory_space<vmem>>, %arg18: memref<80x64xf32, #tpu.memory_space<vmem>>, %arg19: memref<10000xf32, #tpu.memory_space<vmem>>, %arg20: memref<10000xf32, #tpu.memory_space<vmem>>, %arg21: memref<10000xf32, #tpu.memory_space<vmem>>, %arg22: memref<80xf32, #tpu.memory_space<vmem>>, %arg23: memref<160x64xf32, #tpu.memory_space<vmem>>, %arg24: memref<640xf32, #tpu.memory_space<vmem>>, %arg25: memref<10240x64xf32, #tpu.memory_space<vmem_shared>>, %arg26: memref<4x10240xf32, #tpu.memory_space<vmem_shared>>, %arg27: memref<!tpu.dma_semaphore, #tpu.memory_space<semaphore_mem>>, %arg28: memref<!tpu.dma_semaphore, #tpu.memory_space<semaphore_mem>>, %arg29: memref<!tpu.dma_semaphore, #tpu.memory_space<semaphore_mem>>, %arg30: memref<!tpu.dma_semaphore, #tpu.memory_space<semaphore_mem>>, %arg31: memref<!tpu.dma_semaphore, #tpu.memory_space<semaphore_mem>>, %arg32: memref<!tpu.dma_semaphore, #tpu.memory_space<semaphore_mem>>) attributes {dimension_semantics = [#tpu.dimension_semantics<core_parallel>, #tpu.dimension_semantics<subcore_parallel>], iteration_bounds = array<i64: 2, 16>, scalar_prefetch = 0 : i64, scratch_operands = 21 : i64, tpu.core_type = #tpu.core_type<sc_vector_subcore>, window_params = [{transform_indices = #map}, {transform_indices = #map}, {transform_indices = #map1}, {transform_indices = #map1}, {transform_indices = #map1}, {transform_indices = #map1}, {transform_indices = #map2}, {transform_indices = #map1}, {transform_indices = #map2}, {transform_indices = #map}]} {
    %mul3A = arith.constant 640 : i32
    %mul3A_0 = arith.muli %arg1, %mul3A : i32
    %add3A = arith.constant 0 : i32
    %add3A_1 = arith.addi %mul3A_0, %add3A : i32
    "tpu.region"() ({
      %run_scoped3A_772 = tpu.sem_alloc : memref<!tpu.dma_semaphore, #tpu.memory_space<semaphore_mem>>
      %dma_start3A_773 = arith.constant 0 : i32
      %dma_start3A_774 = tpu.memref_slice %arg8[%add3A_1, %dma_start3A_773] : memref<10240x64xf32, #tpu.memory_space<hbm>> -> memref<160x64xf32, #tpu.memory_space<hbm>>
      %dma_start3A_775 = arith.constant 0 : i32
      %dma_start3A_776 = tpu.memref_slice %arg8[%add3A_1, %dma_start3A_775] : memref<10240x64xf32, #tpu.memory_space<hbm>> -> memref<160x64xf32, #tpu.memory_space<hbm>>
      tpu.enqueue_dma source(%dma_start3A_776 : memref<160x64xf32, #tpu.memory_space<hbm>>) target(%arg23 : memref<160x64xf32, #tpu.memory_space<vmem>>) target_semaphore(%run_scoped3A_772 : memref<!tpu.dma_semaphore, #tpu.memory_space<semaphore_mem>>)
      %dma_wait3A_777 = arith.constant 0 : i32
      %dma_wait3A_778 = tpu.memref_slice %arg8[%add3A_1, %dma_wait3A_777] : memref<10240x64xf32, #tpu.memory_space<hbm>> -> memref<160x64xf32, #tpu.memory_space<hbm>>
      %dma_wait3A_779 = arith.constant 0 : i32
      %dma_wait3A_780 = tpu.memref_slice %arg8[%add3A_1, %dma_wait3A_779] : memref<10240x64xf32, #tpu.memory_space<hbm>> -> memref<160x64xf32, #tpu.memory_space<hbm>>
      tpu.wait_dma2 semaphore(%run_scoped3A_772 : memref<!tpu.dma_semaphore, #tpu.memory_space<semaphore_mem>>) src(%dma_wait3A_780 : memref<160x64xf32, #tpu.memory_space<hbm>>) dst(%arg23 : memref<160x64xf32, #tpu.memory_space<vmem>>)
      tpu.yield
    }) : () -> ()
    %add3A_2 = arith.constant 0 : i32
    %add3A_3 = arith.addi %mul3A_0, %add3A_2 : i32
    "tpu.region"() ({
      %run_scoped3A_772 = tpu.sem_alloc : memref<!tpu.dma_semaphore, #tpu.memory_space<semaphore_mem>>
      %dma_start3A_773 = arith.constant 0 : i32
      %dma_start3A_774 = tpu.memref_slice %arg25[%add3A_3, %dma_start3A_773] : memref<10240x64xf32, #tpu.memory_space<vmem_shared>> -> memref<160x64xf32, #tpu.memory_space<vmem_shared>>
      %dma_start3A_775 = arith.constant 0 : i32
      %dma_start3A_776 = tpu.memref_slice %arg25[%add3A_3, %dma_start3A_775] : memref<10240x64xf32, #tpu.memory_space<vmem_shared>> -> memref<160x64xf32, #tpu.memory_space<vmem_shared>>
      tpu.enqueue_dma source(%arg23 : memref<160x64xf32, #tpu.memory_space<vmem>>) target(%dma_start3A_776 : memref<160x64xf32, #tpu.memory_space<vmem_shared>>) target_semaphore(%run_scoped3A_772 : memref<!tpu.dma_semaphore, #tpu.memory_space<semaphore_mem>>)
      %dma_wait3A_777 = arith.constant 0 : i32
      %dma_wait3A_778 = tpu.memref_slice %arg25[%add3A_3, %dma_wait3A_777] : memref<10240x64xf32, #tpu.memory_space<vmem_shared>> -> memref<160x64xf32, #tpu.memory_space<vmem_shared>>
      %dma_wait3A_779 = arith.constant 0 : i32
      %dma_wait3A_780 = tpu.memref_slice %arg25[%add3A_3, %dma_wait3A_779] : memref<10240x64xf32, #tpu.memory_space<vmem_shared>> -> memref<160x64xf32, #tpu.memory_space<vmem_shared>>
      tpu.wait_dma2 semaphore(%run_scoped3A_772 : memref<!tpu.dma_semaphore, #tpu.memory_space<semaphore_mem>>) src(%arg23 : memref<160x64xf32, #tpu.memory_space<vmem>>) dst(%dma_wait3A_780 : memref<160x64xf32, #tpu.memory_space<vmem_shared>>)
      tpu.yield
    }) : () -> ()
    %add3A_4 = arith.constant 160 : i32
    %add3A_5 = arith.addi %mul3A_0, %add3A_4 : i32
    "tpu.region"() ({
      %run_scoped3A_772 = tpu.sem_alloc : memref<!tpu.dma_semaphore, #tpu.memory_space<semaphore_mem>>
      %dma_start3A_773 = arith.constant 0 : i32
      %dma_start3A_774 = tpu.memref_slice %arg8[%add3A_5, %dma_start3A_773] : memref<10240x64xf32, #tpu.memory_space<hbm>> -> memref<160x64xf32, #tpu.memory_space<hbm>>
      %dma_start3A_775 = arith.constant 0 : i32
      %dma_start3A_776 = tpu.memref_slice %arg8[%add3A_5, %dma_start3A_775] : memref<10240x64xf32, #tpu.memory_space<hbm>> -> memref<160x64xf32, #tpu.memory_space<hbm>>
      tpu.enqueue_dma source(%dma_start3A_776 : memref<160x64xf32, #tpu.memory_space<hbm>>) target(%arg23 : memref<160x64xf32, #tpu.memory_space<vmem>>) target_semaphore(%run_scoped3A_772 : memref<!tpu.dma_semaphore, #tpu.memory_space<semaphore_mem>>)
      %dma_wait3A_777 = arith.constant 0 : i32
      %dma_wait3A_778 = tpu.memref_slice %arg8[%add3A_5, %dma_wait3A_777] : memref<10240x64xf32, #tpu.memory_space<hbm>> -> memref<160x64xf32, #tpu.memory_space<hbm>>
      %dma_wait3A_779 = arith.constant 0 : i32
      %dma_wait3A_780 = tpu.memref_slice %arg8[%add3A_5, %dma_wait3A_779] : memref<10240x64xf32, #tpu.memory_space<hbm>> -> memref<160x64xf32, #tpu.memory_space<hbm>>
      tpu.wait_dma2 semaphore(%run_scoped3A_772 : memref<!tpu.dma_semaphore, #tpu.memory_space<semaphore_mem>>) src(%dma_wait3A_780 : memref<160x64xf32, #tpu.memory_space<hbm>>) dst(%arg23 : memref<160x64xf32, #tpu.memory_space<vmem>>)
      tpu.yield
    }) : () -> ()
    %add3A_6 = arith.constant 160 : i32
    %add3A_7 = arith.addi %mul3A_0, %add3A_6 : i32
    "tpu.region"() ({
      %run_scoped3A_772 = tpu.sem_alloc : memref<!tpu.dma_semaphore, #tpu.memory_space<semaphore_mem>>
      %dma_start3A_773 = arith.constant 0 : i32
      %dma_start3A_774 = tpu.memref_slice %arg25[%add3A_7, %dma_start3A_773] : memref<10240x64xf32, #tpu.memory_space<vmem_shared>> -> memref<160x64xf32, #tpu.memory_space<vmem_shared>>
      %dma_start3A_775 = arith.constant 0 : i32
      %dma_start3A_776 = tpu.memref_slice %arg25[%add3A_7, %dma_start3A_775] : memref<10240x64xf32, #tpu.memory_space<vmem_shared>> -> memref<160x64xf32, #tpu.memory_space<vmem_shared>>
      tpu.enqueue_dma source(%arg23 : memref<160x64xf32, #tpu.memory_space<vmem>>) target(%dma_start3A_776 : memref<160x64xf32, #tpu.memory_space<vmem_shared>>) target_semaphore(%run_scoped3A_772 : memref<!tpu.dma_semaphore, #tpu.memory_space<semaphore_mem>>)
      %dma_wait3A_777 = arith.constant 0 : i32
      %dma_wait3A_778 = tpu.memref_slice %arg25[%add3A_7, %dma_wait3A_777] : memref<10240x64xf32, #tpu.memory_space<vmem_shared>> -> memref<160x64xf32, #tpu.memory_space<vmem_shared>>
      %dma_wait3A_779 = arith.constant 0 : i32
      %dma_wait3A_780 = tpu.memref_slice %arg25[%add3A_7, %dma_wait3A_779] : memref<10240x64xf32, #tpu.memory_space<vmem_shared>> -> memref<160x64xf32, #tpu.memory_space<vmem_shared>>
      tpu.wait_dma2 semaphore(%run_scoped3A_772 : memref<!tpu.dma_semaphore, #tpu.memory_space<semaphore_mem>>) src(%arg23 : memref<160x64xf32, #tpu.memory_space<vmem>>) dst(%dma_wait3A_780 : memref<160x64xf32, #tpu.memory_space<vmem_shared>>)
      tpu.yield
    }) : () -> ()
    %add3A_8 = arith.constant 320 : i32
    %add3A_9 = arith.addi %mul3A_0, %add3A_8 : i32
    "tpu.region"() ({
      %run_scoped3A_772 = tpu.sem_alloc : memref<!tpu.dma_semaphore, #tpu.memory_space<semaphore_mem>>
      %dma_start3A_773 = arith.constant 0 : i32
      %dma_start3A_774 = tpu.memref_slice %arg8[%add3A_9, %dma_start3A_773] : memref<10240x64xf32, #tpu.memory_space<hbm>> -> memref<160x64xf32, #tpu.memory_space<hbm>>
      %dma_start3A_775 = arith.constant 0 : i32
      %dma_start3A_776 = tpu.memref_slice %arg8[%add3A_9, %dma_start3A_775] : memref<10240x64xf32, #tpu.memory_space<hbm>> -> memref<160x64xf32, #tpu.memory_space<hbm>>
      tpu.enqueue_dma source(%dma_start3A_776 : memref<160x64xf32, #tpu.memory_space<hbm>>) target(%arg23 : memref<160x64xf32, #tpu.memory_space<vmem>>) target_semaphore(%run_scoped3A_772 : memref<!tpu.dma_semaphore, #tpu.memory_space<semaphore_mem>>)
      %dma_wait3A_777 = arith.constant 0 : i32
      %dma_wait3A_778 = tpu.memref_slice %arg8[%add3A_9, %dma_wait3A_777] : memref<10240x64xf32, #tpu.memory_space<hbm>> -> memref<160x64xf32, #tpu.memory_space<hbm>>
      %dma_wait3A_779 = arith.constant 0 : i32
      %dma_wait3A_780 = tpu.memref_slice %arg8[%add3A_9, %dma_wait3A_779] : memref<10240x64xf32, #tpu.memory_space<hbm>> -> memref<160x64xf32, #tpu.memory_space<hbm>>
      tpu.wait_dma2 semaphore(%run_scoped3A_772 : memref<!tpu.dma_semaphore, #tpu.memory_space<semaphore_mem>>) src(%dma_wait3A_780 : memref<160x64xf32, #tpu.memory_space<hbm>>) dst(%arg23 : memref<160x64xf32, #tpu.memory_space<vmem>>)
      tpu.yield
    }) : () -> ()
    %add3A_10 = arith.constant 320 : i32
    %add3A_11 = arith.addi %mul3A_0, %add3A_10 : i32
    "tpu.region"() ({
      %run_scoped3A_772 = tpu.sem_alloc : memref<!tpu.dma_semaphore, #tpu.memory_space<semaphore_mem>>
      %dma_start3A_773 = arith.constant 0 : i32
      %dma_start3A_774 = tpu.memref_slice %arg25[%add3A_11, %dma_start3A_773] : memref<10240x64xf32, #tpu.memory_space<vmem_shared>> -> memref<160x64xf32, #tpu.memory_space<vmem_shared>>
      %dma_start3A_775 = arith.constant 0 : i32
      %dma_start3A_776 = tpu.memref_slice %arg25[%add3A_11, %dma_start3A_775] : memref<10240x64xf32, #tpu.memory_space<vmem_shared>> -> memref<160x64xf32, #tpu.memory_space<vmem_shared>>
      tpu.enqueue_dma source(%arg23 : memref<160x64xf32, #tpu.memory_space<vmem>>) target(%dma_start3A_776 : memref<160x64xf32, #tpu.memory_space<vmem_shared>>) target_semaphore(%run_scoped3A_772 : memref<!tpu.dma_semaphore, #tpu.memory_space<semaphore_mem>>)
      %dma_wait3A_777 = arith.constant 0 : i32
      %dma_wait3A_778 = tpu.memref_slice %arg25[%add3A_11, %dma_wait3A_777] : memref<10240x64xf32, #tpu.memory_space<vmem_shared>> -> memref<160x64xf32, #tpu.memory_space<vmem_shared>>
      %dma_wait3A_779 = arith.constant 0 : i32
      %dma_wait3A_780 = tpu.memref_slice %arg25[%add3A_11, %dma_wait3A_779] : memref<10240x64xf32, #tpu.memory_space<vmem_shared>> -> memref<160x64xf32, #tpu.memory_space<vmem_shared>>
      tpu.wait_dma2 semaphore(%run_scoped3A_772 : memref<!tpu.dma_semaphore, #tpu.memory_space<semaphore_mem>>) src(%arg23 : memref<160x64xf32, #tpu.memory_space<vmem>>) dst(%dma_wait3A_780 : memref<160x64xf32, #tpu.memory_space<vmem_shared>>)
      tpu.yield
    }) : () -> ()
    %add3A_12 = arith.constant 480 : i32
    %add3A_13 = arith.addi %mul3A_0, %add3A_12 : i32
    "tpu.region"() ({
      %run_scoped3A_772 = tpu.sem_alloc : memref<!tpu.dma_semaphore, #tpu.memory_space<semaphore_mem>>
      %dma_start3A_773 = arith.constant 0 : i32
      %dma_start3A_774 = tpu.memref_slice %arg8[%add3A_13, %dma_start3A_773] : memref<10240x64xf32, #tpu.memory_space<hbm>> -> memref<160x64xf32, #tpu.memory_space<hbm>>
      %dma_start3A_775 = arith.constant 0 : i32
      %dma_start3A_776 = tpu.memref_slice %arg8[%add3A_13, %dma_start3A_775] : memref<10240x64xf32, #tpu.memory_space<hbm>> -> memref<160x64xf32, #tpu.memory_space<hbm>>
      tpu.enqueue_dma source(%dma_start3A_776 : memref<160x64xf32, #tpu.memory_space<hbm>>) target(%arg23 : memref<160x64xf32, #tpu.memory_space<vmem>>) target_semaphore(%run_scoped3A_772 : memref<!tpu.dma_semaphore, #tpu.memory_space<semaphore_mem>>)
      %dma_wait3A_777 = arith.constant 0 : i32
      %dma_wait3A_778 = tpu.memref_slice %arg8[%add3A_13, %dma_wait3A_777] : memref<10240x64xf32, #tpu.memory_space<hbm>> -> memref<160x64xf32, #tpu.memory_space<hbm>>
      %dma_wait3A_779 = arith.constant 0 : i32
      %dma_wait3A_780 = tpu.memref_slice %arg8[%add3A_13, %dma_wait3A_779] : memref<10240x64xf32, #tpu.memory_space<hbm>> -> memref<160x64xf32, #tpu.memory_space<hbm>>
      tpu.wait_dma2 semaphore(%run_scoped3A_772 : memref<!tpu.dma_semaphore, #tpu.memory_space<semaphore_mem>>) src(%dma_wait3A_780 : memref<160x64xf32, #tpu.memory_space<hbm>>) dst(%arg23 : memref<160x64xf32, #tpu.memory_space<vmem>>)
      tpu.yield
    }) : () -> ()
    %add3A_14 = arith.constant 480 : i32
    %add3A_15 = arith.addi %mul3A_0, %add3A_14 : i32
    "tpu.region"() ({
      %run_scoped3A_772 = tpu.sem_alloc : memref<!tpu.dma_semaphore, #tpu.memory_space<semaphore_mem>>
      %dma_start3A_773 = arith.constant 0 : i32
      %dma_start3A_774 = tpu.memref_slice %arg25[%add3A_15, %dma_start3A_773] : memref<10240x64xf32, #tpu.memory_space<vmem_shared>> -> memref<160x64xf32, #tpu.memory_space<vmem_shared>>
      %dma_start3A_775 = arith.constant 0 : i32
      %dma_start3A_776 = tpu.memref_slice %arg25[%add3A_15, %dma_start3A_775] : memref<10240x64xf32, #tpu.memory_space<vmem_shared>> -> memref<160x64xf32, #tpu.memory_space<vmem_shared>>
      tpu.enqueue_dma source(%arg23 : memref<160x64xf32, #tpu.memory_space<vmem>>) target(%dma_start3A_776 : memref<160x64xf32, #tpu.memory_space<vmem_shared>>) target_semaphore(%run_scoped3A_772 : memref<!tpu.dma_semaphore, #tpu.memory_space<semaphore_mem>>)
      %dma_wait3A_777 = arith.constant 0 : i32
      %dma_wait3A_778 = tpu.memref_slice %arg25[%add3A_15, %dma_wait3A_777] : memref<10240x64xf32, #tpu.memory_space<vmem_shared>> -> memref<160x64xf32, #tpu.memory_space<vmem_shared>>
      %dma_wait3A_779 = arith.constant 0 : i32
      %dma_wait3A_780 = tpu.memref_slice %arg25[%add3A_15, %dma_wait3A_779] : memref<10240x64xf32, #tpu.memory_space<vmem_shared>> -> memref<160x64xf32, #tpu.memory_space<vmem_shared>>
      tpu.wait_dma2 semaphore(%run_scoped3A_772 : memref<!tpu.dma_semaphore, #tpu.memory_space<semaphore_mem>>) src(%arg23 : memref<160x64xf32, #tpu.memory_space<vmem>>) dst(%dma_wait3A_780 : memref<160x64xf32, #tpu.memory_space<vmem_shared>>)
      tpu.yield
    }) : () -> ()
    "tpu.region"() ({
      %run_scoped3A_772 = tpu.sem_alloc : memref<!tpu.dma_semaphore, #tpu.memory_space<semaphore_mem>>
      %dma_start3A_773 = tpu.memref_slice %arg9[%mul3A_0] : memref<10240xf32, #tpu.memory_space<hbm>> -> memref<640xf32, #tpu.memory_space<hbm>>
      %dma_start3A_774 = tpu.memref_slice %arg9[%mul3A_0] : memref<10240xf32, #tpu.memory_space<hbm>> -> memref<640xf32, #tpu.memory_space<hbm>>
      tpu.enqueue_dma source(%dma_start3A_774 : memref<640xf32, #tpu.memory_space<hbm>>) target(%arg24 : memref<640xf32, #tpu.memory_space<vmem>>) target_semaphore(%run_scoped3A_772 : memref<!tpu.dma_semaphore, #tpu.memory_space<semaphore_mem>>)
      %dma_wait3A_775 = tpu.memref_slice %arg9[%mul3A_0] : memref<10240xf32, #tpu.memory_space<hbm>> -> memref<640xf32, #tpu.memory_space<hbm>>
      %dma_wait3A_776 = tpu.memref_slice %arg9[%mul3A_0] : memref<10240xf32, #tpu.memory_space<hbm>> -> memref<640xf32, #tpu.memory_space<hbm>>
      tpu.wait_dma2 semaphore(%run_scoped3A_772 : memref<!tpu.dma_semaphore, #tpu.memory_space<semaphore_mem>>) src(%dma_wait3A_776 : memref<640xf32, #tpu.memory_space<hbm>>) dst(%arg24 : memref<640xf32, #tpu.memory_space<vmem>>)
      tpu.yield
    }) : () -> ()
    %run_scoped3A = arith.constant 0 : i32
    "tpu.region"() ({
      %run_scoped3A_772 = tpu.sem_alloc : memref<!tpu.dma_semaphore, #tpu.memory_space<semaphore_mem>>
      %dma_start3A_773 = arith.constant 0 : i32
      %dma_start3A_774 = tpu.memref_slice %arg26[%run_scoped3A, %dma_start3A_773] : memref<4x10240xf32, #tpu.memory_space<vmem_shared>> -> memref<1x10240xf32, #tpu.memory_space<vmem_shared>>
      %dma_start3A_775 = tpu.memref_squeeze %dma_start3A_774 : memref<1x10240xf32, #tpu.memory_space<vmem_shared>> -> memref<10240xf32, #tpu.memory_space<vmem_shared>>
      %dma_start3A_776 = tpu.memref_slice %dma_start3A_775[%mul3A_0] : memref<10240xf32, #tpu.memory_space<vmem_shared>> -> memref<640xf32, #tpu.memory_space<vmem_shared>>
      %dma_start3A_777 = arith.constant 0 : i32
      %dma_start3A_778 = tpu.memref_slice %arg26[%run_scoped3A, %dma_start3A_777] : memref<4x10240xf32, #tpu.memory_space<vmem_shared>> -> memref<1x10240xf32, #tpu.memory_space<vmem_shared>>
      %dma_start3A_779 = tpu.memref_squeeze %dma_start3A_778 : memref<1x10240xf32, #tpu.memory_space<vmem_shared>> -> memref<10240xf32, #tpu.memory_space<vmem_shared>>
      %dma_start3A_780 = tpu.memref_slice %dma_start3A_779[%mul3A_0] : memref<10240xf32, #tpu.memory_space<vmem_shared>> -> memref<640xf32, #tpu.memory_space<vmem_shared>>
      tpu.enqueue_dma source(%arg24 : memref<640xf32, #tpu.memory_space<vmem>>) target(%dma_start3A_780 : memref<640xf32, #tpu.memory_space<vmem_shared>>) target_semaphore(%run_scoped3A_772 : memref<!tpu.dma_semaphore, #tpu.memory_space<semaphore_mem>>)
      %dma_wait3A_781 = arith.constant 0 : i32
      %dma_wait3A_782 = tpu.memref_slice %arg26[%run_scoped3A, %dma_wait3A_781] : memref<4x10240xf32, #tpu.memory_space<vmem_shared>> -> memref<1x10240xf32, #tpu.memory_space<vmem_shared>>
      %dma_wait3A_783 = tpu.memref_squeeze %dma_wait3A_782 : memref<1x10240xf32, #tpu.memory_space<vmem_shared>> -> memref<10240xf32, #tpu.memory_space<vmem_shared>>
      %dma_wait3A_784 = tpu.memref_slice %dma_wait3A_783[%mul3A_0] : memref<10240xf32, #tpu.memory_space<vmem_shared>> -> memref<640xf32, #tpu.memory_space<vmem_shared>>
      %dma_wait3A_785 = arith.constant 0 : i32
      %dma_wait3A_786 = tpu.memref_slice %arg26[%run_scoped3A, %dma_wait3A_785] : memref<4x10240xf32, #tpu.memory_space<vmem_shared>> -> memref<1x10240xf32, #tpu.memory_space<vmem_shared>>
      %dma_wait3A_787 = tpu.memref_squeeze %dma_wait3A_786 : memref<1x10240xf32, #tpu.memory_space<vmem_shared>> -> memref<10240xf32, #tpu.memory_space<vmem_shared>>
      %dma_wait3A_788 = tpu.memref_slice %dma_wait3A_787[%mul3A_0] : memref<10240xf32, #tpu.memory_space<vmem_shared>> -> memref<640xf32, #tpu.memory_space<vmem_shared>>
      tpu.wait_dma2 semaphore(%run_scoped3A_772 : memref<!tpu.dma_semaphore, #tpu.memory_space<semaphore_mem>>) src(%arg24 : memref<640xf32, #tpu.memory_space<vmem>>) dst(%dma_wait3A_788 : memref<640xf32, #tpu.memory_space<vmem_shared>>)
      tpu.yield
    }) : () -> ()
    %run_scoped3A_16 = arith.constant 1 : i32
    "tpu.region"() ({
      %run_scoped3A_772 = tpu.sem_alloc : memref<!tpu.dma_semaphore, #tpu.memory_space<semaphore_mem>>
      %dma_start3A_773 = arith.constant 0 : i32
      %dma_start3A_774 = tpu.memref_slice %arg26[%run_scoped3A_16, %dma_start3A_773] : memref<4x10240xf32, #tpu.memory_space<vmem_shared>> -> memref<1x10240xf32, #tpu.memory_space<vmem_shared>>
      %dma_start3A_775 = tpu.memref_squeeze %dma_start3A_774 : memref<1x10240xf32, #tpu.memory_space<vmem_shared>> -> memref<10240xf32, #tpu.memory_space<vmem_shared>>
      %dma_start3A_776 = tpu.memref_slice %dma_start3A_775[%mul3A_0] : memref<10240xf32, #tpu.memory_space<vmem_shared>> -> memref<640xf32, #tpu.memory_space<vmem_shared>>
      %dma_start3A_777 = arith.constant 0 : i32
      %dma_start3A_778 = tpu.memref_slice %arg26[%run_scoped3A_16, %dma_start3A_777] : memref<4x10240xf32, #tpu.memory_space<vmem_shared>> -> memref<1x10240xf32, #tpu.memory_space<vmem_shared>>
      %dma_start3A_779 = tpu.memref_squeeze %dma_start3A_778 : memref<1x10240xf32, #tpu.memory_space<vmem_shared>> -> memref<10240xf32, #tpu.memory_space<vmem_shared>>
      %dma_start3A_780 = tpu.memref_slice %dma_start3A_779[%mul3A_0] : memref<10240xf32, #tpu.memory_space<vmem_shared>> -> memref<640xf32, #tpu.memory_space<vmem_shared>>
      tpu.enqueue_dma source(%arg24 : memref<640xf32, #tpu.memory_space<vmem>>) target(%dma_start3A_780 : memref<640xf32, #tpu.memory_space<vmem_shared>>) target_semaphore(%run_scoped3A_772 : memref<!tpu.dma_semaphore, #tpu.memory_space<semaphore_mem>>)
      %dma_wait3A_781 = arith.constant 0 : i32
      %dma_wait3A_782 = tpu.memref_slice %arg26[%run_scoped3A_16, %dma_wait3A_781] : memref<4x10240xf32, #tpu.memory_space<vmem_shared>> -> memref<1x10240xf32, #tpu.memory_space<vmem_shared>>
      %dma_wait3A_783 = tpu.memref_squeeze %dma_wait3A_782 : memref<1x10240xf32, #tpu.memory_space<vmem_shared>> -> memref<10240xf32, #tpu.memory_space<vmem_shared>>
      %dma_wait3A_784 = tpu.memref_slice %dma_wait3A_783[%mul3A_0] : memref<10240xf32, #tpu.memory_space<vmem_shared>> -> memref<640xf32, #tpu.memory_space<vmem_shared>>
      %dma_wait3A_785 = arith.constant 0 : i32
      %dma_wait3A_786 = tpu.memref_slice %arg26[%run_scoped3A_16, %dma_wait3A_785] : memref<4x10240xf32, #tpu.memory_space<vmem_shared>> -> memref<1x10240xf32, #tpu.memory_space<vmem_shared>>
      %dma_wait3A_787 = tpu.memref_squeeze %dma_wait3A_786 : memref<1x10240xf32, #tpu.memory_space<vmem_shared>> -> memref<10240xf32, #tpu.memory_space<vmem_shared>>
      %dma_wait3A_788 = tpu.memref_slice %dma_wait3A_787[%mul3A_0] : memref<10240xf32, #tpu.memory_space<vmem_shared>> -> memref<640xf32, #tpu.memory_space<vmem_shared>>
      tpu.wait_dma2 semaphore(%run_scoped3A_772 : memref<!tpu.dma_semaphore, #tpu.memory_space<semaphore_mem>>) src(%arg24 : memref<640xf32, #tpu.memory_space<vmem>>) dst(%dma_wait3A_788 : memref<640xf32, #tpu.memory_space<vmem_shared>>)
      tpu.yield
    }) : () -> ()
    %run_scoped3A_17 = arith.constant 2 : i32
    "tpu.region"() ({
      %run_scoped3A_772 = tpu.sem_alloc : memref<!tpu.dma_semaphore, #tpu.memory_space<semaphore_mem>>
      %dma_start3A_773 = arith.constant 0 : i32
      %dma_start3A_774 = tpu.memref_slice %arg26[%run_scoped3A_17, %dma_start3A_773] : memref<4x10240xf32, #tpu.memory_space<vmem_shared>> -> memref<1x10240xf32, #tpu.memory_space<vmem_shared>>
      %dma_start3A_775 = tpu.memref_squeeze %dma_start3A_774 : memref<1x10240xf32, #tpu.memory_space<vmem_shared>> -> memref<10240xf32, #tpu.memory_space<vmem_shared>>
      %dma_start3A_776 = tpu.memref_slice %dma_start3A_775[%mul3A_0] : memref<10240xf32, #tpu.memory_space<vmem_shared>> -> memref<640xf32, #tpu.memory_space<vmem_shared>>
      %dma_start3A_777 = arith.constant 0 : i32
      %dma_start3A_778 = tpu.memref_slice %arg26[%run_scoped3A_17, %dma_start3A_777] : memref<4x10240xf32, #tpu.memory_space<vmem_shared>> -> memref<1x10240xf32, #tpu.memory_space<vmem_shared>>
      %dma_start3A_779 = tpu.memref_squeeze %dma_start3A_778 : memref<1x10240xf32, #tpu.memory_space<vmem_shared>> -> memref<10240xf32, #tpu.memory_space<vmem_shared>>
      %dma_start3A_780 = tpu.memref_slice %dma_start3A_779[%mul3A_0] : memref<10240xf32, #tpu.memory_space<vmem_shared>> -> memref<640xf32, #tpu.memory_space<vmem_shared>>
      tpu.enqueue_dma source(%arg24 : memref<640xf32, #tpu.memory_space<vmem>>) target(%dma_start3A_780 : memref<640xf32, #tpu.memory_space<vmem_shared>>) target_semaphore(%run_scoped3A_772 : memref<!tpu.dma_semaphore, #tpu.memory_space<semaphore_mem>>)
      %dma_wait3A_781 = arith.constant 0 : i32
      %dma_wait3A_782 = tpu.memref_slice %arg26[%run_scoped3A_17, %dma_wait3A_781] : memref<4x10240xf32, #tpu.memory_space<vmem_shared>> -> memref<1x10240xf32, #tpu.memory_space<vmem_shared>>
      %dma_wait3A_783 = tpu.memref_squeeze %dma_wait3A_782 : memref<1x10240xf32, #tpu.memory_space<vmem_shared>> -> memref<10240xf32, #tpu.memory_space<vmem_shared>>
      %dma_wait3A_784 = tpu.memref_slice %dma_wait3A_783[%mul3A_0] : memref<10240xf32, #tpu.memory_space<vmem_shared>> -> memref<640xf32, #tpu.memory_space<vmem_shared>>
      %dma_wait3A_785 = arith.constant 0 : i32
      %dma_wait3A_786 = tpu.memref_slice %arg26[%run_scoped3A_17, %dma_wait3A_785] : memref<4x10240xf32, #tpu.memory_space<vmem_shared>> -> memref<1x10240xf32, #tpu.memory_space<vmem_shared>>
      %dma_wait3A_787 = tpu.memref_squeeze %dma_wait3A_786 : memref<1x10240xf32, #tpu.memory_space<vmem_shared>> -> memref<10240xf32, #tpu.memory_space<vmem_shared>>
      %dma_wait3A_788 = tpu.memref_slice %dma_wait3A_787[%mul3A_0] : memref<10240xf32, #tpu.memory_space<vmem_shared>> -> memref<640xf32, #tpu.memory_space<vmem_shared>>
      tpu.wait_dma2 semaphore(%run_scoped3A_772 : memref<!tpu.dma_semaphore, #tpu.memory_space<semaphore_mem>>) src(%arg24 : memref<640xf32, #tpu.memory_space<vmem>>) dst(%dma_wait3A_788 : memref<640xf32, #tpu.memory_space<vmem_shared>>)
      tpu.yield
    }) : () -> ()
    %run_scoped3A_18 = arith.constant 3 : i32
    "tpu.region"() ({
      %run_scoped3A_772 = tpu.sem_alloc : memref<!tpu.dma_semaphore, #tpu.memory_space<semaphore_mem>>
      %dma_start3A_773 = arith.constant 0 : i32
      %dma_start3A_774 = tpu.memref_slice %arg26[%run_scoped3A_18, %dma_start3A_773] : memref<4x10240xf32, #tpu.memory_space<vmem_shared>> -> memref<1x10240xf32, #tpu.memory_space<vmem_shared>>
      %dma_start3A_775 = tpu.memref_squeeze %dma_start3A_774 : memref<1x10240xf32, #tpu.memory_space<vmem_shared>> -> memref<10240xf32, #tpu.memory_space<vmem_shared>>
      %dma_start3A_776 = tpu.memref_slice %dma_start3A_775[%mul3A_0] : memref<10240xf32, #tpu.memory_space<vmem_shared>> -> memref<640xf32, #tpu.memory_space<vmem_shared>>
      %dma_start3A_777 = arith.constant 0 : i32
      %dma_start3A_778 = tpu.memref_slice %arg26[%run_scoped3A_18, %dma_start3A_777] : memref<4x10240xf32, #tpu.memory_space<vmem_shared>> -> memref<1x10240xf32, #tpu.memory_space<vmem_shared>>
      %dma_start3A_779 = tpu.memref_squeeze %dma_start3A_778 : memref<1x10240xf32, #tpu.memory_space<vmem_shared>> -> memref<10240xf32, #tpu.memory_space<vmem_shared>>
      %dma_start3A_780 = tpu.memref_slice %dma_start3A_779[%mul3A_0] : memref<10240xf32, #tpu.memory_space<vmem_shared>> -> memref<640xf32, #tpu.memory_space<vmem_shared>>
      tpu.enqueue_dma source(%arg24 : memref<640xf32, #tpu.memory_space<vmem>>) target(%dma_start3A_780 : memref<640xf32, #tpu.memory_space<vmem_shared>>) target_semaphore(%run_scoped3A_772 : memref<!tpu.dma_semaphore, #tpu.memory_space<semaphore_mem>>)
      %dma_wait3A_781 = arith.constant 0 : i32
      %dma_wait3A_782 = tpu.memref_slice %arg26[%run_scoped3A_18, %dma_wait3A_781] : memref<4x10240xf32, #tpu.memory_space<vmem_shared>> -> memref<1x10240xf32, #tpu.memory_space<vmem_shared>>
      %dma_wait3A_783 = tpu.memref_squeeze %dma_wait3A_782 : memref<1x10240xf32, #tpu.memory_space<vmem_shared>> -> memref<10240xf32, #tpu.memory_space<vmem_shared>>
      %dma_wait3A_784 = tpu.memref_slice %dma_wait3A_783[%mul3A_0] : memref<10240xf32, #tpu.memory_space<vmem_shared>> -> memref<640xf32, #tpu.memory_space<vmem_shared>>
      %dma_wait3A_785 = arith.constant 0 : i32
      %dma_wait3A_786 = tpu.memref_slice %arg26[%run_scoped3A_18, %dma_wait3A_785] : memref<4x10240xf32, #tpu.memory_space<vmem_shared>> -> memref<1x10240xf32, #tpu.memory_space<vmem_shared>>
      %dma_wait3A_787 = tpu.memref_squeeze %dma_wait3A_786 : memref<1x10240xf32, #tpu.memory_space<vmem_shared>> -> memref<10240xf32, #tpu.memory_space<vmem_shared>>
      %dma_wait3A_788 = tpu.memref_slice %dma_wait3A_787[%mul3A_0] : memref<10240xf32, #tpu.memory_space<vmem_shared>> -> memref<640xf32, #tpu.memory_space<vmem_shared>>
      tpu.wait_dma2 semaphore(%run_scoped3A_772 : memref<!tpu.dma_semaphore, #tpu.memory_space<semaphore_mem>>) src(%arg24 : memref<640xf32, #tpu.memory_space<vmem>>) dst(%dma_wait3A_788 : memref<640xf32, #tpu.memory_space<vmem_shared>>)
      tpu.yield
    }) : () -> ()
    "tpu.region"() ({
      %run_scoped3A_772 = tpu.sem_alloc : memref<!tpu.dma_semaphore, #tpu.memory_space<semaphore_mem>>
      tpu.enqueue_dma source(%arg7 : memref<80xf32, #tpu.memory_space<hbm>>) target(%arg22 : memref<80xf32, #tpu.memory_space<vmem>>) target_semaphore(%run_scoped3A_772 : memref<!tpu.dma_semaphore, #tpu.memory_space<semaphore_mem>>)
      tpu.wait_dma2 semaphore(%run_scoped3A_772 : memref<!tpu.dma_semaphore, #tpu.memory_space<semaphore_mem>>) src(%arg7 : memref<80xf32, #tpu.memory_space<hbm>>) dst(%arg22 : memref<80xf32, #tpu.memory_space<vmem>>)
      tpu.yield
    }) : () -> ()
    %barrier3A = arith.constant 0 : index
    tpu.barrier barrier_id(%barrier3A)
    %mul3A_19 = arith.constant 2000 : i32
    %mul3A_20 = arith.muli %arg0, %mul3A_19 : i32
    %mul3A_21 = arith.constant 125 : i32
    %mul3A_22 = arith.muli %arg1, %mul3A_21 : i32
    %add3A_23 = arith.addi %mul3A_20, %mul3A_22 : i32
    %sub3A = arith.constant 1 : i32
    %sub3A_24 = arith.subi %sub3A, %arg0 : i32
    %mul3A_25 = arith.constant 2000 : i32
    %mul3A_26 = arith.muli %sub3A_24, %mul3A_25 : i32
    %mul3A_27 = arith.constant 125 : i32
    %mul3A_28 = arith.muli %arg1, %mul3A_27 : i32
    %add3A_29 = arith.addi %mul3A_26, %mul3A_28 : i32
    %run_scoped3A_30 = arith.constant 0 : i32
    "tpu.region"() ({
      %run_scoped3A_772 = tpu.sem_alloc : memref<!tpu.dma_semaphore, #tpu.memory_space<semaphore_mem>>
      %dma_start3A_773 = arith.constant 0 : i32
      %dma_start3A_774 = arith.constant 0 : i32
      %dma_start3A_775 = tpu.memref_slice %arg3[%run_scoped3A_30, %dma_start3A_773, %dma_start3A_774] : memref<2x4000x80xi32, #tpu.memory_space<hbm>> -> memref<1x4000x80xi32, #tpu.memory_space<hbm>>
      %dma_start3A_776 = tpu.memref_squeeze %dma_start3A_775 : memref<1x4000x80xi32, #tpu.memory_space<hbm>> -> memref<4000x80xi32, #tpu.memory_space<hbm>>
      %dma_start3A_777 = arith.constant 0 : i32
      %dma_start3A_778 = tpu.memref_slice %dma_start3A_776[%add3A_23, %dma_start3A_777] : memref<4000x80xi32, #tpu.memory_space<hbm>> -> memref<125x80xi32, #tpu.memory_space<hbm>>
      %dma_start3A_779 = arith.constant 0 : i32
      %dma_start3A_780 = arith.constant 0 : i32
      %dma_start3A_781 = tpu.memref_slice %arg3[%run_scoped3A_30, %dma_start3A_779, %dma_start3A_780] : memref<2x4000x80xi32, #tpu.memory_space<hbm>> -> memref<1x4000x80xi32, #tpu.memory_space<hbm>>
      %dma_start3A_782 = tpu.memref_squeeze %dma_start3A_781 : memref<1x4000x80xi32, #tpu.memory_space<hbm>> -> memref<4000x80xi32, #tpu.memory_space<hbm>>
      %dma_start3A_783 = arith.constant 0 : i32
      %dma_start3A_784 = tpu.memref_slice %dma_start3A_782[%add3A_23, %dma_start3A_783] : memref<4000x80xi32, #tpu.memory_space<hbm>> -> memref<125x80xi32, #tpu.memory_space<hbm>>
      tpu.enqueue_dma source(%dma_start3A_784 : memref<125x80xi32, #tpu.memory_space<hbm>>) target(%arg12 : memref<125x80xi32, #tpu.memory_space<vmem>>) target_semaphore(%run_scoped3A_772 : memref<!tpu.dma_semaphore, #tpu.memory_space<semaphore_mem>>)
      %dma_wait3A_785 = arith.constant 0 : i32
      %dma_wait3A_786 = arith.constant 0 : i32
      %dma_wait3A_787 = tpu.memref_slice %arg3[%run_scoped3A_30, %dma_wait3A_785, %dma_wait3A_786] : memref<2x4000x80xi32, #tpu.memory_space<hbm>> -> memref<1x4000x80xi32, #tpu.memory_space<hbm>>
      %dma_wait3A_788 = tpu.memref_squeeze %dma_wait3A_787 : memref<1x4000x80xi32, #tpu.memory_space<hbm>> -> memref<4000x80xi32, #tpu.memory_space<hbm>>
      %dma_wait3A_789 = arith.constant 0 : i32
      %dma_wait3A_790 = tpu.memref_slice %dma_wait3A_788[%add3A_23, %dma_wait3A_789] : memref<4000x80xi32, #tpu.memory_space<hbm>> -> memref<125x80xi32, #tpu.memory_space<hbm>>
      %dma_wait3A_791 = arith.constant 0 : i32
      %dma_wait3A_792 = arith.constant 0 : i32
      %dma_wait3A_793 = tpu.memref_slice %arg3[%run_scoped3A_30, %dma_wait3A_791, %dma_wait3A_792] : memref<2x4000x80xi32, #tpu.memory_space<hbm>> -> memref<1x4000x80xi32, #tpu.memory_space<hbm>>
      %dma_wait3A_794 = tpu.memref_squeeze %dma_wait3A_793 : memref<1x4000x80xi32, #tpu.memory_space<hbm>> -> memref<4000x80xi32, #tpu.memory_space<hbm>>
      %dma_wait3A_795 = arith.constant 0 : i32
      %dma_wait3A_796 = tpu.memref_slice %dma_wait3A_794[%add3A_23, %dma_wait3A_795] : memref<4000x80xi32, #tpu.memory_space<hbm>> -> memref<125x80xi32, #tpu.memory_space<hbm>>
      tpu.wait_dma2 semaphore(%run_scoped3A_772 : memref<!tpu.dma_semaphore, #tpu.memory_space<semaphore_mem>>) src(%dma_wait3A_796 : memref<125x80xi32, #tpu.memory_space<hbm>>) dst(%arg12 : memref<125x80xi32, #tpu.memory_space<vmem>>)
      tpu.yield
    }) : () -> ()
    %run_scoped3A_31 = arith.constant 1 : i32
    "tpu.region"() ({
      %run_scoped3A_772 = tpu.sem_alloc : memref<!tpu.dma_semaphore, #tpu.memory_space<semaphore_mem>>
      %dma_start3A_773 = arith.constant 0 : i32
      %dma_start3A_774 = arith.constant 0 : i32
      %dma_start3A_775 = tpu.memref_slice %arg3[%run_scoped3A_31, %dma_start3A_773, %dma_start3A_774] : memref<2x4000x80xi32, #tpu.memory_space<hbm>> -> memref<1x4000x80xi32, #tpu.memory_space<hbm>>
      %dma_start3A_776 = tpu.memref_squeeze %dma_start3A_775 : memref<1x4000x80xi32, #tpu.memory_space<hbm>> -> memref<4000x80xi32, #tpu.memory_space<hbm>>
      %dma_start3A_777 = arith.constant 0 : i32
      %dma_start3A_778 = tpu.memref_slice %dma_start3A_776[%add3A_23, %dma_start3A_777] : memref<4000x80xi32, #tpu.memory_space<hbm>> -> memref<125x80xi32, #tpu.memory_space<hbm>>
      %dma_start3A_779 = arith.constant 0 : i32
      %dma_start3A_780 = arith.constant 0 : i32
      %dma_start3A_781 = tpu.memref_slice %arg3[%run_scoped3A_31, %dma_start3A_779, %dma_start3A_780] : memref<2x4000x80xi32, #tpu.memory_space<hbm>> -> memref<1x4000x80xi32, #tpu.memory_space<hbm>>
      %dma_start3A_782 = tpu.memref_squeeze %dma_start3A_781 : memref<1x4000x80xi32, #tpu.memory_space<hbm>> -> memref<4000x80xi32, #tpu.memory_space<hbm>>
      %dma_start3A_783 = arith.constant 0 : i32
      %dma_start3A_784 = tpu.memref_slice %dma_start3A_782[%add3A_23, %dma_start3A_783] : memref<4000x80xi32, #tpu.memory_space<hbm>> -> memref<125x80xi32, #tpu.memory_space<hbm>>
      tpu.enqueue_dma source(%dma_start3A_784 : memref<125x80xi32, #tpu.memory_space<hbm>>) target(%arg13 : memref<125x80xi32, #tpu.memory_space<vmem>>) target_semaphore(%run_scoped3A_772 : memref<!tpu.dma_semaphore, #tpu.memory_space<semaphore_mem>>)
      %dma_wait3A_785 = arith.constant 0 : i32
      %dma_wait3A_786 = arith.constant 0 : i32
      %dma_wait3A_787 = tpu.memref_slice %arg3[%run_scoped3A_31, %dma_wait3A_785, %dma_wait3A_786] : memref<2x4000x80xi32, #tpu.memory_space<hbm>> -> memref<1x4000x80xi32, #tpu.memory_space<hbm>>
      %dma_wait3A_788 = tpu.memref_squeeze %dma_wait3A_787 : memref<1x4000x80xi32, #tpu.memory_space<hbm>> -> memref<4000x80xi32, #tpu.memory_space<hbm>>
      %dma_wait3A_789 = arith.constant 0 : i32
      %dma_wait3A_790 = tpu.memref_slice %dma_wait3A_788[%add3A_23, %dma_wait3A_789] : memref<4000x80xi32, #tpu.memory_space<hbm>> -> memref<125x80xi32, #tpu.memory_space<hbm>>
      %dma_wait3A_791 = arith.constant 0 : i32
      %dma_wait3A_792 = arith.constant 0 : i32
      %dma_wait3A_793 = tpu.memref_slice %arg3[%run_scoped3A_31, %dma_wait3A_791, %dma_wait3A_792] : memref<2x4000x80xi32, #tpu.memory_space<hbm>> -> memref<1x4000x80xi32, #tpu.memory_space<hbm>>
      %dma_wait3A_794 = tpu.memref_squeeze %dma_wait3A_793 : memref<1x4000x80xi32, #tpu.memory_space<hbm>> -> memref<4000x80xi32, #tpu.memory_space<hbm>>
      %dma_wait3A_795 = arith.constant 0 : i32
      %dma_wait3A_796 = tpu.memref_slice %dma_wait3A_794[%add3A_23, %dma_wait3A_795] : memref<4000x80xi32, #tpu.memory_space<hbm>> -> memref<125x80xi32, #tpu.memory_space<hbm>>
      tpu.wait_dma2 semaphore(%run_scoped3A_772 : memref<!tpu.dma_semaphore, #tpu.memory_space<semaphore_mem>>) src(%dma_wait3A_796 : memref<125x80xi32, #tpu.memory_space<hbm>>) dst(%arg13 : memref<125x80xi32, #tpu.memory_space<vmem>>)
      tpu.yield
    }) : () -> ()
    %mul3A_32 = arith.constant 80 : i32
    %mul3A_33 = arith.muli %add3A_23, %mul3A_32 : i32
    "tpu.region"() ({
      %run_scoped3A_772 = tpu.sem_alloc : memref<!tpu.dma_semaphore, #tpu.memory_space<semaphore_mem>>
      %dma_start3A_773 = tpu.memref_slice %arg4[%mul3A_33] : memref<320000xf32, #tpu.memory_space<hbm>> -> memref<10000xf32, #tpu.memory_space<hbm>>
      %dma_start3A_774 = tpu.memref_slice %arg4[%mul3A_33] : memref<320000xf32, #tpu.memory_space<hbm>> -> memref<10000xf32, #tpu.memory_space<hbm>>
      tpu.enqueue_dma source(%dma_start3A_774 : memref<10000xf32, #tpu.memory_space<hbm>>) target(%arg19 : memref<10000xf32, #tpu.memory_space<vmem>>) target_semaphore(%run_scoped3A_772 : memref<!tpu.dma_semaphore, #tpu.memory_space<semaphore_mem>>)
      %dma_wait3A_775 = tpu.memref_slice %arg4[%mul3A_33] : memref<320000xf32, #tpu.memory_space<hbm>> -> memref<10000xf32, #tpu.memory_space<hbm>>
      %dma_wait3A_776 = tpu.memref_slice %arg4[%mul3A_33] : memref<320000xf32, #tpu.memory_space<hbm>> -> memref<10000xf32, #tpu.memory_space<hbm>>
      tpu.wait_dma2 semaphore(%run_scoped3A_772 : memref<!tpu.dma_semaphore, #tpu.memory_space<semaphore_mem>>) src(%dma_wait3A_776 : memref<10000xf32, #tpu.memory_space<hbm>>) dst(%arg19 : memref<10000xf32, #tpu.memory_space<vmem>>)
      tpu.yield
    }) : () -> ()
    %mul3A_34 = arith.constant 80 : i32
    %mul3A_35 = arith.muli %add3A_23, %mul3A_34 : i32
    "tpu.region"() ({
      %run_scoped3A_772 = tpu.sem_alloc : memref<!tpu.dma_semaphore, #tpu.memory_space<semaphore_mem>>
      %dma_start3A_773 = tpu.memref_slice %arg5[%mul3A_35] : memref<320000xf32, #tpu.memory_space<hbm>> -> memref<10000xf32, #tpu.memory_space<hbm>>
      %dma_start3A_774 = tpu.memref_slice %arg5[%mul3A_35] : memref<320000xf32, #tpu.memory_space<hbm>> -> memref<10000xf32, #tpu.memory_space<hbm>>
      tpu.enqueue_dma source(%dma_start3A_774 : memref<10000xf32, #tpu.memory_space<hbm>>) target(%arg20 : memref<10000xf32, #tpu.memory_space<vmem>>) target_semaphore(%run_scoped3A_772 : memref<!tpu.dma_semaphore, #tpu.memory_space<semaphore_mem>>)
      %dma_wait3A_775 = tpu.memref_slice %arg5[%mul3A_35] : memref<320000xf32, #tpu.memory_space<hbm>> -> memref<10000xf32, #tpu.memory_space<hbm>>
      %dma_wait3A_776 = tpu.memref_slice %arg5[%mul3A_35] : memref<320000xf32, #tpu.memory_space<hbm>> -> memref<10000xf32, #tpu.memory_space<hbm>>
      tpu.wait_dma2 semaphore(%run_scoped3A_772 : memref<!tpu.dma_semaphore, #tpu.memory_space<semaphore_mem>>) src(%dma_wait3A_776 : memref<10000xf32, #tpu.memory_space<hbm>>) dst(%arg20 : memref<10000xf32, #tpu.memory_space<vmem>>)
      tpu.yield
    }) : () -> ()
    %mul3A_36 = arith.constant 80 : i32
    %mul3A_37 = arith.muli %add3A_23, %mul3A_36 : i32
    "tpu.region"() ({
      %run_scoped3A_772 = tpu.sem_alloc : memref<!tpu.dma_semaphore, #tpu.memory_space<semaphore_mem>>
      %dma_start3A_773 = tpu.memref_slice %arg6[%mul3A_37] : memref<320000xf32, #tpu.memory_space<hbm>> -> memref<10000xf32, #tpu.memory_space<hbm>>
      %dma_start3A_774 = tpu.memref_slice %arg6[%mul3A_37] : memref<320000xf32, #tpu.memory_space<hbm>> -> memref<10000xf32, #tpu.memory_space<hbm>>
      tpu.enqueue_dma source(%dma_start3A_774 : memref<10000xf32, #tpu.memory_space<hbm>>) target(%arg21 : memref<10000xf32, #tpu.memory_space<vmem>>) target_semaphore(%run_scoped3A_772 : memref<!tpu.dma_semaphore, #tpu.memory_space<semaphore_mem>>)
      %dma_wait3A_775 = tpu.memref_slice %arg6[%mul3A_37] : memref<320000xf32, #tpu.memory_space<hbm>> -> memref<10000xf32, #tpu.memory_space<hbm>>
      %dma_wait3A_776 = tpu.memref_slice %arg6[%mul3A_37] : memref<320000xf32, #tpu.memory_space<hbm>> -> memref<10000xf32, #tpu.memory_space<hbm>>
      tpu.wait_dma2 semaphore(%run_scoped3A_772 : memref<!tpu.dma_semaphore, #tpu.memory_space<semaphore_mem>>) src(%dma_wait3A_776 : memref<10000xf32, #tpu.memory_space<hbm>>) dst(%arg21 : memref<10000xf32, #tpu.memory_space<vmem>>)
      tpu.yield
    }) : () -> ()
    %dma_start3A = arith.constant 0 : i32
    %dma_start3A_38 = arith.constant 0 : i32
    %dma_start3A_39 = tpu.memref_slice %arg12[%dma_start3A, %dma_start3A_38] : memref<125x80xi32, #tpu.memory_space<vmem>> -> memref<1x80xi32, #tpu.memory_space<vmem>>
    %dma_start3A_40 = tpu.memref_squeeze %dma_start3A_39 : memref<1x80xi32, #tpu.memory_space<vmem>> -> memref<80xi32, #tpu.memory_space<vmem>>
    %dma_start3A_41 = arith.constant 0 : i32
    %dma_start3A_42 = arith.constant 0 : i32
    %dma_start3A_43 = tpu.memref_slice %arg2[%arg0, %dma_start3A_41, %dma_start3A_42] : memref<2x10000x64xf32, #tpu.memory_space<hbm>> -> memref<1x10000x64xf32, #tpu.memory_space<hbm>>
    %dma_start3A_44 = tpu.memref_squeeze %dma_start3A_43 : memref<1x10000x64xf32, #tpu.memory_space<hbm>> -> memref<10000x64xf32, #tpu.memory_space<hbm>>
    %dma_start3A_45 = arith.constant 0 : i32
    %dma_start3A_46 = arith.constant 0 : i32
    %dma_start3A_47 = tpu.memref_slice %dma_start3A_44[%dma_start3A_45, %dma_start3A_46] : memref<10000x64xf32, #tpu.memory_space<hbm>> -> memref<10000x64xf32, #tpu.memory_space<hbm>>
    tpu.enqueue_indirect_dma source(%dma_start3A_47 : memref<10000x64xf32, #tpu.memory_space<hbm>>) target(%arg14 : memref<80x64xf32, #tpu.memory_space<vmem>>) offsets(%dma_start3A_40 : memref<80xi32, #tpu.memory_space<vmem>>) semaphore(%arg27 : memref<!tpu.dma_semaphore, #tpu.memory_space<semaphore_mem>>)
    %dma_start3A_48 = arith.constant 1 : i32
    %dma_start3A_49 = arith.constant 0 : i32
    %dma_start3A_50 = tpu.memref_slice %arg12[%dma_start3A_48, %dma_start3A_49] : memref<125x80xi32, #tpu.memory_space<vmem>> -> memref<1x80xi32, #tpu.memory_space<vmem>>
    %dma_start3A_51 = tpu.memref_squeeze %dma_start3A_50 : memref<1x80xi32, #tpu.memory_space<vmem>> -> memref<80xi32, #tpu.memory_space<vmem>>
    %dma_start3A_52 = arith.constant 0 : i32
    %dma_start3A_53 = arith.constant 0 : i32
    %dma_start3A_54 = tpu.memref_slice %arg2[%arg0, %dma_start3A_52, %dma_start3A_53] : memref<2x10000x64xf32, #tpu.memory_space<hbm>> -> memref<1x10000x64xf32, #tpu.memory_space<hbm>>
    %dma_start3A_55 = tpu.memref_squeeze %dma_start3A_54 : memref<1x10000x64xf32, #tpu.memory_space<hbm>> -> memref<10000x64xf32, #tpu.memory_space<hbm>>
    %dma_start3A_56 = arith.constant 0 : i32
    %dma_start3A_57 = arith.constant 0 : i32
    %dma_start3A_58 = tpu.memref_slice %dma_start3A_55[%dma_start3A_56, %dma_start3A_57] : memref<10000x64xf32, #tpu.memory_space<hbm>> -> memref<10000x64xf32, #tpu.memory_space<hbm>>
    tpu.enqueue_indirect_dma source(%dma_start3A_58 : memref<10000x64xf32, #tpu.memory_space<hbm>>) target(%arg15 : memref<80x64xf32, #tpu.memory_space<vmem>>) offsets(%dma_start3A_51 : memref<80xi32, #tpu.memory_space<vmem>>) semaphore(%arg28 : memref<!tpu.dma_semaphore, #tpu.memory_space<semaphore_mem>>)
    %dma_start3A_59 = arith.constant 2 : i32
    %dma_start3A_60 = arith.constant 0 : i32
    %dma_start3A_61 = tpu.memref_slice %arg12[%dma_start3A_59, %dma_start3A_60] : memref<125x80xi32, #tpu.memory_space<vmem>> -> memref<1x80xi32, #tpu.memory_space<vmem>>
    %dma_start3A_62 = tpu.memref_squeeze %dma_start3A_61 : memref<1x80xi32, #tpu.memory_space<vmem>> -> memref<80xi32, #tpu.memory_space<vmem>>
    %dma_start3A_63 = arith.constant 0 : i32
    %dma_start3A_64 = arith.constant 0 : i32
    %dma_start3A_65 = tpu.memref_slice %arg2[%arg0, %dma_start3A_63, %dma_start3A_64] : memref<2x10000x64xf32, #tpu.memory_space<hbm>> -> memref<1x10000x64xf32, #tpu.memory_space<hbm>>
    %dma_start3A_66 = tpu.memref_squeeze %dma_start3A_65 : memref<1x10000x64xf32, #tpu.memory_space<hbm>> -> memref<10000x64xf32, #tpu.memory_space<hbm>>
    %dma_start3A_67 = arith.constant 0 : i32
    %dma_start3A_68 = arith.constant 0 : i32
    %dma_start3A_69 = tpu.memref_slice %dma_start3A_66[%dma_start3A_67, %dma_start3A_68] : memref<10000x64xf32, #tpu.memory_space<hbm>> -> memref<10000x64xf32, #tpu.memory_space<hbm>>
    tpu.enqueue_indirect_dma source(%dma_start3A_69 : memref<10000x64xf32, #tpu.memory_space<hbm>>) target(%arg16 : memref<80x64xf32, #tpu.memory_space<vmem>>) offsets(%dma_start3A_62 : memref<80xi32, #tpu.memory_space<vmem>>) semaphore(%arg29 : memref<!tpu.dma_semaphore, #tpu.memory_space<semaphore_mem>>)
    %dma_start3A_70 = arith.constant 3 : i32
    %dma_start3A_71 = arith.constant 0 : i32
    %dma_start3A_72 = tpu.memref_slice %arg12[%dma_start3A_70, %dma_start3A_71] : memref<125x80xi32, #tpu.memory_space<vmem>> -> memref<1x80xi32, #tpu.memory_space<vmem>>
    %dma_start3A_73 = tpu.memref_squeeze %dma_start3A_72 : memref<1x80xi32, #tpu.memory_space<vmem>> -> memref<80xi32, #tpu.memory_space<vmem>>
    %dma_start3A_74 = arith.constant 0 : i32
    %dma_start3A_75 = arith.constant 0 : i32
    %dma_start3A_76 = tpu.memref_slice %arg2[%arg0, %dma_start3A_74, %dma_start3A_75] : memref<2x10000x64xf32, #tpu.memory_space<hbm>> -> memref<1x10000x64xf32, #tpu.memory_space<hbm>>
    %dma_start3A_77 = tpu.memref_squeeze %dma_start3A_76 : memref<1x10000x64xf32, #tpu.memory_space<hbm>> -> memref<10000x64xf32, #tpu.memory_space<hbm>>
    %dma_start3A_78 = arith.constant 0 : i32
    %dma_start3A_79 = arith.constant 0 : i32
    %dma_start3A_80 = tpu.memref_slice %dma_start3A_77[%dma_start3A_78, %dma_start3A_79] : memref<10000x64xf32, #tpu.memory_space<hbm>> -> memref<10000x64xf32, #tpu.memory_space<hbm>>
    tpu.enqueue_indirect_dma source(%dma_start3A_80 : memref<10000x64xf32, #tpu.memory_space<hbm>>) target(%arg17 : memref<80x64xf32, #tpu.memory_space<vmem>>) offsets(%dma_start3A_73 : memref<80xi32, #tpu.memory_space<vmem>>) semaphore(%arg30 : memref<!tpu.dma_semaphore, #tpu.memory_space<semaphore_mem>>)
    %dma_start3A_81 = arith.constant 4 : i32
    %dma_start3A_82 = arith.constant 0 : i32
    %dma_start3A_83 = tpu.memref_slice %arg12[%dma_start3A_81, %dma_start3A_82] : memref<125x80xi32, #tpu.memory_space<vmem>> -> memref<1x80xi32, #tpu.memory_space<vmem>>
    %dma_start3A_84 = tpu.memref_squeeze %dma_start3A_83 : memref<1x80xi32, #tpu.memory_space<vmem>> -> memref<80xi32, #tpu.memory_space<vmem>>
    %dma_start3A_85 = arith.constant 0 : i32
    %dma_start3A_86 = arith.constant 0 : i32
    %dma_start3A_87 = tpu.memref_slice %arg2[%arg0, %dma_start3A_85, %dma_start3A_86] : memref<2x10000x64xf32, #tpu.memory_space<hbm>> -> memref<1x10000x64xf32, #tpu.memory_space<hbm>>
    %dma_start3A_88 = tpu.memref_squeeze %dma_start3A_87 : memref<1x10000x64xf32, #tpu.memory_space<hbm>> -> memref<10000x64xf32, #tpu.memory_space<hbm>>
    %dma_start3A_89 = arith.constant 0 : i32
    %dma_start3A_90 = arith.constant 0 : i32
    %dma_start3A_91 = tpu.memref_slice %dma_start3A_88[%dma_start3A_89, %dma_start3A_90] : memref<10000x64xf32, #tpu.memory_space<hbm>> -> memref<10000x64xf32, #tpu.memory_space<hbm>>
    tpu.enqueue_indirect_dma source(%dma_start3A_91 : memref<10000x64xf32, #tpu.memory_space<hbm>>) target(%arg18 : memref<80x64xf32, #tpu.memory_space<vmem>>) offsets(%dma_start3A_84 : memref<80xi32, #tpu.memory_space<vmem>>) semaphore(%arg31 : memref<!tpu.dma_semaphore, #tpu.memory_space<semaphore_mem>>)
    %scan3A = arith.constant 0 : i32
    %scan3A_92 = arith.constant 0 : i32
    %scan3A_93 = arith.constant 24 : i32
    %scan3A_94 = arith.addi %scan3A_92, %scan3A_93 : i32
    %scan3A_95 = arith.constant 1 : i32
    scf.for %scan3A_772 = %scan3A_92 to %scan3A_94 step %scan3A_95  : i32 {
      %mul3A_773 = arith.constant 5 : i32
      %mul3A_774 = arith.muli %mul3A_773, %scan3A_772 : i32
      %add3A_775 = arith.constant 0 : i32
      %add3A_776 = arith.addi %mul3A_774, %add3A_775 : i32
      %dma_wait3A_777 = arith.constant 0 : i32
      %dma_wait3A_778 = tpu.memref_slice %arg12[%add3A_776, %dma_wait3A_777] : memref<125x80xi32, #tpu.memory_space<vmem>> -> memref<1x80xi32, #tpu.memory_space<vmem>>
      %dma_wait3A_779 = tpu.memref_squeeze %dma_wait3A_778 : memref<1x80xi32, #tpu.memory_space<vmem>> -> memref<80xi32, #tpu.memory_space<vmem>>
      %dma_wait3A_780 = arith.constant 0 : i32
      %dma_wait3A_781 = arith.constant 0 : i32
      %dma_wait3A_782 = tpu.memref_slice %arg2[%arg0, %dma_wait3A_780, %dma_wait3A_781] : memref<2x10000x64xf32, #tpu.memory_space<hbm>> -> memref<1x10000x64xf32, #tpu.memory_space<hbm>>
      %dma_wait3A_783 = tpu.memref_squeeze %dma_wait3A_782 : memref<1x10000x64xf32, #tpu.memory_space<hbm>> -> memref<10000x64xf32, #tpu.memory_space<hbm>>
      %dma_wait3A_784 = arith.constant 0 : i32
      %dma_wait3A_785 = arith.constant 0 : i32
      %dma_wait3A_786 = tpu.memref_slice %dma_wait3A_783[%dma_wait3A_784, %dma_wait3A_785] : memref<10000x64xf32, #tpu.memory_space<hbm>> -> memref<10000x64xf32, #tpu.memory_space<hbm>>
      tpu.wait_indirect_dma semaphore(%arg27 : memref<!tpu.dma_semaphore, #tpu.memory_space<semaphore_mem>>) src(%dma_wait3A_786 : memref<10000x64xf32, #tpu.memory_space<hbm>>) dst(%arg14 : memref<80x64xf32, #tpu.memory_space<vmem>>)
      %mul3A_787 = arith.constant 80 : i32
      %mul3A_788 = arith.muli %add3A_776, %mul3A_787 : i32
      %dma_start3A_789 = arith.constant 0 : i32
      %dma_start3A_790 = tpu.memref_slice %arg19[%mul3A_788] : memref<10000xf32, #tpu.memory_space<vmem>> -> memref<80xf32, #tpu.memory_space<vmem>>
      %dma_start3A_791 = arith.constant 0 : i32
      %dma_start3A_792 = tpu.memref_slice %arg13[%add3A_776, %dma_start3A_791] : memref<125x80xi32, #tpu.memory_space<vmem>> -> memref<1x80xi32, #tpu.memory_space<vmem>>
      %dma_start3A_793 = tpu.memref_squeeze %dma_start3A_792 : memref<1x80xi32, #tpu.memory_space<vmem>> -> memref<80xi32, #tpu.memory_space<vmem>>
      %dma_start3A_794 = arith.constant 0 : i32
      %dma_start3A_795 = tpu.memref_slice %arg26[%dma_start3A_789, %dma_start3A_794] : memref<4x10240xf32, #tpu.memory_space<vmem_shared>> -> memref<1x10240xf32, #tpu.memory_space<vmem_shared>>
      %dma_start3A_796 = tpu.memref_squeeze %dma_start3A_795 : memref<1x10240xf32, #tpu.memory_space<vmem_shared>> -> memref<10240xf32, #tpu.memory_space<vmem_shared>>
      %dma_start3A_797 = arith.constant 0 : i32
      %dma_start3A_798 = tpu.memref_slice %dma_start3A_796[%dma_start3A_797] : memref<10240xf32, #tpu.memory_space<vmem_shared>> -> memref<10240xf32, #tpu.memory_space<vmem_shared>>
      tpu.enqueue_indirect_dma source(%dma_start3A_790 : memref<80xf32, #tpu.memory_space<vmem>>) target(%dma_start3A_798 : memref<10240xf32, #tpu.memory_space<vmem_shared>>) offsets(%dma_start3A_793 : memref<80xi32, #tpu.memory_space<vmem>>) semaphore(%arg32 : memref<!tpu.dma_semaphore, #tpu.memory_space<semaphore_mem>>) {add = true}
      %mul3A_799 = arith.constant 80 : i32
      %mul3A_800 = arith.muli %add3A_776, %mul3A_799 : i32
      %dma_start3A_801 = arith.constant 1 : i32
      %dma_start3A_802 = tpu.memref_slice %arg20[%mul3A_800] : memref<10000xf32, #tpu.memory_space<vmem>> -> memref<80xf32, #tpu.memory_space<vmem>>
      %dma_start3A_803 = arith.constant 0 : i32
      %dma_start3A_804 = tpu.memref_slice %arg13[%add3A_776, %dma_start3A_803] : memref<125x80xi32, #tpu.memory_space<vmem>> -> memref<1x80xi32, #tpu.memory_space<vmem>>
      %dma_start3A_805 = tpu.memref_squeeze %dma_start3A_804 : memref<1x80xi32, #tpu.memory_space<vmem>> -> memref<80xi32, #tpu.memory_space<vmem>>
      %dma_start3A_806 = arith.constant 0 : i32
      %dma_start3A_807 = tpu.memref_slice %arg26[%dma_start3A_801, %dma_start3A_806] : memref<4x10240xf32, #tpu.memory_space<vmem_shared>> -> memref<1x10240xf32, #tpu.memory_space<vmem_shared>>
      %dma_start3A_808 = tpu.memref_squeeze %dma_start3A_807 : memref<1x10240xf32, #tpu.memory_space<vmem_shared>> -> memref<10240xf32, #tpu.memory_space<vmem_shared>>
      %dma_start3A_809 = arith.constant 0 : i32
      %dma_start3A_810 = tpu.memref_slice %dma_start3A_808[%dma_start3A_809] : memref<10240xf32, #tpu.memory_space<vmem_shared>> -> memref<10240xf32, #tpu.memory_space<vmem_shared>>
      tpu.enqueue_indirect_dma source(%dma_start3A_802 : memref<80xf32, #tpu.memory_space<vmem>>) target(%dma_start3A_810 : memref<10240xf32, #tpu.memory_space<vmem_shared>>) offsets(%dma_start3A_805 : memref<80xi32, #tpu.memory_space<vmem>>) semaphore(%arg32 : memref<!tpu.dma_semaphore, #tpu.memory_space<semaphore_mem>>) {add = true}
      %mul3A_811 = arith.constant 80 : i32
      %mul3A_812 = arith.muli %add3A_776, %mul3A_811 : i32
      %dma_start3A_813 = arith.constant 2 : i32
      %dma_start3A_814 = tpu.memref_slice %arg21[%mul3A_812] : memref<10000xf32, #tpu.memory_space<vmem>> -> memref<80xf32, #tpu.memory_space<vmem>>
      %dma_start3A_815 = arith.constant 0 : i32
      %dma_start3A_816 = tpu.memref_slice %arg13[%add3A_776, %dma_start3A_815] : memref<125x80xi32, #tpu.memory_space<vmem>> -> memref<1x80xi32, #tpu.memory_space<vmem>>
      %dma_start3A_817 = tpu.memref_squeeze %dma_start3A_816 : memref<1x80xi32, #tpu.memory_space<vmem>> -> memref<80xi32, #tpu.memory_space<vmem>>
      %dma_start3A_818 = arith.constant 0 : i32
      %dma_start3A_819 = tpu.memref_slice %arg26[%dma_start3A_813, %dma_start3A_818] : memref<4x10240xf32, #tpu.memory_space<vmem_shared>> -> memref<1x10240xf32, #tpu.memory_space<vmem_shared>>
      %dma_start3A_820 = tpu.memref_squeeze %dma_start3A_819 : memref<1x10240xf32, #tpu.memory_space<vmem_shared>> -> memref<10240xf32, #tpu.memory_space<vmem_shared>>
      %dma_start3A_821 = arith.constant 0 : i32
      %dma_start3A_822 = tpu.memref_slice %dma_start3A_820[%dma_start3A_821] : memref<10240xf32, #tpu.memory_space<vmem_shared>> -> memref<10240xf32, #tpu.memory_space<vmem_shared>>
      tpu.enqueue_indirect_dma source(%dma_start3A_814 : memref<80xf32, #tpu.memory_space<vmem>>) target(%dma_start3A_822 : memref<10240xf32, #tpu.memory_space<vmem_shared>>) offsets(%dma_start3A_817 : memref<80xi32, #tpu.memory_space<vmem>>) semaphore(%arg32 : memref<!tpu.dma_semaphore, #tpu.memory_space<semaphore_mem>>) {add = true}
      %dma_start3A_823 = arith.constant 3 : i32
      %dma_start3A_824 = arith.constant 0 : i32
      %dma_start3A_825 = tpu.memref_slice %arg13[%add3A_776, %dma_start3A_824] : memref<125x80xi32, #tpu.memory_space<vmem>> -> memref<1x80xi32, #tpu.memory_space<vmem>>
      %dma_start3A_826 = tpu.memref_squeeze %dma_start3A_825 : memref<1x80xi32, #tpu.memory_space<vmem>> -> memref<80xi32, #tpu.memory_space<vmem>>
      %dma_start3A_827 = arith.constant 0 : i32
      %dma_start3A_828 = tpu.memref_slice %arg26[%dma_start3A_823, %dma_start3A_827] : memref<4x10240xf32, #tpu.memory_space<vmem_shared>> -> memref<1x10240xf32, #tpu.memory_space<vmem_shared>>
      %dma_start3A_829 = tpu.memref_squeeze %dma_start3A_828 : memref<1x10240xf32, #tpu.memory_space<vmem_shared>> -> memref<10240xf32, #tpu.memory_space<vmem_shared>>
      %dma_start3A_830 = arith.constant 0 : i32
      %dma_start3A_831 = tpu.memref_slice %dma_start3A_829[%dma_start3A_830] : memref<10240xf32, #tpu.memory_space<vmem_shared>> -> memref<10240xf32, #tpu.memory_space<vmem_shared>>
      tpu.enqueue_indirect_dma source(%arg22 : memref<80xf32, #tpu.memory_space<vmem>>) target(%dma_start3A_831 : memref<10240xf32, #tpu.memory_space<vmem_shared>>) offsets(%dma_start3A_826 : memref<80xi32, #tpu.memory_space<vmem>>) semaphore(%arg32 : memref<!tpu.dma_semaphore, #tpu.memory_space<semaphore_mem>>) {add = true}
      "tpu.region"() ({
        %run_scoped3A_1325 = tpu.sem_alloc : memref<!tpu.dma_semaphore, #tpu.memory_space<semaphore_mem>>
        %dma_start3A_1326 = arith.constant 0 : i32
        %dma_start3A_1327 = tpu.memref_slice %arg13[%add3A_776, %dma_start3A_1326] : memref<125x80xi32, #tpu.memory_space<vmem>> -> memref<1x80xi32, #tpu.memory_space<vmem>>
        %dma_start3A_1328 = tpu.memref_squeeze %dma_start3A_1327 : memref<1x80xi32, #tpu.memory_space<vmem>> -> memref<80xi32, #tpu.memory_space<vmem>>
        %dma_start3A_1329 = arith.constant 0 : i32
        %dma_start3A_1330 = arith.constant 0 : i32
        %dma_start3A_1331 = tpu.memref_slice %arg25[%dma_start3A_1329, %dma_start3A_1330] : memref<10240x64xf32, #tpu.memory_space<vmem_shared>> -> memref<10240x64xf32, #tpu.memory_space<vmem_shared>>
        tpu.enqueue_indirect_dma source(%arg14 : memref<80x64xf32, #tpu.memory_space<vmem>>) target(%dma_start3A_1331 : memref<10240x64xf32, #tpu.memory_space<vmem_shared>>) offsets(%dma_start3A_1328 : memref<80xi32, #tpu.memory_space<vmem>>) semaphore(%run_scoped3A_1325 : memref<!tpu.dma_semaphore, #tpu.memory_space<semaphore_mem>>) {add = true}
        %dma_wait3A_1332 = arith.constant 0 : i32
        %dma_wait3A_1333 = tpu.memref_slice %arg13[%add3A_776, %dma_wait3A_1332] : memref<125x80xi32, #tpu.memory_space<vmem>> -> memref<1x80xi32, #tpu.memory_space<vmem>>
        %dma_wait3A_1334 = tpu.memref_squeeze %dma_wait3A_1333 : memref<1x80xi32, #tpu.memory_space<vmem>> -> memref<80xi32, #tpu.memory_space<vmem>>
        %dma_wait3A_1335 = arith.constant 0 : i32
        %dma_wait3A_1336 = arith.constant 0 : i32
        %dma_wait3A_1337 = tpu.memref_slice %arg25[%dma_wait3A_1335, %dma_wait3A_1336] : memref<10240x64xf32, #tpu.memory_space<vmem_shared>> -> memref<10240x64xf32, #tpu.memory_space<vmem_shared>>
        tpu.wait_indirect_dma semaphore(%run_scoped3A_1325 : memref<!tpu.dma_semaphore, #tpu.memory_space<semaphore_mem>>) src(%arg14 : memref<80x64xf32, #tpu.memory_space<vmem>>) dst(%dma_wait3A_1337 : memref<10240x64xf32, #tpu.memory_space<vmem_shared>>)
        tpu.yield
      }) : () -> ()
      %dma_wait3A_832 = arith.constant 0 : i32
      %dma_wait3A_833 = tpu.memref_slice %arg19[%mul3A_788] : memref<10000xf32, #tpu.memory_space<vmem>> -> memref<80xf32, #tpu.memory_space<vmem>>
      %dma_wait3A_834 = arith.constant 0 : i32
      %dma_wait3A_835 = tpu.memref_slice %arg13[%add3A_776, %dma_wait3A_834] : memref<125x80xi32, #tpu.memory_space<vmem>> -> memref<1x80xi32, #tpu.memory_space<vmem>>
      %dma_wait3A_836 = tpu.memref_squeeze %dma_wait3A_835 : memref<1x80xi32, #tpu.memory_space<vmem>> -> memref<80xi32, #tpu.memory_space<vmem>>
      %dma_wait3A_837 = arith.constant 0 : i32
      %dma_wait3A_838 = tpu.memref_slice %arg26[%dma_wait3A_832, %dma_wait3A_837] : memref<4x10240xf32, #tpu.memory_space<vmem_shared>> -> memref<1x10240xf32, #tpu.memory_space<vmem_shared>>
      %dma_wait3A_839 = tpu.memref_squeeze %dma_wait3A_838 : memref<1x10240xf32, #tpu.memory_space<vmem_shared>> -> memref<10240xf32, #tpu.memory_space<vmem_shared>>
      %dma_wait3A_840 = arith.constant 0 : i32
      %dma_wait3A_841 = tpu.memref_slice %dma_wait3A_839[%dma_wait3A_840] : memref<10240xf32, #tpu.memory_space<vmem_shared>> -> memref<10240xf32, #tpu.memory_space<vmem_shared>>
      tpu.wait_indirect_dma semaphore(%arg32 : memref<!tpu.dma_semaphore, #tpu.memory_space<semaphore_mem>>) src(%dma_wait3A_833 : memref<80xf32, #tpu.memory_space<vmem>>) dst(%dma_wait3A_841 : memref<10240xf32, #tpu.memory_space<vmem_shared>>)
      %dma_wait3A_842 = arith.constant 1 : i32
      %dma_wait3A_843 = tpu.memref_slice %arg20[%mul3A_800] : memref<10000xf32, #tpu.memory_space<vmem>> -> memref<80xf32, #tpu.memory_space<vmem>>
      %dma_wait3A_844 = arith.constant 0 : i32
      %dma_wait3A_845 = tpu.memref_slice %arg13[%add3A_776, %dma_wait3A_844] : memref<125x80xi32, #tpu.memory_space<vmem>> -> memref<1x80xi32, #tpu.memory_space<vmem>>
      %dma_wait3A_846 = tpu.memref_squeeze %dma_wait3A_845 : memref<1x80xi32, #tpu.memory_space<vmem>> -> memref<80xi32, #tpu.memory_space<vmem>>
      %dma_wait3A_847 = arith.constant 0 : i32
      %dma_wait3A_848 = tpu.memref_slice %arg26[%dma_wait3A_842, %dma_wait3A_847] : memref<4x10240xf32, #tpu.memory_space<vmem_shared>> -> memref<1x10240xf32, #tpu.memory_space<vmem_shared>>
      %dma_wait3A_849 = tpu.memref_squeeze %dma_wait3A_848 : memref<1x10240xf32, #tpu.memory_space<vmem_shared>> -> memref<10240xf32, #tpu.memory_space<vmem_shared>>
      %dma_wait3A_850 = arith.constant 0 : i32
      %dma_wait3A_851 = tpu.memref_slice %dma_wait3A_849[%dma_wait3A_850] : memref<10240xf32, #tpu.memory_space<vmem_shared>> -> memref<10240xf32, #tpu.memory_space<vmem_shared>>
      tpu.wait_indirect_dma semaphore(%arg32 : memref<!tpu.dma_semaphore, #tpu.memory_space<semaphore_mem>>) src(%dma_wait3A_843 : memref<80xf32, #tpu.memory_space<vmem>>) dst(%dma_wait3A_851 : memref<10240xf32, #tpu.memory_space<vmem_shared>>)
      %dma_wait3A_852 = arith.constant 2 : i32
      %dma_wait3A_853 = tpu.memref_slice %arg21[%mul3A_812] : memref<10000xf32, #tpu.memory_space<vmem>> -> memref<80xf32, #tpu.memory_space<vmem>>
      %dma_wait3A_854 = arith.constant 0 : i32
      %dma_wait3A_855 = tpu.memref_slice %arg13[%add3A_776, %dma_wait3A_854] : memref<125x80xi32, #tpu.memory_space<vmem>> -> memref<1x80xi32, #tpu.memory_space<vmem>>
      %dma_wait3A_856 = tpu.memref_squeeze %dma_wait3A_855 : memref<1x80xi32, #tpu.memory_space<vmem>> -> memref<80xi32, #tpu.memory_space<vmem>>
      %dma_wait3A_857 = arith.constant 0 : i32
      %dma_wait3A_858 = tpu.memref_slice %arg26[%dma_wait3A_852, %dma_wait3A_857] : memref<4x10240xf32, #tpu.memory_space<vmem_shared>> -> memref<1x10240xf32, #tpu.memory_space<vmem_shared>>
      %dma_wait3A_859 = tpu.memref_squeeze %dma_wait3A_858 : memref<1x10240xf32, #tpu.memory_space<vmem_shared>> -> memref<10240xf32, #tpu.memory_space<vmem_shared>>
      %dma_wait3A_860 = arith.constant 0 : i32
      %dma_wait3A_861 = tpu.memref_slice %dma_wait3A_859[%dma_wait3A_860] : memref<10240xf32, #tpu.memory_space<vmem_shared>> -> memref<10240xf32, #tpu.memory_space<vmem_shared>>
      tpu.wait_indirect_dma semaphore(%arg32 : memref<!tpu.dma_semaphore, #tpu.memory_space<semaphore_mem>>) src(%dma_wait3A_853 : memref<80xf32, #tpu.memory_space<vmem>>) dst(%dma_wait3A_861 : memref<10240xf32, #tpu.memory_space<vmem_shared>>)
      %dma_wait3A_862 = arith.constant 3 : i32
      %dma_wait3A_863 = arith.constant 0 : i32
      %dma_wait3A_864 = tpu.memref_slice %arg13[%add3A_776, %dma_wait3A_863] : memref<125x80xi32, #tpu.memory_space<vmem>> -> memref<1x80xi32, #tpu.memory_space<vmem>>
      %dma_wait3A_865 = tpu.memref_squeeze %dma_wait3A_864 : memref<1x80xi32, #tpu.memory_space<vmem>> -> memref<80xi32, #tpu.memory_space<vmem>>
      %dma_wait3A_866 = arith.constant 0 : i32
      %dma_wait3A_867 = tpu.memref_slice %arg26[%dma_wait3A_862, %dma_wait3A_866] : memref<4x10240xf32, #tpu.memory_space<vmem_shared>> -> memref<1x10240xf32, #tpu.memory_space<vmem_shared>>
      %dma_wait3A_868 = tpu.memref_squeeze %dma_wait3A_867 : memref<1x10240xf32, #tpu.memory_space<vmem_shared>> -> memref<10240xf32, #tpu.memory_space<vmem_shared>>
      %dma_wait3A_869 = arith.constant 0 : i32
      %dma_wait3A_870 = tpu.memref_slice %dma_wait3A_868[%dma_wait3A_869] : memref<10240xf32, #tpu.memory_space<vmem_shared>> -> memref<10240xf32, #tpu.memory_space<vmem_shared>>
      tpu.wait_indirect_dma semaphore(%arg32 : memref<!tpu.dma_semaphore, #tpu.memory_space<semaphore_mem>>) src(%arg22 : memref<80xf32, #tpu.memory_space<vmem>>) dst(%dma_wait3A_870 : memref<10240xf32, #tpu.memory_space<vmem_shared>>)
      %add3A_871 = arith.constant 5 : i32
      %add3A_872 = arith.addi %mul3A_774, %add3A_871 : i32
      %add3A_873 = arith.constant 0 : i32
      %add3A_874 = arith.addi %add3A_872, %add3A_873 : i32
      %dma_start3A_875 = arith.constant 0 : i32
      %dma_start3A_876 = tpu.memref_slice %arg12[%add3A_874, %dma_start3A_875] : memref<125x80xi32, #tpu.memory_space<vmem>> -> memref<1x80xi32, #tpu.memory_space<vmem>>
      %dma_start3A_877 = tpu.memref_squeeze %dma_start3A_876 : memref<1x80xi32, #tpu.memory_space<vmem>> -> memref<80xi32, #tpu.memory_space<vmem>>
      %dma_start3A_878 = arith.constant 0 : i32
      %dma_start3A_879 = arith.constant 0 : i32
      %dma_start3A_880 = tpu.memref_slice %arg2[%arg0, %dma_start3A_878, %dma_start3A_879] : memref<2x10000x64xf32, #tpu.memory_space<hbm>> -> memref<1x10000x64xf32, #tpu.memory_space<hbm>>
      %dma_start3A_881 = tpu.memref_squeeze %dma_start3A_880 : memref<1x10000x64xf32, #tpu.memory_space<hbm>> -> memref<10000x64xf32, #tpu.memory_space<hbm>>
      %dma_start3A_882 = arith.constant 0 : i32
      %dma_start3A_883 = arith.constant 0 : i32
      %dma_start3A_884 = tpu.memref_slice %dma_start3A_881[%dma_start3A_882, %dma_start3A_883] : memref<10000x64xf32, #tpu.memory_space<hbm>> -> memref<10000x64xf32, #tpu.memory_space<hbm>>
      tpu.enqueue_indirect_dma source(%dma_start3A_884 : memref<10000x64xf32, #tpu.memory_space<hbm>>) target(%arg14 : memref<80x64xf32, #tpu.memory_space<vmem>>) offsets(%dma_start3A_877 : memref<80xi32, #tpu.memory_space<vmem>>) semaphore(%arg27 : memref<!tpu.dma_semaphore, #tpu.memory_space<semaphore_mem>>)
      %add3A_885 = arith.constant 1 : i32
      %add3A_886 = arith.addi %mul3A_774, %add3A_885 : i32
      %dma_wait3A_887 = arith.constant 0 : i32
      %dma_wait3A_888 = tpu.memref_slice %arg12[%add3A_886, %dma_wait3A_887] : memref<125x80xi32, #tpu.memory_space<vmem>> -> memref<1x80xi32, #tpu.memory_space<vmem>>
      %dma_wait3A_889 = tpu.memref_squeeze %dma_wait3A_888 : memref<1x80xi32, #tpu.memory_space<vmem>> -> memref<80xi32, #tpu.memory_space<vmem>>
      %dma_wait3A_890 = arith.constant 0 : i32
      %dma_wait3A_891 = arith.constant 0 : i32
      %dma_wait3A_892 = tpu.memref_slice %arg2[%arg0, %dma_wait3A_890, %dma_wait3A_891] : memref<2x10000x64xf32, #tpu.memory_space<hbm>> -> memref<1x10000x64xf32, #tpu.memory_space<hbm>>
      %dma_wait3A_893 = tpu.memref_squeeze %dma_wait3A_892 : memref<1x10000x64xf32, #tpu.memory_space<hbm>> -> memref<10000x64xf32, #tpu.memory_space<hbm>>
      %dma_wait3A_894 = arith.constant 0 : i32
      %dma_wait3A_895 = arith.constant 0 : i32
      %dma_wait3A_896 = tpu.memref_slice %dma_wait3A_893[%dma_wait3A_894, %dma_wait3A_895] : memref<10000x64xf32, #tpu.memory_space<hbm>> -> memref<10000x64xf32, #tpu.memory_space<hbm>>
      tpu.wait_indirect_dma semaphore(%arg28 : memref<!tpu.dma_semaphore, #tpu.memory_space<semaphore_mem>>) src(%dma_wait3A_896 : memref<10000x64xf32, #tpu.memory_space<hbm>>) dst(%arg15 : memref<80x64xf32, #tpu.memory_space<vmem>>)
      %mul3A_897 = arith.constant 80 : i32
      %mul3A_898 = arith.muli %add3A_886, %mul3A_897 : i32
      %dma_start3A_899 = arith.constant 0 : i32
      %dma_start3A_900 = tpu.memref_slice %arg19[%mul3A_898] : memref<10000xf32, #tpu.memory_space<vmem>> -> memref<80xf32, #tpu.memory_space<vmem>>
      %dma_start3A_901 = arith.constant 0 : i32
      %dma_start3A_902 = tpu.memref_slice %arg13[%add3A_886, %dma_start3A_901] : memref<125x80xi32, #tpu.memory_space<vmem>> -> memref<1x80xi32, #tpu.memory_space<vmem>>
      %dma_start3A_903 = tpu.memref_squeeze %dma_start3A_902 : memref<1x80xi32, #tpu.memory_space<vmem>> -> memref<80xi32, #tpu.memory_space<vmem>>
      %dma_start3A_904 = arith.constant 0 : i32
      %dma_start3A_905 = tpu.memref_slice %arg26[%dma_start3A_899, %dma_start3A_904] : memref<4x10240xf32, #tpu.memory_space<vmem_shared>> -> memref<1x10240xf32, #tpu.memory_space<vmem_shared>>
      %dma_start3A_906 = tpu.memref_squeeze %dma_start3A_905 : memref<1x10240xf32, #tpu.memory_space<vmem_shared>> -> memref<10240xf32, #tpu.memory_space<vmem_shared>>
      %dma_start3A_907 = arith.constant 0 : i32
      %dma_start3A_908 = tpu.memref_slice %dma_start3A_906[%dma_start3A_907] : memref<10240xf32, #tpu.memory_space<vmem_shared>> -> memref<10240xf32, #tpu.memory_space<vmem_shared>>
      tpu.enqueue_indirect_dma source(%dma_start3A_900 : memref<80xf32, #tpu.memory_space<vmem>>) target(%dma_start3A_908 : memref<10240xf32, #tpu.memory_space<vmem_shared>>) offsets(%dma_start3A_903 : memref<80xi32, #tpu.memory_space<vmem>>) semaphore(%arg32 : memref<!tpu.dma_semaphore, #tpu.memory_space<semaphore_mem>>) {add = true}
      %mul3A_909 = arith.constant 80 : i32
      %mul3A_910 = arith.muli %add3A_886, %mul3A_909 : i32
      %dma_start3A_911 = arith.constant 1 : i32
      %dma_start3A_912 = tpu.memref_slice %arg20[%mul3A_910] : memref<10000xf32, #tpu.memory_space<vmem>> -> memref<80xf32, #tpu.memory_space<vmem>>
      %dma_start3A_913 = arith.constant 0 : i32
      %dma_start3A_914 = tpu.memref_slice %arg13[%add3A_886, %dma_start3A_913] : memref<125x80xi32, #tpu.memory_space<vmem>> -> memref<1x80xi32, #tpu.memory_space<vmem>>
      %dma_start3A_915 = tpu.memref_squeeze %dma_start3A_914 : memref<1x80xi32, #tpu.memory_space<vmem>> -> memref<80xi32, #tpu.memory_space<vmem>>
      %dma_start3A_916 = arith.constant 0 : i32
      %dma_start3A_917 = tpu.memref_slice %arg26[%dma_start3A_911, %dma_start3A_916] : memref<4x10240xf32, #tpu.memory_space<vmem_shared>> -> memref<1x10240xf32, #tpu.memory_space<vmem_shared>>
      %dma_start3A_918 = tpu.memref_squeeze %dma_start3A_917 : memref<1x10240xf32, #tpu.memory_space<vmem_shared>> -> memref<10240xf32, #tpu.memory_space<vmem_shared>>
      %dma_start3A_919 = arith.constant 0 : i32
      %dma_start3A_920 = tpu.memref_slice %dma_start3A_918[%dma_start3A_919] : memref<10240xf32, #tpu.memory_space<vmem_shared>> -> memref<10240xf32, #tpu.memory_space<vmem_shared>>
      tpu.enqueue_indirect_dma source(%dma_start3A_912 : memref<80xf32, #tpu.memory_space<vmem>>) target(%dma_start3A_920 : memref<10240xf32, #tpu.memory_space<vmem_shared>>) offsets(%dma_start3A_915 : memref<80xi32, #tpu.memory_space<vmem>>) semaphore(%arg32 : memref<!tpu.dma_semaphore, #tpu.memory_space<semaphore_mem>>) {add = true}
      %mul3A_921 = arith.constant 80 : i32
      %mul3A_922 = arith.muli %add3A_886, %mul3A_921 : i32
      %dma_start3A_923 = arith.constant 2 : i32
      %dma_start3A_924 = tpu.memref_slice %arg21[%mul3A_922] : memref<10000xf32, #tpu.memory_space<vmem>> -> memref<80xf32, #tpu.memory_space<vmem>>
      %dma_start3A_925 = arith.constant 0 : i32
      %dma_start3A_926 = tpu.memref_slice %arg13[%add3A_886, %dma_start3A_925] : memref<125x80xi32, #tpu.memory_space<vmem>> -> memref<1x80xi32, #tpu.memory_space<vmem>>
      %dma_start3A_927 = tpu.memref_squeeze %dma_start3A_926 : memref<1x80xi32, #tpu.memory_space<vmem>> -> memref<80xi32, #tpu.memory_space<vmem>>
      %dma_start3A_928 = arith.constant 0 : i32
      %dma_start3A_929 = tpu.memref_slice %arg26[%dma_start3A_923, %dma_start3A_928] : memref<4x10240xf32, #tpu.memory_space<vmem_shared>> -> memref<1x10240xf32, #tpu.memory_space<vmem_shared>>
      %dma_start3A_930 = tpu.memref_squeeze %dma_start3A_929 : memref<1x10240xf32, #tpu.memory_space<vmem_shared>> -> memref<10240xf32, #tpu.memory_space<vmem_shared>>
      %dma_start3A_931 = arith.constant 0 : i32
      %dma_start3A_932 = tpu.memref_slice %dma_start3A_930[%dma_start3A_931] : memref<10240xf32, #tpu.memory_space<vmem_shared>> -> memref<10240xf32, #tpu.memory_space<vmem_shared>>
      tpu.enqueue_indirect_dma source(%dma_start3A_924 : memref<80xf32, #tpu.memory_space<vmem>>) target(%dma_start3A_932 : memref<10240xf32, #tpu.memory_space<vmem_shared>>) offsets(%dma_start3A_927 : memref<80xi32, #tpu.memory_space<vmem>>) semaphore(%arg32 : memref<!tpu.dma_semaphore, #tpu.memory_space<semaphore_mem>>) {add = true}
      %dma_start3A_933 = arith.constant 3 : i32
      %dma_start3A_934 = arith.constant 0 : i32
      %dma_start3A_935 = tpu.memref_slice %arg13[%add3A_886, %dma_start3A_934] : memref<125x80xi32, #tpu.memory_space<vmem>> -> memref<1x80xi32, #tpu.memory_space<vmem>>
      %dma_start3A_936 = tpu.memref_squeeze %dma_start3A_935 : memref<1x80xi32, #tpu.memory_space<vmem>> -> memref<80xi32, #tpu.memory_space<vmem>>
      %dma_start3A_937 = arith.constant 0 : i32
      %dma_start3A_938 = tpu.memref_slice %arg26[%dma_start3A_933, %dma_start3A_937] : memref<4x10240xf32, #tpu.memory_space<vmem_shared>> -> memref<1x10240xf32, #tpu.memory_space<vmem_shared>>
      %dma_start3A_939 = tpu.memref_squeeze %dma_start3A_938 : memref<1x10240xf32, #tpu.memory_space<vmem_shared>> -> memref<10240xf32, #tpu.memory_space<vmem_shared>>
      %dma_start3A_940 = arith.constant 0 : i32
      %dma_start3A_941 = tpu.memref_slice %dma_start3A_939[%dma_start3A_940] : memref<10240xf32, #tpu.memory_space<vmem_shared>> -> memref<10240xf32, #tpu.memory_space<vmem_shared>>
      tpu.enqueue_indirect_dma source(%arg22 : memref<80xf32, #tpu.memory_space<vmem>>) target(%dma_start3A_941 : memref<10240xf32, #tpu.memory_space<vmem_shared>>) offsets(%dma_start3A_936 : memref<80xi32, #tpu.memory_space<vmem>>) semaphore(%arg32 : memref<!tpu.dma_semaphore, #tpu.memory_space<semaphore_mem>>) {add = true}
      "tpu.region"() ({
        %run_scoped3A_1325 = tpu.sem_alloc : memref<!tpu.dma_semaphore, #tpu.memory_space<semaphore_mem>>
        %dma_start3A_1326 = arith.constant 0 : i32
        %dma_start3A_1327 = tpu.memref_slice %arg13[%add3A_886, %dma_start3A_1326] : memref<125x80xi32, #tpu.memory_space<vmem>> -> memref<1x80xi32, #tpu.memory_space<vmem>>
        %dma_start3A_1328 = tpu.memref_squeeze %dma_start3A_1327 : memref<1x80xi32, #tpu.memory_space<vmem>> -> memref<80xi32, #tpu.memory_space<vmem>>
        %dma_start3A_1329 = arith.constant 0 : i32
        %dma_start3A_1330 = arith.constant 0 : i32
        %dma_start3A_1331 = tpu.memref_slice %arg25[%dma_start3A_1329, %dma_start3A_1330] : memref<10240x64xf32, #tpu.memory_space<vmem_shared>> -> memref<10240x64xf32, #tpu.memory_space<vmem_shared>>
        tpu.enqueue_indirect_dma source(%arg15 : memref<80x64xf32, #tpu.memory_space<vmem>>) target(%dma_start3A_1331 : memref<10240x64xf32, #tpu.memory_space<vmem_shared>>) offsets(%dma_start3A_1328 : memref<80xi32, #tpu.memory_space<vmem>>) semaphore(%run_scoped3A_1325 : memref<!tpu.dma_semaphore, #tpu.memory_space<semaphore_mem>>) {add = true}
        %dma_wait3A_1332 = arith.constant 0 : i32
        %dma_wait3A_1333 = tpu.memref_slice %arg13[%add3A_886, %dma_wait3A_1332] : memref<125x80xi32, #tpu.memory_space<vmem>> -> memref<1x80xi32, #tpu.memory_space<vmem>>
        %dma_wait3A_1334 = tpu.memref_squeeze %dma_wait3A_1333 : memref<1x80xi32, #tpu.memory_space<vmem>> -> memref<80xi32, #tpu.memory_space<vmem>>
        %dma_wait3A_1335 = arith.constant 0 : i32
        %dma_wait3A_1336 = arith.constant 0 : i32
        %dma_wait3A_1337 = tpu.memref_slice %arg25[%dma_wait3A_1335, %dma_wait3A_1336] : memref<10240x64xf32, #tpu.memory_space<vmem_shared>> -> memref<10240x64xf32, #tpu.memory_space<vmem_shared>>
        tpu.wait_indirect_dma semaphore(%run_scoped3A_1325 : memref<!tpu.dma_semaphore, #tpu.memory_space<semaphore_mem>>) src(%arg15 : memref<80x64xf32, #tpu.memory_space<vmem>>) dst(%dma_wait3A_1337 : memref<10240x64xf32, #tpu.memory_space<vmem_shared>>)
        tpu.yield
      }) : () -> ()
      %dma_wait3A_942 = arith.constant 0 : i32
      %dma_wait3A_943 = tpu.memref_slice %arg19[%mul3A_898] : memref<10000xf32, #tpu.memory_space<vmem>> -> memref<80xf32, #tpu.memory_space<vmem>>
      %dma_wait3A_944 = arith.constant 0 : i32
      %dma_wait3A_945 = tpu.memref_slice %arg13[%add3A_886, %dma_wait3A_944] : memref<125x80xi32, #tpu.memory_space<vmem>> -> memref<1x80xi32, #tpu.memory_space<vmem>>
      %dma_wait3A_946 = tpu.memref_squeeze %dma_wait3A_945 : memref<1x80xi32, #tpu.memory_space<vmem>> -> memref<80xi32, #tpu.memory_space<vmem>>
      %dma_wait3A_947 = arith.constant 0 : i32
      %dma_wait3A_948 = tpu.memref_slice %arg26[%dma_wait3A_942, %dma_wait3A_947] : memref<4x10240xf32, #tpu.memory_space<vmem_shared>> -> memref<1x10240xf32, #tpu.memory_space<vmem_shared>>
      %dma_wait3A_949 = tpu.memref_squeeze %dma_wait3A_948 : memref<1x10240xf32, #tpu.memory_space<vmem_shared>> -> memref<10240xf32, #tpu.memory_space<vmem_shared>>
      %dma_wait3A_950 = arith.constant 0 : i32
      %dma_wait3A_951 = tpu.memref_slice %dma_wait3A_949[%dma_wait3A_950] : memref<10240xf32, #tpu.memory_space<vmem_shared>> -> memref<10240xf32, #tpu.memory_space<vmem_shared>>
      tpu.wait_indirect_dma semaphore(%arg32 : memref<!tpu.dma_semaphore, #tpu.memory_space<semaphore_mem>>) src(%dma_wait3A_943 : memref<80xf32, #tpu.memory_space<vmem>>) dst(%dma_wait3A_951 : memref<10240xf32, #tpu.memory_space<vmem_shared>>)
      %dma_wait3A_952 = arith.constant 1 : i32
      %dma_wait3A_953 = tpu.memref_slice %arg20[%mul3A_910] : memref<10000xf32, #tpu.memory_space<vmem>> -> memref<80xf32, #tpu.memory_space<vmem>>
      %dma_wait3A_954 = arith.constant 0 : i32
      %dma_wait3A_955 = tpu.memref_slice %arg13[%add3A_886, %dma_wait3A_954] : memref<125x80xi32, #tpu.memory_space<vmem>> -> memref<1x80xi32, #tpu.memory_space<vmem>>
      %dma_wait3A_956 = tpu.memref_squeeze %dma_wait3A_955 : memref<1x80xi32, #tpu.memory_space<vmem>> -> memref<80xi32, #tpu.memory_space<vmem>>
      %dma_wait3A_957 = arith.constant 0 : i32
      %dma_wait3A_958 = tpu.memref_slice %arg26[%dma_wait3A_952, %dma_wait3A_957] : memref<4x10240xf32, #tpu.memory_space<vmem_shared>> -> memref<1x10240xf32, #tpu.memory_space<vmem_shared>>
      %dma_wait3A_959 = tpu.memref_squeeze %dma_wait3A_958 : memref<1x10240xf32, #tpu.memory_space<vmem_shared>> -> memref<10240xf32, #tpu.memory_space<vmem_shared>>
      %dma_wait3A_960 = arith.constant 0 : i32
      %dma_wait3A_961 = tpu.memref_slice %dma_wait3A_959[%dma_wait3A_960] : memref<10240xf32, #tpu.memory_space<vmem_shared>> -> memref<10240xf32, #tpu.memory_space<vmem_shared>>
      tpu.wait_indirect_dma semaphore(%arg32 : memref<!tpu.dma_semaphore, #tpu.memory_space<semaphore_mem>>) src(%dma_wait3A_953 : memref<80xf32, #tpu.memory_space<vmem>>) dst(%dma_wait3A_961 : memref<10240xf32, #tpu.memory_space<vmem_shared>>)
      %dma_wait3A_962 = arith.constant 2 : i32
      %dma_wait3A_963 = tpu.memref_slice %arg21[%mul3A_922] : memref<10000xf32, #tpu.memory_space<vmem>> -> memref<80xf32, #tpu.memory_space<vmem>>
      %dma_wait3A_964 = arith.constant 0 : i32
      %dma_wait3A_965 = tpu.memref_slice %arg13[%add3A_886, %dma_wait3A_964] : memref<125x80xi32, #tpu.memory_space<vmem>> -> memref<1x80xi32, #tpu.memory_space<vmem>>
      %dma_wait3A_966 = tpu.memref_squeeze %dma_wait3A_965 : memref<1x80xi32, #tpu.memory_space<vmem>> -> memref<80xi32, #tpu.memory_space<vmem>>
      %dma_wait3A_967 = arith.constant 0 : i32
      %dma_wait3A_968 = tpu.memref_slice %arg26[%dma_wait3A_962, %dma_wait3A_967] : memref<4x10240xf32, #tpu.memory_space<vmem_shared>> -> memref<1x10240xf32, #tpu.memory_space<vmem_shared>>
      %dma_wait3A_969 = tpu.memref_squeeze %dma_wait3A_968 : memref<1x10240xf32, #tpu.memory_space<vmem_shared>> -> memref<10240xf32, #tpu.memory_space<vmem_shared>>
      %dma_wait3A_970 = arith.constant 0 : i32
      %dma_wait3A_971 = tpu.memref_slice %dma_wait3A_969[%dma_wait3A_970] : memref<10240xf32, #tpu.memory_space<vmem_shared>> -> memref<10240xf32, #tpu.memory_space<vmem_shared>>
      tpu.wait_indirect_dma semaphore(%arg32 : memref<!tpu.dma_semaphore, #tpu.memory_space<semaphore_mem>>) src(%dma_wait3A_963 : memref<80xf32, #tpu.memory_space<vmem>>) dst(%dma_wait3A_971 : memref<10240xf32, #tpu.memory_space<vmem_shared>>)
      %dma_wait3A_972 = arith.constant 3 : i32
      %dma_wait3A_973 = arith.constant 0 : i32
      %dma_wait3A_974 = tpu.memref_slice %arg13[%add3A_886, %dma_wait3A_973] : memref<125x80xi32, #tpu.memory_space<vmem>> -> memref<1x80xi32, #tpu.memory_space<vmem>>
      %dma_wait3A_975 = tpu.memref_squeeze %dma_wait3A_974 : memref<1x80xi32, #tpu.memory_space<vmem>> -> memref<80xi32, #tpu.memory_space<vmem>>
      %dma_wait3A_976 = arith.constant 0 : i32
      %dma_wait3A_977 = tpu.memref_slice %arg26[%dma_wait3A_972, %dma_wait3A_976] : memref<4x10240xf32, #tpu.memory_space<vmem_shared>> -> memref<1x10240xf32, #tpu.memory_space<vmem_shared>>
      %dma_wait3A_978 = tpu.memref_squeeze %dma_wait3A_977 : memref<1x10240xf32, #tpu.memory_space<vmem_shared>> -> memref<10240xf32, #tpu.memory_space<vmem_shared>>
      %dma_wait3A_979 = arith.constant 0 : i32
      %dma_wait3A_980 = tpu.memref_slice %dma_wait3A_978[%dma_wait3A_979] : memref<10240xf32, #tpu.memory_space<vmem_shared>> -> memref<10240xf32, #tpu.memory_space<vmem_shared>>
      tpu.wait_indirect_dma semaphore(%arg32 : memref<!tpu.dma_semaphore, #tpu.memory_space<semaphore_mem>>) src(%arg22 : memref<80xf32, #tpu.memory_space<vmem>>) dst(%dma_wait3A_980 : memref<10240xf32, #tpu.memory_space<vmem_shared>>)
      %add3A_981 = arith.constant 5 : i32
      %add3A_982 = arith.addi %mul3A_774, %add3A_981 : i32
      %add3A_983 = arith.constant 1 : i32
      %add3A_984 = arith.addi %add3A_982, %add3A_983 : i32
      %dma_start3A_985 = arith.constant 0 : i32
      %dma_start3A_986 = tpu.memref_slice %arg12[%add3A_984, %dma_start3A_985] : memref<125x80xi32, #tpu.memory_space<vmem>> -> memref<1x80xi32, #tpu.memory_space<vmem>>
      %dma_start3A_987 = tpu.memref_squeeze %dma_start3A_986 : memref<1x80xi32, #tpu.memory_space<vmem>> -> memref<80xi32, #tpu.memory_space<vmem>>
      %dma_start3A_988 = arith.constant 0 : i32
      %dma_start3A_989 = arith.constant 0 : i32
      %dma_start3A_990 = tpu.memref_slice %arg2[%arg0, %dma_start3A_988, %dma_start3A_989] : memref<2x10000x64xf32, #tpu.memory_space<hbm>> -> memref<1x10000x64xf32, #tpu.memory_space<hbm>>
      %dma_start3A_991 = tpu.memref_squeeze %dma_start3A_990 : memref<1x10000x64xf32, #tpu.memory_space<hbm>> -> memref<10000x64xf32, #tpu.memory_space<hbm>>
      %dma_start3A_992 = arith.constant 0 : i32
      %dma_start3A_993 = arith.constant 0 : i32
      %dma_start3A_994 = tpu.memref_slice %dma_start3A_991[%dma_start3A_992, %dma_start3A_993] : memref<10000x64xf32, #tpu.memory_space<hbm>> -> memref<10000x64xf32, #tpu.memory_space<hbm>>
      tpu.enqueue_indirect_dma source(%dma_start3A_994 : memref<10000x64xf32, #tpu.memory_space<hbm>>) target(%arg15 : memref<80x64xf32, #tpu.memory_space<vmem>>) offsets(%dma_start3A_987 : memref<80xi32, #tpu.memory_space<vmem>>) semaphore(%arg28 : memref<!tpu.dma_semaphore, #tpu.memory_space<semaphore_mem>>)
      %add3A_995 = arith.constant 2 : i32
      %add3A_996 = arith.addi %mul3A_774, %add3A_995 : i32
      %dma_wait3A_997 = arith.constant 0 : i32
      %dma_wait3A_998 = tpu.memref_slice %arg12[%add3A_996, %dma_wait3A_997] : memref<125x80xi32, #tpu.memory_space<vmem>> -> memref<1x80xi32, #tpu.memory_space<vmem>>
      %dma_wait3A_999 = tpu.memref_squeeze %dma_wait3A_998 : memref<1x80xi32, #tpu.memory_space<vmem>> -> memref<80xi32, #tpu.memory_space<vmem>>
      %dma_wait3A_1000 = arith.constant 0 : i32
      %dma_wait3A_1001 = arith.constant 0 : i32
      %dma_wait3A_1002 = tpu.memref_slice %arg2[%arg0, %dma_wait3A_1000, %dma_wait3A_1001] : memref<2x10000x64xf32, #tpu.memory_space<hbm>> -> memref<1x10000x64xf32, #tpu.memory_space<hbm>>
      %dma_wait3A_1003 = tpu.memref_squeeze %dma_wait3A_1002 : memref<1x10000x64xf32, #tpu.memory_space<hbm>> -> memref<10000x64xf32, #tpu.memory_space<hbm>>
      %dma_wait3A_1004 = arith.constant 0 : i32
      %dma_wait3A_1005 = arith.constant 0 : i32
      %dma_wait3A_1006 = tpu.memref_slice %dma_wait3A_1003[%dma_wait3A_1004, %dma_wait3A_1005] : memref<10000x64xf32, #tpu.memory_space<hbm>> -> memref<10000x64xf32, #tpu.memory_space<hbm>>
      tpu.wait_indirect_dma semaphore(%arg29 : memref<!tpu.dma_semaphore, #tpu.memory_space<semaphore_mem>>) src(%dma_wait3A_1006 : memref<10000x64xf32, #tpu.memory_space<hbm>>) dst(%arg16 : memref<80x64xf32, #tpu.memory_space<vmem>>)
      %mul3A_1007 = arith.constant 80 : i32
      %mul3A_1008 = arith.muli %add3A_996, %mul3A_1007 : i32
      %dma_start3A_1009 = arith.constant 0 : i32
      %dma_start3A_1010 = tpu.memref_slice %arg19[%mul3A_1008] : memref<10000xf32, #tpu.memory_space<vmem>> -> memref<80xf32, #tpu.memory_space<vmem>>
      %dma_start3A_1011 = arith.constant 0 : i32
      %dma_start3A_1012 = tpu.memref_slice %arg13[%add3A_996, %dma_start3A_1011] : memref<125x80xi32, #tpu.memory_space<vmem>> -> memref<1x80xi32, #tpu.memory_space<vmem>>
      %dma_start3A_1013 = tpu.memref_squeeze %dma_start3A_1012 : memref<1x80xi32, #tpu.memory_space<vmem>> -> memref<80xi32, #tpu.memory_space<vmem>>
      %dma_start3A_1014 = arith.constant 0 : i32
      %dma_start3A_1015 = tpu.memref_slice %arg26[%dma_start3A_1009, %dma_start3A_1014] : memref<4x10240xf32, #tpu.memory_space<vmem_shared>> -> memref<1x10240xf32, #tpu.memory_space<vmem_shared>>
      %dma_start3A_1016 = tpu.memref_squeeze %dma_start3A_1015 : memref<1x10240xf32, #tpu.memory_space<vmem_shared>> -> memref<10240xf32, #tpu.memory_space<vmem_shared>>
      %dma_start3A_1017 = arith.constant 0 : i32
      %dma_start3A_1018 = tpu.memref_slice %dma_start3A_1016[%dma_start3A_1017] : memref<10240xf32, #tpu.memory_space<vmem_shared>> -> memref<10240xf32, #tpu.memory_space<vmem_shared>>
      tpu.enqueue_indirect_dma source(%dma_start3A_1010 : memref<80xf32, #tpu.memory_space<vmem>>) target(%dma_start3A_1018 : memref<10240xf32, #tpu.memory_space<vmem_shared>>) offsets(%dma_start3A_1013 : memref<80xi32, #tpu.memory_space<vmem>>) semaphore(%arg32 : memref<!tpu.dma_semaphore, #tpu.memory_space<semaphore_mem>>) {add = true}
      %mul3A_1019 = arith.constant 80 : i32
      %mul3A_1020 = arith.muli %add3A_996, %mul3A_1019 : i32
      %dma_start3A_1021 = arith.constant 1 : i32
      %dma_start3A_1022 = tpu.memref_slice %arg20[%mul3A_1020] : memref<10000xf32, #tpu.memory_space<vmem>> -> memref<80xf32, #tpu.memory_space<vmem>>
      %dma_start3A_1023 = arith.constant 0 : i32
      %dma_start3A_1024 = tpu.memref_slice %arg13[%add3A_996, %dma_start3A_1023] : memref<125x80xi32, #tpu.memory_space<vmem>> -> memref<1x80xi32, #tpu.memory_space<vmem>>
      %dma_start3A_1025 = tpu.memref_squeeze %dma_start3A_1024 : memref<1x80xi32, #tpu.memory_space<vmem>> -> memref<80xi32, #tpu.memory_space<vmem>>
      %dma_start3A_1026 = arith.constant 0 : i32
      %dma_start3A_1027 = tpu.memref_slice %arg26[%dma_start3A_1021, %dma_start3A_1026] : memref<4x10240xf32, #tpu.memory_space<vmem_shared>> -> memref<1x10240xf32, #tpu.memory_space<vmem_shared>>
      %dma_start3A_1028 = tpu.memref_squeeze %dma_start3A_1027 : memref<1x10240xf32, #tpu.memory_space<vmem_shared>> -> memref<10240xf32, #tpu.memory_space<vmem_shared>>
      %dma_start3A_1029 = arith.constant 0 : i32
      %dma_start3A_1030 = tpu.memref_slice %dma_start3A_1028[%dma_start3A_1029] : memref<10240xf32, #tpu.memory_space<vmem_shared>> -> memref<10240xf32, #tpu.memory_space<vmem_shared>>
      tpu.enqueue_indirect_dma source(%dma_start3A_1022 : memref<80xf32, #tpu.memory_space<vmem>>) target(%dma_start3A_1030 : memref<10240xf32, #tpu.memory_space<vmem_shared>>) offsets(%dma_start3A_1025 : memref<80xi32, #tpu.memory_space<vmem>>) semaphore(%arg32 : memref<!tpu.dma_semaphore, #tpu.memory_space<semaphore_mem>>) {add = true}
      %mul3A_1031 = arith.constant 80 : i32
      %mul3A_1032 = arith.muli %add3A_996, %mul3A_1031 : i32
      %dma_start3A_1033 = arith.constant 2 : i32
      %dma_start3A_1034 = tpu.memref_slice %arg21[%mul3A_1032] : memref<10000xf32, #tpu.memory_space<vmem>> -> memref<80xf32, #tpu.memory_space<vmem>>
      %dma_start3A_1035 = arith.constant 0 : i32
      %dma_start3A_1036 = tpu.memref_slice %arg13[%add3A_996, %dma_start3A_1035] : memref<125x80xi32, #tpu.memory_space<vmem>> -> memref<1x80xi32, #tpu.memory_space<vmem>>
      %dma_start3A_1037 = tpu.memref_squeeze %dma_start3A_1036 : memref<1x80xi32, #tpu.memory_space<vmem>> -> memref<80xi32, #tpu.memory_space<vmem>>
      %dma_start3A_1038 = arith.constant 0 : i32
      %dma_start3A_1039 = tpu.memref_slice %arg26[%dma_start3A_1033, %dma_start3A_1038] : memref<4x10240xf32, #tpu.memory_space<vmem_shared>> -> memref<1x10240xf32, #tpu.memory_space<vmem_shared>>
      %dma_start3A_1040 = tpu.memref_squeeze %dma_start3A_1039 : memref<1x10240xf32, #tpu.memory_space<vmem_shared>> -> memref<10240xf32, #tpu.memory_space<vmem_shared>>
      %dma_start3A_1041 = arith.constant 0 : i32
      %dma_start3A_1042 = tpu.memref_slice %dma_start3A_1040[%dma_start3A_1041] : memref<10240xf32, #tpu.memory_space<vmem_shared>> -> memref<10240xf32, #tpu.memory_space<vmem_shared>>
      tpu.enqueue_indirect_dma source(%dma_start3A_1034 : memref<80xf32, #tpu.memory_space<vmem>>) target(%dma_start3A_1042 : memref<10240xf32, #tpu.memory_space<vmem_shared>>) offsets(%dma_start3A_1037 : memref<80xi32, #tpu.memory_space<vmem>>) semaphore(%arg32 : memref<!tpu.dma_semaphore, #tpu.memory_space<semaphore_mem>>) {add = true}
      %dma_start3A_1043 = arith.constant 3 : i32
      %dma_start3A_1044 = arith.constant 0 : i32
      %dma_start3A_1045 = tpu.memref_slice %arg13[%add3A_996, %dma_start3A_1044] : memref<125x80xi32, #tpu.memory_space<vmem>> -> memref<1x80xi32, #tpu.memory_space<vmem>>
      %dma_start3A_1046 = tpu.memref_squeeze %dma_start3A_1045 : memref<1x80xi32, #tpu.memory_space<vmem>> -> memref<80xi32, #tpu.memory_space<vmem>>
      %dma_start3A_1047 = arith.constant 0 : i32
      %dma_start3A_1048 = tpu.memref_slice %arg26[%dma_start3A_1043, %dma_start3A_1047] : memref<4x10240xf32, #tpu.memory_space<vmem_shared>> -> memref<1x10240xf32, #tpu.memory_space<vmem_shared>>
      %dma_start3A_1049 = tpu.memref_squeeze %dma_start3A_1048 : memref<1x10240xf32, #tpu.memory_space<vmem_shared>> -> memref<10240xf32, #tpu.memory_space<vmem_shared>>
      %dma_start3A_1050 = arith.constant 0 : i32
      %dma_start3A_1051 = tpu.memref_slice %dma_start3A_1049[%dma_start3A_1050] : memref<10240xf32, #tpu.memory_space<vmem_shared>> -> memref<10240xf32, #tpu.memory_space<vmem_shared>>
      tpu.enqueue_indirect_dma source(%arg22 : memref<80xf32, #tpu.memory_space<vmem>>) target(%dma_start3A_1051 : memref<10240xf32, #tpu.memory_space<vmem_shared>>) offsets(%dma_start3A_1046 : memref<80xi32, #tpu.memory_space<vmem>>) semaphore(%arg32 : memref<!tpu.dma_semaphore, #tpu.memory_space<semaphore_mem>>) {add = true}
      "tpu.region"() ({
        %run_scoped3A_1325 = tpu.sem_alloc : memref<!tpu.dma_semaphore, #tpu.memory_space<semaphore_mem>>
        %dma_start3A_1326 = arith.constant 0 : i32
        %dma_start3A_1327 = tpu.memref_slice %arg13[%add3A_996, %dma_start3A_1326] : memref<125x80xi32, #tpu.memory_space<vmem>> -> memref<1x80xi32, #tpu.memory_space<vmem>>
        %dma_start3A_1328 = tpu.memref_squeeze %dma_start3A_1327 : memref<1x80xi32, #tpu.memory_space<vmem>> -> memref<80xi32, #tpu.memory_space<vmem>>
        %dma_start3A_1329 = arith.constant 0 : i32
        %dma_start3A_1330 = arith.constant 0 : i32
        %dma_start3A_1331 = tpu.memref_slice %arg25[%dma_start3A_1329, %dma_start3A_1330] : memref<10240x64xf32, #tpu.memory_space<vmem_shared>> -> memref<10240x64xf32, #tpu.memory_space<vmem_shared>>
        tpu.enqueue_indirect_dma source(%arg16 : memref<80x64xf32, #tpu.memory_space<vmem>>) target(%dma_start3A_1331 : memref<10240x64xf32, #tpu.memory_space<vmem_shared>>) offsets(%dma_start3A_1328 : memref<80xi32, #tpu.memory_space<vmem>>) semaphore(%run_scoped3A_1325 : memref<!tpu.dma_semaphore, #tpu.memory_space<semaphore_mem>>) {add = true}
        %dma_wait3A_1332 = arith.constant 0 : i32
        %dma_wait3A_1333 = tpu.memref_slice %arg13[%add3A_996, %dma_wait3A_1332] : memref<125x80xi32, #tpu.memory_space<vmem>> -> memref<1x80xi32, #tpu.memory_space<vmem>>
        %dma_wait3A_1334 = tpu.memref_squeeze %dma_wait3A_1333 : memref<1x80xi32, #tpu.memory_space<vmem>> -> memref<80xi32, #tpu.memory_space<vmem>>
        %dma_wait3A_1335 = arith.constant 0 : i32
        %dma_wait3A_1336 = arith.constant 0 : i32
        %dma_wait3A_1337 = tpu.memref_slice %arg25[%dma_wait3A_1335, %dma_wait3A_1336] : memref<10240x64xf32, #tpu.memory_space<vmem_shared>> -> memref<10240x64xf32, #tpu.memory_space<vmem_shared>>
        tpu.wait_indirect_dma semaphore(%run_scoped3A_1325 : memref<!tpu.dma_semaphore, #tpu.memory_space<semaphore_mem>>) src(%arg16 : memref<80x64xf32, #tpu.memory_space<vmem>>) dst(%dma_wait3A_1337 : memref<10240x64xf32, #tpu.memory_space<vmem_shared>>)
        tpu.yield
      }) : () -> ()
      %dma_wait3A_1052 = arith.constant 0 : i32
      %dma_wait3A_1053 = tpu.memref_slice %arg19[%mul3A_1008] : memref<10000xf32, #tpu.memory_space<vmem>> -> memref<80xf32, #tpu.memory_space<vmem>>
      %dma_wait3A_1054 = arith.constant 0 : i32
      %dma_wait3A_1055 = tpu.memref_slice %arg13[%add3A_996, %dma_wait3A_1054] : memref<125x80xi32, #tpu.memory_space<vmem>> -> memref<1x80xi32, #tpu.memory_space<vmem>>
      %dma_wait3A_1056 = tpu.memref_squeeze %dma_wait3A_1055 : memref<1x80xi32, #tpu.memory_space<vmem>> -> memref<80xi32, #tpu.memory_space<vmem>>
      %dma_wait3A_1057 = arith.constant 0 : i32
      %dma_wait3A_1058 = tpu.memref_slice %arg26[%dma_wait3A_1052, %dma_wait3A_1057] : memref<4x10240xf32, #tpu.memory_space<vmem_shared>> -> memref<1x10240xf32, #tpu.memory_space<vmem_shared>>
      %dma_wait3A_1059 = tpu.memref_squeeze %dma_wait3A_1058 : memref<1x10240xf32, #tpu.memory_space<vmem_shared>> -> memref<10240xf32, #tpu.memory_space<vmem_shared>>
      %dma_wait3A_1060 = arith.constant 0 : i32
      %dma_wait3A_1061 = tpu.memref_slice %dma_wait3A_1059[%dma_wait3A_1060] : memref<10240xf32, #tpu.memory_space<vmem_shared>> -> memref<10240xf32, #tpu.memory_space<vmem_shared>>
      tpu.wait_indirect_dma semaphore(%arg32 : memref<!tpu.dma_semaphore, #tpu.memory_space<semaphore_mem>>) src(%dma_wait3A_1053 : memref<80xf32, #tpu.memory_space<vmem>>) dst(%dma_wait3A_1061 : memref<10240xf32, #tpu.memory_space<vmem_shared>>)
      %dma_wait3A_1062 = arith.constant 1 : i32
      %dma_wait3A_1063 = tpu.memref_slice %arg20[%mul3A_1020] : memref<10000xf32, #tpu.memory_space<vmem>> -> memref<80xf32, #tpu.memory_space<vmem>>
      %dma_wait3A_1064 = arith.constant 0 : i32
      %dma_wait3A_1065 = tpu.memref_slice %arg13[%add3A_996, %dma_wait3A_1064] : memref<125x80xi32, #tpu.memory_space<vmem>> -> memref<1x80xi32, #tpu.memory_space<vmem>>
      %dma_wait3A_1066 = tpu.memref_squeeze %dma_wait3A_1065 : memref<1x80xi32, #tpu.memory_space<vmem>> -> memref<80xi32, #tpu.memory_space<vmem>>
      %dma_wait3A_1067 = arith.constant 0 : i32
      %dma_wait3A_1068 = tpu.memref_slice %arg26[%dma_wait3A_1062, %dma_wait3A_1067] : memref<4x10240xf32, #tpu.memory_space<vmem_shared>> -> memref<1x10240xf32, #tpu.memory_space<vmem_shared>>
      %dma_wait3A_1069 = tpu.memref_squeeze %dma_wait3A_1068 : memref<1x10240xf32, #tpu.memory_space<vmem_shared>> -> memref<10240xf32, #tpu.memory_space<vmem_shared>>
      %dma_wait3A_1070 = arith.constant 0 : i32
      %dma_wait3A_1071 = tpu.memref_slice %dma_wait3A_1069[%dma_wait3A_1070] : memref<10240xf32, #tpu.memory_space<vmem_shared>> -> memref<10240xf32, #tpu.memory_space<vmem_shared>>
      tpu.wait_indirect_dma semaphore(%arg32 : memref<!tpu.dma_semaphore, #tpu.memory_space<semaphore_mem>>) src(%dma_wait3A_1063 : memref<80xf32, #tpu.memory_space<vmem>>) dst(%dma_wait3A_1071 : memref<10240xf32, #tpu.memory_space<vmem_shared>>)
      %dma_wait3A_1072 = arith.constant 2 : i32
      %dma_wait3A_1073 = tpu.memref_slice %arg21[%mul3A_1032] : memref<10000xf32, #tpu.memory_space<vmem>> -> memref<80xf32, #tpu.memory_space<vmem>>
      %dma_wait3A_1074 = arith.constant 0 : i32
      %dma_wait3A_1075 = tpu.memref_slice %arg13[%add3A_996, %dma_wait3A_1074] : memref<125x80xi32, #tpu.memory_space<vmem>> -> memref<1x80xi32, #tpu.memory_space<vmem>>
      %dma_wait3A_1076 = tpu.memref_squeeze %dma_wait3A_1075 : memref<1x80xi32, #tpu.memory_space<vmem>> -> memref<80xi32, #tpu.memory_space<vmem>>
      %dma_wait3A_1077 = arith.constant 0 : i32
      %dma_wait3A_1078 = tpu.memref_slice %arg26[%dma_wait3A_1072, %dma_wait3A_1077] : memref<4x10240xf32, #tpu.memory_space<vmem_shared>> -> memref<1x10240xf32, #tpu.memory_space<vmem_shared>>
      %dma_wait3A_1079 = tpu.memref_squeeze %dma_wait3A_1078 : memref<1x10240xf32, #tpu.memory_space<vmem_shared>> -> memref<10240xf32, #tpu.memory_space<vmem_shared>>
      %dma_wait3A_1080 = arith.constant 0 : i32
      %dma_wait3A_1081 = tpu.memref_slice %dma_wait3A_1079[%dma_wait3A_1080] : memref<10240xf32, #tpu.memory_space<vmem_shared>> -> memref<10240xf32, #tpu.memory_space<vmem_shared>>
      tpu.wait_indirect_dma semaphore(%arg32 : memref<!tpu.dma_semaphore, #tpu.memory_space<semaphore_mem>>) src(%dma_wait3A_1073 : memref<80xf32, #tpu.memory_space<vmem>>) dst(%dma_wait3A_1081 : memref<10240xf32, #tpu.memory_space<vmem_shared>>)
      %dma_wait3A_1082 = arith.constant 3 : i32
      %dma_wait3A_1083 = arith.constant 0 : i32
      %dma_wait3A_1084 = tpu.memref_slice %arg13[%add3A_996, %dma_wait3A_1083] : memref<125x80xi32, #tpu.memory_space<vmem>> -> memref<1x80xi32, #tpu.memory_space<vmem>>
      %dma_wait3A_1085 = tpu.memref_squeeze %dma_wait3A_1084 : memref<1x80xi32, #tpu.memory_space<vmem>> -> memref<80xi32, #tpu.memory_space<vmem>>
      %dma_wait3A_1086 = arith.constant 0 : i32
      %dma_wait3A_1087 = tpu.memref_slice %arg26[%dma_wait3A_1082, %dma_wait3A_1086] : memref<4x10240xf32, #tpu.memory_space<vmem_shared>> -> memref<1x10240xf32, #tpu.memory_space<vmem_shared>>
      %dma_wait3A_1088 = tpu.memref_squeeze %dma_wait3A_1087 : memref<1x10240xf32, #tpu.memory_space<vmem_shared>> -> memref<10240xf32, #tpu.memory_space<vmem_shared>>
      %dma_wait3A_1089 = arith.constant 0 : i32
      %dma_wait3A_1090 = tpu.memref_slice %dma_wait3A_1088[%dma_wait3A_1089] : memref<10240xf32, #tpu.memory_space<vmem_shared>> -> memref<10240xf32, #tpu.memory_space<vmem_shared>>
      tpu.wait_indirect_dma semaphore(%arg32 : memref<!tpu.dma_semaphore, #tpu.memory_space<semaphore_mem>>) src(%arg22 : memref<80xf32, #tpu.memory_space<vmem>>) dst(%dma_wait3A_1090 : memref<10240xf32, #tpu.memory_space<vmem_shared>>)
      %add3A_1091 = arith.constant 5 : i32
      %add3A_1092 = arith.addi %mul3A_774, %add3A_1091 : i32
      %add3A_1093 = arith.constant 2 : i32
      %add3A_1094 = arith.addi %add3A_1092, %add3A_1093 : i32
      %dma_start3A_1095 = arith.constant 0 : i32
      %dma_start3A_1096 = tpu.memref_slice %arg12[%add3A_1094, %dma_start3A_1095] : memref<125x80xi32, #tpu.memory_space<vmem>> -> memref<1x80xi32, #tpu.memory_space<vmem>>
      %dma_start3A_1097 = tpu.memref_squeeze %dma_start3A_1096 : memref<1x80xi32, #tpu.memory_space<vmem>> -> memref<80xi32, #tpu.memory_space<vmem>>
      %dma_start3A_1098 = arith.constant 0 : i32
      %dma_start3A_1099 = arith.constant 0 : i32
      %dma_start3A_1100 = tpu.memref_slice %arg2[%arg0, %dma_start3A_1098, %dma_start3A_1099] : memref<2x10000x64xf32, #tpu.memory_space<hbm>> -> memref<1x10000x64xf32, #tpu.memory_space<hbm>>
      %dma_start3A_1101 = tpu.memref_squeeze %dma_start3A_1100 : memref<1x10000x64xf32, #tpu.memory_space<hbm>> -> memref<10000x64xf32, #tpu.memory_space<hbm>>
      %dma_start3A_1102 = arith.constant 0 : i32
      %dma_start3A_1103 = arith.constant 0 : i32
      %dma_start3A_1104 = tpu.memref_slice %dma_start3A_1101[%dma_start3A_1102, %dma_start3A_1103] : memref<10000x64xf32, #tpu.memory_space<hbm>> -> memref<10000x64xf32, #tpu.memory_space<hbm>>
      tpu.enqueue_indirect_dma source(%dma_start3A_1104 : memref<10000x64xf32, #tpu.memory_space<hbm>>) target(%arg16 : memref<80x64xf32, #tpu.memory_space<vmem>>) offsets(%dma_start3A_1097 : memref<80xi32, #tpu.memory_space<vmem>>) semaphore(%arg29 : memref<!tpu.dma_semaphore, #tpu.memory_space<semaphore_mem>>)
      %add3A_1105 = arith.constant 3 : i32
      %add3A_1106 = arith.addi %mul3A_774, %add3A_1105 : i32
      %dma_wait3A_1107 = arith.constant 0 : i32
      %dma_wait3A_1108 = tpu.memref_slice %arg12[%add3A_1106, %dma_wait3A_1107] : memref<125x80xi32, #tpu.memory_space<vmem>> -> memref<1x80xi32, #tpu.memory_space<vmem>>
      %dma_wait3A_1109 = tpu.memref_squeeze %dma_wait3A_1108 : memref<1x80xi32, #tpu.memory_space<vmem>> -> memref<80xi32, #tpu.memory_space<vmem>>
      %dma_wait3A_1110 = arith.constant 0 : i32
      %dma_wait3A_1111 = arith.constant 0 : i32
      %dma_wait3A_1112 = tpu.memref_slice %arg2[%arg0, %dma_wait3A_1110, %dma_wait3A_1111] : memref<2x10000x64xf32, #tpu.memory_space<hbm>> -> memref<1x10000x64xf32, #tpu.memory_space<hbm>>
      %dma_wait3A_1113 = tpu.memref_squeeze %dma_wait3A_1112 : memref<1x10000x64xf32, #tpu.memory_space<hbm>> -> memref<10000x64xf32, #tpu.memory_space<hbm>>
      %dma_wait3A_1114 = arith.constant 0 : i32
      %dma_wait3A_1115 = arith.constant 0 : i32
      %dma_wait3A_1116 = tpu.memref_slice %dma_wait3A_1113[%dma_wait3A_1114, %dma_wait3A_1115] : memref<10000x64xf32, #tpu.memory_space<hbm>> -> memref<10000x64xf32, #tpu.memory_space<hbm>>
      tpu.wait_indirect_dma semaphore(%arg30 : memref<!tpu.dma_semaphore, #tpu.memory_space<semaphore_mem>>) src(%dma_wait3A_1116 : memref<10000x64xf32, #tpu.memory_space<hbm>>) dst(%arg17 : memref<80x64xf32, #tpu.memory_space<vmem>>)
      %mul3A_1117 = arith.constant 80 : i32
      %mul3A_1118 = arith.muli %add3A_1106, %mul3A_1117 : i32
      %dma_start3A_1119 = arith.constant 0 : i32
      %dma_start3A_1120 = tpu.memref_slice %arg19[%mul3A_1118] : memref<10000xf32, #tpu.memory_space<vmem>> -> memref<80xf32, #tpu.memory_space<vmem>>
      %dma_start3A_1121 = arith.constant 0 : i32
      %dma_start3A_1122 = tpu.memref_slice %arg13[%add3A_1106, %dma_start3A_1121] : memref<125x80xi32, #tpu.memory_space<vmem>> -> memref<1x80xi32, #tpu.memory_space<vmem>>
      %dma_start3A_1123 = tpu.memref_squeeze %dma_start3A_1122 : memref<1x80xi32, #tpu.memory_space<vmem>> -> memref<80xi32, #tpu.memory_space<vmem>>
      %dma_start3A_1124 = arith.constant 0 : i32
      %dma_start3A_1125 = tpu.memref_slice %arg26[%dma_start3A_1119, %dma_start3A_1124] : memref<4x10240xf32, #tpu.memory_space<vmem_shared>> -> memref<1x10240xf32, #tpu.memory_space<vmem_shared>>
      %dma_start3A_1126 = tpu.memref_squeeze %dma_start3A_1125 : memref<1x10240xf32, #tpu.memory_space<vmem_shared>> -> memref<10240xf32, #tpu.memory_space<vmem_shared>>
      %dma_start3A_1127 = arith.constant 0 : i32
      %dma_start3A_1128 = tpu.memref_slice %dma_start3A_1126[%dma_start3A_1127] : memref<10240xf32, #tpu.memory_space<vmem_shared>> -> memref<10240xf32, #tpu.memory_space<vmem_shared>>
      tpu.enqueue_indirect_dma source(%dma_start3A_1120 : memref<80xf32, #tpu.memory_space<vmem>>) target(%dma_start3A_1128 : memref<10240xf32, #tpu.memory_space<vmem_shared>>) offsets(%dma_start3A_1123 : memref<80xi32, #tpu.memory_space<vmem>>) semaphore(%arg32 : memref<!tpu.dma_semaphore, #tpu.memory_space<semaphore_mem>>) {add = true}
      %mul3A_1129 = arith.constant 80 : i32
      %mul3A_1130 = arith.muli %add3A_1106, %mul3A_1129 : i32
      %dma_start3A_1131 = arith.constant 1 : i32
      %dma_start3A_1132 = tpu.memref_slice %arg20[%mul3A_1130] : memref<10000xf32, #tpu.memory_space<vmem>> -> memref<80xf32, #tpu.memory_space<vmem>>
      %dma_start3A_1133 = arith.constant 0 : i32
      %dma_start3A_1134 = tpu.memref_slice %arg13[%add3A_1106, %dma_start3A_1133] : memref<125x80xi32, #tpu.memory_space<vmem>> -> memref<1x80xi32, #tpu.memory_space<vmem>>
      %dma_start3A_1135 = tpu.memref_squeeze %dma_start3A_1134 : memref<1x80xi32, #tpu.memory_space<vmem>> -> memref<80xi32, #tpu.memory_space<vmem>>
      %dma_start3A_1136 = arith.constant 0 : i32
      %dma_start3A_1137 = tpu.memref_slice %arg26[%dma_start3A_1131, %dma_start3A_1136] : memref<4x10240xf32, #tpu.memory_space<vmem_shared>> -> memref<1x10240xf32, #tpu.memory_space<vmem_shared>>
      %dma_start3A_1138 = tpu.memref_squeeze %dma_start3A_1137 : memref<1x10240xf32, #tpu.memory_space<vmem_shared>> -> memref<10240xf32, #tpu.memory_space<vmem_shared>>
      %dma_start3A_1139 = arith.constant 0 : i32
      %dma_start3A_1140 = tpu.memref_slice %dma_start3A_1138[%dma_start3A_1139] : memref<10240xf32, #tpu.memory_space<vmem_shared>> -> memref<10240xf32, #tpu.memory_space<vmem_shared>>
      tpu.enqueue_indirect_dma source(%dma_start3A_1132 : memref<80xf32, #tpu.memory_space<vmem>>) target(%dma_start3A_1140 : memref<10240xf32, #tpu.memory_space<vmem_shared>>) offsets(%dma_start3A_1135 : memref<80xi32, #tpu.memory_space<vmem>>) semaphore(%arg32 : memref<!tpu.dma_semaphore, #tpu.memory_space<semaphore_mem>>) {add = true}
      %mul3A_1141 = arith.constant 80 : i32
      %mul3A_1142 = arith.muli %add3A_1106, %mul3A_1141 : i32
      %dma_start3A_1143 = arith.constant 2 : i32
      %dma_start3A_1144 = tpu.memref_slice %arg21[%mul3A_1142] : memref<10000xf32, #tpu.memory_space<vmem>> -> memref<80xf32, #tpu.memory_space<vmem>>
      %dma_start3A_1145 = arith.constant 0 : i32
      %dma_start3A_1146 = tpu.memref_slice %arg13[%add3A_1106, %dma_start3A_1145] : memref<125x80xi32, #tpu.memory_space<vmem>> -> memref<1x80xi32, #tpu.memory_space<vmem>>
      %dma_start3A_1147 = tpu.memref_squeeze %dma_start3A_1146 : memref<1x80xi32, #tpu.memory_space<vmem>> -> memref<80xi32, #tpu.memory_space<vmem>>
      %dma_start3A_1148 = arith.constant 0 : i32
      %dma_start3A_1149 = tpu.memref_slice %arg26[%dma_start3A_1143, %dma_start3A_1148] : memref<4x10240xf32, #tpu.memory_space<vmem_shared>> -> memref<1x10240xf32, #tpu.memory_space<vmem_shared>>
      %dma_start3A_1150 = tpu.memref_squeeze %dma_start3A_1149 : memref<1x10240xf32, #tpu.memory_space<vmem_shared>> -> memref<10240xf32, #tpu.memory_space<vmem_shared>>
      %dma_start3A_1151 = arith.constant 0 : i32
      %dma_start3A_1152 = tpu.memref_slice %dma_start3A_1150[%dma_start3A_1151] : memref<10240xf32, #tpu.memory_space<vmem_shared>> -> memref<10240xf32, #tpu.memory_space<vmem_shared>>
      tpu.enqueue_indirect_dma source(%dma_start3A_1144 : memref<80xf32, #tpu.memory_space<vmem>>) target(%dma_start3A_1152 : memref<10240xf32, #tpu.memory_space<vmem_shared>>) offsets(%dma_start3A_1147 : memref<80xi32, #tpu.memory_space<vmem>>) semaphore(%arg32 : memref<!tpu.dma_semaphore, #tpu.memory_space<semaphore_mem>>) {add = true}
      %dma_start3A_1153 = arith.constant 3 : i32
      %dma_start3A_1154 = arith.constant 0 : i32
      %dma_start3A_1155 = tpu.memref_slice %arg13[%add3A_1106, %dma_start3A_1154] : memref<125x80xi32, #tpu.memory_space<vmem>> -> memref<1x80xi32, #tpu.memory_space<vmem>>
      %dma_start3A_1156 = tpu.memref_squeeze %dma_start3A_1155 : memref<1x80xi32, #tpu.memory_space<vmem>> -> memref<80xi32, #tpu.memory_space<vmem>>
      %dma_start3A_1157 = arith.constant 0 : i32
      %dma_start3A_1158 = tpu.memref_slice %arg26[%dma_start3A_1153, %dma_start3A_1157] : memref<4x10240xf32, #tpu.memory_space<vmem_shared>> -> memref<1x10240xf32, #tpu.memory_space<vmem_shared>>
      %dma_start3A_1159 = tpu.memref_squeeze %dma_start3A_1158 : memref<1x10240xf32, #tpu.memory_space<vmem_shared>> -> memref<10240xf32, #tpu.memory_space<vmem_shared>>
      %dma_start3A_1160 = arith.constant 0 : i32
      %dma_start3A_1161 = tpu.memref_slice %dma_start3A_1159[%dma_start3A_1160] : memref<10240xf32, #tpu.memory_space<vmem_shared>> -> memref<10240xf32, #tpu.memory_space<vmem_shared>>
      tpu.enqueue_indirect_dma source(%arg22 : memref<80xf32, #tpu.memory_space<vmem>>) target(%dma_start3A_1161 : memref<10240xf32, #tpu.memory_space<vmem_shared>>) offsets(%dma_start3A_1156 : memref<80xi32, #tpu.memory_space<vmem>>) semaphore(%arg32 : memref<!tpu.dma_semaphore, #tpu.memory_space<semaphore_mem>>) {add = true}
      "tpu.region"() ({
        %run_scoped3A_1325 = tpu.sem_alloc : memref<!tpu.dma_semaphore, #tpu.memory_space<semaphore_mem>>
        %dma_start3A_1326 = arith.constant 0 : i32
        %dma_start3A_1327 = tpu.memref_slice %arg13[%add3A_1106, %dma_start3A_1326] : memref<125x80xi32, #tpu.memory_space<vmem>> -> memref<1x80xi32, #tpu.memory_space<vmem>>
        %dma_start3A_1328 = tpu.memref_squeeze %dma_start3A_1327 : memref<1x80xi32, #tpu.memory_space<vmem>> -> memref<80xi32, #tpu.memory_space<vmem>>
        %dma_start3A_1329 = arith.constant 0 : i32
        %dma_start3A_1330 = arith.constant 0 : i32
        %dma_start3A_1331 = tpu.memref_slice %arg25[%dma_start3A_1329, %dma_start3A_1330] : memref<10240x64xf32, #tpu.memory_space<vmem_shared>> -> memref<10240x64xf32, #tpu.memory_space<vmem_shared>>
        tpu.enqueue_indirect_dma source(%arg17 : memref<80x64xf32, #tpu.memory_space<vmem>>) target(%dma_start3A_1331 : memref<10240x64xf32, #tpu.memory_space<vmem_shared>>) offsets(%dma_start3A_1328 : memref<80xi32, #tpu.memory_space<vmem>>) semaphore(%run_scoped3A_1325 : memref<!tpu.dma_semaphore, #tpu.memory_space<semaphore_mem>>) {add = true}
        %dma_wait3A_1332 = arith.constant 0 : i32
        %dma_wait3A_1333 = tpu.memref_slice %arg13[%add3A_1106, %dma_wait3A_1332] : memref<125x80xi32, #tpu.memory_space<vmem>> -> memref<1x80xi32, #tpu.memory_space<vmem>>
        %dma_wait3A_1334 = tpu.memref_squeeze %dma_wait3A_1333 : memref<1x80xi32, #tpu.memory_space<vmem>> -> memref<80xi32, #tpu.memory_space<vmem>>
        %dma_wait3A_1335 = arith.constant 0 : i32
        %dma_wait3A_1336 = arith.constant 0 : i32
        %dma_wait3A_1337 = tpu.memref_slice %arg25[%dma_wait3A_1335, %dma_wait3A_1336] : memref<10240x64xf32, #tpu.memory_space<vmem_shared>> -> memref<10240x64xf32, #tpu.memory_space<vmem_shared>>
        tpu.wait_indirect_dma semaphore(%run_scoped3A_1325 : memref<!tpu.dma_semaphore, #tpu.memory_space<semaphore_mem>>) src(%arg17 : memref<80x64xf32, #tpu.memory_space<vmem>>) dst(%dma_wait3A_1337 : memref<10240x64xf32, #tpu.memory_space<vmem_shared>>)
        tpu.yield
      }) : () -> ()
      %dma_wait3A_1162 = arith.constant 0 : i32
      %dma_wait3A_1163 = tpu.memref_slice %arg19[%mul3A_1118] : memref<10000xf32, #tpu.memory_space<vmem>> -> memref<80xf32, #tpu.memory_space<vmem>>
      %dma_wait3A_1164 = arith.constant 0 : i32
      %dma_wait3A_1165 = tpu.memref_slice %arg13[%add3A_1106, %dma_wait3A_1164] : memref<125x80xi32, #tpu.memory_space<vmem>> -> memref<1x80xi32, #tpu.memory_space<vmem>>
      %dma_wait3A_1166 = tpu.memref_squeeze %dma_wait3A_1165 : memref<1x80xi32, #tpu.memory_space<vmem>> -> memref<80xi32, #tpu.memory_space<vmem>>
      %dma_wait3A_1167 = arith.constant 0 : i32
      %dma_wait3A_1168 = tpu.memref_slice %arg26[%dma_wait3A_1162, %dma_wait3A_1167] : memref<4x10240xf32, #tpu.memory_space<vmem_shared>> -> memref<1x10240xf32, #tpu.memory_space<vmem_shared>>
      %dma_wait3A_1169 = tpu.memref_squeeze %dma_wait3A_1168 : memref<1x10240xf32, #tpu.memory_space<vmem_shared>> -> memref<10240xf32, #tpu.memory_space<vmem_shared>>
      %dma_wait3A_1170 = arith.constant 0 : i32
      %dma_wait3A_1171 = tpu.memref_slice %dma_wait3A_1169[%dma_wait3A_1170] : memref<10240xf32, #tpu.memory_space<vmem_shared>> -> memref<10240xf32, #tpu.memory_space<vmem_shared>>
      tpu.wait_indirect_dma semaphore(%arg32 : memref<!tpu.dma_semaphore, #tpu.memory_space<semaphore_mem>>) src(%dma_wait3A_1163 : memref<80xf32, #tpu.memory_space<vmem>>) dst(%dma_wait3A_1171 : memref<10240xf32, #tpu.memory_space<vmem_shared>>)
      %dma_wait3A_1172 = arith.constant 1 : i32
      %dma_wait3A_1173 = tpu.memref_slice %arg20[%mul3A_1130] : memref<10000xf32, #tpu.memory_space<vmem>> -> memref<80xf32, #tpu.memory_space<vmem>>
      %dma_wait3A_1174 = arith.constant 0 : i32
      %dma_wait3A_1175 = tpu.memref_slice %arg13[%add3A_1106, %dma_wait3A_1174] : memref<125x80xi32, #tpu.memory_space<vmem>> -> memref<1x80xi32, #tpu.memory_space<vmem>>
      %dma_wait3A_1176 = tpu.memref_squeeze %dma_wait3A_1175 : memref<1x80xi32, #tpu.memory_space<vmem>> -> memref<80xi32, #tpu.memory_space<vmem>>
      %dma_wait3A_1177 = arith.constant 0 : i32
      %dma_wait3A_1178 = tpu.memref_slice %arg26[%dma_wait3A_1172, %dma_wait3A_1177] : memref<4x10240xf32, #tpu.memory_space<vmem_shared>> -> memref<1x10240xf32, #tpu.memory_space<vmem_shared>>
      %dma_wait3A_1179 = tpu.memref_squeeze %dma_wait3A_1178 : memref<1x10240xf32, #tpu.memory_space<vmem_shared>> -> memref<10240xf32, #tpu.memory_space<vmem_shared>>
      %dma_wait3A_1180 = arith.constant 0 : i32
      %dma_wait3A_1181 = tpu.memref_slice %dma_wait3A_1179[%dma_wait3A_1180] : memref<10240xf32, #tpu.memory_space<vmem_shared>> -> memref<10240xf32, #tpu.memory_space<vmem_shared>>
      tpu.wait_indirect_dma semaphore(%arg32 : memref<!tpu.dma_semaphore, #tpu.memory_space<semaphore_mem>>) src(%dma_wait3A_1173 : memref<80xf32, #tpu.memory_space<vmem>>) dst(%dma_wait3A_1181 : memref<10240xf32, #tpu.memory_space<vmem_shared>>)
      %dma_wait3A_1182 = arith.constant 2 : i32
      %dma_wait3A_1183 = tpu.memref_slice %arg21[%mul3A_1142] : memref<10000xf32, #tpu.memory_space<vmem>> -> memref<80xf32, #tpu.memory_space<vmem>>
      %dma_wait3A_1184 = arith.constant 0 : i32
      %dma_wait3A_1185 = tpu.memref_slice %arg13[%add3A_1106, %dma_wait3A_1184] : memref<125x80xi32, #tpu.memory_space<vmem>> -> memref<1x80xi32, #tpu.memory_space<vmem>>
      %dma_wait3A_1186 = tpu.memref_squeeze %dma_wait3A_1185 : memref<1x80xi32, #tpu.memory_space<vmem>> -> memref<80xi32, #tpu.memory_space<vmem>>
      %dma_wait3A_1187 = arith.constant 0 : i32
      %dma_wait3A_1188 = tpu.memref_slice %arg26[%dma_wait3A_1182, %dma_wait3A_1187] : memref<4x10240xf32, #tpu.memory_space<vmem_shared>> -> memref<1x10240xf32, #tpu.memory_space<vmem_shared>>
      %dma_wait3A_1189 = tpu.memref_squeeze %dma_wait3A_1188 : memref<1x10240xf32, #tpu.memory_space<vmem_shared>> -> memref<10240xf32, #tpu.memory_space<vmem_shared>>
      %dma_wait3A_1190 = arith.constant 0 : i32
      %dma_wait3A_1191 = tpu.memref_slice %dma_wait3A_1189[%dma_wait3A_1190] : memref<10240xf32, #tpu.memory_space<vmem_shared>> -> memref<10240xf32, #tpu.memory_space<vmem_shared>>
      tpu.wait_indirect_dma semaphore(%arg32 : memref<!tpu.dma_semaphore, #tpu.memory_space<semaphore_mem>>) src(%dma_wait3A_1183 : memref<80xf32, #tpu.memory_space<vmem>>) dst(%dma_wait3A_1191 : memref<10240xf32, #tpu.memory_space<vmem_shared>>)
      %dma_wait3A_1192 = arith.constant 3 : i32
      %dma_wait3A_1193 = arith.constant 0 : i32
      %dma_wait3A_1194 = tpu.memref_slice %arg13[%add3A_1106, %dma_wait3A_1193] : memref<125x80xi32, #tpu.memory_space<vmem>> -> memref<1x80xi32, #tpu.memory_space<vmem>>
      %dma_wait3A_1195 = tpu.memref_squeeze %dma_wait3A_1194 : memref<1x80xi32, #tpu.memory_space<vmem>> -> memref<80xi32, #tpu.memory_space<vmem>>
      %dma_wait3A_1196 = arith.constant 0 : i32
      %dma_wait3A_1197 = tpu.memref_slice %arg26[%dma_wait3A_1192, %dma_wait3A_1196] : memref<4x10240xf32, #tpu.memory_space<vmem_shared>> -> memref<1x10240xf32, #tpu.memory_space<vmem_shared>>
      %dma_wait3A_1198 = tpu.memref_squeeze %dma_wait3A_1197 : memref<1x10240xf32, #tpu.memory_space<vmem_shared>> -> memref<10240xf32, #tpu.memory_space<vmem_shared>>
      %dma_wait3A_1199 = arith.constant 0 : i32
      %dma_wait3A_1200 = tpu.memref_slice %dma_wait3A_1198[%dma_wait3A_1199] : memref<10240xf32, #tpu.memory_space<vmem_shared>> -> memref<10240xf32, #tpu.memory_space<vmem_shared>>
      tpu.wait_indirect_dma semaphore(%arg32 : memref<!tpu.dma_semaphore, #tpu.memory_space<semaphore_mem>>) src(%arg22 : memref<80xf32, #tpu.memory_space<vmem>>) dst(%dma_wait3A_1200 : memref<10240xf32, #tpu.memory_space<vmem_shared>>)
      %add3A_1201 = arith.constant 5 : i32
      %add3A_1202 = arith.addi %mul3A_774, %add3A_1201 : i32
      %add3A_1203 = arith.constant 3 : i32
      %add3A_1204 = arith.addi %add3A_1202, %add3A_1203 : i32
      %dma_start3A_1205 = arith.constant 0 : i32
      %dma_start3A_1206 = tpu.memref_slice %arg12[%add3A_1204, %dma_start3A_1205] : memref<125x80xi32, #tpu.memory_space<vmem>> -> memref<1x80xi32, #tpu.memory_space<vmem>>
      %dma_start3A_1207 = tpu.memref_squeeze %dma_start3A_1206 : memref<1x80xi32, #tpu.memory_space<vmem>> -> memref<80xi32, #tpu.memory_space<vmem>>
      %dma_start3A_1208 = arith.constant 0 : i32
      %dma_start3A_1209 = arith.constant 0 : i32
      %dma_start3A_1210 = tpu.memref_slice %arg2[%arg0, %dma_start3A_1208, %dma_start3A_1209] : memref<2x10000x64xf32, #tpu.memory_space<hbm>> -> memref<1x10000x64xf32, #tpu.memory_space<hbm>>
      %dma_start3A_1211 = tpu.memref_squeeze %dma_start3A_1210 : memref<1x10000x64xf32, #tpu.memory_space<hbm>> -> memref<10000x64xf32, #tpu.memory_space<hbm>>
      %dma_start3A_1212 = arith.constant 0 : i32
      %dma_start3A_1213 = arith.constant 0 : i32
      %dma_start3A_1214 = tpu.memref_slice %dma_start3A_1211[%dma_start3A_1212, %dma_start3A_1213] : memref<10000x64xf32, #tpu.memory_space<hbm>> -> memref<10000x64xf32, #tpu.memory_space<hbm>>
      tpu.enqueue_indirect_dma source(%dma_start3A_1214 : memref<10000x64xf32, #tpu.memory_space<hbm>>) target(%arg17 : memref<80x64xf32, #tpu.memory_space<vmem>>) offsets(%dma_start3A_1207 : memref<80xi32, #tpu.memory_space<vmem>>) semaphore(%arg30 : memref<!tpu.dma_semaphore, #tpu.memory_space<semaphore_mem>>)
      %add3A_1215 = arith.constant 4 : i32
      %add3A_1216 = arith.addi %mul3A_774, %add3A_1215 : i32
      %dma_wait3A_1217 = arith.constant 0 : i32
      %dma_wait3A_1218 = tpu.memref_slice %arg12[%add3A_1216, %dma_wait3A_1217] : memref<125x80xi32, #tpu.memory_space<vmem>> -> memref<1x80xi32, #tpu.memory_space<vmem>>
      %dma_wait3A_1219 = tpu.memref_squeeze %dma_wait3A_1218 : memref<1x80xi32, #tpu.memory_space<vmem>> -> memref<80xi32, #tpu.memory_space<vmem>>
      %dma_wait3A_1220 = arith.constant 0 : i32
      %dma_wait3A_1221 = arith.constant 0 : i32
      %dma_wait3A_1222 = tpu.memref_slice %arg2[%arg0, %dma_wait3A_1220, %dma_wait3A_1221] : memref<2x10000x64xf32, #tpu.memory_space<hbm>> -> memref<1x10000x64xf32, #tpu.memory_space<hbm>>
      %dma_wait3A_1223 = tpu.memref_squeeze %dma_wait3A_1222 : memref<1x10000x64xf32, #tpu.memory_space<hbm>> -> memref<10000x64xf32, #tpu.memory_space<hbm>>
      %dma_wait3A_1224 = arith.constant 0 : i32
      %dma_wait3A_1225 = arith.constant 0 : i32
      %dma_wait3A_1226 = tpu.memref_slice %dma_wait3A_1223[%dma_wait3A_1224, %dma_wait3A_1225] : memref<10000x64xf32, #tpu.memory_space<hbm>> -> memref<10000x64xf32, #tpu.memory_space<hbm>>
      tpu.wait_indirect_dma semaphore(%arg31 : memref<!tpu.dma_semaphore, #tpu.memory_space<semaphore_mem>>) src(%dma_wait3A_1226 : memref<10000x64xf32, #tpu.memory_space<hbm>>) dst(%arg18 : memref<80x64xf32, #tpu.memory_space<vmem>>)
      %mul3A_1227 = arith.constant 80 : i32
      %mul3A_1228 = arith.muli %add3A_1216, %mul3A_1227 : i32
      %dma_start3A_1229 = arith.constant 0 : i32
      %dma_start3A_1230 = tpu.memref_slice %arg19[%mul3A_1228] : memref<10000xf32, #tpu.memory_space<vmem>> -> memref<80xf32, #tpu.memory_space<vmem>>
      %dma_start3A_1231 = arith.constant 0 : i32
      %dma_start3A_1232 = tpu.memref_slice %arg13[%add3A_1216, %dma_start3A_1231] : memref<125x80xi32, #tpu.memory_space<vmem>> -> memref<1x80xi32, #tpu.memory_space<vmem>>
      %dma_start3A_1233 = tpu.memref_squeeze %dma_start3A_1232 : memref<1x80xi32, #tpu.memory_space<vmem>> -> memref<80xi32, #tpu.memory_space<vmem>>
      %dma_start3A_1234 = arith.constant 0 : i32
      %dma_start3A_1235 = tpu.memref_slice %arg26[%dma_start3A_1229, %dma_start3A_1234] : memref<4x10240xf32, #tpu.memory_space<vmem_shared>> -> memref<1x10240xf32, #tpu.memory_space<vmem_shared>>
      %dma_start3A_1236 = tpu.memref_squeeze %dma_start3A_1235 : memref<1x10240xf32, #tpu.memory_space<vmem_shared>> -> memref<10240xf32, #tpu.memory_space<vmem_shared>>
      %dma_start3A_1237 = arith.constant 0 : i32
      %dma_start3A_1238 = tpu.memref_slice %dma_start3A_1236[%dma_start3A_1237] : memref<10240xf32, #tpu.memory_space<vmem_shared>> -> memref<10240xf32, #tpu.memory_space<vmem_shared>>
      tpu.enqueue_indirect_dma source(%dma_start3A_1230 : memref<80xf32, #tpu.memory_space<vmem>>) target(%dma_start3A_1238 : memref<10240xf32, #tpu.memory_space<vmem_shared>>) offsets(%dma_start3A_1233 : memref<80xi32, #tpu.memory_space<vmem>>) semaphore(%arg32 : memref<!tpu.dma_semaphore, #tpu.memory_space<semaphore_mem>>) {add = true}
      %mul3A_1239 = arith.constant 80 : i32
      %mul3A_1240 = arith.muli %add3A_1216, %mul3A_1239 : i32
      %dma_start3A_1241 = arith.constant 1 : i32
      %dma_start3A_1242 = tpu.memref_slice %arg20[%mul3A_1240] : memref<10000xf32, #tpu.memory_space<vmem>> -> memref<80xf32, #tpu.memory_space<vmem>>
      %dma_start3A_1243 = arith.constant 0 : i32
      %dma_start3A_1244 = tpu.memref_slice %arg13[%add3A_1216, %dma_start3A_1243] : memref<125x80xi32, #tpu.memory_space<vmem>> -> memref<1x80xi32, #tpu.memory_space<vmem>>
      %dma_start3A_1245 = tpu.memref_squeeze %dma_start3A_1244 : memref<1x80xi32, #tpu.memory_space<vmem>> -> memref<80xi32, #tpu.memory_space<vmem>>
      %dma_start3A_1246 = arith.constant 0 : i32
      %dma_start3A_1247 = tpu.memref_slice %arg26[%dma_start3A_1241, %dma_start3A_1246] : memref<4x10240xf32, #tpu.memory_space<vmem_shared>> -> memref<1x10240xf32, #tpu.memory_space<vmem_shared>>
      %dma_start3A_1248 = tpu.memref_squeeze %dma_start3A_1247 : memref<1x10240xf32, #tpu.memory_space<vmem_shared>> -> memref<10240xf32, #tpu.memory_space<vmem_shared>>
      %dma_start3A_1249 = arith.constant 0 : i32
      %dma_start3A_1250 = tpu.memref_slice %dma_start3A_1248[%dma_start3A_1249] : memref<10240xf32, #tpu.memory_space<vmem_shared>> -> memref<10240xf32, #tpu.memory_space<vmem_shared>>
      tpu.enqueue_indirect_dma source(%dma_start3A_1242 : memref<80xf32, #tpu.memory_space<vmem>>) target(%dma_start3A_1250 : memref<10240xf32, #tpu.memory_space<vmem_shared>>) offsets(%dma_start3A_1245 : memref<80xi32, #tpu.memory_space<vmem>>) semaphore(%arg32 : memref<!tpu.dma_semaphore, #tpu.memory_space<semaphore_mem>>) {add = true}
      %mul3A_1251 = arith.constant 80 : i32
      %mul3A_1252 = arith.muli %add3A_1216, %mul3A_1251 : i32
      %dma_start3A_1253 = arith.constant 2 : i32
      %dma_start3A_1254 = tpu.memref_slice %arg21[%mul3A_1252] : memref<10000xf32, #tpu.memory_space<vmem>> -> memref<80xf32, #tpu.memory_space<vmem>>
      %dma_start3A_1255 = arith.constant 0 : i32
      %dma_start3A_1256 = tpu.memref_slice %arg13[%add3A_1216, %dma_start3A_1255] : memref<125x80xi32, #tpu.memory_space<vmem>> -> memref<1x80xi32, #tpu.memory_space<vmem>>
      %dma_start3A_1257 = tpu.memref_squeeze %dma_start3A_1256 : memref<1x80xi32, #tpu.memory_space<vmem>> -> memref<80xi32, #tpu.memory_space<vmem>>
      %dma_start3A_1258 = arith.constant 0 : i32
      %dma_start3A_1259 = tpu.memref_slice %arg26[%dma_start3A_1253, %dma_start3A_1258] : memref<4x10240xf32, #tpu.memory_space<vmem_shared>> -> memref<1x10240xf32, #tpu.memory_space<vmem_shared>>
      %dma_start3A_1260 = tpu.memref_squeeze %dma_start3A_1259 : memref<1x10240xf32, #tpu.memory_space<vmem_shared>> -> memref<10240xf32, #tpu.memory_space<vmem_shared>>
      %dma_start3A_1261 = arith.constant 0 : i32
      %dma_start3A_1262 = tpu.memref_slice %dma_start3A_1260[%dma_start3A_1261] : memref<10240xf32, #tpu.memory_space<vmem_shared>> -> memref<10240xf32, #tpu.memory_space<vmem_shared>>
      tpu.enqueue_indirect_dma source(%dma_start3A_1254 : memref<80xf32, #tpu.memory_space<vmem>>) target(%dma_start3A_1262 : memref<10240xf32, #tpu.memory_space<vmem_shared>>) offsets(%dma_start3A_1257 : memref<80xi32, #tpu.memory_space<vmem>>) semaphore(%arg32 : memref<!tpu.dma_semaphore, #tpu.memory_space<semaphore_mem>>) {add = true}
      %dma_start3A_1263 = arith.constant 3 : i32
      %dma_start3A_1264 = arith.constant 0 : i32
      %dma_start3A_1265 = tpu.memref_slice %arg13[%add3A_1216, %dma_start3A_1264] : memref<125x80xi32, #tpu.memory_space<vmem>> -> memref<1x80xi32, #tpu.memory_space<vmem>>
      %dma_start3A_1266 = tpu.memref_squeeze %dma_start3A_1265 : memref<1x80xi32, #tpu.memory_space<vmem>> -> memref<80xi32, #tpu.memory_space<vmem>>
      %dma_start3A_1267 = arith.constant 0 : i32
      %dma_start3A_1268 = tpu.memref_slice %arg26[%dma_start3A_1263, %dma_start3A_1267] : memref<4x10240xf32, #tpu.memory_space<vmem_shared>> -> memref<1x10240xf32, #tpu.memory_space<vmem_shared>>
      %dma_start3A_1269 = tpu.memref_squeeze %dma_start3A_1268 : memref<1x10240xf32, #tpu.memory_space<vmem_shared>> -> memref<10240xf32, #tpu.memory_space<vmem_shared>>
      %dma_start3A_1270 = arith.constant 0 : i32
      %dma_start3A_1271 = tpu.memref_slice %dma_start3A_1269[%dma_start3A_1270] : memref<10240xf32, #tpu.memory_space<vmem_shared>> -> memref<10240xf32, #tpu.memory_space<vmem_shared>>
      tpu.enqueue_indirect_dma source(%arg22 : memref<80xf32, #tpu.memory_space<vmem>>) target(%dma_start3A_1271 : memref<10240xf32, #tpu.memory_space<vmem_shared>>) offsets(%dma_start3A_1266 : memref<80xi32, #tpu.memory_space<vmem>>) semaphore(%arg32 : memref<!tpu.dma_semaphore, #tpu.memory_space<semaphore_mem>>) {add = true}
      "tpu.region"() ({
        %run_scoped3A_1325 = tpu.sem_alloc : memref<!tpu.dma_semaphore, #tpu.memory_space<semaphore_mem>>
        %dma_start3A_1326 = arith.constant 0 : i32
        %dma_start3A_1327 = tpu.memref_slice %arg13[%add3A_1216, %dma_start3A_1326] : memref<125x80xi32, #tpu.memory_space<vmem>> -> memref<1x80xi32, #tpu.memory_space<vmem>>
        %dma_start3A_1328 = tpu.memref_squeeze %dma_start3A_1327 : memref<1x80xi32, #tpu.memory_space<vmem>> -> memref<80xi32, #tpu.memory_space<vmem>>
        %dma_start3A_1329 = arith.constant 0 : i32
        %dma_start3A_1330 = arith.constant 0 : i32
        %dma_start3A_1331 = tpu.memref_slice %arg25[%dma_start3A_1329, %dma_start3A_1330] : memref<10240x64xf32, #tpu.memory_space<vmem_shared>> -> memref<10240x64xf32, #tpu.memory_space<vmem_shared>>
        tpu.enqueue_indirect_dma source(%arg18 : memref<80x64xf32, #tpu.memory_space<vmem>>) target(%dma_start3A_1331 : memref<10240x64xf32, #tpu.memory_space<vmem_shared>>) offsets(%dma_start3A_1328 : memref<80xi32, #tpu.memory_space<vmem>>) semaphore(%run_scoped3A_1325 : memref<!tpu.dma_semaphore, #tpu.memory_space<semaphore_mem>>) {add = true}
        %dma_wait3A_1332 = arith.constant 0 : i32
        %dma_wait3A_1333 = tpu.memref_slice %arg13[%add3A_1216, %dma_wait3A_1332] : memref<125x80xi32, #tpu.memory_space<vmem>> -> memref<1x80xi32, #tpu.memory_space<vmem>>
        %dma_wait3A_1334 = tpu.memref_squeeze %dma_wait3A_1333 : memref<1x80xi32, #tpu.memory_space<vmem>> -> memref<80xi32, #tpu.memory_space<vmem>>
        %dma_wait3A_1335 = arith.constant 0 : i32
        %dma_wait3A_1336 = arith.constant 0 : i32
        %dma_wait3A_1337 = tpu.memref_slice %arg25[%dma_wait3A_1335, %dma_wait3A_1336] : memref<10240x64xf32, #tpu.memory_space<vmem_shared>> -> memref<10240x64xf32, #tpu.memory_space<vmem_shared>>
        tpu.wait_indirect_dma semaphore(%run_scoped3A_1325 : memref<!tpu.dma_semaphore, #tpu.memory_space<semaphore_mem>>) src(%arg18 : memref<80x64xf32, #tpu.memory_space<vmem>>) dst(%dma_wait3A_1337 : memref<10240x64xf32, #tpu.memory_space<vmem_shared>>)
        tpu.yield
      }) : () -> ()
      %dma_wait3A_1272 = arith.constant 0 : i32
      %dma_wait3A_1273 = tpu.memref_slice %arg19[%mul3A_1228] : memref<10000xf32, #tpu.memory_space<vmem>> -> memref<80xf32, #tpu.memory_space<vmem>>
      %dma_wait3A_1274 = arith.constant 0 : i32
      %dma_wait3A_1275 = tpu.memref_slice %arg13[%add3A_1216, %dma_wait3A_1274] : memref<125x80xi32, #tpu.memory_space<vmem>> -> memref<1x80xi32, #tpu.memory_space<vmem>>
      %dma_wait3A_1276 = tpu.memref_squeeze %dma_wait3A_1275 : memref<1x80xi32, #tpu.memory_space<vmem>> -> memref<80xi32, #tpu.memory_space<vmem>>
      %dma_wait3A_1277 = arith.constant 0 : i32
      %dma_wait3A_1278 = tpu.memref_slice %arg26[%dma_wait3A_1272, %dma_wait3A_1277] : memref<4x10240xf32, #tpu.memory_space<vmem_shared>> -> memref<1x10240xf32, #tpu.memory_space<vmem_shared>>
      %dma_wait3A_1279 = tpu.memref_squeeze %dma_wait3A_1278 : memref<1x10240xf32, #tpu.memory_space<vmem_shared>> -> memref<10240xf32, #tpu.memory_space<vmem_shared>>
      %dma_wait3A_1280 = arith.constant 0 : i32
      %dma_wait3A_1281 = tpu.memref_slice %dma_wait3A_1279[%dma_wait3A_1280] : memref<10240xf32, #tpu.memory_space<vmem_shared>> -> memref<10240xf32, #tpu.memory_space<vmem_shared>>
      tpu.wait_indirect_dma semaphore(%arg32 : memref<!tpu.dma_semaphore, #tpu.memory_space<semaphore_mem>>) src(%dma_wait3A_1273 : memref<80xf32, #tpu.memory_space<vmem>>) dst(%dma_wait3A_1281 : memref<10240xf32, #tpu.memory_space<vmem_shared>>)
      %dma_wait3A_1282 = arith.constant 1 : i32
      %dma_wait3A_1283 = tpu.memref_slice %arg20[%mul3A_1240] : memref<10000xf32, #tpu.memory_space<vmem>> -> memref<80xf32, #tpu.memory_space<vmem>>
      %dma_wait3A_1284 = arith.constant 0 : i32
      %dma_wait3A_1285 = tpu.memref_slice %arg13[%add3A_1216, %dma_wait3A_1284] : memref<125x80xi32, #tpu.memory_space<vmem>> -> memref<1x80xi32, #tpu.memory_space<vmem>>
      %dma_wait3A_1286 = tpu.memref_squeeze %dma_wait3A_1285 : memref<1x80xi32, #tpu.memory_space<vmem>> -> memref<80xi32, #tpu.memory_space<vmem>>
      %dma_wait3A_1287 = arith.constant 0 : i32
      %dma_wait3A_1288 = tpu.memref_slice %arg26[%dma_wait3A_1282, %dma_wait3A_1287] : memref<4x10240xf32, #tpu.memory_space<vmem_shared>> -> memref<1x10240xf32, #tpu.memory_space<vmem_shared>>
      %dma_wait3A_1289 = tpu.memref_squeeze %dma_wait3A_1288 : memref<1x10240xf32, #tpu.memory_space<vmem_shared>> -> memref<10240xf32, #tpu.memory_space<vmem_shared>>
      %dma_wait3A_1290 = arith.constant 0 : i32
      %dma_wait3A_1291 = tpu.memref_slice %dma_wait3A_1289[%dma_wait3A_1290] : memref<10240xf32, #tpu.memory_space<vmem_shared>> -> memref<10240xf32, #tpu.memory_space<vmem_shared>>
      tpu.wait_indirect_dma semaphore(%arg32 : memref<!tpu.dma_semaphore, #tpu.memory_space<semaphore_mem>>) src(%dma_wait3A_1283 : memref<80xf32, #tpu.memory_space<vmem>>) dst(%dma_wait3A_1291 : memref<10240xf32, #tpu.memory_space<vmem_shared>>)
      %dma_wait3A_1292 = arith.constant 2 : i32
      %dma_wait3A_1293 = tpu.memref_slice %arg21[%mul3A_1252] : memref<10000xf32, #tpu.memory_space<vmem>> -> memref<80xf32, #tpu.memory_space<vmem>>
      %dma_wait3A_1294 = arith.constant 0 : i32
      %dma_wait3A_1295 = tpu.memref_slice %arg13[%add3A_1216, %dma_wait3A_1294] : memref<125x80xi32, #tpu.memory_space<vmem>> -> memref<1x80xi32, #tpu.memory_space<vmem>>
      %dma_wait3A_1296 = tpu.memref_squeeze %dma_wait3A_1295 : memref<1x80xi32, #tpu.memory_space<vmem>> -> memref<80xi32, #tpu.memory_space<vmem>>
      %dma_wait3A_1297 = arith.constant 0 : i32
      %dma_wait3A_1298 = tpu.memref_slice %arg26[%dma_wait3A_1292, %dma_wait3A_1297] : memref<4x10240xf32, #tpu.memory_space<vmem_shared>> -> memref<1x10240xf32, #tpu.memory_space<vmem_shared>>
      %dma_wait3A_1299 = tpu.memref_squeeze %dma_wait3A_1298 : memref<1x10240xf32, #tpu.memory_space<vmem_shared>> -> memref<10240xf32, #tpu.memory_space<vmem_shared>>
      %dma_wait3A_1300 = arith.constant 0 : i32
      %dma_wait3A_1301 = tpu.memref_slice %dma_wait3A_1299[%dma_wait3A_1300] : memref<10240xf32, #tpu.memory_space<vmem_shared>> -> memref<10240xf32, #tpu.memory_space<vmem_shared>>
      tpu.wait_indirect_dma semaphore(%arg32 : memref<!tpu.dma_semaphore, #tpu.memory_space<semaphore_mem>>) src(%dma_wait3A_1293 : memref<80xf32, #tpu.memory_space<vmem>>) dst(%dma_wait3A_1301 : memref<10240xf32, #tpu.memory_space<vmem_shared>>)
      %dma_wait3A_1302 = arith.constant 3 : i32
      %dma_wait3A_1303 = arith.constant 0 : i32
      %dma_wait3A_1304 = tpu.memref_slice %arg13[%add3A_1216, %dma_wait3A_1303] : memref<125x80xi32, #tpu.memory_space<vmem>> -> memref<1x80xi32, #tpu.memory_space<vmem>>
      %dma_wait3A_1305 = tpu.memref_squeeze %dma_wait3A_1304 : memref<1x80xi32, #tpu.memory_space<vmem>> -> memref<80xi32, #tpu.memory_space<vmem>>
      %dma_wait3A_1306 = arith.constant 0 : i32
      %dma_wait3A_1307 = tpu.memref_slice %arg26[%dma_wait3A_1302, %dma_wait3A_1306] : memref<4x10240xf32, #tpu.memory_space<vmem_shared>> -> memref<1x10240xf32, #tpu.memory_space<vmem_shared>>
      %dma_wait3A_1308 = tpu.memref_squeeze %dma_wait3A_1307 : memref<1x10240xf32, #tpu.memory_space<vmem_shared>> -> memref<10240xf32, #tpu.memory_space<vmem_shared>>
      %dma_wait3A_1309 = arith.constant 0 : i32
      %dma_wait3A_1310 = tpu.memref_slice %dma_wait3A_1308[%dma_wait3A_1309] : memref<10240xf32, #tpu.memory_space<vmem_shared>> -> memref<10240xf32, #tpu.memory_space<vmem_shared>>
      tpu.wait_indirect_dma semaphore(%arg32 : memref<!tpu.dma_semaphore, #tpu.memory_space<semaphore_mem>>) src(%arg22 : memref<80xf32, #tpu.memory_space<vmem>>) dst(%dma_wait3A_1310 : memref<10240xf32, #tpu.memory_space<vmem_shared>>)
      %add3A_1311 = arith.constant 5 : i32
      %add3A_1312 = arith.addi %mul3A_774, %add3A_1311 : i32
      %add3A_1313 = arith.constant 4 : i32
      %add3A_1314 = arith.addi %add3A_1312, %add3A_1313 : i32
      %dma_start3A_1315 = arith.constant 0 : i32
      %dma_start3A_1316 = tpu.memref_slice %arg12[%add3A_1314, %dma_start3A_1315] : memref<125x80xi32, #tpu.memory_space<vmem>> -> memref<1x80xi32, #tpu.memory_space<vmem>>
      %dma_start3A_1317 = tpu.memref_squeeze %dma_start3A_1316 : memref<1x80xi32, #tpu.memory_space<vmem>> -> memref<80xi32, #tpu.memory_space<vmem>>
      %dma_start3A_1318 = arith.constant 0 : i32
      %dma_start3A_1319 = arith.constant 0 : i32
      %dma_start3A_1320 = tpu.memref_slice %arg2[%arg0, %dma_start3A_1318, %dma_start3A_1319] : memref<2x10000x64xf32, #tpu.memory_space<hbm>> -> memref<1x10000x64xf32, #tpu.memory_space<hbm>>
      %dma_start3A_1321 = tpu.memref_squeeze %dma_start3A_1320 : memref<1x10000x64xf32, #tpu.memory_space<hbm>> -> memref<10000x64xf32, #tpu.memory_space<hbm>>
      %dma_start3A_1322 = arith.constant 0 : i32
      %dma_start3A_1323 = arith.constant 0 : i32
      %dma_start3A_1324 = tpu.memref_slice %dma_start3A_1321[%dma_start3A_1322, %dma_start3A_1323] : memref<10000x64xf32, #tpu.memory_space<hbm>> -> memref<10000x64xf32, #tpu.memory_space<hbm>>
      tpu.enqueue_indirect_dma source(%dma_start3A_1324 : memref<10000x64xf32, #tpu.memory_space<hbm>>) target(%arg18 : memref<80x64xf32, #tpu.memory_space<vmem>>) offsets(%dma_start3A_1317 : memref<80xi32, #tpu.memory_space<vmem>>) semaphore(%arg31 : memref<!tpu.dma_semaphore, #tpu.memory_space<semaphore_mem>>)
    }
    %scan3A_96 = arith.constant 24 : i32
    %dma_wait3A = arith.constant 120 : i32
    %dma_wait3A_97 = arith.constant 0 : i32
    %dma_wait3A_98 = tpu.memref_slice %arg12[%dma_wait3A, %dma_wait3A_97] : memref<125x80xi32, #tpu.memory_space<vmem>> -> memref<1x80xi32, #tpu.memory_space<vmem>>
    %dma_wait3A_99 = tpu.memref_squeeze %dma_wait3A_98 : memref<1x80xi32, #tpu.memory_space<vmem>> -> memref<80xi32, #tpu.memory_space<vmem>>
    %dma_wait3A_100 = arith.constant 0 : i32
    %dma_wait3A_101 = arith.constant 0 : i32
    %dma_wait3A_102 = tpu.memref_slice %arg2[%arg0, %dma_wait3A_100, %dma_wait3A_101] : memref<2x10000x64xf32, #tpu.memory_space<hbm>> -> memref<1x10000x64xf32, #tpu.memory_space<hbm>>
    %dma_wait3A_103 = tpu.memref_squeeze %dma_wait3A_102 : memref<1x10000x64xf32, #tpu.memory_space<hbm>> -> memref<10000x64xf32, #tpu.memory_space<hbm>>
    %dma_wait3A_104 = arith.constant 0 : i32
    %dma_wait3A_105 = arith.constant 0 : i32
    %dma_wait3A_106 = tpu.memref_slice %dma_wait3A_103[%dma_wait3A_104, %dma_wait3A_105] : memref<10000x64xf32, #tpu.memory_space<hbm>> -> memref<10000x64xf32, #tpu.memory_space<hbm>>
    tpu.wait_indirect_dma semaphore(%arg27 : memref<!tpu.dma_semaphore, #tpu.memory_space<semaphore_mem>>) src(%dma_wait3A_106 : memref<10000x64xf32, #tpu.memory_space<hbm>>) dst(%arg14 : memref<80x64xf32, #tpu.memory_space<vmem>>)
    %dma_start3A_107 = arith.constant 0 : i32
    %dma_start3A_108 = arith.constant 120 : i32
    %dma_start3A_109 = arith.constant 9600 : i32
    %dma_start3A_110 = tpu.memref_slice %arg19[%dma_start3A_109] : memref<10000xf32, #tpu.memory_space<vmem>> -> memref<80xf32, #tpu.memory_space<vmem>>
    %dma_start3A_111 = arith.constant 0 : i32
    %dma_start3A_112 = tpu.memref_slice %arg13[%dma_start3A_108, %dma_start3A_111] : memref<125x80xi32, #tpu.memory_space<vmem>> -> memref<1x80xi32, #tpu.memory_space<vmem>>
    %dma_start3A_113 = tpu.memref_squeeze %dma_start3A_112 : memref<1x80xi32, #tpu.memory_space<vmem>> -> memref<80xi32, #tpu.memory_space<vmem>>
    %dma_start3A_114 = arith.constant 0 : i32
    %dma_start3A_115 = tpu.memref_slice %arg26[%dma_start3A_107, %dma_start3A_114] : memref<4x10240xf32, #tpu.memory_space<vmem_shared>> -> memref<1x10240xf32, #tpu.memory_space<vmem_shared>>
    %dma_start3A_116 = tpu.memref_squeeze %dma_start3A_115 : memref<1x10240xf32, #tpu.memory_space<vmem_shared>> -> memref<10240xf32, #tpu.memory_space<vmem_shared>>
    %dma_start3A_117 = arith.constant 0 : i32
    %dma_start3A_118 = tpu.memref_slice %dma_start3A_116[%dma_start3A_117] : memref<10240xf32, #tpu.memory_space<vmem_shared>> -> memref<10240xf32, #tpu.memory_space<vmem_shared>>
    tpu.enqueue_indirect_dma source(%dma_start3A_110 : memref<80xf32, #tpu.memory_space<vmem>>) target(%dma_start3A_118 : memref<10240xf32, #tpu.memory_space<vmem_shared>>) offsets(%dma_start3A_113 : memref<80xi32, #tpu.memory_space<vmem>>) semaphore(%arg32 : memref<!tpu.dma_semaphore, #tpu.memory_space<semaphore_mem>>) {add = true}
    %dma_start3A_119 = arith.constant 1 : i32
    %dma_start3A_120 = arith.constant 120 : i32
    %dma_start3A_121 = arith.constant 9600 : i32
    %dma_start3A_122 = tpu.memref_slice %arg20[%dma_start3A_121] : memref<10000xf32, #tpu.memory_space<vmem>> -> memref<80xf32, #tpu.memory_space<vmem>>
    %dma_start3A_123 = arith.constant 0 : i32
    %dma_start3A_124 = tpu.memref_slice %arg13[%dma_start3A_120, %dma_start3A_123] : memref<125x80xi32, #tpu.memory_space<vmem>> -> memref<1x80xi32, #tpu.memory_space<vmem>>
    %dma_start3A_125 = tpu.memref_squeeze %dma_start3A_124 : memref<1x80xi32, #tpu.memory_space<vmem>> -> memref<80xi32, #tpu.memory_space<vmem>>
    %dma_start3A_126 = arith.constant 0 : i32
    %dma_start3A_127 = tpu.memref_slice %arg26[%dma_start3A_119, %dma_start3A_126] : memref<4x10240xf32, #tpu.memory_space<vmem_shared>> -> memref<1x10240xf32, #tpu.memory_space<vmem_shared>>
    %dma_start3A_128 = tpu.memref_squeeze %dma_start3A_127 : memref<1x10240xf32, #tpu.memory_space<vmem_shared>> -> memref<10240xf32, #tpu.memory_space<vmem_shared>>
    %dma_start3A_129 = arith.constant 0 : i32
    %dma_start3A_130 = tpu.memref_slice %dma_start3A_128[%dma_start3A_129] : memref<10240xf32, #tpu.memory_space<vmem_shared>> -> memref<10240xf32, #tpu.memory_space<vmem_shared>>
    tpu.enqueue_indirect_dma source(%dma_start3A_122 : memref<80xf32, #tpu.memory_space<vmem>>) target(%dma_start3A_130 : memref<10240xf32, #tpu.memory_space<vmem_shared>>) offsets(%dma_start3A_125 : memref<80xi32, #tpu.memory_space<vmem>>) semaphore(%arg32 : memref<!tpu.dma_semaphore, #tpu.memory_space<semaphore_mem>>) {add = true}
    %dma_start3A_131 = arith.constant 2 : i32
    %dma_start3A_132 = arith.constant 120 : i32
    %dma_start3A_133 = arith.constant 9600 : i32
    %dma_start3A_134 = tpu.memref_slice %arg21[%dma_start3A_133] : memref<10000xf32, #tpu.memory_space<vmem>> -> memref<80xf32, #tpu.memory_space<vmem>>
    %dma_start3A_135 = arith.constant 0 : i32
    %dma_start3A_136 = tpu.memref_slice %arg13[%dma_start3A_132, %dma_start3A_135] : memref<125x80xi32, #tpu.memory_space<vmem>> -> memref<1x80xi32, #tpu.memory_space<vmem>>
    %dma_start3A_137 = tpu.memref_squeeze %dma_start3A_136 : memref<1x80xi32, #tpu.memory_space<vmem>> -> memref<80xi32, #tpu.memory_space<vmem>>
    %dma_start3A_138 = arith.constant 0 : i32
    %dma_start3A_139 = tpu.memref_slice %arg26[%dma_start3A_131, %dma_start3A_138] : memref<4x10240xf32, #tpu.memory_space<vmem_shared>> -> memref<1x10240xf32, #tpu.memory_space<vmem_shared>>
    %dma_start3A_140 = tpu.memref_squeeze %dma_start3A_139 : memref<1x10240xf32, #tpu.memory_space<vmem_shared>> -> memref<10240xf32, #tpu.memory_space<vmem_shared>>
    %dma_start3A_141 = arith.constant 0 : i32
    %dma_start3A_142 = tpu.memref_slice %dma_start3A_140[%dma_start3A_141] : memref<10240xf32, #tpu.memory_space<vmem_shared>> -> memref<10240xf32, #tpu.memory_space<vmem_shared>>
    tpu.enqueue_indirect_dma source(%dma_start3A_134 : memref<80xf32, #tpu.memory_space<vmem>>) target(%dma_start3A_142 : memref<10240xf32, #tpu.memory_space<vmem_shared>>) offsets(%dma_start3A_137 : memref<80xi32, #tpu.memory_space<vmem>>) semaphore(%arg32 : memref<!tpu.dma_semaphore, #tpu.memory_space<semaphore_mem>>) {add = true}
    %dma_start3A_143 = arith.constant 3 : i32
    %dma_start3A_144 = arith.constant 120 : i32
    %dma_start3A_145 = arith.constant 0 : i32
    %dma_start3A_146 = tpu.memref_slice %arg13[%dma_start3A_144, %dma_start3A_145] : memref<125x80xi32, #tpu.memory_space<vmem>> -> memref<1x80xi32, #tpu.memory_space<vmem>>
    %dma_start3A_147 = tpu.memref_squeeze %dma_start3A_146 : memref<1x80xi32, #tpu.memory_space<vmem>> -> memref<80xi32, #tpu.memory_space<vmem>>
    %dma_start3A_148 = arith.constant 0 : i32
    %dma_start3A_149 = tpu.memref_slice %arg26[%dma_start3A_143, %dma_start3A_148] : memref<4x10240xf32, #tpu.memory_space<vmem_shared>> -> memref<1x10240xf32, #tpu.memory_space<vmem_shared>>
    %dma_start3A_150 = tpu.memref_squeeze %dma_start3A_149 : memref<1x10240xf32, #tpu.memory_space<vmem_shared>> -> memref<10240xf32, #tpu.memory_space<vmem_shared>>
    %dma_start3A_151 = arith.constant 0 : i32
    %dma_start3A_152 = tpu.memref_slice %dma_start3A_150[%dma_start3A_151] : memref<10240xf32, #tpu.memory_space<vmem_shared>> -> memref<10240xf32, #tpu.memory_space<vmem_shared>>
    tpu.enqueue_indirect_dma source(%arg22 : memref<80xf32, #tpu.memory_space<vmem>>) target(%dma_start3A_152 : memref<10240xf32, #tpu.memory_space<vmem_shared>>) offsets(%dma_start3A_147 : memref<80xi32, #tpu.memory_space<vmem>>) semaphore(%arg32 : memref<!tpu.dma_semaphore, #tpu.memory_space<semaphore_mem>>) {add = true}
    %run_scoped3A_153 = arith.constant 120 : i32
    "tpu.region"() ({
      %run_scoped3A_772 = tpu.sem_alloc : memref<!tpu.dma_semaphore, #tpu.memory_space<semaphore_mem>>
      %dma_start3A_773 = arith.constant 0 : i32
      %dma_start3A_774 = tpu.memref_slice %arg13[%run_scoped3A_153, %dma_start3A_773] : memref<125x80xi32, #tpu.memory_space<vmem>> -> memref<1x80xi32, #tpu.memory_space<vmem>>
      %dma_start3A_775 = tpu.memref_squeeze %dma_start3A_774 : memref<1x80xi32, #tpu.memory_space<vmem>> -> memref<80xi32, #tpu.memory_space<vmem>>
      %dma_start3A_776 = arith.constant 0 : i32
      %dma_start3A_777 = arith.constant 0 : i32
      %dma_start3A_778 = tpu.memref_slice %arg25[%dma_start3A_776, %dma_start3A_777] : memref<10240x64xf32, #tpu.memory_space<vmem_shared>> -> memref<10240x64xf32, #tpu.memory_space<vmem_shared>>
      tpu.enqueue_indirect_dma source(%arg14 : memref<80x64xf32, #tpu.memory_space<vmem>>) target(%dma_start3A_778 : memref<10240x64xf32, #tpu.memory_space<vmem_shared>>) offsets(%dma_start3A_775 : memref<80xi32, #tpu.memory_space<vmem>>) semaphore(%run_scoped3A_772 : memref<!tpu.dma_semaphore, #tpu.memory_space<semaphore_mem>>) {add = true}
      %dma_wait3A_779 = arith.constant 0 : i32
      %dma_wait3A_780 = tpu.memref_slice %arg13[%run_scoped3A_153, %dma_wait3A_779] : memref<125x80xi32, #tpu.memory_space<vmem>> -> memref<1x80xi32, #tpu.memory_space<vmem>>
      %dma_wait3A_781 = tpu.memref_squeeze %dma_wait3A_780 : memref<1x80xi32, #tpu.memory_space<vmem>> -> memref<80xi32, #tpu.memory_space<vmem>>
      %dma_wait3A_782 = arith.constant 0 : i32
      %dma_wait3A_783 = arith.constant 0 : i32
      %dma_wait3A_784 = tpu.memref_slice %arg25[%dma_wait3A_782, %dma_wait3A_783] : memref<10240x64xf32, #tpu.memory_space<vmem_shared>> -> memref<10240x64xf32, #tpu.memory_space<vmem_shared>>
      tpu.wait_indirect_dma semaphore(%run_scoped3A_772 : memref<!tpu.dma_semaphore, #tpu.memory_space<semaphore_mem>>) src(%arg14 : memref<80x64xf32, #tpu.memory_space<vmem>>) dst(%dma_wait3A_784 : memref<10240x64xf32, #tpu.memory_space<vmem_shared>>)
      tpu.yield
    }) : () -> ()
    %dma_wait3A_154 = arith.constant 0 : i32
    %dma_wait3A_155 = arith.constant 120 : i32
    %dma_wait3A_156 = arith.constant 9600 : i32
    %dma_wait3A_157 = tpu.memref_slice %arg19[%dma_wait3A_156] : memref<10000xf32, #tpu.memory_space<vmem>> -> memref<80xf32, #tpu.memory_space<vmem>>
    %dma_wait3A_158 = arith.constant 0 : i32
    %dma_wait3A_159 = tpu.memref_slice %arg13[%dma_wait3A_155, %dma_wait3A_158] : memref<125x80xi32, #tpu.memory_space<vmem>> -> memref<1x80xi32, #tpu.memory_space<vmem>>
    %dma_wait3A_160 = tpu.memref_squeeze %dma_wait3A_159 : memref<1x80xi32, #tpu.memory_space<vmem>> -> memref<80xi32, #tpu.memory_space<vmem>>
    %dma_wait3A_161 = arith.constant 0 : i32
    %dma_wait3A_162 = tpu.memref_slice %arg26[%dma_wait3A_154, %dma_wait3A_161] : memref<4x10240xf32, #tpu.memory_space<vmem_shared>> -> memref<1x10240xf32, #tpu.memory_space<vmem_shared>>
    %dma_wait3A_163 = tpu.memref_squeeze %dma_wait3A_162 : memref<1x10240xf32, #tpu.memory_space<vmem_shared>> -> memref<10240xf32, #tpu.memory_space<vmem_shared>>
    %dma_wait3A_164 = arith.constant 0 : i32
    %dma_wait3A_165 = tpu.memref_slice %dma_wait3A_163[%dma_wait3A_164] : memref<10240xf32, #tpu.memory_space<vmem_shared>> -> memref<10240xf32, #tpu.memory_space<vmem_shared>>
    tpu.wait_indirect_dma semaphore(%arg32 : memref<!tpu.dma_semaphore, #tpu.memory_space<semaphore_mem>>) src(%dma_wait3A_157 : memref<80xf32, #tpu.memory_space<vmem>>) dst(%dma_wait3A_165 : memref<10240xf32, #tpu.memory_space<vmem_shared>>)
    %dma_wait3A_166 = arith.constant 1 : i32
    %dma_wait3A_167 = arith.constant 120 : i32
    %dma_wait3A_168 = arith.constant 9600 : i32
    %dma_wait3A_169 = tpu.memref_slice %arg20[%dma_wait3A_168] : memref<10000xf32, #tpu.memory_space<vmem>> -> memref<80xf32, #tpu.memory_space<vmem>>
    %dma_wait3A_170 = arith.constant 0 : i32
    %dma_wait3A_171 = tpu.memref_slice %arg13[%dma_wait3A_167, %dma_wait3A_170] : memref<125x80xi32, #tpu.memory_space<vmem>> -> memref<1x80xi32, #tpu.memory_space<vmem>>
    %dma_wait3A_172 = tpu.memref_squeeze %dma_wait3A_171 : memref<1x80xi32, #tpu.memory_space<vmem>> -> memref<80xi32, #tpu.memory_space<vmem>>
    %dma_wait3A_173 = arith.constant 0 : i32
    %dma_wait3A_174 = tpu.memref_slice %arg26[%dma_wait3A_166, %dma_wait3A_173] : memref<4x10240xf32, #tpu.memory_space<vmem_shared>> -> memref<1x10240xf32, #tpu.memory_space<vmem_shared>>
    %dma_wait3A_175 = tpu.memref_squeeze %dma_wait3A_174 : memref<1x10240xf32, #tpu.memory_space<vmem_shared>> -> memref<10240xf32, #tpu.memory_space<vmem_shared>>
    %dma_wait3A_176 = arith.constant 0 : i32
    %dma_wait3A_177 = tpu.memref_slice %dma_wait3A_175[%dma_wait3A_176] : memref<10240xf32, #tpu.memory_space<vmem_shared>> -> memref<10240xf32, #tpu.memory_space<vmem_shared>>
    tpu.wait_indirect_dma semaphore(%arg32 : memref<!tpu.dma_semaphore, #tpu.memory_space<semaphore_mem>>) src(%dma_wait3A_169 : memref<80xf32, #tpu.memory_space<vmem>>) dst(%dma_wait3A_177 : memref<10240xf32, #tpu.memory_space<vmem_shared>>)
    %dma_wait3A_178 = arith.constant 2 : i32
    %dma_wait3A_179 = arith.constant 120 : i32
    %dma_wait3A_180 = arith.constant 9600 : i32
    %dma_wait3A_181 = tpu.memref_slice %arg21[%dma_wait3A_180] : memref<10000xf32, #tpu.memory_space<vmem>> -> memref<80xf32, #tpu.memory_space<vmem>>
    %dma_wait3A_182 = arith.constant 0 : i32
    %dma_wait3A_183 = tpu.memref_slice %arg13[%dma_wait3A_179, %dma_wait3A_182] : memref<125x80xi32, #tpu.memory_space<vmem>> -> memref<1x80xi32, #tpu.memory_space<vmem>>
    %dma_wait3A_184 = tpu.memref_squeeze %dma_wait3A_183 : memref<1x80xi32, #tpu.memory_space<vmem>> -> memref<80xi32, #tpu.memory_space<vmem>>
    %dma_wait3A_185 = arith.constant 0 : i32
    %dma_wait3A_186 = tpu.memref_slice %arg26[%dma_wait3A_178, %dma_wait3A_185] : memref<4x10240xf32, #tpu.memory_space<vmem_shared>> -> memref<1x10240xf32, #tpu.memory_space<vmem_shared>>
    %dma_wait3A_187 = tpu.memref_squeeze %dma_wait3A_186 : memref<1x10240xf32, #tpu.memory_space<vmem_shared>> -> memref<10240xf32, #tpu.memory_space<vmem_shared>>
    %dma_wait3A_188 = arith.constant 0 : i32
    %dma_wait3A_189 = tpu.memref_slice %dma_wait3A_187[%dma_wait3A_188] : memref<10240xf32, #tpu.memory_space<vmem_shared>> -> memref<10240xf32, #tpu.memory_space<vmem_shared>>
    tpu.wait_indirect_dma semaphore(%arg32 : memref<!tpu.dma_semaphore, #tpu.memory_space<semaphore_mem>>) src(%dma_wait3A_181 : memref<80xf32, #tpu.memory_space<vmem>>) dst(%dma_wait3A_189 : memref<10240xf32, #tpu.memory_space<vmem_shared>>)
    %dma_wait3A_190 = arith.constant 3 : i32
    %dma_wait3A_191 = arith.constant 120 : i32
    %dma_wait3A_192 = arith.constant 0 : i32
    %dma_wait3A_193 = tpu.memref_slice %arg13[%dma_wait3A_191, %dma_wait3A_192] : memref<125x80xi32, #tpu.memory_space<vmem>> -> memref<1x80xi32, #tpu.memory_space<vmem>>
    %dma_wait3A_194 = tpu.memref_squeeze %dma_wait3A_193 : memref<1x80xi32, #tpu.memory_space<vmem>> -> memref<80xi32, #tpu.memory_space<vmem>>
    %dma_wait3A_195 = arith.constant 0 : i32
    %dma_wait3A_196 = tpu.memref_slice %arg26[%dma_wait3A_190, %dma_wait3A_195] : memref<4x10240xf32, #tpu.memory_space<vmem_shared>> -> memref<1x10240xf32, #tpu.memory_space<vmem_shared>>
    %dma_wait3A_197 = tpu.memref_squeeze %dma_wait3A_196 : memref<1x10240xf32, #tpu.memory_space<vmem_shared>> -> memref<10240xf32, #tpu.memory_space<vmem_shared>>
    %dma_wait3A_198 = arith.constant 0 : i32
    %dma_wait3A_199 = tpu.memref_slice %dma_wait3A_197[%dma_wait3A_198] : memref<10240xf32, #tpu.memory_space<vmem_shared>> -> memref<10240xf32, #tpu.memory_space<vmem_shared>>
    tpu.wait_indirect_dma semaphore(%arg32 : memref<!tpu.dma_semaphore, #tpu.memory_space<semaphore_mem>>) src(%arg22 : memref<80xf32, #tpu.memory_space<vmem>>) dst(%dma_wait3A_199 : memref<10240xf32, #tpu.memory_space<vmem_shared>>)
    %dma_wait3A_200 = arith.constant 121 : i32
    %dma_wait3A_201 = arith.constant 0 : i32
    %dma_wait3A_202 = tpu.memref_slice %arg12[%dma_wait3A_200, %dma_wait3A_201] : memref<125x80xi32, #tpu.memory_space<vmem>> -> memref<1x80xi32, #tpu.memory_space<vmem>>
    %dma_wait3A_203 = tpu.memref_squeeze %dma_wait3A_202 : memref<1x80xi32, #tpu.memory_space<vmem>> -> memref<80xi32, #tpu.memory_space<vmem>>
    %dma_wait3A_204 = arith.constant 0 : i32
    %dma_wait3A_205 = arith.constant 0 : i32
    %dma_wait3A_206 = tpu.memref_slice %arg2[%arg0, %dma_wait3A_204, %dma_wait3A_205] : memref<2x10000x64xf32, #tpu.memory_space<hbm>> -> memref<1x10000x64xf32, #tpu.memory_space<hbm>>
    %dma_wait3A_207 = tpu.memref_squeeze %dma_wait3A_206 : memref<1x10000x64xf32, #tpu.memory_space<hbm>> -> memref<10000x64xf32, #tpu.memory_space<hbm>>
    %dma_wait3A_208 = arith.constant 0 : i32
    %dma_wait3A_209 = arith.constant 0 : i32
    %dma_wait3A_210 = tpu.memref_slice %dma_wait3A_207[%dma_wait3A_208, %dma_wait3A_209] : memref<10000x64xf32, #tpu.memory_space<hbm>> -> memref<10000x64xf32, #tpu.memory_space<hbm>>
    tpu.wait_indirect_dma semaphore(%arg28 : memref<!tpu.dma_semaphore, #tpu.memory_space<semaphore_mem>>) src(%dma_wait3A_210 : memref<10000x64xf32, #tpu.memory_space<hbm>>) dst(%arg15 : memref<80x64xf32, #tpu.memory_space<vmem>>)
    %dma_start3A_211 = arith.constant 0 : i32
    %dma_start3A_212 = arith.constant 121 : i32
    %dma_start3A_213 = arith.constant 9680 : i32
    %dma_start3A_214 = tpu.memref_slice %arg19[%dma_start3A_213] : memref<10000xf32, #tpu.memory_space<vmem>> -> memref<80xf32, #tpu.memory_space<vmem>>
    %dma_start3A_215 = arith.constant 0 : i32
    %dma_start3A_216 = tpu.memref_slice %arg13[%dma_start3A_212, %dma_start3A_215] : memref<125x80xi32, #tpu.memory_space<vmem>> -> memref<1x80xi32, #tpu.memory_space<vmem>>
    %dma_start3A_217 = tpu.memref_squeeze %dma_start3A_216 : memref<1x80xi32, #tpu.memory_space<vmem>> -> memref<80xi32, #tpu.memory_space<vmem>>
    %dma_start3A_218 = arith.constant 0 : i32
    %dma_start3A_219 = tpu.memref_slice %arg26[%dma_start3A_211, %dma_start3A_218] : memref<4x10240xf32, #tpu.memory_space<vmem_shared>> -> memref<1x10240xf32, #tpu.memory_space<vmem_shared>>
    %dma_start3A_220 = tpu.memref_squeeze %dma_start3A_219 : memref<1x10240xf32, #tpu.memory_space<vmem_shared>> -> memref<10240xf32, #tpu.memory_space<vmem_shared>>
    %dma_start3A_221 = arith.constant 0 : i32
    %dma_start3A_222 = tpu.memref_slice %dma_start3A_220[%dma_start3A_221] : memref<10240xf32, #tpu.memory_space<vmem_shared>> -> memref<10240xf32, #tpu.memory_space<vmem_shared>>
    tpu.enqueue_indirect_dma source(%dma_start3A_214 : memref<80xf32, #tpu.memory_space<vmem>>) target(%dma_start3A_222 : memref<10240xf32, #tpu.memory_space<vmem_shared>>) offsets(%dma_start3A_217 : memref<80xi32, #tpu.memory_space<vmem>>) semaphore(%arg32 : memref<!tpu.dma_semaphore, #tpu.memory_space<semaphore_mem>>) {add = true}
    %dma_start3A_223 = arith.constant 1 : i32
    %dma_start3A_224 = arith.constant 121 : i32
    %dma_start3A_225 = arith.constant 9680 : i32
    %dma_start3A_226 = tpu.memref_slice %arg20[%dma_start3A_225] : memref<10000xf32, #tpu.memory_space<vmem>> -> memref<80xf32, #tpu.memory_space<vmem>>
    %dma_start3A_227 = arith.constant 0 : i32
    %dma_start3A_228 = tpu.memref_slice %arg13[%dma_start3A_224, %dma_start3A_227] : memref<125x80xi32, #tpu.memory_space<vmem>> -> memref<1x80xi32, #tpu.memory_space<vmem>>
    %dma_start3A_229 = tpu.memref_squeeze %dma_start3A_228 : memref<1x80xi32, #tpu.memory_space<vmem>> -> memref<80xi32, #tpu.memory_space<vmem>>
    %dma_start3A_230 = arith.constant 0 : i32
    %dma_start3A_231 = tpu.memref_slice %arg26[%dma_start3A_223, %dma_start3A_230] : memref<4x10240xf32, #tpu.memory_space<vmem_shared>> -> memref<1x10240xf32, #tpu.memory_space<vmem_shared>>
    %dma_start3A_232 = tpu.memref_squeeze %dma_start3A_231 : memref<1x10240xf32, #tpu.memory_space<vmem_shared>> -> memref<10240xf32, #tpu.memory_space<vmem_shared>>
    %dma_start3A_233 = arith.constant 0 : i32
    %dma_start3A_234 = tpu.memref_slice %dma_start3A_232[%dma_start3A_233] : memref<10240xf32, #tpu.memory_space<vmem_shared>> -> memref<10240xf32, #tpu.memory_space<vmem_shared>>
    tpu.enqueue_indirect_dma source(%dma_start3A_226 : memref<80xf32, #tpu.memory_space<vmem>>) target(%dma_start3A_234 : memref<10240xf32, #tpu.memory_space<vmem_shared>>) offsets(%dma_start3A_229 : memref<80xi32, #tpu.memory_space<vmem>>) semaphore(%arg32 : memref<!tpu.dma_semaphore, #tpu.memory_space<semaphore_mem>>) {add = true}
    %dma_start3A_235 = arith.constant 2 : i32
    %dma_start3A_236 = arith.constant 121 : i32
    %dma_start3A_237 = arith.constant 9680 : i32
    %dma_start3A_238 = tpu.memref_slice %arg21[%dma_start3A_237] : memref<10000xf32, #tpu.memory_space<vmem>> -> memref<80xf32, #tpu.memory_space<vmem>>
    %dma_start3A_239 = arith.constant 0 : i32
    %dma_start3A_240 = tpu.memref_slice %arg13[%dma_start3A_236, %dma_start3A_239] : memref<125x80xi32, #tpu.memory_space<vmem>> -> memref<1x80xi32, #tpu.memory_space<vmem>>
    %dma_start3A_241 = tpu.memref_squeeze %dma_start3A_240 : memref<1x80xi32, #tpu.memory_space<vmem>> -> memref<80xi32, #tpu.memory_space<vmem>>
    %dma_start3A_242 = arith.constant 0 : i32
    %dma_start3A_243 = tpu.memref_slice %arg26[%dma_start3A_235, %dma_start3A_242] : memref<4x10240xf32, #tpu.memory_space<vmem_shared>> -> memref<1x10240xf32, #tpu.memory_space<vmem_shared>>
    %dma_start3A_244 = tpu.memref_squeeze %dma_start3A_243 : memref<1x10240xf32, #tpu.memory_space<vmem_shared>> -> memref<10240xf32, #tpu.memory_space<vmem_shared>>
    %dma_start3A_245 = arith.constant 0 : i32
    %dma_start3A_246 = tpu.memref_slice %dma_start3A_244[%dma_start3A_245] : memref<10240xf32, #tpu.memory_space<vmem_shared>> -> memref<10240xf32, #tpu.memory_space<vmem_shared>>
    tpu.enqueue_indirect_dma source(%dma_start3A_238 : memref<80xf32, #tpu.memory_space<vmem>>) target(%dma_start3A_246 : memref<10240xf32, #tpu.memory_space<vmem_shared>>) offsets(%dma_start3A_241 : memref<80xi32, #tpu.memory_space<vmem>>) semaphore(%arg32 : memref<!tpu.dma_semaphore, #tpu.memory_space<semaphore_mem>>) {add = true}
    %dma_start3A_247 = arith.constant 3 : i32
    %dma_start3A_248 = arith.constant 121 : i32
    %dma_start3A_249 = arith.constant 0 : i32
    %dma_start3A_250 = tpu.memref_slice %arg13[%dma_start3A_248, %dma_start3A_249] : memref<125x80xi32, #tpu.memory_space<vmem>> -> memref<1x80xi32, #tpu.memory_space<vmem>>
    %dma_start3A_251 = tpu.memref_squeeze %dma_start3A_250 : memref<1x80xi32, #tpu.memory_space<vmem>> -> memref<80xi32, #tpu.memory_space<vmem>>
    %dma_start3A_252 = arith.constant 0 : i32
    %dma_start3A_253 = tpu.memref_slice %arg26[%dma_start3A_247, %dma_start3A_252] : memref<4x10240xf32, #tpu.memory_space<vmem_shared>> -> memref<1x10240xf32, #tpu.memory_space<vmem_shared>>
    %dma_start3A_254 = tpu.memref_squeeze %dma_start3A_253 : memref<1x10240xf32, #tpu.memory_space<vmem_shared>> -> memref<10240xf32, #tpu.memory_space<vmem_shared>>
    %dma_start3A_255 = arith.constant 0 : i32
    %dma_start3A_256 = tpu.memref_slice %dma_start3A_254[%dma_start3A_255] : memref<10240xf32, #tpu.memory_space<vmem_shared>> -> memref<10240xf32, #tpu.memory_space<vmem_shared>>
    tpu.enqueue_indirect_dma source(%arg22 : memref<80xf32, #tpu.memory_space<vmem>>) target(%dma_start3A_256 : memref<10240xf32, #tpu.memory_space<vmem_shared>>) offsets(%dma_start3A_251 : memref<80xi32, #tpu.memory_space<vmem>>) semaphore(%arg32 : memref<!tpu.dma_semaphore, #tpu.memory_space<semaphore_mem>>) {add = true}
    %run_scoped3A_257 = arith.constant 121 : i32
    "tpu.region"() ({
      %run_scoped3A_772 = tpu.sem_alloc : memref<!tpu.dma_semaphore, #tpu.memory_space<semaphore_mem>>
      %dma_start3A_773 = arith.constant 0 : i32
      %dma_start3A_774 = tpu.memref_slice %arg13[%run_scoped3A_257, %dma_start3A_773] : memref<125x80xi32, #tpu.memory_space<vmem>> -> memref<1x80xi32, #tpu.memory_space<vmem>>
      %dma_start3A_775 = tpu.memref_squeeze %dma_start3A_774 : memref<1x80xi32, #tpu.memory_space<vmem>> -> memref<80xi32, #tpu.memory_space<vmem>>
      %dma_start3A_776 = arith.constant 0 : i32
      %dma_start3A_777 = arith.constant 0 : i32
      %dma_start3A_778 = tpu.memref_slice %arg25[%dma_start3A_776, %dma_start3A_777] : memref<10240x64xf32, #tpu.memory_space<vmem_shared>> -> memref<10240x64xf32, #tpu.memory_space<vmem_shared>>
      tpu.enqueue_indirect_dma source(%arg15 : memref<80x64xf32, #tpu.memory_space<vmem>>) target(%dma_start3A_778 : memref<10240x64xf32, #tpu.memory_space<vmem_shared>>) offsets(%dma_start3A_775 : memref<80xi32, #tpu.memory_space<vmem>>) semaphore(%run_scoped3A_772 : memref<!tpu.dma_semaphore, #tpu.memory_space<semaphore_mem>>) {add = true}
      %dma_wait3A_779 = arith.constant 0 : i32
      %dma_wait3A_780 = tpu.memref_slice %arg13[%run_scoped3A_257, %dma_wait3A_779] : memref<125x80xi32, #tpu.memory_space<vmem>> -> memref<1x80xi32, #tpu.memory_space<vmem>>
      %dma_wait3A_781 = tpu.memref_squeeze %dma_wait3A_780 : memref<1x80xi32, #tpu.memory_space<vmem>> -> memref<80xi32, #tpu.memory_space<vmem>>
      %dma_wait3A_782 = arith.constant 0 : i32
      %dma_wait3A_783 = arith.constant 0 : i32
      %dma_wait3A_784 = tpu.memref_slice %arg25[%dma_wait3A_782, %dma_wait3A_783] : memref<10240x64xf32, #tpu.memory_space<vmem_shared>> -> memref<10240x64xf32, #tpu.memory_space<vmem_shared>>
      tpu.wait_indirect_dma semaphore(%run_scoped3A_772 : memref<!tpu.dma_semaphore, #tpu.memory_space<semaphore_mem>>) src(%arg15 : memref<80x64xf32, #tpu.memory_space<vmem>>) dst(%dma_wait3A_784 : memref<10240x64xf32, #tpu.memory_space<vmem_shared>>)
      tpu.yield
    }) : () -> ()
    %dma_wait3A_258 = arith.constant 0 : i32
    %dma_wait3A_259 = arith.constant 121 : i32
    %dma_wait3A_260 = arith.constant 9680 : i32
    %dma_wait3A_261 = tpu.memref_slice %arg19[%dma_wait3A_260] : memref<10000xf32, #tpu.memory_space<vmem>> -> memref<80xf32, #tpu.memory_space<vmem>>
    %dma_wait3A_262 = arith.constant 0 : i32
    %dma_wait3A_263 = tpu.memref_slice %arg13[%dma_wait3A_259, %dma_wait3A_262] : memref<125x80xi32, #tpu.memory_space<vmem>> -> memref<1x80xi32, #tpu.memory_space<vmem>>
    %dma_wait3A_264 = tpu.memref_squeeze %dma_wait3A_263 : memref<1x80xi32, #tpu.memory_space<vmem>> -> memref<80xi32, #tpu.memory_space<vmem>>
    %dma_wait3A_265 = arith.constant 0 : i32
    %dma_wait3A_266 = tpu.memref_slice %arg26[%dma_wait3A_258, %dma_wait3A_265] : memref<4x10240xf32, #tpu.memory_space<vmem_shared>> -> memref<1x10240xf32, #tpu.memory_space<vmem_shared>>
    %dma_wait3A_267 = tpu.memref_squeeze %dma_wait3A_266 : memref<1x10240xf32, #tpu.memory_space<vmem_shared>> -> memref<10240xf32, #tpu.memory_space<vmem_shared>>
    %dma_wait3A_268 = arith.constant 0 : i32
    %dma_wait3A_269 = tpu.memref_slice %dma_wait3A_267[%dma_wait3A_268] : memref<10240xf32, #tpu.memory_space<vmem_shared>> -> memref<10240xf32, #tpu.memory_space<vmem_shared>>
    tpu.wait_indirect_dma semaphore(%arg32 : memref<!tpu.dma_semaphore, #tpu.memory_space<semaphore_mem>>) src(%dma_wait3A_261 : memref<80xf32, #tpu.memory_space<vmem>>) dst(%dma_wait3A_269 : memref<10240xf32, #tpu.memory_space<vmem_shared>>)
    %dma_wait3A_270 = arith.constant 1 : i32
    %dma_wait3A_271 = arith.constant 121 : i32
    %dma_wait3A_272 = arith.constant 9680 : i32
    %dma_wait3A_273 = tpu.memref_slice %arg20[%dma_wait3A_272] : memref<10000xf32, #tpu.memory_space<vmem>> -> memref<80xf32, #tpu.memory_space<vmem>>
    %dma_wait3A_274 = arith.constant 0 : i32
    %dma_wait3A_275 = tpu.memref_slice %arg13[%dma_wait3A_271, %dma_wait3A_274] : memref<125x80xi32, #tpu.memory_space<vmem>> -> memref<1x80xi32, #tpu.memory_space<vmem>>
    %dma_wait3A_276 = tpu.memref_squeeze %dma_wait3A_275 : memref<1x80xi32, #tpu.memory_space<vmem>> -> memref<80xi32, #tpu.memory_space<vmem>>
    %dma_wait3A_277 = arith.constant 0 : i32
    %dma_wait3A_278 = tpu.memref_slice %arg26[%dma_wait3A_270, %dma_wait3A_277] : memref<4x10240xf32, #tpu.memory_space<vmem_shared>> -> memref<1x10240xf32, #tpu.memory_space<vmem_shared>>
    %dma_wait3A_279 = tpu.memref_squeeze %dma_wait3A_278 : memref<1x10240xf32, #tpu.memory_space<vmem_shared>> -> memref<10240xf32, #tpu.memory_space<vmem_shared>>
    %dma_wait3A_280 = arith.constant 0 : i32
    %dma_wait3A_281 = tpu.memref_slice %dma_wait3A_279[%dma_wait3A_280] : memref<10240xf32, #tpu.memory_space<vmem_shared>> -> memref<10240xf32, #tpu.memory_space<vmem_shared>>
    tpu.wait_indirect_dma semaphore(%arg32 : memref<!tpu.dma_semaphore, #tpu.memory_space<semaphore_mem>>) src(%dma_wait3A_273 : memref<80xf32, #tpu.memory_space<vmem>>) dst(%dma_wait3A_281 : memref<10240xf32, #tpu.memory_space<vmem_shared>>)
    %dma_wait3A_282 = arith.constant 2 : i32
    %dma_wait3A_283 = arith.constant 121 : i32
    %dma_wait3A_284 = arith.constant 9680 : i32
    %dma_wait3A_285 = tpu.memref_slice %arg21[%dma_wait3A_284] : memref<10000xf32, #tpu.memory_space<vmem>> -> memref<80xf32, #tpu.memory_space<vmem>>
    %dma_wait3A_286 = arith.constant 0 : i32
    %dma_wait3A_287 = tpu.memref_slice %arg13[%dma_wait3A_283, %dma_wait3A_286] : memref<125x80xi32, #tpu.memory_space<vmem>> -> memref<1x80xi32, #tpu.memory_space<vmem>>
    %dma_wait3A_288 = tpu.memref_squeeze %dma_wait3A_287 : memref<1x80xi32, #tpu.memory_space<vmem>> -> memref<80xi32, #tpu.memory_space<vmem>>
    %dma_wait3A_289 = arith.constant 0 : i32
    %dma_wait3A_290 = tpu.memref_slice %arg26[%dma_wait3A_282, %dma_wait3A_289] : memref<4x10240xf32, #tpu.memory_space<vmem_shared>> -> memref<1x10240xf32, #tpu.memory_space<vmem_shared>>
    %dma_wait3A_291 = tpu.memref_squeeze %dma_wait3A_290 : memref<1x10240xf32, #tpu.memory_space<vmem_shared>> -> memref<10240xf32, #tpu.memory_space<vmem_shared>>
    %dma_wait3A_292 = arith.constant 0 : i32
    %dma_wait3A_293 = tpu.memref_slice %dma_wait3A_291[%dma_wait3A_292] : memref<10240xf32, #tpu.memory_space<vmem_shared>> -> memref<10240xf32, #tpu.memory_space<vmem_shared>>
    tpu.wait_indirect_dma semaphore(%arg32 : memref<!tpu.dma_semaphore, #tpu.memory_space<semaphore_mem>>) src(%dma_wait3A_285 : memref<80xf32, #tpu.memory_space<vmem>>) dst(%dma_wait3A_293 : memref<10240xf32, #tpu.memory_space<vmem_shared>>)
    %dma_wait3A_294 = arith.constant 3 : i32
    %dma_wait3A_295 = arith.constant 121 : i32
    %dma_wait3A_296 = arith.constant 0 : i32
    %dma_wait3A_297 = tpu.memref_slice %arg13[%dma_wait3A_295, %dma_wait3A_296] : memref<125x80xi32, #tpu.memory_space<vmem>> -> memref<1x80xi32, #tpu.memory_space<vmem>>
    %dma_wait3A_298 = tpu.memref_squeeze %dma_wait3A_297 : memref<1x80xi32, #tpu.memory_space<vmem>> -> memref<80xi32, #tpu.memory_space<vmem>>
    %dma_wait3A_299 = arith.constant 0 : i32
    %dma_wait3A_300 = tpu.memref_slice %arg26[%dma_wait3A_294, %dma_wait3A_299] : memref<4x10240xf32, #tpu.memory_space<vmem_shared>> -> memref<1x10240xf32, #tpu.memory_space<vmem_shared>>
    %dma_wait3A_301 = tpu.memref_squeeze %dma_wait3A_300 : memref<1x10240xf32, #tpu.memory_space<vmem_shared>> -> memref<10240xf32, #tpu.memory_space<vmem_shared>>
    %dma_wait3A_302 = arith.constant 0 : i32
    %dma_wait3A_303 = tpu.memref_slice %dma_wait3A_301[%dma_wait3A_302] : memref<10240xf32, #tpu.memory_space<vmem_shared>> -> memref<10240xf32, #tpu.memory_space<vmem_shared>>
    tpu.wait_indirect_dma semaphore(%arg32 : memref<!tpu.dma_semaphore, #tpu.memory_space<semaphore_mem>>) src(%arg22 : memref<80xf32, #tpu.memory_space<vmem>>) dst(%dma_wait3A_303 : memref<10240xf32, #tpu.memory_space<vmem_shared>>)
    %dma_wait3A_304 = arith.constant 122 : i32
    %dma_wait3A_305 = arith.constant 0 : i32
    %dma_wait3A_306 = tpu.memref_slice %arg12[%dma_wait3A_304, %dma_wait3A_305] : memref<125x80xi32, #tpu.memory_space<vmem>> -> memref<1x80xi32, #tpu.memory_space<vmem>>
    %dma_wait3A_307 = tpu.memref_squeeze %dma_wait3A_306 : memref<1x80xi32, #tpu.memory_space<vmem>> -> memref<80xi32, #tpu.memory_space<vmem>>
    %dma_wait3A_308 = arith.constant 0 : i32
    %dma_wait3A_309 = arith.constant 0 : i32
    %dma_wait3A_310 = tpu.memref_slice %arg2[%arg0, %dma_wait3A_308, %dma_wait3A_309] : memref<2x10000x64xf32, #tpu.memory_space<hbm>> -> memref<1x10000x64xf32, #tpu.memory_space<hbm>>
    %dma_wait3A_311 = tpu.memref_squeeze %dma_wait3A_310 : memref<1x10000x64xf32, #tpu.memory_space<hbm>> -> memref<10000x64xf32, #tpu.memory_space<hbm>>
    %dma_wait3A_312 = arith.constant 0 : i32
    %dma_wait3A_313 = arith.constant 0 : i32
    %dma_wait3A_314 = tpu.memref_slice %dma_wait3A_311[%dma_wait3A_312, %dma_wait3A_313] : memref<10000x64xf32, #tpu.memory_space<hbm>> -> memref<10000x64xf32, #tpu.memory_space<hbm>>
    tpu.wait_indirect_dma semaphore(%arg29 : memref<!tpu.dma_semaphore, #tpu.memory_space<semaphore_mem>>) src(%dma_wait3A_314 : memref<10000x64xf32, #tpu.memory_space<hbm>>) dst(%arg16 : memref<80x64xf32, #tpu.memory_space<vmem>>)
    %dma_start3A_315 = arith.constant 0 : i32
    %dma_start3A_316 = arith.constant 122 : i32
    %dma_start3A_317 = arith.constant 9760 : i32
    %dma_start3A_318 = tpu.memref_slice %arg19[%dma_start3A_317] : memref<10000xf32, #tpu.memory_space<vmem>> -> memref<80xf32, #tpu.memory_space<vmem>>
    %dma_start3A_319 = arith.constant 0 : i32
    %dma_start3A_320 = tpu.memref_slice %arg13[%dma_start3A_316, %dma_start3A_319] : memref<125x80xi32, #tpu.memory_space<vmem>> -> memref<1x80xi32, #tpu.memory_space<vmem>>
    %dma_start3A_321 = tpu.memref_squeeze %dma_start3A_320 : memref<1x80xi32, #tpu.memory_space<vmem>> -> memref<80xi32, #tpu.memory_space<vmem>>
    %dma_start3A_322 = arith.constant 0 : i32
    %dma_start3A_323 = tpu.memref_slice %arg26[%dma_start3A_315, %dma_start3A_322] : memref<4x10240xf32, #tpu.memory_space<vmem_shared>> -> memref<1x10240xf32, #tpu.memory_space<vmem_shared>>
    %dma_start3A_324 = tpu.memref_squeeze %dma_start3A_323 : memref<1x10240xf32, #tpu.memory_space<vmem_shared>> -> memref<10240xf32, #tpu.memory_space<vmem_shared>>
    %dma_start3A_325 = arith.constant 0 : i32
    %dma_start3A_326 = tpu.memref_slice %dma_start3A_324[%dma_start3A_325] : memref<10240xf32, #tpu.memory_space<vmem_shared>> -> memref<10240xf32, #tpu.memory_space<vmem_shared>>
    tpu.enqueue_indirect_dma source(%dma_start3A_318 : memref<80xf32, #tpu.memory_space<vmem>>) target(%dma_start3A_326 : memref<10240xf32, #tpu.memory_space<vmem_shared>>) offsets(%dma_start3A_321 : memref<80xi32, #tpu.memory_space<vmem>>) semaphore(%arg32 : memref<!tpu.dma_semaphore, #tpu.memory_space<semaphore_mem>>) {add = true}
    %dma_start3A_327 = arith.constant 1 : i32
    %dma_start3A_328 = arith.constant 122 : i32
    %dma_start3A_329 = arith.constant 9760 : i32
    %dma_start3A_330 = tpu.memref_slice %arg20[%dma_start3A_329] : memref<10000xf32, #tpu.memory_space<vmem>> -> memref<80xf32, #tpu.memory_space<vmem>>
    %dma_start3A_331 = arith.constant 0 : i32
    %dma_start3A_332 = tpu.memref_slice %arg13[%dma_start3A_328, %dma_start3A_331] : memref<125x80xi32, #tpu.memory_space<vmem>> -> memref<1x80xi32, #tpu.memory_space<vmem>>
    %dma_start3A_333 = tpu.memref_squeeze %dma_start3A_332 : memref<1x80xi32, #tpu.memory_space<vmem>> -> memref<80xi32, #tpu.memory_space<vmem>>
    %dma_start3A_334 = arith.constant 0 : i32
    %dma_start3A_335 = tpu.memref_slice %arg26[%dma_start3A_327, %dma_start3A_334] : memref<4x10240xf32, #tpu.memory_space<vmem_shared>> -> memref<1x10240xf32, #tpu.memory_space<vmem_shared>>
    %dma_start3A_336 = tpu.memref_squeeze %dma_start3A_335 : memref<1x10240xf32, #tpu.memory_space<vmem_shared>> -> memref<10240xf32, #tpu.memory_space<vmem_shared>>
    %dma_start3A_337 = arith.constant 0 : i32
    %dma_start3A_338 = tpu.memref_slice %dma_start3A_336[%dma_start3A_337] : memref<10240xf32, #tpu.memory_space<vmem_shared>> -> memref<10240xf32, #tpu.memory_space<vmem_shared>>
    tpu.enqueue_indirect_dma source(%dma_start3A_330 : memref<80xf32, #tpu.memory_space<vmem>>) target(%dma_start3A_338 : memref<10240xf32, #tpu.memory_space<vmem_shared>>) offsets(%dma_start3A_333 : memref<80xi32, #tpu.memory_space<vmem>>) semaphore(%arg32 : memref<!tpu.dma_semaphore, #tpu.memory_space<semaphore_mem>>) {add = true}
    %dma_start3A_339 = arith.constant 2 : i32
    %dma_start3A_340 = arith.constant 122 : i32
    %dma_start3A_341 = arith.constant 9760 : i32
    %dma_start3A_342 = tpu.memref_slice %arg21[%dma_start3A_341] : memref<10000xf32, #tpu.memory_space<vmem>> -> memref<80xf32, #tpu.memory_space<vmem>>
    %dma_start3A_343 = arith.constant 0 : i32
    %dma_start3A_344 = tpu.memref_slice %arg13[%dma_start3A_340, %dma_start3A_343] : memref<125x80xi32, #tpu.memory_space<vmem>> -> memref<1x80xi32, #tpu.memory_space<vmem>>
    %dma_start3A_345 = tpu.memref_squeeze %dma_start3A_344 : memref<1x80xi32, #tpu.memory_space<vmem>> -> memref<80xi32, #tpu.memory_space<vmem>>
    %dma_start3A_346 = arith.constant 0 : i32
    %dma_start3A_347 = tpu.memref_slice %arg26[%dma_start3A_339, %dma_start3A_346] : memref<4x10240xf32, #tpu.memory_space<vmem_shared>> -> memref<1x10240xf32, #tpu.memory_space<vmem_shared>>
    %dma_start3A_348 = tpu.memref_squeeze %dma_start3A_347 : memref<1x10240xf32, #tpu.memory_space<vmem_shared>> -> memref<10240xf32, #tpu.memory_space<vmem_shared>>
    %dma_start3A_349 = arith.constant 0 : i32
    %dma_start3A_350 = tpu.memref_slice %dma_start3A_348[%dma_start3A_349] : memref<10240xf32, #tpu.memory_space<vmem_shared>> -> memref<10240xf32, #tpu.memory_space<vmem_shared>>
    tpu.enqueue_indirect_dma source(%dma_start3A_342 : memref<80xf32, #tpu.memory_space<vmem>>) target(%dma_start3A_350 : memref<10240xf32, #tpu.memory_space<vmem_shared>>) offsets(%dma_start3A_345 : memref<80xi32, #tpu.memory_space<vmem>>) semaphore(%arg32 : memref<!tpu.dma_semaphore, #tpu.memory_space<semaphore_mem>>) {add = true}
    %dma_start3A_351 = arith.constant 3 : i32
    %dma_start3A_352 = arith.constant 122 : i32
    %dma_start3A_353 = arith.constant 0 : i32
    %dma_start3A_354 = tpu.memref_slice %arg13[%dma_start3A_352, %dma_start3A_353] : memref<125x80xi32, #tpu.memory_space<vmem>> -> memref<1x80xi32, #tpu.memory_space<vmem>>
    %dma_start3A_355 = tpu.memref_squeeze %dma_start3A_354 : memref<1x80xi32, #tpu.memory_space<vmem>> -> memref<80xi32, #tpu.memory_space<vmem>>
    %dma_start3A_356 = arith.constant 0 : i32
    %dma_start3A_357 = tpu.memref_slice %arg26[%dma_start3A_351, %dma_start3A_356] : memref<4x10240xf32, #tpu.memory_space<vmem_shared>> -> memref<1x10240xf32, #tpu.memory_space<vmem_shared>>
    %dma_start3A_358 = tpu.memref_squeeze %dma_start3A_357 : memref<1x10240xf32, #tpu.memory_space<vmem_shared>> -> memref<10240xf32, #tpu.memory_space<vmem_shared>>
    %dma_start3A_359 = arith.constant 0 : i32
    %dma_start3A_360 = tpu.memref_slice %dma_start3A_358[%dma_start3A_359] : memref<10240xf32, #tpu.memory_space<vmem_shared>> -> memref<10240xf32, #tpu.memory_space<vmem_shared>>
    tpu.enqueue_indirect_dma source(%arg22 : memref<80xf32, #tpu.memory_space<vmem>>) target(%dma_start3A_360 : memref<10240xf32, #tpu.memory_space<vmem_shared>>) offsets(%dma_start3A_355 : memref<80xi32, #tpu.memory_space<vmem>>) semaphore(%arg32 : memref<!tpu.dma_semaphore, #tpu.memory_space<semaphore_mem>>) {add = true}
    %run_scoped3A_361 = arith.constant 122 : i32
    "tpu.region"() ({
      %run_scoped3A_772 = tpu.sem_alloc : memref<!tpu.dma_semaphore, #tpu.memory_space<semaphore_mem>>
      %dma_start3A_773 = arith.constant 0 : i32
      %dma_start3A_774 = tpu.memref_slice %arg13[%run_scoped3A_361, %dma_start3A_773] : memref<125x80xi32, #tpu.memory_space<vmem>> -> memref<1x80xi32, #tpu.memory_space<vmem>>
      %dma_start3A_775 = tpu.memref_squeeze %dma_start3A_774 : memref<1x80xi32, #tpu.memory_space<vmem>> -> memref<80xi32, #tpu.memory_space<vmem>>
      %dma_start3A_776 = arith.constant 0 : i32
      %dma_start3A_777 = arith.constant 0 : i32
      %dma_start3A_778 = tpu.memref_slice %arg25[%dma_start3A_776, %dma_start3A_777] : memref<10240x64xf32, #tpu.memory_space<vmem_shared>> -> memref<10240x64xf32, #tpu.memory_space<vmem_shared>>
      tpu.enqueue_indirect_dma source(%arg16 : memref<80x64xf32, #tpu.memory_space<vmem>>) target(%dma_start3A_778 : memref<10240x64xf32, #tpu.memory_space<vmem_shared>>) offsets(%dma_start3A_775 : memref<80xi32, #tpu.memory_space<vmem>>) semaphore(%run_scoped3A_772 : memref<!tpu.dma_semaphore, #tpu.memory_space<semaphore_mem>>) {add = true}
      %dma_wait3A_779 = arith.constant 0 : i32
      %dma_wait3A_780 = tpu.memref_slice %arg13[%run_scoped3A_361, %dma_wait3A_779] : memref<125x80xi32, #tpu.memory_space<vmem>> -> memref<1x80xi32, #tpu.memory_space<vmem>>
      %dma_wait3A_781 = tpu.memref_squeeze %dma_wait3A_780 : memref<1x80xi32, #tpu.memory_space<vmem>> -> memref<80xi32, #tpu.memory_space<vmem>>
      %dma_wait3A_782 = arith.constant 0 : i32
      %dma_wait3A_783 = arith.constant 0 : i32
      %dma_wait3A_784 = tpu.memref_slice %arg25[%dma_wait3A_782, %dma_wait3A_783] : memref<10240x64xf32, #tpu.memory_space<vmem_shared>> -> memref<10240x64xf32, #tpu.memory_space<vmem_shared>>
      tpu.wait_indirect_dma semaphore(%run_scoped3A_772 : memref<!tpu.dma_semaphore, #tpu.memory_space<semaphore_mem>>) src(%arg16 : memref<80x64xf32, #tpu.memory_space<vmem>>) dst(%dma_wait3A_784 : memref<10240x64xf32, #tpu.memory_space<vmem_shared>>)
      tpu.yield
    }) : () -> ()
    %dma_wait3A_362 = arith.constant 0 : i32
    %dma_wait3A_363 = arith.constant 122 : i32
    %dma_wait3A_364 = arith.constant 9760 : i32
    %dma_wait3A_365 = tpu.memref_slice %arg19[%dma_wait3A_364] : memref<10000xf32, #tpu.memory_space<vmem>> -> memref<80xf32, #tpu.memory_space<vmem>>
    %dma_wait3A_366 = arith.constant 0 : i32
    %dma_wait3A_367 = tpu.memref_slice %arg13[%dma_wait3A_363, %dma_wait3A_366] : memref<125x80xi32, #tpu.memory_space<vmem>> -> memref<1x80xi32, #tpu.memory_space<vmem>>
    %dma_wait3A_368 = tpu.memref_squeeze %dma_wait3A_367 : memref<1x80xi32, #tpu.memory_space<vmem>> -> memref<80xi32, #tpu.memory_space<vmem>>
    %dma_wait3A_369 = arith.constant 0 : i32
    %dma_wait3A_370 = tpu.memref_slice %arg26[%dma_wait3A_362, %dma_wait3A_369] : memref<4x10240xf32, #tpu.memory_space<vmem_shared>> -> memref<1x10240xf32, #tpu.memory_space<vmem_shared>>
    %dma_wait3A_371 = tpu.memref_squeeze %dma_wait3A_370 : memref<1x10240xf32, #tpu.memory_space<vmem_shared>> -> memref<10240xf32, #tpu.memory_space<vmem_shared>>
    %dma_wait3A_372 = arith.constant 0 : i32
    %dma_wait3A_373 = tpu.memref_slice %dma_wait3A_371[%dma_wait3A_372] : memref<10240xf32, #tpu.memory_space<vmem_shared>> -> memref<10240xf32, #tpu.memory_space<vmem_shared>>
    tpu.wait_indirect_dma semaphore(%arg32 : memref<!tpu.dma_semaphore, #tpu.memory_space<semaphore_mem>>) src(%dma_wait3A_365 : memref<80xf32, #tpu.memory_space<vmem>>) dst(%dma_wait3A_373 : memref<10240xf32, #tpu.memory_space<vmem_shared>>)
    %dma_wait3A_374 = arith.constant 1 : i32
    %dma_wait3A_375 = arith.constant 122 : i32
    %dma_wait3A_376 = arith.constant 9760 : i32
    %dma_wait3A_377 = tpu.memref_slice %arg20[%dma_wait3A_376] : memref<10000xf32, #tpu.memory_space<vmem>> -> memref<80xf32, #tpu.memory_space<vmem>>
    %dma_wait3A_378 = arith.constant 0 : i32
    %dma_wait3A_379 = tpu.memref_slice %arg13[%dma_wait3A_375, %dma_wait3A_378] : memref<125x80xi32, #tpu.memory_space<vmem>> -> memref<1x80xi32, #tpu.memory_space<vmem>>
    %dma_wait3A_380 = tpu.memref_squeeze %dma_wait3A_379 : memref<1x80xi32, #tpu.memory_space<vmem>> -> memref<80xi32, #tpu.memory_space<vmem>>
    %dma_wait3A_381 = arith.constant 0 : i32
    %dma_wait3A_382 = tpu.memref_slice %arg26[%dma_wait3A_374, %dma_wait3A_381] : memref<4x10240xf32, #tpu.memory_space<vmem_shared>> -> memref<1x10240xf32, #tpu.memory_space<vmem_shared>>
    %dma_wait3A_383 = tpu.memref_squeeze %dma_wait3A_382 : memref<1x10240xf32, #tpu.memory_space<vmem_shared>> -> memref<10240xf32, #tpu.memory_space<vmem_shared>>
    %dma_wait3A_384 = arith.constant 0 : i32
    %dma_wait3A_385 = tpu.memref_slice %dma_wait3A_383[%dma_wait3A_384] : memref<10240xf32, #tpu.memory_space<vmem_shared>> -> memref<10240xf32, #tpu.memory_space<vmem_shared>>
    tpu.wait_indirect_dma semaphore(%arg32 : memref<!tpu.dma_semaphore, #tpu.memory_space<semaphore_mem>>) src(%dma_wait3A_377 : memref<80xf32, #tpu.memory_space<vmem>>) dst(%dma_wait3A_385 : memref<10240xf32, #tpu.memory_space<vmem_shared>>)
    %dma_wait3A_386 = arith.constant 2 : i32
    %dma_wait3A_387 = arith.constant 122 : i32
    %dma_wait3A_388 = arith.constant 9760 : i32
    %dma_wait3A_389 = tpu.memref_slice %arg21[%dma_wait3A_388] : memref<10000xf32, #tpu.memory_space<vmem>> -> memref<80xf32, #tpu.memory_space<vmem>>
    %dma_wait3A_390 = arith.constant 0 : i32
    %dma_wait3A_391 = tpu.memref_slice %arg13[%dma_wait3A_387, %dma_wait3A_390] : memref<125x80xi32, #tpu.memory_space<vmem>> -> memref<1x80xi32, #tpu.memory_space<vmem>>
    %dma_wait3A_392 = tpu.memref_squeeze %dma_wait3A_391 : memref<1x80xi32, #tpu.memory_space<vmem>> -> memref<80xi32, #tpu.memory_space<vmem>>
    %dma_wait3A_393 = arith.constant 0 : i32
    %dma_wait3A_394 = tpu.memref_slice %arg26[%dma_wait3A_386, %dma_wait3A_393] : memref<4x10240xf32, #tpu.memory_space<vmem_shared>> -> memref<1x10240xf32, #tpu.memory_space<vmem_shared>>
    %dma_wait3A_395 = tpu.memref_squeeze %dma_wait3A_394 : memref<1x10240xf32, #tpu.memory_space<vmem_shared>> -> memref<10240xf32, #tpu.memory_space<vmem_shared>>
    %dma_wait3A_396 = arith.constant 0 : i32
    %dma_wait3A_397 = tpu.memref_slice %dma_wait3A_395[%dma_wait3A_396] : memref<10240xf32, #tpu.memory_space<vmem_shared>> -> memref<10240xf32, #tpu.memory_space<vmem_shared>>
    tpu.wait_indirect_dma semaphore(%arg32 : memref<!tpu.dma_semaphore, #tpu.memory_space<semaphore_mem>>) src(%dma_wait3A_389 : memref<80xf32, #tpu.memory_space<vmem>>) dst(%dma_wait3A_397 : memref<10240xf32, #tpu.memory_space<vmem_shared>>)
    %dma_wait3A_398 = arith.constant 3 : i32
    %dma_wait3A_399 = arith.constant 122 : i32
    %dma_wait3A_400 = arith.constant 0 : i32
    %dma_wait3A_401 = tpu.memref_slice %arg13[%dma_wait3A_399, %dma_wait3A_400] : memref<125x80xi32, #tpu.memory_space<vmem>> -> memref<1x80xi32, #tpu.memory_space<vmem>>
    %dma_wait3A_402 = tpu.memref_squeeze %dma_wait3A_401 : memref<1x80xi32, #tpu.memory_space<vmem>> -> memref<80xi32, #tpu.memory_space<vmem>>
    %dma_wait3A_403 = arith.constant 0 : i32
    %dma_wait3A_404 = tpu.memref_slice %arg26[%dma_wait3A_398, %dma_wait3A_403] : memref<4x10240xf32, #tpu.memory_space<vmem_shared>> -> memref<1x10240xf32, #tpu.memory_space<vmem_shared>>
    %dma_wait3A_405 = tpu.memref_squeeze %dma_wait3A_404 : memref<1x10240xf32, #tpu.memory_space<vmem_shared>> -> memref<10240xf32, #tpu.memory_space<vmem_shared>>
    %dma_wait3A_406 = arith.constant 0 : i32
    %dma_wait3A_407 = tpu.memref_slice %dma_wait3A_405[%dma_wait3A_406] : memref<10240xf32, #tpu.memory_space<vmem_shared>> -> memref<10240xf32, #tpu.memory_space<vmem_shared>>
    tpu.wait_indirect_dma semaphore(%arg32 : memref<!tpu.dma_semaphore, #tpu.memory_space<semaphore_mem>>) src(%arg22 : memref<80xf32, #tpu.memory_space<vmem>>) dst(%dma_wait3A_407 : memref<10240xf32, #tpu.memory_space<vmem_shared>>)
    %dma_wait3A_408 = arith.constant 123 : i32
    %dma_wait3A_409 = arith.constant 0 : i32
    %dma_wait3A_410 = tpu.memref_slice %arg12[%dma_wait3A_408, %dma_wait3A_409] : memref<125x80xi32, #tpu.memory_space<vmem>> -> memref<1x80xi32, #tpu.memory_space<vmem>>
    %dma_wait3A_411 = tpu.memref_squeeze %dma_wait3A_410 : memref<1x80xi32, #tpu.memory_space<vmem>> -> memref<80xi32, #tpu.memory_space<vmem>>
    %dma_wait3A_412 = arith.constant 0 : i32
    %dma_wait3A_413 = arith.constant 0 : i32
    %dma_wait3A_414 = tpu.memref_slice %arg2[%arg0, %dma_wait3A_412, %dma_wait3A_413] : memref<2x10000x64xf32, #tpu.memory_space<hbm>> -> memref<1x10000x64xf32, #tpu.memory_space<hbm>>
    %dma_wait3A_415 = tpu.memref_squeeze %dma_wait3A_414 : memref<1x10000x64xf32, #tpu.memory_space<hbm>> -> memref<10000x64xf32, #tpu.memory_space<hbm>>
    %dma_wait3A_416 = arith.constant 0 : i32
    %dma_wait3A_417 = arith.constant 0 : i32
    %dma_wait3A_418 = tpu.memref_slice %dma_wait3A_415[%dma_wait3A_416, %dma_wait3A_417] : memref<10000x64xf32, #tpu.memory_space<hbm>> -> memref<10000x64xf32, #tpu.memory_space<hbm>>
    tpu.wait_indirect_dma semaphore(%arg30 : memref<!tpu.dma_semaphore, #tpu.memory_space<semaphore_mem>>) src(%dma_wait3A_418 : memref<10000x64xf32, #tpu.memory_space<hbm>>) dst(%arg17 : memref<80x64xf32, #tpu.memory_space<vmem>>)
    %dma_start3A_419 = arith.constant 0 : i32
    %dma_start3A_420 = arith.constant 123 : i32
    %dma_start3A_421 = arith.constant 9840 : i32
    %dma_start3A_422 = tpu.memref_slice %arg19[%dma_start3A_421] : memref<10000xf32, #tpu.memory_space<vmem>> -> memref<80xf32, #tpu.memory_space<vmem>>
    %dma_start3A_423 = arith.constant 0 : i32
    %dma_start3A_424 = tpu.memref_slice %arg13[%dma_start3A_420, %dma_start3A_423] : memref<125x80xi32, #tpu.memory_space<vmem>> -> memref<1x80xi32, #tpu.memory_space<vmem>>
    %dma_start3A_425 = tpu.memref_squeeze %dma_start3A_424 : memref<1x80xi32, #tpu.memory_space<vmem>> -> memref<80xi32, #tpu.memory_space<vmem>>
    %dma_start3A_426 = arith.constant 0 : i32
    %dma_start3A_427 = tpu.memref_slice %arg26[%dma_start3A_419, %dma_start3A_426] : memref<4x10240xf32, #tpu.memory_space<vmem_shared>> -> memref<1x10240xf32, #tpu.memory_space<vmem_shared>>
    %dma_start3A_428 = tpu.memref_squeeze %dma_start3A_427 : memref<1x10240xf32, #tpu.memory_space<vmem_shared>> -> memref<10240xf32, #tpu.memory_space<vmem_shared>>
    %dma_start3A_429 = arith.constant 0 : i32
    %dma_start3A_430 = tpu.memref_slice %dma_start3A_428[%dma_start3A_429] : memref<10240xf32, #tpu.memory_space<vmem_shared>> -> memref<10240xf32, #tpu.memory_space<vmem_shared>>
    tpu.enqueue_indirect_dma source(%dma_start3A_422 : memref<80xf32, #tpu.memory_space<vmem>>) target(%dma_start3A_430 : memref<10240xf32, #tpu.memory_space<vmem_shared>>) offsets(%dma_start3A_425 : memref<80xi32, #tpu.memory_space<vmem>>) semaphore(%arg32 : memref<!tpu.dma_semaphore, #tpu.memory_space<semaphore_mem>>) {add = true}
    %dma_start3A_431 = arith.constant 1 : i32
    %dma_start3A_432 = arith.constant 123 : i32
    %dma_start3A_433 = arith.constant 9840 : i32
    %dma_start3A_434 = tpu.memref_slice %arg20[%dma_start3A_433] : memref<10000xf32, #tpu.memory_space<vmem>> -> memref<80xf32, #tpu.memory_space<vmem>>
    %dma_start3A_435 = arith.constant 0 : i32
    %dma_start3A_436 = tpu.memref_slice %arg13[%dma_start3A_432, %dma_start3A_435] : memref<125x80xi32, #tpu.memory_space<vmem>> -> memref<1x80xi32, #tpu.memory_space<vmem>>
    %dma_start3A_437 = tpu.memref_squeeze %dma_start3A_436 : memref<1x80xi32, #tpu.memory_space<vmem>> -> memref<80xi32, #tpu.memory_space<vmem>>
    %dma_start3A_438 = arith.constant 0 : i32
    %dma_start3A_439 = tpu.memref_slice %arg26[%dma_start3A_431, %dma_start3A_438] : memref<4x10240xf32, #tpu.memory_space<vmem_shared>> -> memref<1x10240xf32, #tpu.memory_space<vmem_shared>>
    %dma_start3A_440 = tpu.memref_squeeze %dma_start3A_439 : memref<1x10240xf32, #tpu.memory_space<vmem_shared>> -> memref<10240xf32, #tpu.memory_space<vmem_shared>>
    %dma_start3A_441 = arith.constant 0 : i32
    %dma_start3A_442 = tpu.memref_slice %dma_start3A_440[%dma_start3A_441] : memref<10240xf32, #tpu.memory_space<vmem_shared>> -> memref<10240xf32, #tpu.memory_space<vmem_shared>>
    tpu.enqueue_indirect_dma source(%dma_start3A_434 : memref<80xf32, #tpu.memory_space<vmem>>) target(%dma_start3A_442 : memref<10240xf32, #tpu.memory_space<vmem_shared>>) offsets(%dma_start3A_437 : memref<80xi32, #tpu.memory_space<vmem>>) semaphore(%arg32 : memref<!tpu.dma_semaphore, #tpu.memory_space<semaphore_mem>>) {add = true}
    %dma_start3A_443 = arith.constant 2 : i32
    %dma_start3A_444 = arith.constant 123 : i32
    %dma_start3A_445 = arith.constant 9840 : i32
    %dma_start3A_446 = tpu.memref_slice %arg21[%dma_start3A_445] : memref<10000xf32, #tpu.memory_space<vmem>> -> memref<80xf32, #tpu.memory_space<vmem>>
    %dma_start3A_447 = arith.constant 0 : i32
    %dma_start3A_448 = tpu.memref_slice %arg13[%dma_start3A_444, %dma_start3A_447] : memref<125x80xi32, #tpu.memory_space<vmem>> -> memref<1x80xi32, #tpu.memory_space<vmem>>
    %dma_start3A_449 = tpu.memref_squeeze %dma_start3A_448 : memref<1x80xi32, #tpu.memory_space<vmem>> -> memref<80xi32, #tpu.memory_space<vmem>>
    %dma_start3A_450 = arith.constant 0 : i32
    %dma_start3A_451 = tpu.memref_slice %arg26[%dma_start3A_443, %dma_start3A_450] : memref<4x10240xf32, #tpu.memory_space<vmem_shared>> -> memref<1x10240xf32, #tpu.memory_space<vmem_shared>>
    %dma_start3A_452 = tpu.memref_squeeze %dma_start3A_451 : memref<1x10240xf32, #tpu.memory_space<vmem_shared>> -> memref<10240xf32, #tpu.memory_space<vmem_shared>>
    %dma_start3A_453 = arith.constant 0 : i32
    %dma_start3A_454 = tpu.memref_slice %dma_start3A_452[%dma_start3A_453] : memref<10240xf32, #tpu.memory_space<vmem_shared>> -> memref<10240xf32, #tpu.memory_space<vmem_shared>>
    tpu.enqueue_indirect_dma source(%dma_start3A_446 : memref<80xf32, #tpu.memory_space<vmem>>) target(%dma_start3A_454 : memref<10240xf32, #tpu.memory_space<vmem_shared>>) offsets(%dma_start3A_449 : memref<80xi32, #tpu.memory_space<vmem>>) semaphore(%arg32 : memref<!tpu.dma_semaphore, #tpu.memory_space<semaphore_mem>>) {add = true}
    %dma_start3A_455 = arith.constant 3 : i32
    %dma_start3A_456 = arith.constant 123 : i32
    %dma_start3A_457 = arith.constant 0 : i32
    %dma_start3A_458 = tpu.memref_slice %arg13[%dma_start3A_456, %dma_start3A_457] : memref<125x80xi32, #tpu.memory_space<vmem>> -> memref<1x80xi32, #tpu.memory_space<vmem>>
    %dma_start3A_459 = tpu.memref_squeeze %dma_start3A_458 : memref<1x80xi32, #tpu.memory_space<vmem>> -> memref<80xi32, #tpu.memory_space<vmem>>
    %dma_start3A_460 = arith.constant 0 : i32
    %dma_start3A_461 = tpu.memref_slice %arg26[%dma_start3A_455, %dma_start3A_460] : memref<4x10240xf32, #tpu.memory_space<vmem_shared>> -> memref<1x10240xf32, #tpu.memory_space<vmem_shared>>
    %dma_start3A_462 = tpu.memref_squeeze %dma_start3A_461 : memref<1x10240xf32, #tpu.memory_space<vmem_shared>> -> memref<10240xf32, #tpu.memory_space<vmem_shared>>
    %dma_start3A_463 = arith.constant 0 : i32
    %dma_start3A_464 = tpu.memref_slice %dma_start3A_462[%dma_start3A_463] : memref<10240xf32, #tpu.memory_space<vmem_shared>> -> memref<10240xf32, #tpu.memory_space<vmem_shared>>
    tpu.enqueue_indirect_dma source(%arg22 : memref<80xf32, #tpu.memory_space<vmem>>) target(%dma_start3A_464 : memref<10240xf32, #tpu.memory_space<vmem_shared>>) offsets(%dma_start3A_459 : memref<80xi32, #tpu.memory_space<vmem>>) semaphore(%arg32 : memref<!tpu.dma_semaphore, #tpu.memory_space<semaphore_mem>>) {add = true}
    %run_scoped3A_465 = arith.constant 123 : i32
    "tpu.region"() ({
      %run_scoped3A_772 = tpu.sem_alloc : memref<!tpu.dma_semaphore, #tpu.memory_space<semaphore_mem>>
      %dma_start3A_773 = arith.constant 0 : i32
      %dma_start3A_774 = tpu.memref_slice %arg13[%run_scoped3A_465, %dma_start3A_773] : memref<125x80xi32, #tpu.memory_space<vmem>> -> memref<1x80xi32, #tpu.memory_space<vmem>>
      %dma_start3A_775 = tpu.memref_squeeze %dma_start3A_774 : memref<1x80xi32, #tpu.memory_space<vmem>> -> memref<80xi32, #tpu.memory_space<vmem>>
      %dma_start3A_776 = arith.constant 0 : i32
      %dma_start3A_777 = arith.constant 0 : i32
      %dma_start3A_778 = tpu.memref_slice %arg25[%dma_start3A_776, %dma_start3A_777] : memref<10240x64xf32, #tpu.memory_space<vmem_shared>> -> memref<10240x64xf32, #tpu.memory_space<vmem_shared>>
      tpu.enqueue_indirect_dma source(%arg17 : memref<80x64xf32, #tpu.memory_space<vmem>>) target(%dma_start3A_778 : memref<10240x64xf32, #tpu.memory_space<vmem_shared>>) offsets(%dma_start3A_775 : memref<80xi32, #tpu.memory_space<vmem>>) semaphore(%run_scoped3A_772 : memref<!tpu.dma_semaphore, #tpu.memory_space<semaphore_mem>>) {add = true}
      %dma_wait3A_779 = arith.constant 0 : i32
      %dma_wait3A_780 = tpu.memref_slice %arg13[%run_scoped3A_465, %dma_wait3A_779] : memref<125x80xi32, #tpu.memory_space<vmem>> -> memref<1x80xi32, #tpu.memory_space<vmem>>
      %dma_wait3A_781 = tpu.memref_squeeze %dma_wait3A_780 : memref<1x80xi32, #tpu.memory_space<vmem>> -> memref<80xi32, #tpu.memory_space<vmem>>
      %dma_wait3A_782 = arith.constant 0 : i32
      %dma_wait3A_783 = arith.constant 0 : i32
      %dma_wait3A_784 = tpu.memref_slice %arg25[%dma_wait3A_782, %dma_wait3A_783] : memref<10240x64xf32, #tpu.memory_space<vmem_shared>> -> memref<10240x64xf32, #tpu.memory_space<vmem_shared>>
      tpu.wait_indirect_dma semaphore(%run_scoped3A_772 : memref<!tpu.dma_semaphore, #tpu.memory_space<semaphore_mem>>) src(%arg17 : memref<80x64xf32, #tpu.memory_space<vmem>>) dst(%dma_wait3A_784 : memref<10240x64xf32, #tpu.memory_space<vmem_shared>>)
      tpu.yield
    }) : () -> ()
    %dma_wait3A_466 = arith.constant 0 : i32
    %dma_wait3A_467 = arith.constant 123 : i32
    %dma_wait3A_468 = arith.constant 9840 : i32
    %dma_wait3A_469 = tpu.memref_slice %arg19[%dma_wait3A_468] : memref<10000xf32, #tpu.memory_space<vmem>> -> memref<80xf32, #tpu.memory_space<vmem>>
    %dma_wait3A_470 = arith.constant 0 : i32
    %dma_wait3A_471 = tpu.memref_slice %arg13[%dma_wait3A_467, %dma_wait3A_470] : memref<125x80xi32, #tpu.memory_space<vmem>> -> memref<1x80xi32, #tpu.memory_space<vmem>>
    %dma_wait3A_472 = tpu.memref_squeeze %dma_wait3A_471 : memref<1x80xi32, #tpu.memory_space<vmem>> -> memref<80xi32, #tpu.memory_space<vmem>>
    %dma_wait3A_473 = arith.constant 0 : i32
    %dma_wait3A_474 = tpu.memref_slice %arg26[%dma_wait3A_466, %dma_wait3A_473] : memref<4x10240xf32, #tpu.memory_space<vmem_shared>> -> memref<1x10240xf32, #tpu.memory_space<vmem_shared>>
    %dma_wait3A_475 = tpu.memref_squeeze %dma_wait3A_474 : memref<1x10240xf32, #tpu.memory_space<vmem_shared>> -> memref<10240xf32, #tpu.memory_space<vmem_shared>>
    %dma_wait3A_476 = arith.constant 0 : i32
    %dma_wait3A_477 = tpu.memref_slice %dma_wait3A_475[%dma_wait3A_476] : memref<10240xf32, #tpu.memory_space<vmem_shared>> -> memref<10240xf32, #tpu.memory_space<vmem_shared>>
    tpu.wait_indirect_dma semaphore(%arg32 : memref<!tpu.dma_semaphore, #tpu.memory_space<semaphore_mem>>) src(%dma_wait3A_469 : memref<80xf32, #tpu.memory_space<vmem>>) dst(%dma_wait3A_477 : memref<10240xf32, #tpu.memory_space<vmem_shared>>)
    %dma_wait3A_478 = arith.constant 1 : i32
    %dma_wait3A_479 = arith.constant 123 : i32
    %dma_wait3A_480 = arith.constant 9840 : i32
    %dma_wait3A_481 = tpu.memref_slice %arg20[%dma_wait3A_480] : memref<10000xf32, #tpu.memory_space<vmem>> -> memref<80xf32, #tpu.memory_space<vmem>>
    %dma_wait3A_482 = arith.constant 0 : i32
    %dma_wait3A_483 = tpu.memref_slice %arg13[%dma_wait3A_479, %dma_wait3A_482] : memref<125x80xi32, #tpu.memory_space<vmem>> -> memref<1x80xi32, #tpu.memory_space<vmem>>
    %dma_wait3A_484 = tpu.memref_squeeze %dma_wait3A_483 : memref<1x80xi32, #tpu.memory_space<vmem>> -> memref<80xi32, #tpu.memory_space<vmem>>
    %dma_wait3A_485 = arith.constant 0 : i32
    %dma_wait3A_486 = tpu.memref_slice %arg26[%dma_wait3A_478, %dma_wait3A_485] : memref<4x10240xf32, #tpu.memory_space<vmem_shared>> -> memref<1x10240xf32, #tpu.memory_space<vmem_shared>>
    %dma_wait3A_487 = tpu.memref_squeeze %dma_wait3A_486 : memref<1x10240xf32, #tpu.memory_space<vmem_shared>> -> memref<10240xf32, #tpu.memory_space<vmem_shared>>
    %dma_wait3A_488 = arith.constant 0 : i32
    %dma_wait3A_489 = tpu.memref_slice %dma_wait3A_487[%dma_wait3A_488] : memref<10240xf32, #tpu.memory_space<vmem_shared>> -> memref<10240xf32, #tpu.memory_space<vmem_shared>>
    tpu.wait_indirect_dma semaphore(%arg32 : memref<!tpu.dma_semaphore, #tpu.memory_space<semaphore_mem>>) src(%dma_wait3A_481 : memref<80xf32, #tpu.memory_space<vmem>>) dst(%dma_wait3A_489 : memref<10240xf32, #tpu.memory_space<vmem_shared>>)
    %dma_wait3A_490 = arith.constant 2 : i32
    %dma_wait3A_491 = arith.constant 123 : i32
    %dma_wait3A_492 = arith.constant 9840 : i32
    %dma_wait3A_493 = tpu.memref_slice %arg21[%dma_wait3A_492] : memref<10000xf32, #tpu.memory_space<vmem>> -> memref<80xf32, #tpu.memory_space<vmem>>
    %dma_wait3A_494 = arith.constant 0 : i32
    %dma_wait3A_495 = tpu.memref_slice %arg13[%dma_wait3A_491, %dma_wait3A_494] : memref<125x80xi32, #tpu.memory_space<vmem>> -> memref<1x80xi32, #tpu.memory_space<vmem>>
    %dma_wait3A_496 = tpu.memref_squeeze %dma_wait3A_495 : memref<1x80xi32, #tpu.memory_space<vmem>> -> memref<80xi32, #tpu.memory_space<vmem>>
    %dma_wait3A_497 = arith.constant 0 : i32
    %dma_wait3A_498 = tpu.memref_slice %arg26[%dma_wait3A_490, %dma_wait3A_497] : memref<4x10240xf32, #tpu.memory_space<vmem_shared>> -> memref<1x10240xf32, #tpu.memory_space<vmem_shared>>
    %dma_wait3A_499 = tpu.memref_squeeze %dma_wait3A_498 : memref<1x10240xf32, #tpu.memory_space<vmem_shared>> -> memref<10240xf32, #tpu.memory_space<vmem_shared>>
    %dma_wait3A_500 = arith.constant 0 : i32
    %dma_wait3A_501 = tpu.memref_slice %dma_wait3A_499[%dma_wait3A_500] : memref<10240xf32, #tpu.memory_space<vmem_shared>> -> memref<10240xf32, #tpu.memory_space<vmem_shared>>
    tpu.wait_indirect_dma semaphore(%arg32 : memref<!tpu.dma_semaphore, #tpu.memory_space<semaphore_mem>>) src(%dma_wait3A_493 : memref<80xf32, #tpu.memory_space<vmem>>) dst(%dma_wait3A_501 : memref<10240xf32, #tpu.memory_space<vmem_shared>>)
    %dma_wait3A_502 = arith.constant 3 : i32
    %dma_wait3A_503 = arith.constant 123 : i32
    %dma_wait3A_504 = arith.constant 0 : i32
    %dma_wait3A_505 = tpu.memref_slice %arg13[%dma_wait3A_503, %dma_wait3A_504] : memref<125x80xi32, #tpu.memory_space<vmem>> -> memref<1x80xi32, #tpu.memory_space<vmem>>
    %dma_wait3A_506 = tpu.memref_squeeze %dma_wait3A_505 : memref<1x80xi32, #tpu.memory_space<vmem>> -> memref<80xi32, #tpu.memory_space<vmem>>
    %dma_wait3A_507 = arith.constant 0 : i32
    %dma_wait3A_508 = tpu.memref_slice %arg26[%dma_wait3A_502, %dma_wait3A_507] : memref<4x10240xf32, #tpu.memory_space<vmem_shared>> -> memref<1x10240xf32, #tpu.memory_space<vmem_shared>>
    %dma_wait3A_509 = tpu.memref_squeeze %dma_wait3A_508 : memref<1x10240xf32, #tpu.memory_space<vmem_shared>> -> memref<10240xf32, #tpu.memory_space<vmem_shared>>
    %dma_wait3A_510 = arith.constant 0 : i32
    %dma_wait3A_511 = tpu.memref_slice %dma_wait3A_509[%dma_wait3A_510] : memref<10240xf32, #tpu.memory_space<vmem_shared>> -> memref<10240xf32, #tpu.memory_space<vmem_shared>>
    tpu.wait_indirect_dma semaphore(%arg32 : memref<!tpu.dma_semaphore, #tpu.memory_space<semaphore_mem>>) src(%arg22 : memref<80xf32, #tpu.memory_space<vmem>>) dst(%dma_wait3A_511 : memref<10240xf32, #tpu.memory_space<vmem_shared>>)
    %dma_wait3A_512 = arith.constant 124 : i32
    %dma_wait3A_513 = arith.constant 0 : i32
    %dma_wait3A_514 = tpu.memref_slice %arg12[%dma_wait3A_512, %dma_wait3A_513] : memref<125x80xi32, #tpu.memory_space<vmem>> -> memref<1x80xi32, #tpu.memory_space<vmem>>
    %dma_wait3A_515 = tpu.memref_squeeze %dma_wait3A_514 : memref<1x80xi32, #tpu.memory_space<vmem>> -> memref<80xi32, #tpu.memory_space<vmem>>
    %dma_wait3A_516 = arith.constant 0 : i32
    %dma_wait3A_517 = arith.constant 0 : i32
    %dma_wait3A_518 = tpu.memref_slice %arg2[%arg0, %dma_wait3A_516, %dma_wait3A_517] : memref<2x10000x64xf32, #tpu.memory_space<hbm>> -> memref<1x10000x64xf32, #tpu.memory_space<hbm>>
    %dma_wait3A_519 = tpu.memref_squeeze %dma_wait3A_518 : memref<1x10000x64xf32, #tpu.memory_space<hbm>> -> memref<10000x64xf32, #tpu.memory_space<hbm>>
    %dma_wait3A_520 = arith.constant 0 : i32
    %dma_wait3A_521 = arith.constant 0 : i32
    %dma_wait3A_522 = tpu.memref_slice %dma_wait3A_519[%dma_wait3A_520, %dma_wait3A_521] : memref<10000x64xf32, #tpu.memory_space<hbm>> -> memref<10000x64xf32, #tpu.memory_space<hbm>>
    tpu.wait_indirect_dma semaphore(%arg31 : memref<!tpu.dma_semaphore, #tpu.memory_space<semaphore_mem>>) src(%dma_wait3A_522 : memref<10000x64xf32, #tpu.memory_space<hbm>>) dst(%arg18 : memref<80x64xf32, #tpu.memory_space<vmem>>)
    %dma_start3A_523 = arith.constant 0 : i32
    %dma_start3A_524 = arith.constant 124 : i32
    %dma_start3A_525 = arith.constant 9920 : i32
    %dma_start3A_526 = tpu.memref_slice %arg19[%dma_start3A_525] : memref<10000xf32, #tpu.memory_space<vmem>> -> memref<80xf32, #tpu.memory_space<vmem>>
    %dma_start3A_527 = arith.constant 0 : i32
    %dma_start3A_528 = tpu.memref_slice %arg13[%dma_start3A_524, %dma_start3A_527] : memref<125x80xi32, #tpu.memory_space<vmem>> -> memref<1x80xi32, #tpu.memory_space<vmem>>
    %dma_start3A_529 = tpu.memref_squeeze %dma_start3A_528 : memref<1x80xi32, #tpu.memory_space<vmem>> -> memref<80xi32, #tpu.memory_space<vmem>>
    %dma_start3A_530 = arith.constant 0 : i32
    %dma_start3A_531 = tpu.memref_slice %arg26[%dma_start3A_523, %dma_start3A_530] : memref<4x10240xf32, #tpu.memory_space<vmem_shared>> -> memref<1x10240xf32, #tpu.memory_space<vmem_shared>>
    %dma_start3A_532 = tpu.memref_squeeze %dma_start3A_531 : memref<1x10240xf32, #tpu.memory_space<vmem_shared>> -> memref<10240xf32, #tpu.memory_space<vmem_shared>>
    %dma_start3A_533 = arith.constant 0 : i32
    %dma_start3A_534 = tpu.memref_slice %dma_start3A_532[%dma_start3A_533] : memref<10240xf32, #tpu.memory_space<vmem_shared>> -> memref<10240xf32, #tpu.memory_space<vmem_shared>>
    tpu.enqueue_indirect_dma source(%dma_start3A_526 : memref<80xf32, #tpu.memory_space<vmem>>) target(%dma_start3A_534 : memref<10240xf32, #tpu.memory_space<vmem_shared>>) offsets(%dma_start3A_529 : memref<80xi32, #tpu.memory_space<vmem>>) semaphore(%arg32 : memref<!tpu.dma_semaphore, #tpu.memory_space<semaphore_mem>>) {add = true}
    %dma_start3A_535 = arith.constant 1 : i32
    %dma_start3A_536 = arith.constant 124 : i32
    %dma_start3A_537 = arith.constant 9920 : i32
    %dma_start3A_538 = tpu.memref_slice %arg20[%dma_start3A_537] : memref<10000xf32, #tpu.memory_space<vmem>> -> memref<80xf32, #tpu.memory_space<vmem>>
    %dma_start3A_539 = arith.constant 0 : i32
    %dma_start3A_540 = tpu.memref_slice %arg13[%dma_start3A_536, %dma_start3A_539] : memref<125x80xi32, #tpu.memory_space<vmem>> -> memref<1x80xi32, #tpu.memory_space<vmem>>
    %dma_start3A_541 = tpu.memref_squeeze %dma_start3A_540 : memref<1x80xi32, #tpu.memory_space<vmem>> -> memref<80xi32, #tpu.memory_space<vmem>>
    %dma_start3A_542 = arith.constant 0 : i32
    %dma_start3A_543 = tpu.memref_slice %arg26[%dma_start3A_535, %dma_start3A_542] : memref<4x10240xf32, #tpu.memory_space<vmem_shared>> -> memref<1x10240xf32, #tpu.memory_space<vmem_shared>>
    %dma_start3A_544 = tpu.memref_squeeze %dma_start3A_543 : memref<1x10240xf32, #tpu.memory_space<vmem_shared>> -> memref<10240xf32, #tpu.memory_space<vmem_shared>>
    %dma_start3A_545 = arith.constant 0 : i32
    %dma_start3A_546 = tpu.memref_slice %dma_start3A_544[%dma_start3A_545] : memref<10240xf32, #tpu.memory_space<vmem_shared>> -> memref<10240xf32, #tpu.memory_space<vmem_shared>>
    tpu.enqueue_indirect_dma source(%dma_start3A_538 : memref<80xf32, #tpu.memory_space<vmem>>) target(%dma_start3A_546 : memref<10240xf32, #tpu.memory_space<vmem_shared>>) offsets(%dma_start3A_541 : memref<80xi32, #tpu.memory_space<vmem>>) semaphore(%arg32 : memref<!tpu.dma_semaphore, #tpu.memory_space<semaphore_mem>>) {add = true}
    %dma_start3A_547 = arith.constant 2 : i32
    %dma_start3A_548 = arith.constant 124 : i32
    %dma_start3A_549 = arith.constant 9920 : i32
    %dma_start3A_550 = tpu.memref_slice %arg21[%dma_start3A_549] : memref<10000xf32, #tpu.memory_space<vmem>> -> memref<80xf32, #tpu.memory_space<vmem>>
    %dma_start3A_551 = arith.constant 0 : i32
    %dma_start3A_552 = tpu.memref_slice %arg13[%dma_start3A_548, %dma_start3A_551] : memref<125x80xi32, #tpu.memory_space<vmem>> -> memref<1x80xi32, #tpu.memory_space<vmem>>
    %dma_start3A_553 = tpu.memref_squeeze %dma_start3A_552 : memref<1x80xi32, #tpu.memory_space<vmem>> -> memref<80xi32, #tpu.memory_space<vmem>>
    %dma_start3A_554 = arith.constant 0 : i32
    %dma_start3A_555 = tpu.memref_slice %arg26[%dma_start3A_547, %dma_start3A_554] : memref<4x10240xf32, #tpu.memory_space<vmem_shared>> -> memref<1x10240xf32, #tpu.memory_space<vmem_shared>>
    %dma_start3A_556 = tpu.memref_squeeze %dma_start3A_555 : memref<1x10240xf32, #tpu.memory_space<vmem_shared>> -> memref<10240xf32, #tpu.memory_space<vmem_shared>>
    %dma_start3A_557 = arith.constant 0 : i32
    %dma_start3A_558 = tpu.memref_slice %dma_start3A_556[%dma_start3A_557] : memref<10240xf32, #tpu.memory_space<vmem_shared>> -> memref<10240xf32, #tpu.memory_space<vmem_shared>>
    tpu.enqueue_indirect_dma source(%dma_start3A_550 : memref<80xf32, #tpu.memory_space<vmem>>) target(%dma_start3A_558 : memref<10240xf32, #tpu.memory_space<vmem_shared>>) offsets(%dma_start3A_553 : memref<80xi32, #tpu.memory_space<vmem>>) semaphore(%arg32 : memref<!tpu.dma_semaphore, #tpu.memory_space<semaphore_mem>>) {add = true}
    %dma_start3A_559 = arith.constant 3 : i32
    %dma_start3A_560 = arith.constant 124 : i32
    %dma_start3A_561 = arith.constant 0 : i32
    %dma_start3A_562 = tpu.memref_slice %arg13[%dma_start3A_560, %dma_start3A_561] : memref<125x80xi32, #tpu.memory_space<vmem>> -> memref<1x80xi32, #tpu.memory_space<vmem>>
    %dma_start3A_563 = tpu.memref_squeeze %dma_start3A_562 : memref<1x80xi32, #tpu.memory_space<vmem>> -> memref<80xi32, #tpu.memory_space<vmem>>
    %dma_start3A_564 = arith.constant 0 : i32
    %dma_start3A_565 = tpu.memref_slice %arg26[%dma_start3A_559, %dma_start3A_564] : memref<4x10240xf32, #tpu.memory_space<vmem_shared>> -> memref<1x10240xf32, #tpu.memory_space<vmem_shared>>
    %dma_start3A_566 = tpu.memref_squeeze %dma_start3A_565 : memref<1x10240xf32, #tpu.memory_space<vmem_shared>> -> memref<10240xf32, #tpu.memory_space<vmem_shared>>
    %dma_start3A_567 = arith.constant 0 : i32
    %dma_start3A_568 = tpu.memref_slice %dma_start3A_566[%dma_start3A_567] : memref<10240xf32, #tpu.memory_space<vmem_shared>> -> memref<10240xf32, #tpu.memory_space<vmem_shared>>
    tpu.enqueue_indirect_dma source(%arg22 : memref<80xf32, #tpu.memory_space<vmem>>) target(%dma_start3A_568 : memref<10240xf32, #tpu.memory_space<vmem_shared>>) offsets(%dma_start3A_563 : memref<80xi32, #tpu.memory_space<vmem>>) semaphore(%arg32 : memref<!tpu.dma_semaphore, #tpu.memory_space<semaphore_mem>>) {add = true}
    %run_scoped3A_569 = arith.constant 124 : i32
    "tpu.region"() ({
      %run_scoped3A_772 = tpu.sem_alloc : memref<!tpu.dma_semaphore, #tpu.memory_space<semaphore_mem>>
      %dma_start3A_773 = arith.constant 0 : i32
      %dma_start3A_774 = tpu.memref_slice %arg13[%run_scoped3A_569, %dma_start3A_773] : memref<125x80xi32, #tpu.memory_space<vmem>> -> memref<1x80xi32, #tpu.memory_space<vmem>>
      %dma_start3A_775 = tpu.memref_squeeze %dma_start3A_774 : memref<1x80xi32, #tpu.memory_space<vmem>> -> memref<80xi32, #tpu.memory_space<vmem>>
      %dma_start3A_776 = arith.constant 0 : i32
      %dma_start3A_777 = arith.constant 0 : i32
      %dma_start3A_778 = tpu.memref_slice %arg25[%dma_start3A_776, %dma_start3A_777] : memref<10240x64xf32, #tpu.memory_space<vmem_shared>> -> memref<10240x64xf32, #tpu.memory_space<vmem_shared>>
      tpu.enqueue_indirect_dma source(%arg18 : memref<80x64xf32, #tpu.memory_space<vmem>>) target(%dma_start3A_778 : memref<10240x64xf32, #tpu.memory_space<vmem_shared>>) offsets(%dma_start3A_775 : memref<80xi32, #tpu.memory_space<vmem>>) semaphore(%run_scoped3A_772 : memref<!tpu.dma_semaphore, #tpu.memory_space<semaphore_mem>>) {add = true}
      %dma_wait3A_779 = arith.constant 0 : i32
      %dma_wait3A_780 = tpu.memref_slice %arg13[%run_scoped3A_569, %dma_wait3A_779] : memref<125x80xi32, #tpu.memory_space<vmem>> -> memref<1x80xi32, #tpu.memory_space<vmem>>
      %dma_wait3A_781 = tpu.memref_squeeze %dma_wait3A_780 : memref<1x80xi32, #tpu.memory_space<vmem>> -> memref<80xi32, #tpu.memory_space<vmem>>
      %dma_wait3A_782 = arith.constant 0 : i32
      %dma_wait3A_783 = arith.constant 0 : i32
      %dma_wait3A_784 = tpu.memref_slice %arg25[%dma_wait3A_782, %dma_wait3A_783] : memref<10240x64xf32, #tpu.memory_space<vmem_shared>> -> memref<10240x64xf32, #tpu.memory_space<vmem_shared>>
      tpu.wait_indirect_dma semaphore(%run_scoped3A_772 : memref<!tpu.dma_semaphore, #tpu.memory_space<semaphore_mem>>) src(%arg18 : memref<80x64xf32, #tpu.memory_space<vmem>>) dst(%dma_wait3A_784 : memref<10240x64xf32, #tpu.memory_space<vmem_shared>>)
      tpu.yield
    }) : () -> ()
    %dma_wait3A_570 = arith.constant 0 : i32
    %dma_wait3A_571 = arith.constant 124 : i32
    %dma_wait3A_572 = arith.constant 9920 : i32
    %dma_wait3A_573 = tpu.memref_slice %arg19[%dma_wait3A_572] : memref<10000xf32, #tpu.memory_space<vmem>> -> memref<80xf32, #tpu.memory_space<vmem>>
    %dma_wait3A_574 = arith.constant 0 : i32
    %dma_wait3A_575 = tpu.memref_slice %arg13[%dma_wait3A_571, %dma_wait3A_574] : memref<125x80xi32, #tpu.memory_space<vmem>> -> memref<1x80xi32, #tpu.memory_space<vmem>>
    %dma_wait3A_576 = tpu.memref_squeeze %dma_wait3A_575 : memref<1x80xi32, #tpu.memory_space<vmem>> -> memref<80xi32, #tpu.memory_space<vmem>>
    %dma_wait3A_577 = arith.constant 0 : i32
    %dma_wait3A_578 = tpu.memref_slice %arg26[%dma_wait3A_570, %dma_wait3A_577] : memref<4x10240xf32, #tpu.memory_space<vmem_shared>> -> memref<1x10240xf32, #tpu.memory_space<vmem_shared>>
    %dma_wait3A_579 = tpu.memref_squeeze %dma_wait3A_578 : memref<1x10240xf32, #tpu.memory_space<vmem_shared>> -> memref<10240xf32, #tpu.memory_space<vmem_shared>>
    %dma_wait3A_580 = arith.constant 0 : i32
    %dma_wait3A_581 = tpu.memref_slice %dma_wait3A_579[%dma_wait3A_580] : memref<10240xf32, #tpu.memory_space<vmem_shared>> -> memref<10240xf32, #tpu.memory_space<vmem_shared>>
    tpu.wait_indirect_dma semaphore(%arg32 : memref<!tpu.dma_semaphore, #tpu.memory_space<semaphore_mem>>) src(%dma_wait3A_573 : memref<80xf32, #tpu.memory_space<vmem>>) dst(%dma_wait3A_581 : memref<10240xf32, #tpu.memory_space<vmem_shared>>)
    %dma_wait3A_582 = arith.constant 1 : i32
    %dma_wait3A_583 = arith.constant 124 : i32
    %dma_wait3A_584 = arith.constant 9920 : i32
    %dma_wait3A_585 = tpu.memref_slice %arg20[%dma_wait3A_584] : memref<10000xf32, #tpu.memory_space<vmem>> -> memref<80xf32, #tpu.memory_space<vmem>>
    %dma_wait3A_586 = arith.constant 0 : i32
    %dma_wait3A_587 = tpu.memref_slice %arg13[%dma_wait3A_583, %dma_wait3A_586] : memref<125x80xi32, #tpu.memory_space<vmem>> -> memref<1x80xi32, #tpu.memory_space<vmem>>
    %dma_wait3A_588 = tpu.memref_squeeze %dma_wait3A_587 : memref<1x80xi32, #tpu.memory_space<vmem>> -> memref<80xi32, #tpu.memory_space<vmem>>
    %dma_wait3A_589 = arith.constant 0 : i32
    %dma_wait3A_590 = tpu.memref_slice %arg26[%dma_wait3A_582, %dma_wait3A_589] : memref<4x10240xf32, #tpu.memory_space<vmem_shared>> -> memref<1x10240xf32, #tpu.memory_space<vmem_shared>>
    %dma_wait3A_591 = tpu.memref_squeeze %dma_wait3A_590 : memref<1x10240xf32, #tpu.memory_space<vmem_shared>> -> memref<10240xf32, #tpu.memory_space<vmem_shared>>
    %dma_wait3A_592 = arith.constant 0 : i32
    %dma_wait3A_593 = tpu.memref_slice %dma_wait3A_591[%dma_wait3A_592] : memref<10240xf32, #tpu.memory_space<vmem_shared>> -> memref<10240xf32, #tpu.memory_space<vmem_shared>>
    tpu.wait_indirect_dma semaphore(%arg32 : memref<!tpu.dma_semaphore, #tpu.memory_space<semaphore_mem>>) src(%dma_wait3A_585 : memref<80xf32, #tpu.memory_space<vmem>>) dst(%dma_wait3A_593 : memref<10240xf32, #tpu.memory_space<vmem_shared>>)
    %dma_wait3A_594 = arith.constant 2 : i32
    %dma_wait3A_595 = arith.constant 124 : i32
    %dma_wait3A_596 = arith.constant 9920 : i32
    %dma_wait3A_597 = tpu.memref_slice %arg21[%dma_wait3A_596] : memref<10000xf32, #tpu.memory_space<vmem>> -> memref<80xf32, #tpu.memory_space<vmem>>
    %dma_wait3A_598 = arith.constant 0 : i32
    %dma_wait3A_599 = tpu.memref_slice %arg13[%dma_wait3A_595, %dma_wait3A_598] : memref<125x80xi32, #tpu.memory_space<vmem>> -> memref<1x80xi32, #tpu.memory_space<vmem>>
    %dma_wait3A_600 = tpu.memref_squeeze %dma_wait3A_599 : memref<1x80xi32, #tpu.memory_space<vmem>> -> memref<80xi32, #tpu.memory_space<vmem>>
    %dma_wait3A_601 = arith.constant 0 : i32
    %dma_wait3A_602 = tpu.memref_slice %arg26[%dma_wait3A_594, %dma_wait3A_601] : memref<4x10240xf32, #tpu.memory_space<vmem_shared>> -> memref<1x10240xf32, #tpu.memory_space<vmem_shared>>
    %dma_wait3A_603 = tpu.memref_squeeze %dma_wait3A_602 : memref<1x10240xf32, #tpu.memory_space<vmem_shared>> -> memref<10240xf32, #tpu.memory_space<vmem_shared>>
    %dma_wait3A_604 = arith.constant 0 : i32
    %dma_wait3A_605 = tpu.memref_slice %dma_wait3A_603[%dma_wait3A_604] : memref<10240xf32, #tpu.memory_space<vmem_shared>> -> memref<10240xf32, #tpu.memory_space<vmem_shared>>
    tpu.wait_indirect_dma semaphore(%arg32 : memref<!tpu.dma_semaphore, #tpu.memory_space<semaphore_mem>>) src(%dma_wait3A_597 : memref<80xf32, #tpu.memory_space<vmem>>) dst(%dma_wait3A_605 : memref<10240xf32, #tpu.memory_space<vmem_shared>>)
    %dma_wait3A_606 = arith.constant 3 : i32
    %dma_wait3A_607 = arith.constant 124 : i32
    %dma_wait3A_608 = arith.constant 0 : i32
    %dma_wait3A_609 = tpu.memref_slice %arg13[%dma_wait3A_607, %dma_wait3A_608] : memref<125x80xi32, #tpu.memory_space<vmem>> -> memref<1x80xi32, #tpu.memory_space<vmem>>
    %dma_wait3A_610 = tpu.memref_squeeze %dma_wait3A_609 : memref<1x80xi32, #tpu.memory_space<vmem>> -> memref<80xi32, #tpu.memory_space<vmem>>
    %dma_wait3A_611 = arith.constant 0 : i32
    %dma_wait3A_612 = tpu.memref_slice %arg26[%dma_wait3A_606, %dma_wait3A_611] : memref<4x10240xf32, #tpu.memory_space<vmem_shared>> -> memref<1x10240xf32, #tpu.memory_space<vmem_shared>>
    %dma_wait3A_613 = tpu.memref_squeeze %dma_wait3A_612 : memref<1x10240xf32, #tpu.memory_space<vmem_shared>> -> memref<10240xf32, #tpu.memory_space<vmem_shared>>
    %dma_wait3A_614 = arith.constant 0 : i32
    %dma_wait3A_615 = tpu.memref_slice %dma_wait3A_613[%dma_wait3A_614] : memref<10240xf32, #tpu.memory_space<vmem_shared>> -> memref<10240xf32, #tpu.memory_space<vmem_shared>>
    tpu.wait_indirect_dma semaphore(%arg32 : memref<!tpu.dma_semaphore, #tpu.memory_space<semaphore_mem>>) src(%arg22 : memref<80xf32, #tpu.memory_space<vmem>>) dst(%dma_wait3A_615 : memref<10240xf32, #tpu.memory_space<vmem_shared>>)
    %run_scoped3A_616 = arith.constant 0 : i32
    "tpu.region"() ({
      %run_scoped3A_772 = tpu.sem_alloc : memref<!tpu.dma_semaphore, #tpu.memory_space<semaphore_mem>>
      %dma_start3A_773 = arith.constant 0 : i32
      %dma_start3A_774 = arith.constant 0 : i32
      %dma_start3A_775 = tpu.memref_slice %arg3[%run_scoped3A_616, %dma_start3A_773, %dma_start3A_774] : memref<2x4000x80xi32, #tpu.memory_space<hbm>> -> memref<1x4000x80xi32, #tpu.memory_space<hbm>>
      %dma_start3A_776 = tpu.memref_squeeze %dma_start3A_775 : memref<1x4000x80xi32, #tpu.memory_space<hbm>> -> memref<4000x80xi32, #tpu.memory_space<hbm>>
      %dma_start3A_777 = arith.constant 0 : i32
      %dma_start3A_778 = tpu.memref_slice %dma_start3A_776[%add3A_29, %dma_start3A_777] : memref<4000x80xi32, #tpu.memory_space<hbm>> -> memref<125x80xi32, #tpu.memory_space<hbm>>
      %dma_start3A_779 = arith.constant 0 : i32
      %dma_start3A_780 = arith.constant 0 : i32
      %dma_start3A_781 = tpu.memref_slice %arg3[%run_scoped3A_616, %dma_start3A_779, %dma_start3A_780] : memref<2x4000x80xi32, #tpu.memory_space<hbm>> -> memref<1x4000x80xi32, #tpu.memory_space<hbm>>
      %dma_start3A_782 = tpu.memref_squeeze %dma_start3A_781 : memref<1x4000x80xi32, #tpu.memory_space<hbm>> -> memref<4000x80xi32, #tpu.memory_space<hbm>>
      %dma_start3A_783 = arith.constant 0 : i32
      %dma_start3A_784 = tpu.memref_slice %dma_start3A_782[%add3A_29, %dma_start3A_783] : memref<4000x80xi32, #tpu.memory_space<hbm>> -> memref<125x80xi32, #tpu.memory_space<hbm>>
      tpu.enqueue_dma source(%dma_start3A_784 : memref<125x80xi32, #tpu.memory_space<hbm>>) target(%arg12 : memref<125x80xi32, #tpu.memory_space<vmem>>) target_semaphore(%run_scoped3A_772 : memref<!tpu.dma_semaphore, #tpu.memory_space<semaphore_mem>>)
      %dma_wait3A_785 = arith.constant 0 : i32
      %dma_wait3A_786 = arith.constant 0 : i32
      %dma_wait3A_787 = tpu.memref_slice %arg3[%run_scoped3A_616, %dma_wait3A_785, %dma_wait3A_786] : memref<2x4000x80xi32, #tpu.memory_space<hbm>> -> memref<1x4000x80xi32, #tpu.memory_space<hbm>>
      %dma_wait3A_788 = tpu.memref_squeeze %dma_wait3A_787 : memref<1x4000x80xi32, #tpu.memory_space<hbm>> -> memref<4000x80xi32, #tpu.memory_space<hbm>>
      %dma_wait3A_789 = arith.constant 0 : i32
      %dma_wait3A_790 = tpu.memref_slice %dma_wait3A_788[%add3A_29, %dma_wait3A_789] : memref<4000x80xi32, #tpu.memory_space<hbm>> -> memref<125x80xi32, #tpu.memory_space<hbm>>
      %dma_wait3A_791 = arith.constant 0 : i32
      %dma_wait3A_792 = arith.constant 0 : i32
      %dma_wait3A_793 = tpu.memref_slice %arg3[%run_scoped3A_616, %dma_wait3A_791, %dma_wait3A_792] : memref<2x4000x80xi32, #tpu.memory_space<hbm>> -> memref<1x4000x80xi32, #tpu.memory_space<hbm>>
      %dma_wait3A_794 = tpu.memref_squeeze %dma_wait3A_793 : memref<1x4000x80xi32, #tpu.memory_space<hbm>> -> memref<4000x80xi32, #tpu.memory_space<hbm>>
      %dma_wait3A_795 = arith.constant 0 : i32
      %dma_wait3A_796 = tpu.memref_slice %dma_wait3A_794[%add3A_29, %dma_wait3A_795] : memref<4000x80xi32, #tpu.memory_space<hbm>> -> memref<125x80xi32, #tpu.memory_space<hbm>>
      tpu.wait_dma2 semaphore(%run_scoped3A_772 : memref<!tpu.dma_semaphore, #tpu.memory_space<semaphore_mem>>) src(%dma_wait3A_796 : memref<125x80xi32, #tpu.memory_space<hbm>>) dst(%arg12 : memref<125x80xi32, #tpu.memory_space<vmem>>)
      tpu.yield
    }) : () -> ()
    %run_scoped3A_617 = arith.constant 1 : i32
    "tpu.region"() ({
      %run_scoped3A_772 = tpu.sem_alloc : memref<!tpu.dma_semaphore, #tpu.memory_space<semaphore_mem>>
      %dma_start3A_773 = arith.constant 0 : i32
      %dma_start3A_774 = arith.constant 0 : i32
      %dma_start3A_775 = tpu.memref_slice %arg3[%run_scoped3A_617, %dma_start3A_773, %dma_start3A_774] : memref<2x4000x80xi32, #tpu.memory_space<hbm>> -> memref<1x4000x80xi32, #tpu.memory_space<hbm>>
      %dma_start3A_776 = tpu.memref_squeeze %dma_start3A_775 : memref<1x4000x80xi32, #tpu.memory_space<hbm>> -> memref<4000x80xi32, #tpu.memory_space<hbm>>
      %dma_start3A_777 = arith.constant 0 : i32
      %dma_start3A_778 = tpu.memref_slice %dma_start3A_776[%add3A_29, %dma_start3A_777] : memref<4000x80xi32, #tpu.memory_space<hbm>> -> memref<125x80xi32, #tpu.memory_space<hbm>>
      %dma_start3A_779 = arith.constant 0 : i32
      %dma_start3A_780 = arith.constant 0 : i32
      %dma_start3A_781 = tpu.memref_slice %arg3[%run_scoped3A_617, %dma_start3A_779, %dma_start3A_780] : memref<2x4000x80xi32, #tpu.memory_space<hbm>> -> memref<1x4000x80xi32, #tpu.memory_space<hbm>>
      %dma_start3A_782 = tpu.memref_squeeze %dma_start3A_781 : memref<1x4000x80xi32, #tpu.memory_space<hbm>> -> memref<4000x80xi32, #tpu.memory_space<hbm>>
      %dma_start3A_783 = arith.constant 0 : i32
      %dma_start3A_784 = tpu.memref_slice %dma_start3A_782[%add3A_29, %dma_start3A_783] : memref<4000x80xi32, #tpu.memory_space<hbm>> -> memref<125x80xi32, #tpu.memory_space<hbm>>
      tpu.enqueue_dma source(%dma_start3A_784 : memref<125x80xi32, #tpu.memory_space<hbm>>) target(%arg13 : memref<125x80xi32, #tpu.memory_space<vmem>>) target_semaphore(%run_scoped3A_772 : memref<!tpu.dma_semaphore, #tpu.memory_space<semaphore_mem>>)
      %dma_wait3A_785 = arith.constant 0 : i32
      %dma_wait3A_786 = arith.constant 0 : i32
      %dma_wait3A_787 = tpu.memref_slice %arg3[%run_scoped3A_617, %dma_wait3A_785, %dma_wait3A_786] : memref<2x4000x80xi32, #tpu.memory_space<hbm>> -> memref<1x4000x80xi32, #tpu.memory_space<hbm>>
      %dma_wait3A_788 = tpu.memref_squeeze %dma_wait3A_787 : memref<1x4000x80xi32, #tpu.memory_space<hbm>> -> memref<4000x80xi32, #tpu.memory_space<hbm>>
      %dma_wait3A_789 = arith.constant 0 : i32
      %dma_wait3A_790 = tpu.memref_slice %dma_wait3A_788[%add3A_29, %dma_wait3A_789] : memref<4000x80xi32, #tpu.memory_space<hbm>> -> memref<125x80xi32, #tpu.memory_space<hbm>>
      %dma_wait3A_791 = arith.constant 0 : i32
      %dma_wait3A_792 = arith.constant 0 : i32
      %dma_wait3A_793 = tpu.memref_slice %arg3[%run_scoped3A_617, %dma_wait3A_791, %dma_wait3A_792] : memref<2x4000x80xi32, #tpu.memory_space<hbm>> -> memref<1x4000x80xi32, #tpu.memory_space<hbm>>
      %dma_wait3A_794 = tpu.memref_squeeze %dma_wait3A_793 : memref<1x4000x80xi32, #tpu.memory_space<hbm>> -> memref<4000x80xi32, #tpu.memory_space<hbm>>
      %dma_wait3A_795 = arith.constant 0 : i32
      %dma_wait3A_796 = tpu.memref_slice %dma_wait3A_794[%add3A_29, %dma_wait3A_795] : memref<4000x80xi32, #tpu.memory_space<hbm>> -> memref<125x80xi32, #tpu.memory_space<hbm>>
      tpu.wait_dma2 semaphore(%run_scoped3A_772 : memref<!tpu.dma_semaphore, #tpu.memory_space<semaphore_mem>>) src(%dma_wait3A_796 : memref<125x80xi32, #tpu.memory_space<hbm>>) dst(%arg13 : memref<125x80xi32, #tpu.memory_space<vmem>>)
      tpu.yield
    }) : () -> ()
    %dma_start3A_618 = arith.constant 0 : i32
    %dma_start3A_619 = arith.constant 0 : i32
    %dma_start3A_620 = tpu.memref_slice %arg12[%dma_start3A_618, %dma_start3A_619] : memref<125x80xi32, #tpu.memory_space<vmem>> -> memref<1x80xi32, #tpu.memory_space<vmem>>
    %dma_start3A_621 = tpu.memref_squeeze %dma_start3A_620 : memref<1x80xi32, #tpu.memory_space<vmem>> -> memref<80xi32, #tpu.memory_space<vmem>>
    %dma_start3A_622 = arith.constant 0 : i32
    %dma_start3A_623 = arith.constant 0 : i32
    %dma_start3A_624 = tpu.memref_slice %arg2[%arg0, %dma_start3A_622, %dma_start3A_623] : memref<2x10000x64xf32, #tpu.memory_space<hbm>> -> memref<1x10000x64xf32, #tpu.memory_space<hbm>>
    %dma_start3A_625 = tpu.memref_squeeze %dma_start3A_624 : memref<1x10000x64xf32, #tpu.memory_space<hbm>> -> memref<10000x64xf32, #tpu.memory_space<hbm>>
    %dma_start3A_626 = arith.constant 0 : i32
    %dma_start3A_627 = arith.constant 0 : i32
    %dma_start3A_628 = tpu.memref_slice %dma_start3A_625[%dma_start3A_626, %dma_start3A_627] : memref<10000x64xf32, #tpu.memory_space<hbm>> -> memref<10000x64xf32, #tpu.memory_space<hbm>>
    tpu.enqueue_indirect_dma source(%dma_start3A_628 : memref<10000x64xf32, #tpu.memory_space<hbm>>) target(%arg14 : memref<80x64xf32, #tpu.memory_space<vmem>>) offsets(%dma_start3A_621 : memref<80xi32, #tpu.memory_space<vmem>>) semaphore(%arg27 : memref<!tpu.dma_semaphore, #tpu.memory_space<semaphore_mem>>)
    %dma_start3A_629 = arith.constant 1 : i32
    %dma_start3A_630 = arith.constant 0 : i32
    %dma_start3A_631 = tpu.memref_slice %arg12[%dma_start3A_629, %dma_start3A_630] : memref<125x80xi32, #tpu.memory_space<vmem>> -> memref<1x80xi32, #tpu.memory_space<vmem>>
    %dma_start3A_632 = tpu.memref_squeeze %dma_start3A_631 : memref<1x80xi32, #tpu.memory_space<vmem>> -> memref<80xi32, #tpu.memory_space<vmem>>
    %dma_start3A_633 = arith.constant 0 : i32
    %dma_start3A_634 = arith.constant 0 : i32
    %dma_start3A_635 = tpu.memref_slice %arg2[%arg0, %dma_start3A_633, %dma_start3A_634] : memref<2x10000x64xf32, #tpu.memory_space<hbm>> -> memref<1x10000x64xf32, #tpu.memory_space<hbm>>
    %dma_start3A_636 = tpu.memref_squeeze %dma_start3A_635 : memref<1x10000x64xf32, #tpu.memory_space<hbm>> -> memref<10000x64xf32, #tpu.memory_space<hbm>>
    %dma_start3A_637 = arith.constant 0 : i32
    %dma_start3A_638 = arith.constant 0 : i32
    %dma_start3A_639 = tpu.memref_slice %dma_start3A_636[%dma_start3A_637, %dma_start3A_638] : memref<10000x64xf32, #tpu.memory_space<hbm>> -> memref<10000x64xf32, #tpu.memory_space<hbm>>
    tpu.enqueue_indirect_dma source(%dma_start3A_639 : memref<10000x64xf32, #tpu.memory_space<hbm>>) target(%arg15 : memref<80x64xf32, #tpu.memory_space<vmem>>) offsets(%dma_start3A_632 : memref<80xi32, #tpu.memory_space<vmem>>) semaphore(%arg28 : memref<!tpu.dma_semaphore, #tpu.memory_space<semaphore_mem>>)
    %dma_start3A_640 = arith.constant 2 : i32
    %dma_start3A_641 = arith.constant 0 : i32
    %dma_start3A_642 = tpu.memref_slice %arg12[%dma_start3A_640, %dma_start3A_641] : memref<125x80xi32, #tpu.memory_space<vmem>> -> memref<1x80xi32, #tpu.memory_space<vmem>>
    %dma_start3A_643 = tpu.memref_squeeze %dma_start3A_642 : memref<1x80xi32, #tpu.memory_space<vmem>> -> memref<80xi32, #tpu.memory_space<vmem>>
    %dma_start3A_644 = arith.constant 0 : i32
    %dma_start3A_645 = arith.constant 0 : i32
    %dma_start3A_646 = tpu.memref_slice %arg2[%arg0, %dma_start3A_644, %dma_start3A_645] : memref<2x10000x64xf32, #tpu.memory_space<hbm>> -> memref<1x10000x64xf32, #tpu.memory_space<hbm>>
    %dma_start3A_647 = tpu.memref_squeeze %dma_start3A_646 : memref<1x10000x64xf32, #tpu.memory_space<hbm>> -> memref<10000x64xf32, #tpu.memory_space<hbm>>
    %dma_start3A_648 = arith.constant 0 : i32
    %dma_start3A_649 = arith.constant 0 : i32
    %dma_start3A_650 = tpu.memref_slice %dma_start3A_647[%dma_start3A_648, %dma_start3A_649] : memref<10000x64xf32, #tpu.memory_space<hbm>> -> memref<10000x64xf32, #tpu.memory_space<hbm>>
    tpu.enqueue_indirect_dma source(%dma_start3A_650 : memref<10000x64xf32, #tpu.memory_space<hbm>>) target(%arg16 : memref<80x64xf32, #tpu.memory_space<vmem>>) offsets(%dma_start3A_643 : memref<80xi32, #tpu.memory_space<vmem>>) semaphore(%arg29 : memref<!tpu.dma_semaphore, #tpu.memory_space<semaphore_mem>>)
    %dma_start3A_651 = arith.constant 3 : i32
    %dma_start3A_652 = arith.constant 0 : i32
    %dma_start3A_653 = tpu.memref_slice %arg12[%dma_start3A_651, %dma_start3A_652] : memref<125x80xi32, #tpu.memory_space<vmem>> -> memref<1x80xi32, #tpu.memory_space<vmem>>
    %dma_start3A_654 = tpu.memref_squeeze %dma_start3A_653 : memref<1x80xi32, #tpu.memory_space<vmem>> -> memref<80xi32, #tpu.memory_space<vmem>>
    %dma_start3A_655 = arith.constant 0 : i32
    %dma_start3A_656 = arith.constant 0 : i32
    %dma_start3A_657 = tpu.memref_slice %arg2[%arg0, %dma_start3A_655, %dma_start3A_656] : memref<2x10000x64xf32, #tpu.memory_space<hbm>> -> memref<1x10000x64xf32, #tpu.memory_space<hbm>>
    %dma_start3A_658 = tpu.memref_squeeze %dma_start3A_657 : memref<1x10000x64xf32, #tpu.memory_space<hbm>> -> memref<10000x64xf32, #tpu.memory_space<hbm>>
    %dma_start3A_659 = arith.constant 0 : i32
    %dma_start3A_660 = arith.constant 0 : i32
    %dma_start3A_661 = tpu.memref_slice %dma_start3A_658[%dma_start3A_659, %dma_start3A_660] : memref<10000x64xf32, #tpu.memory_space<hbm>> -> memref<10000x64xf32, #tpu.memory_space<hbm>>
    tpu.enqueue_indirect_dma source(%dma_start3A_661 : memref<10000x64xf32, #tpu.memory_space<hbm>>) target(%arg17 : memref<80x64xf32, #tpu.memory_space<vmem>>) offsets(%dma_start3A_654 : memref<80xi32, #tpu.memory_space<vmem>>) semaphore(%arg30 : memref<!tpu.dma_semaphore, #tpu.memory_space<semaphore_mem>>)
    %dma_start3A_662 = arith.constant 4 : i32
    %dma_start3A_663 = arith.constant 0 : i32
    %dma_start3A_664 = tpu.memref_slice %arg12[%dma_start3A_662, %dma_start3A_663] : memref<125x80xi32, #tpu.memory_space<vmem>> -> memref<1x80xi32, #tpu.memory_space<vmem>>
    %dma_start3A_665 = tpu.memref_squeeze %dma_start3A_664 : memref<1x80xi32, #tpu.memory_space<vmem>> -> memref<80xi32, #tpu.memory_space<vmem>>
    %dma_start3A_666 = arith.constant 0 : i32
    %dma_start3A_667 = arith.constant 0 : i32
    %dma_start3A_668 = tpu.memref_slice %arg2[%arg0, %dma_start3A_666, %dma_start3A_667] : memref<2x10000x64xf32, #tpu.memory_space<hbm>> -> memref<1x10000x64xf32, #tpu.memory_space<hbm>>
    %dma_start3A_669 = tpu.memref_squeeze %dma_start3A_668 : memref<1x10000x64xf32, #tpu.memory_space<hbm>> -> memref<10000x64xf32, #tpu.memory_space<hbm>>
    %dma_start3A_670 = arith.constant 0 : i32
    %dma_start3A_671 = arith.constant 0 : i32
    %dma_start3A_672 = tpu.memref_slice %dma_start3A_669[%dma_start3A_670, %dma_start3A_671] : memref<10000x64xf32, #tpu.memory_space<hbm>> -> memref<10000x64xf32, #tpu.memory_space<hbm>>
    tpu.enqueue_indirect_dma source(%dma_start3A_672 : memref<10000x64xf32, #tpu.memory_space<hbm>>) target(%arg18 : memref<80x64xf32, #tpu.memory_space<vmem>>) offsets(%dma_start3A_665 : memref<80xi32, #tpu.memory_space<vmem>>) semaphore(%arg31 : memref<!tpu.dma_semaphore, #tpu.memory_space<semaphore_mem>>)
    %scan3A_673 = arith.constant 0 : i32
    %scan3A_674 = arith.constant 0 : i32
    %scan3A_675 = arith.constant 24 : i32
    %scan3A_676 = arith.addi %scan3A_674, %scan3A_675 : i32
    %scan3A_677 = arith.constant 1 : i32
    scf.for %scan3A_772 = %scan3A_674 to %scan3A_676 step %scan3A_677  : i32 {
      %mul3A_773 = arith.constant 5 : i32
      %mul3A_774 = arith.muli %mul3A_773, %scan3A_772 : i32
      %add3A_775 = arith.constant 0 : i32
      %add3A_776 = arith.addi %mul3A_774, %add3A_775 : i32
      %dma_wait3A_777 = arith.constant 0 : i32
      %dma_wait3A_778 = tpu.memref_slice %arg12[%add3A_776, %dma_wait3A_777] : memref<125x80xi32, #tpu.memory_space<vmem>> -> memref<1x80xi32, #tpu.memory_space<vmem>>
      %dma_wait3A_779 = tpu.memref_squeeze %dma_wait3A_778 : memref<1x80xi32, #tpu.memory_space<vmem>> -> memref<80xi32, #tpu.memory_space<vmem>>
      %dma_wait3A_780 = arith.constant 0 : i32
      %dma_wait3A_781 = arith.constant 0 : i32
      %dma_wait3A_782 = tpu.memref_slice %arg2[%arg0, %dma_wait3A_780, %dma_wait3A_781] : memref<2x10000x64xf32, #tpu.memory_space<hbm>> -> memref<1x10000x64xf32, #tpu.memory_space<hbm>>
      %dma_wait3A_783 = tpu.memref_squeeze %dma_wait3A_782 : memref<1x10000x64xf32, #tpu.memory_space<hbm>> -> memref<10000x64xf32, #tpu.memory_space<hbm>>
      %dma_wait3A_784 = arith.constant 0 : i32
      %dma_wait3A_785 = arith.constant 0 : i32
      %dma_wait3A_786 = tpu.memref_slice %dma_wait3A_783[%dma_wait3A_784, %dma_wait3A_785] : memref<10000x64xf32, #tpu.memory_space<hbm>> -> memref<10000x64xf32, #tpu.memory_space<hbm>>
      tpu.wait_indirect_dma semaphore(%arg27 : memref<!tpu.dma_semaphore, #tpu.memory_space<semaphore_mem>>) src(%dma_wait3A_786 : memref<10000x64xf32, #tpu.memory_space<hbm>>) dst(%arg14 : memref<80x64xf32, #tpu.memory_space<vmem>>)
      "tpu.region"() ({
        %run_scoped3A_905 = tpu.sem_alloc : memref<!tpu.dma_semaphore, #tpu.memory_space<semaphore_mem>>
        %dma_start3A_906 = arith.constant 0 : i32
        %dma_start3A_907 = tpu.memref_slice %arg13[%add3A_776, %dma_start3A_906] : memref<125x80xi32, #tpu.memory_space<vmem>> -> memref<1x80xi32, #tpu.memory_space<vmem>>
        %dma_start3A_908 = tpu.memref_squeeze %dma_start3A_907 : memref<1x80xi32, #tpu.memory_space<vmem>> -> memref<80xi32, #tpu.memory_space<vmem>>
        %dma_start3A_909 = arith.constant 0 : i32
        %dma_start3A_910 = arith.constant 0 : i32
        %dma_start3A_911 = tpu.memref_slice %arg25[%dma_start3A_909, %dma_start3A_910] : memref<10240x64xf32, #tpu.memory_space<vmem_shared>> -> memref<10240x64xf32, #tpu.memory_space<vmem_shared>>
        tpu.enqueue_indirect_dma source(%arg14 : memref<80x64xf32, #tpu.memory_space<vmem>>) target(%dma_start3A_911 : memref<10240x64xf32, #tpu.memory_space<vmem_shared>>) offsets(%dma_start3A_908 : memref<80xi32, #tpu.memory_space<vmem>>) semaphore(%run_scoped3A_905 : memref<!tpu.dma_semaphore, #tpu.memory_space<semaphore_mem>>) {add = true}
        %dma_wait3A_912 = arith.constant 0 : i32
        %dma_wait3A_913 = tpu.memref_slice %arg13[%add3A_776, %dma_wait3A_912] : memref<125x80xi32, #tpu.memory_space<vmem>> -> memref<1x80xi32, #tpu.memory_space<vmem>>
        %dma_wait3A_914 = tpu.memref_squeeze %dma_wait3A_913 : memref<1x80xi32, #tpu.memory_space<vmem>> -> memref<80xi32, #tpu.memory_space<vmem>>
        %dma_wait3A_915 = arith.constant 0 : i32
        %dma_wait3A_916 = arith.constant 0 : i32
        %dma_wait3A_917 = tpu.memref_slice %arg25[%dma_wait3A_915, %dma_wait3A_916] : memref<10240x64xf32, #tpu.memory_space<vmem_shared>> -> memref<10240x64xf32, #tpu.memory_space<vmem_shared>>
        tpu.wait_indirect_dma semaphore(%run_scoped3A_905 : memref<!tpu.dma_semaphore, #tpu.memory_space<semaphore_mem>>) src(%arg14 : memref<80x64xf32, #tpu.memory_space<vmem>>) dst(%dma_wait3A_917 : memref<10240x64xf32, #tpu.memory_space<vmem_shared>>)
        tpu.yield
      }) : () -> ()
      %add3A_787 = arith.constant 5 : i32
      %add3A_788 = arith.addi %mul3A_774, %add3A_787 : i32
      %add3A_789 = arith.constant 0 : i32
      %add3A_790 = arith.addi %add3A_788, %add3A_789 : i32
      %dma_start3A_791 = arith.constant 0 : i32
      %dma_start3A_792 = tpu.memref_slice %arg12[%add3A_790, %dma_start3A_791] : memref<125x80xi32, #tpu.memory_space<vmem>> -> memref<1x80xi32, #tpu.memory_space<vmem>>
      %dma_start3A_793 = tpu.memref_squeeze %dma_start3A_792 : memref<1x80xi32, #tpu.memory_space<vmem>> -> memref<80xi32, #tpu.memory_space<vmem>>
      %dma_start3A_794 = arith.constant 0 : i32
      %dma_start3A_795 = arith.constant 0 : i32
      %dma_start3A_796 = tpu.memref_slice %arg2[%arg0, %dma_start3A_794, %dma_start3A_795] : memref<2x10000x64xf32, #tpu.memory_space<hbm>> -> memref<1x10000x64xf32, #tpu.memory_space<hbm>>
      %dma_start3A_797 = tpu.memref_squeeze %dma_start3A_796 : memref<1x10000x64xf32, #tpu.memory_space<hbm>> -> memref<10000x64xf32, #tpu.memory_space<hbm>>
      %dma_start3A_798 = arith.constant 0 : i32
      %dma_start3A_799 = arith.constant 0 : i32
      %dma_start3A_800 = tpu.memref_slice %dma_start3A_797[%dma_start3A_798, %dma_start3A_799] : memref<10000x64xf32, #tpu.memory_space<hbm>> -> memref<10000x64xf32, #tpu.memory_space<hbm>>
      tpu.enqueue_indirect_dma source(%dma_start3A_800 : memref<10000x64xf32, #tpu.memory_space<hbm>>) target(%arg14 : memref<80x64xf32, #tpu.memory_space<vmem>>) offsets(%dma_start3A_793 : memref<80xi32, #tpu.memory_space<vmem>>) semaphore(%arg27 : memref<!tpu.dma_semaphore, #tpu.memory_space<semaphore_mem>>)
      %add3A_801 = arith.constant 1 : i32
      %add3A_802 = arith.addi %mul3A_774, %add3A_801 : i32
      %dma_wait3A_803 = arith.constant 0 : i32
      %dma_wait3A_804 = tpu.memref_slice %arg12[%add3A_802, %dma_wait3A_803] : memref<125x80xi32, #tpu.memory_space<vmem>> -> memref<1x80xi32, #tpu.memory_space<vmem>>
      %dma_wait3A_805 = tpu.memref_squeeze %dma_wait3A_804 : memref<1x80xi32, #tpu.memory_space<vmem>> -> memref<80xi32, #tpu.memory_space<vmem>>
      %dma_wait3A_806 = arith.constant 0 : i32
      %dma_wait3A_807 = arith.constant 0 : i32
      %dma_wait3A_808 = tpu.memref_slice %arg2[%arg0, %dma_wait3A_806, %dma_wait3A_807] : memref<2x10000x64xf32, #tpu.memory_space<hbm>> -> memref<1x10000x64xf32, #tpu.memory_space<hbm>>
      %dma_wait3A_809 = tpu.memref_squeeze %dma_wait3A_808 : memref<1x10000x64xf32, #tpu.memory_space<hbm>> -> memref<10000x64xf32, #tpu.memory_space<hbm>>
      %dma_wait3A_810 = arith.constant 0 : i32
      %dma_wait3A_811 = arith.constant 0 : i32
      %dma_wait3A_812 = tpu.memref_slice %dma_wait3A_809[%dma_wait3A_810, %dma_wait3A_811] : memref<10000x64xf32, #tpu.memory_space<hbm>> -> memref<10000x64xf32, #tpu.memory_space<hbm>>
      tpu.wait_indirect_dma semaphore(%arg28 : memref<!tpu.dma_semaphore, #tpu.memory_space<semaphore_mem>>) src(%dma_wait3A_812 : memref<10000x64xf32, #tpu.memory_space<hbm>>) dst(%arg15 : memref<80x64xf32, #tpu.memory_space<vmem>>)
      "tpu.region"() ({
        %run_scoped3A_905 = tpu.sem_alloc : memref<!tpu.dma_semaphore, #tpu.memory_space<semaphore_mem>>
        %dma_start3A_906 = arith.constant 0 : i32
        %dma_start3A_907 = tpu.memref_slice %arg13[%add3A_802, %dma_start3A_906] : memref<125x80xi32, #tpu.memory_space<vmem>> -> memref<1x80xi32, #tpu.memory_space<vmem>>
        %dma_start3A_908 = tpu.memref_squeeze %dma_start3A_907 : memref<1x80xi32, #tpu.memory_space<vmem>> -> memref<80xi32, #tpu.memory_space<vmem>>
        %dma_start3A_909 = arith.constant 0 : i32
        %dma_start3A_910 = arith.constant 0 : i32
        %dma_start3A_911 = tpu.memref_slice %arg25[%dma_start3A_909, %dma_start3A_910] : memref<10240x64xf32, #tpu.memory_space<vmem_shared>> -> memref<10240x64xf32, #tpu.memory_space<vmem_shared>>
        tpu.enqueue_indirect_dma source(%arg15 : memref<80x64xf32, #tpu.memory_space<vmem>>) target(%dma_start3A_911 : memref<10240x64xf32, #tpu.memory_space<vmem_shared>>) offsets(%dma_start3A_908 : memref<80xi32, #tpu.memory_space<vmem>>) semaphore(%run_scoped3A_905 : memref<!tpu.dma_semaphore, #tpu.memory_space<semaphore_mem>>) {add = true}
        %dma_wait3A_912 = arith.constant 0 : i32
        %dma_wait3A_913 = tpu.memref_slice %arg13[%add3A_802, %dma_wait3A_912] : memref<125x80xi32, #tpu.memory_space<vmem>> -> memref<1x80xi32, #tpu.memory_space<vmem>>
        %dma_wait3A_914 = tpu.memref_squeeze %dma_wait3A_913 : memref<1x80xi32, #tpu.memory_space<vmem>> -> memref<80xi32, #tpu.memory_space<vmem>>
        %dma_wait3A_915 = arith.constant 0 : i32
        %dma_wait3A_916 = arith.constant 0 : i32
        %dma_wait3A_917 = tpu.memref_slice %arg25[%dma_wait3A_915, %dma_wait3A_916] : memref<10240x64xf32, #tpu.memory_space<vmem_shared>> -> memref<10240x64xf32, #tpu.memory_space<vmem_shared>>
        tpu.wait_indirect_dma semaphore(%run_scoped3A_905 : memref<!tpu.dma_semaphore, #tpu.memory_space<semaphore_mem>>) src(%arg15 : memref<80x64xf32, #tpu.memory_space<vmem>>) dst(%dma_wait3A_917 : memref<10240x64xf32, #tpu.memory_space<vmem_shared>>)
        tpu.yield
      }) : () -> ()
      %add3A_813 = arith.constant 5 : i32
      %add3A_814 = arith.addi %mul3A_774, %add3A_813 : i32
      %add3A_815 = arith.constant 1 : i32
      %add3A_816 = arith.addi %add3A_814, %add3A_815 : i32
      %dma_start3A_817 = arith.constant 0 : i32
      %dma_start3A_818 = tpu.memref_slice %arg12[%add3A_816, %dma_start3A_817] : memref<125x80xi32, #tpu.memory_space<vmem>> -> memref<1x80xi32, #tpu.memory_space<vmem>>
      %dma_start3A_819 = tpu.memref_squeeze %dma_start3A_818 : memref<1x80xi32, #tpu.memory_space<vmem>> -> memref<80xi32, #tpu.memory_space<vmem>>
      %dma_start3A_820 = arith.constant 0 : i32
      %dma_start3A_821 = arith.constant 0 : i32
      %dma_start3A_822 = tpu.memref_slice %arg2[%arg0, %dma_start3A_820, %dma_start3A_821] : memref<2x10000x64xf32, #tpu.memory_space<hbm>> -> memref<1x10000x64xf32, #tpu.memory_space<hbm>>
      %dma_start3A_823 = tpu.memref_squeeze %dma_start3A_822 : memref<1x10000x64xf32, #tpu.memory_space<hbm>> -> memref<10000x64xf32, #tpu.memory_space<hbm>>
      %dma_start3A_824 = arith.constant 0 : i32
      %dma_start3A_825 = arith.constant 0 : i32
      %dma_start3A_826 = tpu.memref_slice %dma_start3A_823[%dma_start3A_824, %dma_start3A_825] : memref<10000x64xf32, #tpu.memory_space<hbm>> -> memref<10000x64xf32, #tpu.memory_space<hbm>>
      tpu.enqueue_indirect_dma source(%dma_start3A_826 : memref<10000x64xf32, #tpu.memory_space<hbm>>) target(%arg15 : memref<80x64xf32, #tpu.memory_space<vmem>>) offsets(%dma_start3A_819 : memref<80xi32, #tpu.memory_space<vmem>>) semaphore(%arg28 : memref<!tpu.dma_semaphore, #tpu.memory_space<semaphore_mem>>)
      %add3A_827 = arith.constant 2 : i32
      %add3A_828 = arith.addi %mul3A_774, %add3A_827 : i32
      %dma_wait3A_829 = arith.constant 0 : i32
      %dma_wait3A_830 = tpu.memref_slice %arg12[%add3A_828, %dma_wait3A_829] : memref<125x80xi32, #tpu.memory_space<vmem>> -> memref<1x80xi32, #tpu.memory_space<vmem>>
      %dma_wait3A_831 = tpu.memref_squeeze %dma_wait3A_830 : memref<1x80xi32, #tpu.memory_space<vmem>> -> memref<80xi32, #tpu.memory_space<vmem>>
      %dma_wait3A_832 = arith.constant 0 : i32
      %dma_wait3A_833 = arith.constant 0 : i32
      %dma_wait3A_834 = tpu.memref_slice %arg2[%arg0, %dma_wait3A_832, %dma_wait3A_833] : memref<2x10000x64xf32, #tpu.memory_space<hbm>> -> memref<1x10000x64xf32, #tpu.memory_space<hbm>>
      %dma_wait3A_835 = tpu.memref_squeeze %dma_wait3A_834 : memref<1x10000x64xf32, #tpu.memory_space<hbm>> -> memref<10000x64xf32, #tpu.memory_space<hbm>>
      %dma_wait3A_836 = arith.constant 0 : i32
      %dma_wait3A_837 = arith.constant 0 : i32
      %dma_wait3A_838 = tpu.memref_slice %dma_wait3A_835[%dma_wait3A_836, %dma_wait3A_837] : memref<10000x64xf32, #tpu.memory_space<hbm>> -> memref<10000x64xf32, #tpu.memory_space<hbm>>
      tpu.wait_indirect_dma semaphore(%arg29 : memref<!tpu.dma_semaphore, #tpu.memory_space<semaphore_mem>>) src(%dma_wait3A_838 : memref<10000x64xf32, #tpu.memory_space<hbm>>) dst(%arg16 : memref<80x64xf32, #tpu.memory_space<vmem>>)
      "tpu.region"() ({
        %run_scoped3A_905 = tpu.sem_alloc : memref<!tpu.dma_semaphore, #tpu.memory_space<semaphore_mem>>
        %dma_start3A_906 = arith.constant 0 : i32
        %dma_start3A_907 = tpu.memref_slice %arg13[%add3A_828, %dma_start3A_906] : memref<125x80xi32, #tpu.memory_space<vmem>> -> memref<1x80xi32, #tpu.memory_space<vmem>>
        %dma_start3A_908 = tpu.memref_squeeze %dma_start3A_907 : memref<1x80xi32, #tpu.memory_space<vmem>> -> memref<80xi32, #tpu.memory_space<vmem>>
        %dma_start3A_909 = arith.constant 0 : i32
        %dma_start3A_910 = arith.constant 0 : i32
        %dma_start3A_911 = tpu.memref_slice %arg25[%dma_start3A_909, %dma_start3A_910] : memref<10240x64xf32, #tpu.memory_space<vmem_shared>> -> memref<10240x64xf32, #tpu.memory_space<vmem_shared>>
        tpu.enqueue_indirect_dma source(%arg16 : memref<80x64xf32, #tpu.memory_space<vmem>>) target(%dma_start3A_911 : memref<10240x64xf32, #tpu.memory_space<vmem_shared>>) offsets(%dma_start3A_908 : memref<80xi32, #tpu.memory_space<vmem>>) semaphore(%run_scoped3A_905 : memref<!tpu.dma_semaphore, #tpu.memory_space<semaphore_mem>>) {add = true}
        %dma_wait3A_912 = arith.constant 0 : i32
        %dma_wait3A_913 = tpu.memref_slice %arg13[%add3A_828, %dma_wait3A_912] : memref<125x80xi32, #tpu.memory_space<vmem>> -> memref<1x80xi32, #tpu.memory_space<vmem>>
        %dma_wait3A_914 = tpu.memref_squeeze %dma_wait3A_913 : memref<1x80xi32, #tpu.memory_space<vmem>> -> memref<80xi32, #tpu.memory_space<vmem>>
        %dma_wait3A_915 = arith.constant 0 : i32
        %dma_wait3A_916 = arith.constant 0 : i32
        %dma_wait3A_917 = tpu.memref_slice %arg25[%dma_wait3A_915, %dma_wait3A_916] : memref<10240x64xf32, #tpu.memory_space<vmem_shared>> -> memref<10240x64xf32, #tpu.memory_space<vmem_shared>>
        tpu.wait_indirect_dma semaphore(%run_scoped3A_905 : memref<!tpu.dma_semaphore, #tpu.memory_space<semaphore_mem>>) src(%arg16 : memref<80x64xf32, #tpu.memory_space<vmem>>) dst(%dma_wait3A_917 : memref<10240x64xf32, #tpu.memory_space<vmem_shared>>)
        tpu.yield
      }) : () -> ()
      %add3A_839 = arith.constant 5 : i32
      %add3A_840 = arith.addi %mul3A_774, %add3A_839 : i32
      %add3A_841 = arith.constant 2 : i32
      %add3A_842 = arith.addi %add3A_840, %add3A_841 : i32
      %dma_start3A_843 = arith.constant 0 : i32
      %dma_start3A_844 = tpu.memref_slice %arg12[%add3A_842, %dma_start3A_843] : memref<125x80xi32, #tpu.memory_space<vmem>> -> memref<1x80xi32, #tpu.memory_space<vmem>>
      %dma_start3A_845 = tpu.memref_squeeze %dma_start3A_844 : memref<1x80xi32, #tpu.memory_space<vmem>> -> memref<80xi32, #tpu.memory_space<vmem>>
      %dma_start3A_846 = arith.constant 0 : i32
      %dma_start3A_847 = arith.constant 0 : i32
      %dma_start3A_848 = tpu.memref_slice %arg2[%arg0, %dma_start3A_846, %dma_start3A_847] : memref<2x10000x64xf32, #tpu.memory_space<hbm>> -> memref<1x10000x64xf32, #tpu.memory_space<hbm>>
      %dma_start3A_849 = tpu.memref_squeeze %dma_start3A_848 : memref<1x10000x64xf32, #tpu.memory_space<hbm>> -> memref<10000x64xf32, #tpu.memory_space<hbm>>
      %dma_start3A_850 = arith.constant 0 : i32
      %dma_start3A_851 = arith.constant 0 : i32
      %dma_start3A_852 = tpu.memref_slice %dma_start3A_849[%dma_start3A_850, %dma_start3A_851] : memref<10000x64xf32, #tpu.memory_space<hbm>> -> memref<10000x64xf32, #tpu.memory_space<hbm>>
      tpu.enqueue_indirect_dma source(%dma_start3A_852 : memref<10000x64xf32, #tpu.memory_space<hbm>>) target(%arg16 : memref<80x64xf32, #tpu.memory_space<vmem>>) offsets(%dma_start3A_845 : memref<80xi32, #tpu.memory_space<vmem>>) semaphore(%arg29 : memref<!tpu.dma_semaphore, #tpu.memory_space<semaphore_mem>>)
      %add3A_853 = arith.constant 3 : i32
      %add3A_854 = arith.addi %mul3A_774, %add3A_853 : i32
      %dma_wait3A_855 = arith.constant 0 : i32
      %dma_wait3A_856 = tpu.memref_slice %arg12[%add3A_854, %dma_wait3A_855] : memref<125x80xi32, #tpu.memory_space<vmem>> -> memref<1x80xi32, #tpu.memory_space<vmem>>
      %dma_wait3A_857 = tpu.memref_squeeze %dma_wait3A_856 : memref<1x80xi32, #tpu.memory_space<vmem>> -> memref<80xi32, #tpu.memory_space<vmem>>
      %dma_wait3A_858 = arith.constant 0 : i32
      %dma_wait3A_859 = arith.constant 0 : i32
      %dma_wait3A_860 = tpu.memref_slice %arg2[%arg0, %dma_wait3A_858, %dma_wait3A_859] : memref<2x10000x64xf32, #tpu.memory_space<hbm>> -> memref<1x10000x64xf32, #tpu.memory_space<hbm>>
      %dma_wait3A_861 = tpu.memref_squeeze %dma_wait3A_860 : memref<1x10000x64xf32, #tpu.memory_space<hbm>> -> memref<10000x64xf32, #tpu.memory_space<hbm>>
      %dma_wait3A_862 = arith.constant 0 : i32
      %dma_wait3A_863 = arith.constant 0 : i32
      %dma_wait3A_864 = tpu.memref_slice %dma_wait3A_861[%dma_wait3A_862, %dma_wait3A_863] : memref<10000x64xf32, #tpu.memory_space<hbm>> -> memref<10000x64xf32, #tpu.memory_space<hbm>>
      tpu.wait_indirect_dma semaphore(%arg30 : memref<!tpu.dma_semaphore, #tpu.memory_space<semaphore_mem>>) src(%dma_wait3A_864 : memref<10000x64xf32, #tpu.memory_space<hbm>>) dst(%arg17 : memref<80x64xf32, #tpu.memory_space<vmem>>)
      "tpu.region"() ({
        %run_scoped3A_905 = tpu.sem_alloc : memref<!tpu.dma_semaphore, #tpu.memory_space<semaphore_mem>>
        %dma_start3A_906 = arith.constant 0 : i32
        %dma_start3A_907 = tpu.memref_slice %arg13[%add3A_854, %dma_start3A_906] : memref<125x80xi32, #tpu.memory_space<vmem>> -> memref<1x80xi32, #tpu.memory_space<vmem>>
        %dma_start3A_908 = tpu.memref_squeeze %dma_start3A_907 : memref<1x80xi32, #tpu.memory_space<vmem>> -> memref<80xi32, #tpu.memory_space<vmem>>
        %dma_start3A_909 = arith.constant 0 : i32
        %dma_start3A_910 = arith.constant 0 : i32
        %dma_start3A_911 = tpu.memref_slice %arg25[%dma_start3A_909, %dma_start3A_910] : memref<10240x64xf32, #tpu.memory_space<vmem_shared>> -> memref<10240x64xf32, #tpu.memory_space<vmem_shared>>
        tpu.enqueue_indirect_dma source(%arg17 : memref<80x64xf32, #tpu.memory_space<vmem>>) target(%dma_start3A_911 : memref<10240x64xf32, #tpu.memory_space<vmem_shared>>) offsets(%dma_start3A_908 : memref<80xi32, #tpu.memory_space<vmem>>) semaphore(%run_scoped3A_905 : memref<!tpu.dma_semaphore, #tpu.memory_space<semaphore_mem>>) {add = true}
        %dma_wait3A_912 = arith.constant 0 : i32
        %dma_wait3A_913 = tpu.memref_slice %arg13[%add3A_854, %dma_wait3A_912] : memref<125x80xi32, #tpu.memory_space<vmem>> -> memref<1x80xi32, #tpu.memory_space<vmem>>
        %dma_wait3A_914 = tpu.memref_squeeze %dma_wait3A_913 : memref<1x80xi32, #tpu.memory_space<vmem>> -> memref<80xi32, #tpu.memory_space<vmem>>
        %dma_wait3A_915 = arith.constant 0 : i32
        %dma_wait3A_916 = arith.constant 0 : i32
        %dma_wait3A_917 = tpu.memref_slice %arg25[%dma_wait3A_915, %dma_wait3A_916] : memref<10240x64xf32, #tpu.memory_space<vmem_shared>> -> memref<10240x64xf32, #tpu.memory_space<vmem_shared>>
        tpu.wait_indirect_dma semaphore(%run_scoped3A_905 : memref<!tpu.dma_semaphore, #tpu.memory_space<semaphore_mem>>) src(%arg17 : memref<80x64xf32, #tpu.memory_space<vmem>>) dst(%dma_wait3A_917 : memref<10240x64xf32, #tpu.memory_space<vmem_shared>>)
        tpu.yield
      }) : () -> ()
      %add3A_865 = arith.constant 5 : i32
      %add3A_866 = arith.addi %mul3A_774, %add3A_865 : i32
      %add3A_867 = arith.constant 3 : i32
      %add3A_868 = arith.addi %add3A_866, %add3A_867 : i32
      %dma_start3A_869 = arith.constant 0 : i32
      %dma_start3A_870 = tpu.memref_slice %arg12[%add3A_868, %dma_start3A_869] : memref<125x80xi32, #tpu.memory_space<vmem>> -> memref<1x80xi32, #tpu.memory_space<vmem>>
      %dma_start3A_871 = tpu.memref_squeeze %dma_start3A_870 : memref<1x80xi32, #tpu.memory_space<vmem>> -> memref<80xi32, #tpu.memory_space<vmem>>
      %dma_start3A_872 = arith.constant 0 : i32
      %dma_start3A_873 = arith.constant 0 : i32
      %dma_start3A_874 = tpu.memref_slice %arg2[%arg0, %dma_start3A_872, %dma_start3A_873] : memref<2x10000x64xf32, #tpu.memory_space<hbm>> -> memref<1x10000x64xf32, #tpu.memory_space<hbm>>
      %dma_start3A_875 = tpu.memref_squeeze %dma_start3A_874 : memref<1x10000x64xf32, #tpu.memory_space<hbm>> -> memref<10000x64xf32, #tpu.memory_space<hbm>>
      %dma_start3A_876 = arith.constant 0 : i32
      %dma_start3A_877 = arith.constant 0 : i32
      %dma_start3A_878 = tpu.memref_slice %dma_start3A_875[%dma_start3A_876, %dma_start3A_877] : memref<10000x64xf32, #tpu.memory_space<hbm>> -> memref<10000x64xf32, #tpu.memory_space<hbm>>
      tpu.enqueue_indirect_dma source(%dma_start3A_878 : memref<10000x64xf32, #tpu.memory_space<hbm>>) target(%arg17 : memref<80x64xf32, #tpu.memory_space<vmem>>) offsets(%dma_start3A_871 : memref<80xi32, #tpu.memory_space<vmem>>) semaphore(%arg30 : memref<!tpu.dma_semaphore, #tpu.memory_space<semaphore_mem>>)
      %add3A_879 = arith.constant 4 : i32
      %add3A_880 = arith.addi %mul3A_774, %add3A_879 : i32
      %dma_wait3A_881 = arith.constant 0 : i32
      %dma_wait3A_882 = tpu.memref_slice %arg12[%add3A_880, %dma_wait3A_881] : memref<125x80xi32, #tpu.memory_space<vmem>> -> memref<1x80xi32, #tpu.memory_space<vmem>>
      %dma_wait3A_883 = tpu.memref_squeeze %dma_wait3A_882 : memref<1x80xi32, #tpu.memory_space<vmem>> -> memref<80xi32, #tpu.memory_space<vmem>>
      %dma_wait3A_884 = arith.constant 0 : i32
      %dma_wait3A_885 = arith.constant 0 : i32
      %dma_wait3A_886 = tpu.memref_slice %arg2[%arg0, %dma_wait3A_884, %dma_wait3A_885] : memref<2x10000x64xf32, #tpu.memory_space<hbm>> -> memref<1x10000x64xf32, #tpu.memory_space<hbm>>
      %dma_wait3A_887 = tpu.memref_squeeze %dma_wait3A_886 : memref<1x10000x64xf32, #tpu.memory_space<hbm>> -> memref<10000x64xf32, #tpu.memory_space<hbm>>
      %dma_wait3A_888 = arith.constant 0 : i32
      %dma_wait3A_889 = arith.constant 0 : i32
      %dma_wait3A_890 = tpu.memref_slice %dma_wait3A_887[%dma_wait3A_888, %dma_wait3A_889] : memref<10000x64xf32, #tpu.memory_space<hbm>> -> memref<10000x64xf32, #tpu.memory_space<hbm>>
      tpu.wait_indirect_dma semaphore(%arg31 : memref<!tpu.dma_semaphore, #tpu.memory_space<semaphore_mem>>) src(%dma_wait3A_890 : memref<10000x64xf32, #tpu.memory_space<hbm>>) dst(%arg18 : memref<80x64xf32, #tpu.memory_space<vmem>>)
      "tpu.region"() ({
        %run_scoped3A_905 = tpu.sem_alloc : memref<!tpu.dma_semaphore, #tpu.memory_space<semaphore_mem>>
        %dma_start3A_906 = arith.constant 0 : i32
        %dma_start3A_907 = tpu.memref_slice %arg13[%add3A_880, %dma_start3A_906] : memref<125x80xi32, #tpu.memory_space<vmem>> -> memref<1x80xi32, #tpu.memory_space<vmem>>
        %dma_start3A_908 = tpu.memref_squeeze %dma_start3A_907 : memref<1x80xi32, #tpu.memory_space<vmem>> -> memref<80xi32, #tpu.memory_space<vmem>>
        %dma_start3A_909 = arith.constant 0 : i32
        %dma_start3A_910 = arith.constant 0 : i32
        %dma_start3A_911 = tpu.memref_slice %arg25[%dma_start3A_909, %dma_start3A_910] : memref<10240x64xf32, #tpu.memory_space<vmem_shared>> -> memref<10240x64xf32, #tpu.memory_space<vmem_shared>>
        tpu.enqueue_indirect_dma source(%arg18 : memref<80x64xf32, #tpu.memory_space<vmem>>) target(%dma_start3A_911 : memref<10240x64xf32, #tpu.memory_space<vmem_shared>>) offsets(%dma_start3A_908 : memref<80xi32, #tpu.memory_space<vmem>>) semaphore(%run_scoped3A_905 : memref<!tpu.dma_semaphore, #tpu.memory_space<semaphore_mem>>) {add = true}
        %dma_wait3A_912 = arith.constant 0 : i32
        %dma_wait3A_913 = tpu.memref_slice %arg13[%add3A_880, %dma_wait3A_912] : memref<125x80xi32, #tpu.memory_space<vmem>> -> memref<1x80xi32, #tpu.memory_space<vmem>>
        %dma_wait3A_914 = tpu.memref_squeeze %dma_wait3A_913 : memref<1x80xi32, #tpu.memory_space<vmem>> -> memref<80xi32, #tpu.memory_space<vmem>>
        %dma_wait3A_915 = arith.constant 0 : i32
        %dma_wait3A_916 = arith.constant 0 : i32
        %dma_wait3A_917 = tpu.memref_slice %arg25[%dma_wait3A_915, %dma_wait3A_916] : memref<10240x64xf32, #tpu.memory_space<vmem_shared>> -> memref<10240x64xf32, #tpu.memory_space<vmem_shared>>
        tpu.wait_indirect_dma semaphore(%run_scoped3A_905 : memref<!tpu.dma_semaphore, #tpu.memory_space<semaphore_mem>>) src(%arg18 : memref<80x64xf32, #tpu.memory_space<vmem>>) dst(%dma_wait3A_917 : memref<10240x64xf32, #tpu.memory_space<vmem_shared>>)
        tpu.yield
      }) : () -> ()
      %add3A_891 = arith.constant 5 : i32
      %add3A_892 = arith.addi %mul3A_774, %add3A_891 : i32
      %add3A_893 = arith.constant 4 : i32
      %add3A_894 = arith.addi %add3A_892, %add3A_893 : i32
      %dma_start3A_895 = arith.constant 0 : i32
      %dma_start3A_896 = tpu.memref_slice %arg12[%add3A_894, %dma_start3A_895] : memref<125x80xi32, #tpu.memory_space<vmem>> -> memref<1x80xi32, #tpu.memory_space<vmem>>
      %dma_start3A_897 = tpu.memref_squeeze %dma_start3A_896 : memref<1x80xi32, #tpu.memory_space<vmem>> -> memref<80xi32, #tpu.memory_space<vmem>>
      %dma_start3A_898 = arith.constant 0 : i32
      %dma_start3A_899 = arith.constant 0 : i32
      %dma_start3A_900 = tpu.memref_slice %arg2[%arg0, %dma_start3A_898, %dma_start3A_899] : memref<2x10000x64xf32, #tpu.memory_space<hbm>> -> memref<1x10000x64xf32, #tpu.memory_space<hbm>>
      %dma_start3A_901 = tpu.memref_squeeze %dma_start3A_900 : memref<1x10000x64xf32, #tpu.memory_space<hbm>> -> memref<10000x64xf32, #tpu.memory_space<hbm>>
      %dma_start3A_902 = arith.constant 0 : i32
      %dma_start3A_903 = arith.constant 0 : i32
      %dma_start3A_904 = tpu.memref_slice %dma_start3A_901[%dma_start3A_902, %dma_start3A_903] : memref<10000x64xf32, #tpu.memory_space<hbm>> -> memref<10000x64xf32, #tpu.memory_space<hbm>>
      tpu.enqueue_indirect_dma source(%dma_start3A_904 : memref<10000x64xf32, #tpu.memory_space<hbm>>) target(%arg18 : memref<80x64xf32, #tpu.memory_space<vmem>>) offsets(%dma_start3A_897 : memref<80xi32, #tpu.memory_space<vmem>>) semaphore(%arg31 : memref<!tpu.dma_semaphore, #tpu.memory_space<semaphore_mem>>)
    }
    %scan3A_678 = arith.constant 24 : i32
    %dma_wait3A_679 = arith.constant 120 : i32
    %dma_wait3A_680 = arith.constant 0 : i32
    %dma_wait3A_681 = tpu.memref_slice %arg12[%dma_wait3A_679, %dma_wait3A_680] : memref<125x80xi32, #tpu.memory_space<vmem>> -> memref<1x80xi32, #tpu.memory_space<vmem>>
    %dma_wait3A_682 = tpu.memref_squeeze %dma_wait3A_681 : memref<1x80xi32, #tpu.memory_space<vmem>> -> memref<80xi32, #tpu.memory_space<vmem>>
    %dma_wait3A_683 = arith.constant 0 : i32
    %dma_wait3A_684 = arith.constant 0 : i32
    %dma_wait3A_685 = tpu.memref_slice %arg2[%arg0, %dma_wait3A_683, %dma_wait3A_684] : memref<2x10000x64xf32, #tpu.memory_space<hbm>> -> memref<1x10000x64xf32, #tpu.memory_space<hbm>>
    %dma_wait3A_686 = tpu.memref_squeeze %dma_wait3A_685 : memref<1x10000x64xf32, #tpu.memory_space<hbm>> -> memref<10000x64xf32, #tpu.memory_space<hbm>>
    %dma_wait3A_687 = arith.constant 0 : i32
    %dma_wait3A_688 = arith.constant 0 : i32
    %dma_wait3A_689 = tpu.memref_slice %dma_wait3A_686[%dma_wait3A_687, %dma_wait3A_688] : memref<10000x64xf32, #tpu.memory_space<hbm>> -> memref<10000x64xf32, #tpu.memory_space<hbm>>
    tpu.wait_indirect_dma semaphore(%arg27 : memref<!tpu.dma_semaphore, #tpu.memory_space<semaphore_mem>>) src(%dma_wait3A_689 : memref<10000x64xf32, #tpu.memory_space<hbm>>) dst(%arg14 : memref<80x64xf32, #tpu.memory_space<vmem>>)
    %run_scoped3A_690 = arith.constant 120 : i32
    "tpu.region"() ({
      %run_scoped3A_772 = tpu.sem_alloc : memref<!tpu.dma_semaphore, #tpu.memory_space<semaphore_mem>>
      %dma_start3A_773 = arith.constant 0 : i32
      %dma_start3A_774 = tpu.memref_slice %arg13[%run_scoped3A_690, %dma_start3A_773] : memref<125x80xi32, #tpu.memory_space<vmem>> -> memref<1x80xi32, #tpu.memory_space<vmem>>
      %dma_start3A_775 = tpu.memref_squeeze %dma_start3A_774 : memref<1x80xi32, #tpu.memory_space<vmem>> -> memref<80xi32, #tpu.memory_space<vmem>>
      %dma_start3A_776 = arith.constant 0 : i32
      %dma_start3A_777 = arith.constant 0 : i32
      %dma_start3A_778 = tpu.memref_slice %arg25[%dma_start3A_776, %dma_start3A_777] : memref<10240x64xf32, #tpu.memory_space<vmem_shared>> -> memref<10240x64xf32, #tpu.memory_space<vmem_shared>>
      tpu.enqueue_indirect_dma source(%arg14 : memref<80x64xf32, #tpu.memory_space<vmem>>) target(%dma_start3A_778 : memref<10240x64xf32, #tpu.memory_space<vmem_shared>>) offsets(%dma_start3A_775 : memref<80xi32, #tpu.memory_space<vmem>>) semaphore(%run_scoped3A_772 : memref<!tpu.dma_semaphore, #tpu.memory_space<semaphore_mem>>) {add = true}
      %dma_wait3A_779 = arith.constant 0 : i32
      %dma_wait3A_780 = tpu.memref_slice %arg13[%run_scoped3A_690, %dma_wait3A_779] : memref<125x80xi32, #tpu.memory_space<vmem>> -> memref<1x80xi32, #tpu.memory_space<vmem>>
      %dma_wait3A_781 = tpu.memref_squeeze %dma_wait3A_780 : memref<1x80xi32, #tpu.memory_space<vmem>> -> memref<80xi32, #tpu.memory_space<vmem>>
      %dma_wait3A_782 = arith.constant 0 : i32
      %dma_wait3A_783 = arith.constant 0 : i32
      %dma_wait3A_784 = tpu.memref_slice %arg25[%dma_wait3A_782, %dma_wait3A_783] : memref<10240x64xf32, #tpu.memory_space<vmem_shared>> -> memref<10240x64xf32, #tpu.memory_space<vmem_shared>>
      tpu.wait_indirect_dma semaphore(%run_scoped3A_772 : memref<!tpu.dma_semaphore, #tpu.memory_space<semaphore_mem>>) src(%arg14 : memref<80x64xf32, #tpu.memory_space<vmem>>) dst(%dma_wait3A_784 : memref<10240x64xf32, #tpu.memory_space<vmem_shared>>)
      tpu.yield
    }) : () -> ()
    %dma_wait3A_691 = arith.constant 121 : i32
    %dma_wait3A_692 = arith.constant 0 : i32
    %dma_wait3A_693 = tpu.memref_slice %arg12[%dma_wait3A_691, %dma_wait3A_692] : memref<125x80xi32, #tpu.memory_space<vmem>> -> memref<1x80xi32, #tpu.memory_space<vmem>>
    %dma_wait3A_694 = tpu.memref_squeeze %dma_wait3A_693 : memref<1x80xi32, #tpu.memory_space<vmem>> -> memref<80xi32, #tpu.memory_space<vmem>>
    %dma_wait3A_695 = arith.constant 0 : i32
    %dma_wait3A_696 = arith.constant 0 : i32
    %dma_wait3A_697 = tpu.memref_slice %arg2[%arg0, %dma_wait3A_695, %dma_wait3A_696] : memref<2x10000x64xf32, #tpu.memory_space<hbm>> -> memref<1x10000x64xf32, #tpu.memory_space<hbm>>
    %dma_wait3A_698 = tpu.memref_squeeze %dma_wait3A_697 : memref<1x10000x64xf32, #tpu.memory_space<hbm>> -> memref<10000x64xf32, #tpu.memory_space<hbm>>
    %dma_wait3A_699 = arith.constant 0 : i32
    %dma_wait3A_700 = arith.constant 0 : i32
    %dma_wait3A_701 = tpu.memref_slice %dma_wait3A_698[%dma_wait3A_699, %dma_wait3A_700] : memref<10000x64xf32, #tpu.memory_space<hbm>> -> memref<10000x64xf32, #tpu.memory_space<hbm>>
    tpu.wait_indirect_dma semaphore(%arg28 : memref<!tpu.dma_semaphore, #tpu.memory_space<semaphore_mem>>) src(%dma_wait3A_701 : memref<10000x64xf32, #tpu.memory_space<hbm>>) dst(%arg15 : memref<80x64xf32, #tpu.memory_space<vmem>>)
    %run_scoped3A_702 = arith.constant 121 : i32
    "tpu.region"() ({
      %run_scoped3A_772 = tpu.sem_alloc : memref<!tpu.dma_semaphore, #tpu.memory_space<semaphore_mem>>
      %dma_start3A_773 = arith.constant 0 : i32
      %dma_start3A_774 = tpu.memref_slice %arg13[%run_scoped3A_702, %dma_start3A_773] : memref<125x80xi32, #tpu.memory_space<vmem>> -> memref<1x80xi32, #tpu.memory_space<vmem>>
      %dma_start3A_775 = tpu.memref_squeeze %dma_start3A_774 : memref<1x80xi32, #tpu.memory_space<vmem>> -> memref<80xi32, #tpu.memory_space<vmem>>
      %dma_start3A_776 = arith.constant 0 : i32
      %dma_start3A_777 = arith.constant 0 : i32
      %dma_start3A_778 = tpu.memref_slice %arg25[%dma_start3A_776, %dma_start3A_777] : memref<10240x64xf32, #tpu.memory_space<vmem_shared>> -> memref<10240x64xf32, #tpu.memory_space<vmem_shared>>
      tpu.enqueue_indirect_dma source(%arg15 : memref<80x64xf32, #tpu.memory_space<vmem>>) target(%dma_start3A_778 : memref<10240x64xf32, #tpu.memory_space<vmem_shared>>) offsets(%dma_start3A_775 : memref<80xi32, #tpu.memory_space<vmem>>) semaphore(%run_scoped3A_772 : memref<!tpu.dma_semaphore, #tpu.memory_space<semaphore_mem>>) {add = true}
      %dma_wait3A_779 = arith.constant 0 : i32
      %dma_wait3A_780 = tpu.memref_slice %arg13[%run_scoped3A_702, %dma_wait3A_779] : memref<125x80xi32, #tpu.memory_space<vmem>> -> memref<1x80xi32, #tpu.memory_space<vmem>>
      %dma_wait3A_781 = tpu.memref_squeeze %dma_wait3A_780 : memref<1x80xi32, #tpu.memory_space<vmem>> -> memref<80xi32, #tpu.memory_space<vmem>>
      %dma_wait3A_782 = arith.constant 0 : i32
      %dma_wait3A_783 = arith.constant 0 : i32
      %dma_wait3A_784 = tpu.memref_slice %arg25[%dma_wait3A_782, %dma_wait3A_783] : memref<10240x64xf32, #tpu.memory_space<vmem_shared>> -> memref<10240x64xf32, #tpu.memory_space<vmem_shared>>
      tpu.wait_indirect_dma semaphore(%run_scoped3A_772 : memref<!tpu.dma_semaphore, #tpu.memory_space<semaphore_mem>>) src(%arg15 : memref<80x64xf32, #tpu.memory_space<vmem>>) dst(%dma_wait3A_784 : memref<10240x64xf32, #tpu.memory_space<vmem_shared>>)
      tpu.yield
    }) : () -> ()
    %dma_wait3A_703 = arith.constant 122 : i32
    %dma_wait3A_704 = arith.constant 0 : i32
    %dma_wait3A_705 = tpu.memref_slice %arg12[%dma_wait3A_703, %dma_wait3A_704] : memref<125x80xi32, #tpu.memory_space<vmem>> -> memref<1x80xi32, #tpu.memory_space<vmem>>
    %dma_wait3A_706 = tpu.memref_squeeze %dma_wait3A_705 : memref<1x80xi32, #tpu.memory_space<vmem>> -> memref<80xi32, #tpu.memory_space<vmem>>
    %dma_wait3A_707 = arith.constant 0 : i32
    %dma_wait3A_708 = arith.constant 0 : i32
    %dma_wait3A_709 = tpu.memref_slice %arg2[%arg0, %dma_wait3A_707, %dma_wait3A_708] : memref<2x10000x64xf32, #tpu.memory_space<hbm>> -> memref<1x10000x64xf32, #tpu.memory_space<hbm>>
    %dma_wait3A_710 = tpu.memref_squeeze %dma_wait3A_709 : memref<1x10000x64xf32, #tpu.memory_space<hbm>> -> memref<10000x64xf32, #tpu.memory_space<hbm>>
    %dma_wait3A_711 = arith.constant 0 : i32
    %dma_wait3A_712 = arith.constant 0 : i32
    %dma_wait3A_713 = tpu.memref_slice %dma_wait3A_710[%dma_wait3A_711, %dma_wait3A_712] : memref<10000x64xf32, #tpu.memory_space<hbm>> -> memref<10000x64xf32, #tpu.memory_space<hbm>>
    tpu.wait_indirect_dma semaphore(%arg29 : memref<!tpu.dma_semaphore, #tpu.memory_space<semaphore_mem>>) src(%dma_wait3A_713 : memref<10000x64xf32, #tpu.memory_space<hbm>>) dst(%arg16 : memref<80x64xf32, #tpu.memory_space<vmem>>)
    %run_scoped3A_714 = arith.constant 122 : i32
    "tpu.region"() ({
      %run_scoped3A_772 = tpu.sem_alloc : memref<!tpu.dma_semaphore, #tpu.memory_space<semaphore_mem>>
      %dma_start3A_773 = arith.constant 0 : i32
      %dma_start3A_774 = tpu.memref_slice %arg13[%run_scoped3A_714, %dma_start3A_773] : memref<125x80xi32, #tpu.memory_space<vmem>> -> memref<1x80xi32, #tpu.memory_space<vmem>>
      %dma_start3A_775 = tpu.memref_squeeze %dma_start3A_774 : memref<1x80xi32, #tpu.memory_space<vmem>> -> memref<80xi32, #tpu.memory_space<vmem>>
      %dma_start3A_776 = arith.constant 0 : i32
      %dma_start3A_777 = arith.constant 0 : i32
      %dma_start3A_778 = tpu.memref_slice %arg25[%dma_start3A_776, %dma_start3A_777] : memref<10240x64xf32, #tpu.memory_space<vmem_shared>> -> memref<10240x64xf32, #tpu.memory_space<vmem_shared>>
      tpu.enqueue_indirect_dma source(%arg16 : memref<80x64xf32, #tpu.memory_space<vmem>>) target(%dma_start3A_778 : memref<10240x64xf32, #tpu.memory_space<vmem_shared>>) offsets(%dma_start3A_775 : memref<80xi32, #tpu.memory_space<vmem>>) semaphore(%run_scoped3A_772 : memref<!tpu.dma_semaphore, #tpu.memory_space<semaphore_mem>>) {add = true}
      %dma_wait3A_779 = arith.constant 0 : i32
      %dma_wait3A_780 = tpu.memref_slice %arg13[%run_scoped3A_714, %dma_wait3A_779] : memref<125x80xi32, #tpu.memory_space<vmem>> -> memref<1x80xi32, #tpu.memory_space<vmem>>
      %dma_wait3A_781 = tpu.memref_squeeze %dma_wait3A_780 : memref<1x80xi32, #tpu.memory_space<vmem>> -> memref<80xi32, #tpu.memory_space<vmem>>
      %dma_wait3A_782 = arith.constant 0 : i32
      %dma_wait3A_783 = arith.constant 0 : i32
      %dma_wait3A_784 = tpu.memref_slice %arg25[%dma_wait3A_782, %dma_wait3A_783] : memref<10240x64xf32, #tpu.memory_space<vmem_shared>> -> memref<10240x64xf32, #tpu.memory_space<vmem_shared>>
      tpu.wait_indirect_dma semaphore(%run_scoped3A_772 : memref<!tpu.dma_semaphore, #tpu.memory_space<semaphore_mem>>) src(%arg16 : memref<80x64xf32, #tpu.memory_space<vmem>>) dst(%dma_wait3A_784 : memref<10240x64xf32, #tpu.memory_space<vmem_shared>>)
      tpu.yield
    }) : () -> ()
    %dma_wait3A_715 = arith.constant 123 : i32
    %dma_wait3A_716 = arith.constant 0 : i32
    %dma_wait3A_717 = tpu.memref_slice %arg12[%dma_wait3A_715, %dma_wait3A_716] : memref<125x80xi32, #tpu.memory_space<vmem>> -> memref<1x80xi32, #tpu.memory_space<vmem>>
    %dma_wait3A_718 = tpu.memref_squeeze %dma_wait3A_717 : memref<1x80xi32, #tpu.memory_space<vmem>> -> memref<80xi32, #tpu.memory_space<vmem>>
    %dma_wait3A_719 = arith.constant 0 : i32
    %dma_wait3A_720 = arith.constant 0 : i32
    %dma_wait3A_721 = tpu.memref_slice %arg2[%arg0, %dma_wait3A_719, %dma_wait3A_720] : memref<2x10000x64xf32, #tpu.memory_space<hbm>> -> memref<1x10000x64xf32, #tpu.memory_space<hbm>>
    %dma_wait3A_722 = tpu.memref_squeeze %dma_wait3A_721 : memref<1x10000x64xf32, #tpu.memory_space<hbm>> -> memref<10000x64xf32, #tpu.memory_space<hbm>>
    %dma_wait3A_723 = arith.constant 0 : i32
    %dma_wait3A_724 = arith.constant 0 : i32
    %dma_wait3A_725 = tpu.memref_slice %dma_wait3A_722[%dma_wait3A_723, %dma_wait3A_724] : memref<10000x64xf32, #tpu.memory_space<hbm>> -> memref<10000x64xf32, #tpu.memory_space<hbm>>
    tpu.wait_indirect_dma semaphore(%arg30 : memref<!tpu.dma_semaphore, #tpu.memory_space<semaphore_mem>>) src(%dma_wait3A_725 : memref<10000x64xf32, #tpu.memory_space<hbm>>) dst(%arg17 : memref<80x64xf32, #tpu.memory_space<vmem>>)
    %run_scoped3A_726 = arith.constant 123 : i32
    "tpu.region"() ({
      %run_scoped3A_772 = tpu.sem_alloc : memref<!tpu.dma_semaphore, #tpu.memory_space<semaphore_mem>>
      %dma_start3A_773 = arith.constant 0 : i32
      %dma_start3A_774 = tpu.memref_slice %arg13[%run_scoped3A_726, %dma_start3A_773] : memref<125x80xi32, #tpu.memory_space<vmem>> -> memref<1x80xi32, #tpu.memory_space<vmem>>
      %dma_start3A_775 = tpu.memref_squeeze %dma_start3A_774 : memref<1x80xi32, #tpu.memory_space<vmem>> -> memref<80xi32, #tpu.memory_space<vmem>>
      %dma_start3A_776 = arith.constant 0 : i32
      %dma_start3A_777 = arith.constant 0 : i32
      %dma_start3A_778 = tpu.memref_slice %arg25[%dma_start3A_776, %dma_start3A_777] : memref<10240x64xf32, #tpu.memory_space<vmem_shared>> -> memref<10240x64xf32, #tpu.memory_space<vmem_shared>>
      tpu.enqueue_indirect_dma source(%arg17 : memref<80x64xf32, #tpu.memory_space<vmem>>) target(%dma_start3A_778 : memref<10240x64xf32, #tpu.memory_space<vmem_shared>>) offsets(%dma_start3A_775 : memref<80xi32, #tpu.memory_space<vmem>>) semaphore(%run_scoped3A_772 : memref<!tpu.dma_semaphore, #tpu.memory_space<semaphore_mem>>) {add = true}
      %dma_wait3A_779 = arith.constant 0 : i32
      %dma_wait3A_780 = tpu.memref_slice %arg13[%run_scoped3A_726, %dma_wait3A_779] : memref<125x80xi32, #tpu.memory_space<vmem>> -> memref<1x80xi32, #tpu.memory_space<vmem>>
      %dma_wait3A_781 = tpu.memref_squeeze %dma_wait3A_780 : memref<1x80xi32, #tpu.memory_space<vmem>> -> memref<80xi32, #tpu.memory_space<vmem>>
      %dma_wait3A_782 = arith.constant 0 : i32
      %dma_wait3A_783 = arith.constant 0 : i32
      %dma_wait3A_784 = tpu.memref_slice %arg25[%dma_wait3A_782, %dma_wait3A_783] : memref<10240x64xf32, #tpu.memory_space<vmem_shared>> -> memref<10240x64xf32, #tpu.memory_space<vmem_shared>>
      tpu.wait_indirect_dma semaphore(%run_scoped3A_772 : memref<!tpu.dma_semaphore, #tpu.memory_space<semaphore_mem>>) src(%arg17 : memref<80x64xf32, #tpu.memory_space<vmem>>) dst(%dma_wait3A_784 : memref<10240x64xf32, #tpu.memory_space<vmem_shared>>)
      tpu.yield
    }) : () -> ()
    %dma_wait3A_727 = arith.constant 124 : i32
    %dma_wait3A_728 = arith.constant 0 : i32
    %dma_wait3A_729 = tpu.memref_slice %arg12[%dma_wait3A_727, %dma_wait3A_728] : memref<125x80xi32, #tpu.memory_space<vmem>> -> memref<1x80xi32, #tpu.memory_space<vmem>>
    %dma_wait3A_730 = tpu.memref_squeeze %dma_wait3A_729 : memref<1x80xi32, #tpu.memory_space<vmem>> -> memref<80xi32, #tpu.memory_space<vmem>>
    %dma_wait3A_731 = arith.constant 0 : i32
    %dma_wait3A_732 = arith.constant 0 : i32
    %dma_wait3A_733 = tpu.memref_slice %arg2[%arg0, %dma_wait3A_731, %dma_wait3A_732] : memref<2x10000x64xf32, #tpu.memory_space<hbm>> -> memref<1x10000x64xf32, #tpu.memory_space<hbm>>
    %dma_wait3A_734 = tpu.memref_squeeze %dma_wait3A_733 : memref<1x10000x64xf32, #tpu.memory_space<hbm>> -> memref<10000x64xf32, #tpu.memory_space<hbm>>
    %dma_wait3A_735 = arith.constant 0 : i32
    %dma_wait3A_736 = arith.constant 0 : i32
    %dma_wait3A_737 = tpu.memref_slice %dma_wait3A_734[%dma_wait3A_735, %dma_wait3A_736] : memref<10000x64xf32, #tpu.memory_space<hbm>> -> memref<10000x64xf32, #tpu.memory_space<hbm>>
    tpu.wait_indirect_dma semaphore(%arg31 : memref<!tpu.dma_semaphore, #tpu.memory_space<semaphore_mem>>) src(%dma_wait3A_737 : memref<10000x64xf32, #tpu.memory_space<hbm>>) dst(%arg18 : memref<80x64xf32, #tpu.memory_space<vmem>>)
    %run_scoped3A_738 = arith.constant 124 : i32
    "tpu.region"() ({
      %run_scoped3A_772 = tpu.sem_alloc : memref<!tpu.dma_semaphore, #tpu.memory_space<semaphore_mem>>
      %dma_start3A_773 = arith.constant 0 : i32
      %dma_start3A_774 = tpu.memref_slice %arg13[%run_scoped3A_738, %dma_start3A_773] : memref<125x80xi32, #tpu.memory_space<vmem>> -> memref<1x80xi32, #tpu.memory_space<vmem>>
      %dma_start3A_775 = tpu.memref_squeeze %dma_start3A_774 : memref<1x80xi32, #tpu.memory_space<vmem>> -> memref<80xi32, #tpu.memory_space<vmem>>
      %dma_start3A_776 = arith.constant 0 : i32
      %dma_start3A_777 = arith.constant 0 : i32
      %dma_start3A_778 = tpu.memref_slice %arg25[%dma_start3A_776, %dma_start3A_777] : memref<10240x64xf32, #tpu.memory_space<vmem_shared>> -> memref<10240x64xf32, #tpu.memory_space<vmem_shared>>
      tpu.enqueue_indirect_dma source(%arg18 : memref<80x64xf32, #tpu.memory_space<vmem>>) target(%dma_start3A_778 : memref<10240x64xf32, #tpu.memory_space<vmem_shared>>) offsets(%dma_start3A_775 : memref<80xi32, #tpu.memory_space<vmem>>) semaphore(%run_scoped3A_772 : memref<!tpu.dma_semaphore, #tpu.memory_space<semaphore_mem>>) {add = true}
      %dma_wait3A_779 = arith.constant 0 : i32
      %dma_wait3A_780 = tpu.memref_slice %arg13[%run_scoped3A_738, %dma_wait3A_779] : memref<125x80xi32, #tpu.memory_space<vmem>> -> memref<1x80xi32, #tpu.memory_space<vmem>>
      %dma_wait3A_781 = tpu.memref_squeeze %dma_wait3A_780 : memref<1x80xi32, #tpu.memory_space<vmem>> -> memref<80xi32, #tpu.memory_space<vmem>>
      %dma_wait3A_782 = arith.constant 0 : i32
      %dma_wait3A_783 = arith.constant 0 : i32
      %dma_wait3A_784 = tpu.memref_slice %arg25[%dma_wait3A_782, %dma_wait3A_783] : memref<10240x64xf32, #tpu.memory_space<vmem_shared>> -> memref<10240x64xf32, #tpu.memory_space<vmem_shared>>
      tpu.wait_indirect_dma semaphore(%run_scoped3A_772 : memref<!tpu.dma_semaphore, #tpu.memory_space<semaphore_mem>>) src(%arg18 : memref<80x64xf32, #tpu.memory_space<vmem>>) dst(%dma_wait3A_784 : memref<10240x64xf32, #tpu.memory_space<vmem_shared>>)
      tpu.yield
    }) : () -> ()
    %barrier3A_739 = arith.constant 0 : index
    tpu.barrier barrier_id(%barrier3A_739)
    %add3A_740 = arith.constant 0 : i32
    %add3A_741 = arith.addi %mul3A_0, %add3A_740 : i32
    "tpu.region"() ({
      %run_scoped3A_772 = tpu.sem_alloc : memref<!tpu.dma_semaphore, #tpu.memory_space<semaphore_mem>>
      %dma_start3A_773 = arith.constant 0 : i32
      %dma_start3A_774 = tpu.memref_slice %arg25[%add3A_741, %dma_start3A_773] : memref<10240x64xf32, #tpu.memory_space<vmem_shared>> -> memref<160x64xf32, #tpu.memory_space<vmem_shared>>
      %dma_start3A_775 = arith.constant 0 : i32
      %dma_start3A_776 = tpu.memref_slice %arg25[%add3A_741, %dma_start3A_775] : memref<10240x64xf32, #tpu.memory_space<vmem_shared>> -> memref<160x64xf32, #tpu.memory_space<vmem_shared>>
      tpu.enqueue_dma source(%dma_start3A_776 : memref<160x64xf32, #tpu.memory_space<vmem_shared>>) target(%arg23 : memref<160x64xf32, #tpu.memory_space<vmem>>) target_semaphore(%run_scoped3A_772 : memref<!tpu.dma_semaphore, #tpu.memory_space<semaphore_mem>>)
      %dma_wait3A_777 = arith.constant 0 : i32
      %dma_wait3A_778 = tpu.memref_slice %arg25[%add3A_741, %dma_wait3A_777] : memref<10240x64xf32, #tpu.memory_space<vmem_shared>> -> memref<160x64xf32, #tpu.memory_space<vmem_shared>>
      %dma_wait3A_779 = arith.constant 0 : i32
      %dma_wait3A_780 = tpu.memref_slice %arg25[%add3A_741, %dma_wait3A_779] : memref<10240x64xf32, #tpu.memory_space<vmem_shared>> -> memref<160x64xf32, #tpu.memory_space<vmem_shared>>
      tpu.wait_dma2 semaphore(%run_scoped3A_772 : memref<!tpu.dma_semaphore, #tpu.memory_space<semaphore_mem>>) src(%dma_wait3A_780 : memref<160x64xf32, #tpu.memory_space<vmem_shared>>) dst(%arg23 : memref<160x64xf32, #tpu.memory_space<vmem>>)
      tpu.yield
    }) : () -> ()
    %add3A_742 = arith.constant 0 : i32
    %add3A_743 = arith.addi %mul3A_0, %add3A_742 : i32
    %mul3A_744 = arith.constant 64 : i32
    %mul3A_745 = arith.muli %arg0, %mul3A_744 : i32
    "tpu.region"() ({
      %run_scoped3A_772 = tpu.sem_alloc : memref<!tpu.dma_semaphore, #tpu.memory_space<semaphore_mem>>
      %dma_start3A_773 = tpu.memref_slice %arg10[%add3A_743, %mul3A_745] : memref<10240x128xf32, #tpu.memory_space<hbm>> -> memref<160x64xf32, #tpu.memory_space<hbm>>
      %dma_start3A_774 = tpu.memref_slice %arg10[%add3A_743, %mul3A_745] : memref<10240x128xf32, #tpu.memory_space<hbm>> -> memref<160x64xf32, #tpu.memory_space<hbm>>
      tpu.enqueue_dma source(%arg23 : memref<160x64xf32, #tpu.memory_space<vmem>>) target(%dma_start3A_774 : memref<160x64xf32, #tpu.memory_space<hbm>>) target_semaphore(%run_scoped3A_772 : memref<!tpu.dma_semaphore, #tpu.memory_space<semaphore_mem>>)
      %dma_wait3A_775 = tpu.memref_slice %arg10[%add3A_743, %mul3A_745] : memref<10240x128xf32, #tpu.memory_space<hbm>> -> memref<160x64xf32, #tpu.memory_space<hbm>>
      %dma_wait3A_776 = tpu.memref_slice %arg10[%add3A_743, %mul3A_745] : memref<10240x128xf32, #tpu.memory_space<hbm>> -> memref<160x64xf32, #tpu.memory_space<hbm>>
      tpu.wait_dma2 semaphore(%run_scoped3A_772 : memref<!tpu.dma_semaphore, #tpu.memory_space<semaphore_mem>>) src(%arg23 : memref<160x64xf32, #tpu.memory_space<vmem>>) dst(%dma_wait3A_776 : memref<160x64xf32, #tpu.memory_space<hbm>>)
      tpu.yield
    }) : () -> ()
    %add3A_746 = arith.constant 160 : i32
    %add3A_747 = arith.addi %mul3A_0, %add3A_746 : i32
    "tpu.region"() ({
      %run_scoped3A_772 = tpu.sem_alloc : memref<!tpu.dma_semaphore, #tpu.memory_space<semaphore_mem>>
      %dma_start3A_773 = arith.constant 0 : i32
      %dma_start3A_774 = tpu.memref_slice %arg25[%add3A_747, %dma_start3A_773] : memref<10240x64xf32, #tpu.memory_space<vmem_shared>> -> memref<160x64xf32, #tpu.memory_space<vmem_shared>>
      %dma_start3A_775 = arith.constant 0 : i32
      %dma_start3A_776 = tpu.memref_slice %arg25[%add3A_747, %dma_start3A_775] : memref<10240x64xf32, #tpu.memory_space<vmem_shared>> -> memref<160x64xf32, #tpu.memory_space<vmem_shared>>
      tpu.enqueue_dma source(%dma_start3A_776 : memref<160x64xf32, #tpu.memory_space<vmem_shared>>) target(%arg23 : memref<160x64xf32, #tpu.memory_space<vmem>>) target_semaphore(%run_scoped3A_772 : memref<!tpu.dma_semaphore, #tpu.memory_space<semaphore_mem>>)
      %dma_wait3A_777 = arith.constant 0 : i32
      %dma_wait3A_778 = tpu.memref_slice %arg25[%add3A_747, %dma_wait3A_777] : memref<10240x64xf32, #tpu.memory_space<vmem_shared>> -> memref<160x64xf32, #tpu.memory_space<vmem_shared>>
      %dma_wait3A_779 = arith.constant 0 : i32
      %dma_wait3A_780 = tpu.memref_slice %arg25[%add3A_747, %dma_wait3A_779] : memref<10240x64xf32, #tpu.memory_space<vmem_shared>> -> memref<160x64xf32, #tpu.memory_space<vmem_shared>>
      tpu.wait_dma2 semaphore(%run_scoped3A_772 : memref<!tpu.dma_semaphore, #tpu.memory_space<semaphore_mem>>) src(%dma_wait3A_780 : memref<160x64xf32, #tpu.memory_space<vmem_shared>>) dst(%arg23 : memref<160x64xf32, #tpu.memory_space<vmem>>)
      tpu.yield
    }) : () -> ()
    %add3A_748 = arith.constant 160 : i32
    %add3A_749 = arith.addi %mul3A_0, %add3A_748 : i32
    %mul3A_750 = arith.constant 64 : i32
    %mul3A_751 = arith.muli %arg0, %mul3A_750 : i32
    "tpu.region"() ({
      %run_scoped3A_772 = tpu.sem_alloc : memref<!tpu.dma_semaphore, #tpu.memory_space<semaphore_mem>>
      %dma_start3A_773 = tpu.memref_slice %arg10[%add3A_749, %mul3A_751] : memref<10240x128xf32, #tpu.memory_space<hbm>> -> memref<160x64xf32, #tpu.memory_space<hbm>>
      %dma_start3A_774 = tpu.memref_slice %arg10[%add3A_749, %mul3A_751] : memref<10240x128xf32, #tpu.memory_space<hbm>> -> memref<160x64xf32, #tpu.memory_space<hbm>>
      tpu.enqueue_dma source(%arg23 : memref<160x64xf32, #tpu.memory_space<vmem>>) target(%dma_start3A_774 : memref<160x64xf32, #tpu.memory_space<hbm>>) target_semaphore(%run_scoped3A_772 : memref<!tpu.dma_semaphore, #tpu.memory_space<semaphore_mem>>)
      %dma_wait3A_775 = tpu.memref_slice %arg10[%add3A_749, %mul3A_751] : memref<10240x128xf32, #tpu.memory_space<hbm>> -> memref<160x64xf32, #tpu.memory_space<hbm>>
      %dma_wait3A_776 = tpu.memref_slice %arg10[%add3A_749, %mul3A_751] : memref<10240x128xf32, #tpu.memory_space<hbm>> -> memref<160x64xf32, #tpu.memory_space<hbm>>
      tpu.wait_dma2 semaphore(%run_scoped3A_772 : memref<!tpu.dma_semaphore, #tpu.memory_space<semaphore_mem>>) src(%arg23 : memref<160x64xf32, #tpu.memory_space<vmem>>) dst(%dma_wait3A_776 : memref<160x64xf32, #tpu.memory_space<hbm>>)
      tpu.yield
    }) : () -> ()
    %add3A_752 = arith.constant 320 : i32
    %add3A_753 = arith.addi %mul3A_0, %add3A_752 : i32
    "tpu.region"() ({
      %run_scoped3A_772 = tpu.sem_alloc : memref<!tpu.dma_semaphore, #tpu.memory_space<semaphore_mem>>
      %dma_start3A_773 = arith.constant 0 : i32
      %dma_start3A_774 = tpu.memref_slice %arg25[%add3A_753, %dma_start3A_773] : memref<10240x64xf32, #tpu.memory_space<vmem_shared>> -> memref<160x64xf32, #tpu.memory_space<vmem_shared>>
      %dma_start3A_775 = arith.constant 0 : i32
      %dma_start3A_776 = tpu.memref_slice %arg25[%add3A_753, %dma_start3A_775] : memref<10240x64xf32, #tpu.memory_space<vmem_shared>> -> memref<160x64xf32, #tpu.memory_space<vmem_shared>>
      tpu.enqueue_dma source(%dma_start3A_776 : memref<160x64xf32, #tpu.memory_space<vmem_shared>>) target(%arg23 : memref<160x64xf32, #tpu.memory_space<vmem>>) target_semaphore(%run_scoped3A_772 : memref<!tpu.dma_semaphore, #tpu.memory_space<semaphore_mem>>)
      %dma_wait3A_777 = arith.constant 0 : i32
      %dma_wait3A_778 = tpu.memref_slice %arg25[%add3A_753, %dma_wait3A_777] : memref<10240x64xf32, #tpu.memory_space<vmem_shared>> -> memref<160x64xf32, #tpu.memory_space<vmem_shared>>
      %dma_wait3A_779 = arith.constant 0 : i32
      %dma_wait3A_780 = tpu.memref_slice %arg25[%add3A_753, %dma_wait3A_779] : memref<10240x64xf32, #tpu.memory_space<vmem_shared>> -> memref<160x64xf32, #tpu.memory_space<vmem_shared>>
      tpu.wait_dma2 semaphore(%run_scoped3A_772 : memref<!tpu.dma_semaphore, #tpu.memory_space<semaphore_mem>>) src(%dma_wait3A_780 : memref<160x64xf32, #tpu.memory_space<vmem_shared>>) dst(%arg23 : memref<160x64xf32, #tpu.memory_space<vmem>>)
      tpu.yield
    }) : () -> ()
    %add3A_754 = arith.constant 320 : i32
    %add3A_755 = arith.addi %mul3A_0, %add3A_754 : i32
    %mul3A_756 = arith.constant 64 : i32
    %mul3A_757 = arith.muli %arg0, %mul3A_756 : i32
    "tpu.region"() ({
      %run_scoped3A_772 = tpu.sem_alloc : memref<!tpu.dma_semaphore, #tpu.memory_space<semaphore_mem>>
      %dma_start3A_773 = tpu.memref_slice %arg10[%add3A_755, %mul3A_757] : memref<10240x128xf32, #tpu.memory_space<hbm>> -> memref<160x64xf32, #tpu.memory_space<hbm>>
      %dma_start3A_774 = tpu.memref_slice %arg10[%add3A_755, %mul3A_757] : memref<10240x128xf32, #tpu.memory_space<hbm>> -> memref<160x64xf32, #tpu.memory_space<hbm>>
      tpu.enqueue_dma source(%arg23 : memref<160x64xf32, #tpu.memory_space<vmem>>) target(%dma_start3A_774 : memref<160x64xf32, #tpu.memory_space<hbm>>) target_semaphore(%run_scoped3A_772 : memref<!tpu.dma_semaphore, #tpu.memory_space<semaphore_mem>>)
      %dma_wait3A_775 = tpu.memref_slice %arg10[%add3A_755, %mul3A_757] : memref<10240x128xf32, #tpu.memory_space<hbm>> -> memref<160x64xf32, #tpu.memory_space<hbm>>
      %dma_wait3A_776 = tpu.memref_slice %arg10[%add3A_755, %mul3A_757] : memref<10240x128xf32, #tpu.memory_space<hbm>> -> memref<160x64xf32, #tpu.memory_space<hbm>>
      tpu.wait_dma2 semaphore(%run_scoped3A_772 : memref<!tpu.dma_semaphore, #tpu.memory_space<semaphore_mem>>) src(%arg23 : memref<160x64xf32, #tpu.memory_space<vmem>>) dst(%dma_wait3A_776 : memref<160x64xf32, #tpu.memory_space<hbm>>)
      tpu.yield
    }) : () -> ()
    %add3A_758 = arith.constant 480 : i32
    %add3A_759 = arith.addi %mul3A_0, %add3A_758 : i32
    "tpu.region"() ({
      %run_scoped3A_772 = tpu.sem_alloc : memref<!tpu.dma_semaphore, #tpu.memory_space<semaphore_mem>>
      %dma_start3A_773 = arith.constant 0 : i32
      %dma_start3A_774 = tpu.memref_slice %arg25[%add3A_759, %dma_start3A_773] : memref<10240x64xf32, #tpu.memory_space<vmem_shared>> -> memref<160x64xf32, #tpu.memory_space<vmem_shared>>
      %dma_start3A_775 = arith.constant 0 : i32
      %dma_start3A_776 = tpu.memref_slice %arg25[%add3A_759, %dma_start3A_775] : memref<10240x64xf32, #tpu.memory_space<vmem_shared>> -> memref<160x64xf32, #tpu.memory_space<vmem_shared>>
      tpu.enqueue_dma source(%dma_start3A_776 : memref<160x64xf32, #tpu.memory_space<vmem_shared>>) target(%arg23 : memref<160x64xf32, #tpu.memory_space<vmem>>) target_semaphore(%run_scoped3A_772 : memref<!tpu.dma_semaphore, #tpu.memory_space<semaphore_mem>>)
      %dma_wait3A_777 = arith.constant 0 : i32
      %dma_wait3A_778 = tpu.memref_slice %arg25[%add3A_759, %dma_wait3A_777] : memref<10240x64xf32, #tpu.memory_space<vmem_shared>> -> memref<160x64xf32, #tpu.memory_space<vmem_shared>>
      %dma_wait3A_779 = arith.constant 0 : i32
      %dma_wait3A_780 = tpu.memref_slice %arg25[%add3A_759, %dma_wait3A_779] : memref<10240x64xf32, #tpu.memory_space<vmem_shared>> -> memref<160x64xf32, #tpu.memory_space<vmem_shared>>
      tpu.wait_dma2 semaphore(%run_scoped3A_772 : memref<!tpu.dma_semaphore, #tpu.memory_space<semaphore_mem>>) src(%dma_wait3A_780 : memref<160x64xf32, #tpu.memory_space<vmem_shared>>) dst(%arg23 : memref<160x64xf32, #tpu.memory_space<vmem>>)
      tpu.yield
    }) : () -> ()
    %add3A_760 = arith.constant 480 : i32
    %add3A_761 = arith.addi %mul3A_0, %add3A_760 : i32
    %mul3A_762 = arith.constant 64 : i32
    %mul3A_763 = arith.muli %arg0, %mul3A_762 : i32
    "tpu.region"() ({
      %run_scoped3A_772 = tpu.sem_alloc : memref<!tpu.dma_semaphore, #tpu.memory_space<semaphore_mem>>
      %dma_start3A_773 = tpu.memref_slice %arg10[%add3A_761, %mul3A_763] : memref<10240x128xf32, #tpu.memory_space<hbm>> -> memref<160x64xf32, #tpu.memory_space<hbm>>
      %dma_start3A_774 = tpu.memref_slice %arg10[%add3A_761, %mul3A_763] : memref<10240x128xf32, #tpu.memory_space<hbm>> -> memref<160x64xf32, #tpu.memory_space<hbm>>
      tpu.enqueue_dma source(%arg23 : memref<160x64xf32, #tpu.memory_space<vmem>>) target(%dma_start3A_774 : memref<160x64xf32, #tpu.memory_space<hbm>>) target_semaphore(%run_scoped3A_772 : memref<!tpu.dma_semaphore, #tpu.memory_space<semaphore_mem>>)
      %dma_wait3A_775 = tpu.memref_slice %arg10[%add3A_761, %mul3A_763] : memref<10240x128xf32, #tpu.memory_space<hbm>> -> memref<160x64xf32, #tpu.memory_space<hbm>>
      %dma_wait3A_776 = tpu.memref_slice %arg10[%add3A_761, %mul3A_763] : memref<10240x128xf32, #tpu.memory_space<hbm>> -> memref<160x64xf32, #tpu.memory_space<hbm>>
      tpu.wait_dma2 semaphore(%run_scoped3A_772 : memref<!tpu.dma_semaphore, #tpu.memory_space<semaphore_mem>>) src(%arg23 : memref<160x64xf32, #tpu.memory_space<vmem>>) dst(%dma_wait3A_776 : memref<160x64xf32, #tpu.memory_space<hbm>>)
      tpu.yield
    }) : () -> ()
    %run_scoped3A_764 = arith.constant 0 : i32
    "tpu.region"() ({
      %run_scoped3A_772 = tpu.sem_alloc : memref<!tpu.dma_semaphore, #tpu.memory_space<semaphore_mem>>
      %dma_start3A_773 = arith.constant 0 : i32
      %dma_start3A_774 = tpu.memref_slice %arg26[%run_scoped3A_764, %dma_start3A_773] : memref<4x10240xf32, #tpu.memory_space<vmem_shared>> -> memref<1x10240xf32, #tpu.memory_space<vmem_shared>>
      %dma_start3A_775 = tpu.memref_squeeze %dma_start3A_774 : memref<1x10240xf32, #tpu.memory_space<vmem_shared>> -> memref<10240xf32, #tpu.memory_space<vmem_shared>>
      %dma_start3A_776 = tpu.memref_slice %dma_start3A_775[%mul3A_0] : memref<10240xf32, #tpu.memory_space<vmem_shared>> -> memref<640xf32, #tpu.memory_space<vmem_shared>>
      %dma_start3A_777 = arith.constant 0 : i32
      %dma_start3A_778 = tpu.memref_slice %arg26[%run_scoped3A_764, %dma_start3A_777] : memref<4x10240xf32, #tpu.memory_space<vmem_shared>> -> memref<1x10240xf32, #tpu.memory_space<vmem_shared>>
      %dma_start3A_779 = tpu.memref_squeeze %dma_start3A_778 : memref<1x10240xf32, #tpu.memory_space<vmem_shared>> -> memref<10240xf32, #tpu.memory_space<vmem_shared>>
      %dma_start3A_780 = tpu.memref_slice %dma_start3A_779[%mul3A_0] : memref<10240xf32, #tpu.memory_space<vmem_shared>> -> memref<640xf32, #tpu.memory_space<vmem_shared>>
      tpu.enqueue_dma source(%dma_start3A_780 : memref<640xf32, #tpu.memory_space<vmem_shared>>) target(%arg24 : memref<640xf32, #tpu.memory_space<vmem>>) target_semaphore(%run_scoped3A_772 : memref<!tpu.dma_semaphore, #tpu.memory_space<semaphore_mem>>)
      %dma_wait3A_781 = arith.constant 0 : i32
      %dma_wait3A_782 = tpu.memref_slice %arg26[%run_scoped3A_764, %dma_wait3A_781] : memref<4x10240xf32, #tpu.memory_space<vmem_shared>> -> memref<1x10240xf32, #tpu.memory_space<vmem_shared>>
      %dma_wait3A_783 = tpu.memref_squeeze %dma_wait3A_782 : memref<1x10240xf32, #tpu.memory_space<vmem_shared>> -> memref<10240xf32, #tpu.memory_space<vmem_shared>>
      %dma_wait3A_784 = tpu.memref_slice %dma_wait3A_783[%mul3A_0] : memref<10240xf32, #tpu.memory_space<vmem_shared>> -> memref<640xf32, #tpu.memory_space<vmem_shared>>
      %dma_wait3A_785 = arith.constant 0 : i32
      %dma_wait3A_786 = tpu.memref_slice %arg26[%run_scoped3A_764, %dma_wait3A_785] : memref<4x10240xf32, #tpu.memory_space<vmem_shared>> -> memref<1x10240xf32, #tpu.memory_space<vmem_shared>>
      %dma_wait3A_787 = tpu.memref_squeeze %dma_wait3A_786 : memref<1x10240xf32, #tpu.memory_space<vmem_shared>> -> memref<10240xf32, #tpu.memory_space<vmem_shared>>
      %dma_wait3A_788 = tpu.memref_slice %dma_wait3A_787[%mul3A_0] : memref<10240xf32, #tpu.memory_space<vmem_shared>> -> memref<640xf32, #tpu.memory_space<vmem_shared>>
      tpu.wait_dma2 semaphore(%run_scoped3A_772 : memref<!tpu.dma_semaphore, #tpu.memory_space<semaphore_mem>>) src(%dma_wait3A_788 : memref<640xf32, #tpu.memory_space<vmem_shared>>) dst(%arg24 : memref<640xf32, #tpu.memory_space<vmem>>)
      tpu.yield
    }) : () -> ()
    %run_scoped3A_765 = arith.constant 0 : i32
    "tpu.region"() ({
      %run_scoped3A_772 = tpu.sem_alloc : memref<!tpu.dma_semaphore, #tpu.memory_space<semaphore_mem>>
      %dma_start3A_773 = arith.constant 0 : i32
      %dma_start3A_774 = arith.constant 0 : i32
      %dma_start3A_775 = tpu.memref_slice %arg11[%arg0, %dma_start3A_773, %dma_start3A_774] : memref<2x4x10240xf32, #tpu.memory_space<hbm>> -> memref<1x4x10240xf32, #tpu.memory_space<hbm>>
      %dma_start3A_776 = tpu.memref_squeeze %dma_start3A_775 : memref<1x4x10240xf32, #tpu.memory_space<hbm>> -> memref<4x10240xf32, #tpu.memory_space<hbm>>
      %dma_start3A_777 = arith.constant 0 : i32
      %dma_start3A_778 = tpu.memref_slice %dma_start3A_776[%run_scoped3A_765, %dma_start3A_777] : memref<4x10240xf32, #tpu.memory_space<hbm>> -> memref<1x10240xf32, #tpu.memory_space<hbm>>
      %dma_start3A_779 = tpu.memref_squeeze %dma_start3A_778 : memref<1x10240xf32, #tpu.memory_space<hbm>> -> memref<10240xf32, #tpu.memory_space<hbm>>
      %dma_start3A_780 = tpu.memref_slice %dma_start3A_779[%mul3A_0] : memref<10240xf32, #tpu.memory_space<hbm>> -> memref<640xf32, #tpu.memory_space<hbm>>
      %dma_start3A_781 = arith.constant 0 : i32
      %dma_start3A_782 = arith.constant 0 : i32
      %dma_start3A_783 = tpu.memref_slice %arg11[%arg0, %dma_start3A_781, %dma_start3A_782] : memref<2x4x10240xf32, #tpu.memory_space<hbm>> -> memref<1x4x10240xf32, #tpu.memory_space<hbm>>
      %dma_start3A_784 = tpu.memref_squeeze %dma_start3A_783 : memref<1x4x10240xf32, #tpu.memory_space<hbm>> -> memref<4x10240xf32, #tpu.memory_space<hbm>>
      %dma_start3A_785 = arith.constant 0 : i32
      %dma_start3A_786 = tpu.memref_slice %dma_start3A_784[%run_scoped3A_765, %dma_start3A_785] : memref<4x10240xf32, #tpu.memory_space<hbm>> -> memref<1x10240xf32, #tpu.memory_space<hbm>>
      %dma_start3A_787 = tpu.memref_squeeze %dma_start3A_786 : memref<1x10240xf32, #tpu.memory_space<hbm>> -> memref<10240xf32, #tpu.memory_space<hbm>>
      %dma_start3A_788 = tpu.memref_slice %dma_start3A_787[%mul3A_0] : memref<10240xf32, #tpu.memory_space<hbm>> -> memref<640xf32, #tpu.memory_space<hbm>>
      tpu.enqueue_dma source(%arg24 : memref<640xf32, #tpu.memory_space<vmem>>) target(%dma_start3A_788 : memref<640xf32, #tpu.memory_space<hbm>>) target_semaphore(%run_scoped3A_772 : memref<!tpu.dma_semaphore, #tpu.memory_space<semaphore_mem>>)
      %dma_wait3A_789 = arith.constant 0 : i32
      %dma_wait3A_790 = arith.constant 0 : i32
      %dma_wait3A_791 = tpu.memref_slice %arg11[%arg0, %dma_wait3A_789, %dma_wait3A_790] : memref<2x4x10240xf32, #tpu.memory_space<hbm>> -> memref<1x4x10240xf32, #tpu.memory_space<hbm>>
      %dma_wait3A_792 = tpu.memref_squeeze %dma_wait3A_791 : memref<1x4x10240xf32, #tpu.memory_space<hbm>> -> memref<4x10240xf32, #tpu.memory_space<hbm>>
      %dma_wait3A_793 = arith.constant 0 : i32
      %dma_wait3A_794 = tpu.memref_slice %dma_wait3A_792[%run_scoped3A_765, %dma_wait3A_793] : memref<4x10240xf32, #tpu.memory_space<hbm>> -> memref<1x10240xf32, #tpu.memory_space<hbm>>
      %dma_wait3A_795 = tpu.memref_squeeze %dma_wait3A_794 : memref<1x10240xf32, #tpu.memory_space<hbm>> -> memref<10240xf32, #tpu.memory_space<hbm>>
      %dma_wait3A_796 = tpu.memref_slice %dma_wait3A_795[%mul3A_0] : memref<10240xf32, #tpu.memory_space<hbm>> -> memref<640xf32, #tpu.memory_space<hbm>>
      %dma_wait3A_797 = arith.constant 0 : i32
      %dma_wait3A_798 = arith.constant 0 : i32
      %dma_wait3A_799 = tpu.memref_slice %arg11[%arg0, %dma_wait3A_797, %dma_wait3A_798] : memref<2x4x10240xf32, #tpu.memory_space<hbm>> -> memref<1x4x10240xf32, #tpu.memory_space<hbm>>
      %dma_wait3A_800 = tpu.memref_squeeze %dma_wait3A_799 : memref<1x4x10240xf32, #tpu.memory_space<hbm>> -> memref<4x10240xf32, #tpu.memory_space<hbm>>
      %dma_wait3A_801 = arith.constant 0 : i32
      %dma_wait3A_802 = tpu.memref_slice %dma_wait3A_800[%run_scoped3A_765, %dma_wait3A_801] : memref<4x10240xf32, #tpu.memory_space<hbm>> -> memref<1x10240xf32, #tpu.memory_space<hbm>>
      %dma_wait3A_803 = tpu.memref_squeeze %dma_wait3A_802 : memref<1x10240xf32, #tpu.memory_space<hbm>> -> memref<10240xf32, #tpu.memory_space<hbm>>
      %dma_wait3A_804 = tpu.memref_slice %dma_wait3A_803[%mul3A_0] : memref<10240xf32, #tpu.memory_space<hbm>> -> memref<640xf32, #tpu.memory_space<hbm>>
      tpu.wait_dma2 semaphore(%run_scoped3A_772 : memref<!tpu.dma_semaphore, #tpu.memory_space<semaphore_mem>>) src(%arg24 : memref<640xf32, #tpu.memory_space<vmem>>) dst(%dma_wait3A_804 : memref<640xf32, #tpu.memory_space<hbm>>)
      tpu.yield
    }) : () -> ()
    %run_scoped3A_766 = arith.constant 1 : i32
    "tpu.region"() ({
      %run_scoped3A_772 = tpu.sem_alloc : memref<!tpu.dma_semaphore, #tpu.memory_space<semaphore_mem>>
      %dma_start3A_773 = arith.constant 0 : i32
      %dma_start3A_774 = tpu.memref_slice %arg26[%run_scoped3A_766, %dma_start3A_773] : memref<4x10240xf32, #tpu.memory_space<vmem_shared>> -> memref<1x10240xf32, #tpu.memory_space<vmem_shared>>
      %dma_start3A_775 = tpu.memref_squeeze %dma_start3A_774 : memref<1x10240xf32, #tpu.memory_space<vmem_shared>> -> memref<10240xf32, #tpu.memory_space<vmem_shared>>
      %dma_start3A_776 = tpu.memref_slice %dma_start3A_775[%mul3A_0] : memref<10240xf32, #tpu.memory_space<vmem_shared>> -> memref<640xf32, #tpu.memory_space<vmem_shared>>
      %dma_start3A_777 = arith.constant 0 : i32
      %dma_start3A_778 = tpu.memref_slice %arg26[%run_scoped3A_766, %dma_start3A_777] : memref<4x10240xf32, #tpu.memory_space<vmem_shared>> -> memref<1x10240xf32, #tpu.memory_space<vmem_shared>>
      %dma_start3A_779 = tpu.memref_squeeze %dma_start3A_778 : memref<1x10240xf32, #tpu.memory_space<vmem_shared>> -> memref<10240xf32, #tpu.memory_space<vmem_shared>>
      %dma_start3A_780 = tpu.memref_slice %dma_start3A_779[%mul3A_0] : memref<10240xf32, #tpu.memory_space<vmem_shared>> -> memref<640xf32, #tpu.memory_space<vmem_shared>>
      tpu.enqueue_dma source(%dma_start3A_780 : memref<640xf32, #tpu.memory_space<vmem_shared>>) target(%arg24 : memref<640xf32, #tpu.memory_space<vmem>>) target_semaphore(%run_scoped3A_772 : memref<!tpu.dma_semaphore, #tpu.memory_space<semaphore_mem>>)
      %dma_wait3A_781 = arith.constant 0 : i32
      %dma_wait3A_782 = tpu.memref_slice %arg26[%run_scoped3A_766, %dma_wait3A_781] : memref<4x10240xf32, #tpu.memory_space<vmem_shared>> -> memref<1x10240xf32, #tpu.memory_space<vmem_shared>>
      %dma_wait3A_783 = tpu.memref_squeeze %dma_wait3A_782 : memref<1x10240xf32, #tpu.memory_space<vmem_shared>> -> memref<10240xf32, #tpu.memory_space<vmem_shared>>
      %dma_wait3A_784 = tpu.memref_slice %dma_wait3A_783[%mul3A_0] : memref<10240xf32, #tpu.memory_space<vmem_shared>> -> memref<640xf32, #tpu.memory_space<vmem_shared>>
      %dma_wait3A_785 = arith.constant 0 : i32
      %dma_wait3A_786 = tpu.memref_slice %arg26[%run_scoped3A_766, %dma_wait3A_785] : memref<4x10240xf32, #tpu.memory_space<vmem_shared>> -> memref<1x10240xf32, #tpu.memory_space<vmem_shared>>
      %dma_wait3A_787 = tpu.memref_squeeze %dma_wait3A_786 : memref<1x10240xf32, #tpu.memory_space<vmem_shared>> -> memref<10240xf32, #tpu.memory_space<vmem_shared>>
      %dma_wait3A_788 = tpu.memref_slice %dma_wait3A_787[%mul3A_0] : memref<10240xf32, #tpu.memory_space<vmem_shared>> -> memref<640xf32, #tpu.memory_space<vmem_shared>>
      tpu.wait_dma2 semaphore(%run_scoped3A_772 : memref<!tpu.dma_semaphore, #tpu.memory_space<semaphore_mem>>) src(%dma_wait3A_788 : memref<640xf32, #tpu.memory_space<vmem_shared>>) dst(%arg24 : memref<640xf32, #tpu.memory_space<vmem>>)
      tpu.yield
    }) : () -> ()
    %run_scoped3A_767 = arith.constant 1 : i32
    "tpu.region"() ({
      %run_scoped3A_772 = tpu.sem_alloc : memref<!tpu.dma_semaphore, #tpu.memory_space<semaphore_mem>>
      %dma_start3A_773 = arith.constant 0 : i32
      %dma_start3A_774 = arith.constant 0 : i32
      %dma_start3A_775 = tpu.memref_slice %arg11[%arg0, %dma_start3A_773, %dma_start3A_774] : memref<2x4x10240xf32, #tpu.memory_space<hbm>> -> memref<1x4x10240xf32, #tpu.memory_space<hbm>>
      %dma_start3A_776 = tpu.memref_squeeze %dma_start3A_775 : memref<1x4x10240xf32, #tpu.memory_space<hbm>> -> memref<4x10240xf32, #tpu.memory_space<hbm>>
      %dma_start3A_777 = arith.constant 0 : i32
      %dma_start3A_778 = tpu.memref_slice %dma_start3A_776[%run_scoped3A_767, %dma_start3A_777] : memref<4x10240xf32, #tpu.memory_space<hbm>> -> memref<1x10240xf32, #tpu.memory_space<hbm>>
      %dma_start3A_779 = tpu.memref_squeeze %dma_start3A_778 : memref<1x10240xf32, #tpu.memory_space<hbm>> -> memref<10240xf32, #tpu.memory_space<hbm>>
      %dma_start3A_780 = tpu.memref_slice %dma_start3A_779[%mul3A_0] : memref<10240xf32, #tpu.memory_space<hbm>> -> memref<640xf32, #tpu.memory_space<hbm>>
      %dma_start3A_781 = arith.constant 0 : i32
      %dma_start3A_782 = arith.constant 0 : i32
      %dma_start3A_783 = tpu.memref_slice %arg11[%arg0, %dma_start3A_781, %dma_start3A_782] : memref<2x4x10240xf32, #tpu.memory_space<hbm>> -> memref<1x4x10240xf32, #tpu.memory_space<hbm>>
      %dma_start3A_784 = tpu.memref_squeeze %dma_start3A_783 : memref<1x4x10240xf32, #tpu.memory_space<hbm>> -> memref<4x10240xf32, #tpu.memory_space<hbm>>
      %dma_start3A_785 = arith.constant 0 : i32
      %dma_start3A_786 = tpu.memref_slice %dma_start3A_784[%run_scoped3A_767, %dma_start3A_785] : memref<4x10240xf32, #tpu.memory_space<hbm>> -> memref<1x10240xf32, #tpu.memory_space<hbm>>
      %dma_start3A_787 = tpu.memref_squeeze %dma_start3A_786 : memref<1x10240xf32, #tpu.memory_space<hbm>> -> memref<10240xf32, #tpu.memory_space<hbm>>
      %dma_start3A_788 = tpu.memref_slice %dma_start3A_787[%mul3A_0] : memref<10240xf32, #tpu.memory_space<hbm>> -> memref<640xf32, #tpu.memory_space<hbm>>
      tpu.enqueue_dma source(%arg24 : memref<640xf32, #tpu.memory_space<vmem>>) target(%dma_start3A_788 : memref<640xf32, #tpu.memory_space<hbm>>) target_semaphore(%run_scoped3A_772 : memref<!tpu.dma_semaphore, #tpu.memory_space<semaphore_mem>>)
      %dma_wait3A_789 = arith.constant 0 : i32
      %dma_wait3A_790 = arith.constant 0 : i32
      %dma_wait3A_791 = tpu.memref_slice %arg11[%arg0, %dma_wait3A_789, %dma_wait3A_790] : memref<2x4x10240xf32, #tpu.memory_space<hbm>> -> memref<1x4x10240xf32, #tpu.memory_space<hbm>>
      %dma_wait3A_792 = tpu.memref_squeeze %dma_wait3A_791 : memref<1x4x10240xf32, #tpu.memory_space<hbm>> -> memref<4x10240xf32, #tpu.memory_space<hbm>>
      %dma_wait3A_793 = arith.constant 0 : i32
      %dma_wait3A_794 = tpu.memref_slice %dma_wait3A_792[%run_scoped3A_767, %dma_wait3A_793] : memref<4x10240xf32, #tpu.memory_space<hbm>> -> memref<1x10240xf32, #tpu.memory_space<hbm>>
      %dma_wait3A_795 = tpu.memref_squeeze %dma_wait3A_794 : memref<1x10240xf32, #tpu.memory_space<hbm>> -> memref<10240xf32, #tpu.memory_space<hbm>>
      %dma_wait3A_796 = tpu.memref_slice %dma_wait3A_795[%mul3A_0] : memref<10240xf32, #tpu.memory_space<hbm>> -> memref<640xf32, #tpu.memory_space<hbm>>
      %dma_wait3A_797 = arith.constant 0 : i32
      %dma_wait3A_798 = arith.constant 0 : i32
      %dma_wait3A_799 = tpu.memref_slice %arg11[%arg0, %dma_wait3A_797, %dma_wait3A_798] : memref<2x4x10240xf32, #tpu.memory_space<hbm>> -> memref<1x4x10240xf32, #tpu.memory_space<hbm>>
      %dma_wait3A_800 = tpu.memref_squeeze %dma_wait3A_799 : memref<1x4x10240xf32, #tpu.memory_space<hbm>> -> memref<4x10240xf32, #tpu.memory_space<hbm>>
      %dma_wait3A_801 = arith.constant 0 : i32
      %dma_wait3A_802 = tpu.memref_slice %dma_wait3A_800[%run_scoped3A_767, %dma_wait3A_801] : memref<4x10240xf32, #tpu.memory_space<hbm>> -> memref<1x10240xf32, #tpu.memory_space<hbm>>
      %dma_wait3A_803 = tpu.memref_squeeze %dma_wait3A_802 : memref<1x10240xf32, #tpu.memory_space<hbm>> -> memref<10240xf32, #tpu.memory_space<hbm>>
      %dma_wait3A_804 = tpu.memref_slice %dma_wait3A_803[%mul3A_0] : memref<10240xf32, #tpu.memory_space<hbm>> -> memref<640xf32, #tpu.memory_space<hbm>>
      tpu.wait_dma2 semaphore(%run_scoped3A_772 : memref<!tpu.dma_semaphore, #tpu.memory_space<semaphore_mem>>) src(%arg24 : memref<640xf32, #tpu.memory_space<vmem>>) dst(%dma_wait3A_804 : memref<640xf32, #tpu.memory_space<hbm>>)
      tpu.yield
    }) : () -> ()
    %run_scoped3A_768 = arith.constant 2 : i32
    "tpu.region"() ({
      %run_scoped3A_772 = tpu.sem_alloc : memref<!tpu.dma_semaphore, #tpu.memory_space<semaphore_mem>>
      %dma_start3A_773 = arith.constant 0 : i32
      %dma_start3A_774 = tpu.memref_slice %arg26[%run_scoped3A_768, %dma_start3A_773] : memref<4x10240xf32, #tpu.memory_space<vmem_shared>> -> memref<1x10240xf32, #tpu.memory_space<vmem_shared>>
      %dma_start3A_775 = tpu.memref_squeeze %dma_start3A_774 : memref<1x10240xf32, #tpu.memory_space<vmem_shared>> -> memref<10240xf32, #tpu.memory_space<vmem_shared>>
      %dma_start3A_776 = tpu.memref_slice %dma_start3A_775[%mul3A_0] : memref<10240xf32, #tpu.memory_space<vmem_shared>> -> memref<640xf32, #tpu.memory_space<vmem_shared>>
      %dma_start3A_777 = arith.constant 0 : i32
      %dma_start3A_778 = tpu.memref_slice %arg26[%run_scoped3A_768, %dma_start3A_777] : memref<4x10240xf32, #tpu.memory_space<vmem_shared>> -> memref<1x10240xf32, #tpu.memory_space<vmem_shared>>
      %dma_start3A_779 = tpu.memref_squeeze %dma_start3A_778 : memref<1x10240xf32, #tpu.memory_space<vmem_shared>> -> memref<10240xf32, #tpu.memory_space<vmem_shared>>
      %dma_start3A_780 = tpu.memref_slice %dma_start3A_779[%mul3A_0] : memref<10240xf32, #tpu.memory_space<vmem_shared>> -> memref<640xf32, #tpu.memory_space<vmem_shared>>
      tpu.enqueue_dma source(%dma_start3A_780 : memref<640xf32, #tpu.memory_space<vmem_shared>>) target(%arg24 : memref<640xf32, #tpu.memory_space<vmem>>) target_semaphore(%run_scoped3A_772 : memref<!tpu.dma_semaphore, #tpu.memory_space<semaphore_mem>>)
      %dma_wait3A_781 = arith.constant 0 : i32
      %dma_wait3A_782 = tpu.memref_slice %arg26[%run_scoped3A_768, %dma_wait3A_781] : memref<4x10240xf32, #tpu.memory_space<vmem_shared>> -> memref<1x10240xf32, #tpu.memory_space<vmem_shared>>
      %dma_wait3A_783 = tpu.memref_squeeze %dma_wait3A_782 : memref<1x10240xf32, #tpu.memory_space<vmem_shared>> -> memref<10240xf32, #tpu.memory_space<vmem_shared>>
      %dma_wait3A_784 = tpu.memref_slice %dma_wait3A_783[%mul3A_0] : memref<10240xf32, #tpu.memory_space<vmem_shared>> -> memref<640xf32, #tpu.memory_space<vmem_shared>>
      %dma_wait3A_785 = arith.constant 0 : i32
      %dma_wait3A_786 = tpu.memref_slice %arg26[%run_scoped3A_768, %dma_wait3A_785] : memref<4x10240xf32, #tpu.memory_space<vmem_shared>> -> memref<1x10240xf32, #tpu.memory_space<vmem_shared>>
      %dma_wait3A_787 = tpu.memref_squeeze %dma_wait3A_786 : memref<1x10240xf32, #tpu.memory_space<vmem_shared>> -> memref<10240xf32, #tpu.memory_space<vmem_shared>>
      %dma_wait3A_788 = tpu.memref_slice %dma_wait3A_787[%mul3A_0] : memref<10240xf32, #tpu.memory_space<vmem_shared>> -> memref<640xf32, #tpu.memory_space<vmem_shared>>
      tpu.wait_dma2 semaphore(%run_scoped3A_772 : memref<!tpu.dma_semaphore, #tpu.memory_space<semaphore_mem>>) src(%dma_wait3A_788 : memref<640xf32, #tpu.memory_space<vmem_shared>>) dst(%arg24 : memref<640xf32, #tpu.memory_space<vmem>>)
      tpu.yield
    }) : () -> ()
    %run_scoped3A_769 = arith.constant 2 : i32
    "tpu.region"() ({
      %run_scoped3A_772 = tpu.sem_alloc : memref<!tpu.dma_semaphore, #tpu.memory_space<semaphore_mem>>
      %dma_start3A_773 = arith.constant 0 : i32
      %dma_start3A_774 = arith.constant 0 : i32
      %dma_start3A_775 = tpu.memref_slice %arg11[%arg0, %dma_start3A_773, %dma_start3A_774] : memref<2x4x10240xf32, #tpu.memory_space<hbm>> -> memref<1x4x10240xf32, #tpu.memory_space<hbm>>
      %dma_start3A_776 = tpu.memref_squeeze %dma_start3A_775 : memref<1x4x10240xf32, #tpu.memory_space<hbm>> -> memref<4x10240xf32, #tpu.memory_space<hbm>>
      %dma_start3A_777 = arith.constant 0 : i32
      %dma_start3A_778 = tpu.memref_slice %dma_start3A_776[%run_scoped3A_769, %dma_start3A_777] : memref<4x10240xf32, #tpu.memory_space<hbm>> -> memref<1x10240xf32, #tpu.memory_space<hbm>>
      %dma_start3A_779 = tpu.memref_squeeze %dma_start3A_778 : memref<1x10240xf32, #tpu.memory_space<hbm>> -> memref<10240xf32, #tpu.memory_space<hbm>>
      %dma_start3A_780 = tpu.memref_slice %dma_start3A_779[%mul3A_0] : memref<10240xf32, #tpu.memory_space<hbm>> -> memref<640xf32, #tpu.memory_space<hbm>>
      %dma_start3A_781 = arith.constant 0 : i32
      %dma_start3A_782 = arith.constant 0 : i32
      %dma_start3A_783 = tpu.memref_slice %arg11[%arg0, %dma_start3A_781, %dma_start3A_782] : memref<2x4x10240xf32, #tpu.memory_space<hbm>> -> memref<1x4x10240xf32, #tpu.memory_space<hbm>>
      %dma_start3A_784 = tpu.memref_squeeze %dma_start3A_783 : memref<1x4x10240xf32, #tpu.memory_space<hbm>> -> memref<4x10240xf32, #tpu.memory_space<hbm>>
      %dma_start3A_785 = arith.constant 0 : i32
      %dma_start3A_786 = tpu.memref_slice %dma_start3A_784[%run_scoped3A_769, %dma_start3A_785] : memref<4x10240xf32, #tpu.memory_space<hbm>> -> memref<1x10240xf32, #tpu.memory_space<hbm>>
      %dma_start3A_787 = tpu.memref_squeeze %dma_start3A_786 : memref<1x10240xf32, #tpu.memory_space<hbm>> -> memref<10240xf32, #tpu.memory_space<hbm>>
      %dma_start3A_788 = tpu.memref_slice %dma_start3A_787[%mul3A_0] : memref<10240xf32, #tpu.memory_space<hbm>> -> memref<640xf32, #tpu.memory_space<hbm>>
      tpu.enqueue_dma source(%arg24 : memref<640xf32, #tpu.memory_space<vmem>>) target(%dma_start3A_788 : memref<640xf32, #tpu.memory_space<hbm>>) target_semaphore(%run_scoped3A_772 : memref<!tpu.dma_semaphore, #tpu.memory_space<semaphore_mem>>)
      %dma_wait3A_789 = arith.constant 0 : i32
      %dma_wait3A_790 = arith.constant 0 : i32
      %dma_wait3A_791 = tpu.memref_slice %arg11[%arg0, %dma_wait3A_789, %dma_wait3A_790] : memref<2x4x10240xf32, #tpu.memory_space<hbm>> -> memref<1x4x10240xf32, #tpu.memory_space<hbm>>
      %dma_wait3A_792 = tpu.memref_squeeze %dma_wait3A_791 : memref<1x4x10240xf32, #tpu.memory_space<hbm>> -> memref<4x10240xf32, #tpu.memory_space<hbm>>
      %dma_wait3A_793 = arith.constant 0 : i32
      %dma_wait3A_794 = tpu.memref_slice %dma_wait3A_792[%run_scoped3A_769, %dma_wait3A_793] : memref<4x10240xf32, #tpu.memory_space<hbm>> -> memref<1x10240xf32, #tpu.memory_space<hbm>>
      %dma_wait3A_795 = tpu.memref_squeeze %dma_wait3A_794 : memref<1x10240xf32, #tpu.memory_space<hbm>> -> memref<10240xf32, #tpu.memory_space<hbm>>
      %dma_wait3A_796 = tpu.memref_slice %dma_wait3A_795[%mul3A_0] : memref<10240xf32, #tpu.memory_space<hbm>> -> memref<640xf32, #tpu.memory_space<hbm>>
      %dma_wait3A_797 = arith.constant 0 : i32
      %dma_wait3A_798 = arith.constant 0 : i32
      %dma_wait3A_799 = tpu.memref_slice %arg11[%arg0, %dma_wait3A_797, %dma_wait3A_798] : memref<2x4x10240xf32, #tpu.memory_space<hbm>> -> memref<1x4x10240xf32, #tpu.memory_space<hbm>>
      %dma_wait3A_800 = tpu.memref_squeeze %dma_wait3A_799 : memref<1x4x10240xf32, #tpu.memory_space<hbm>> -> memref<4x10240xf32, #tpu.memory_space<hbm>>
      %dma_wait3A_801 = arith.constant 0 : i32
      %dma_wait3A_802 = tpu.memref_slice %dma_wait3A_800[%run_scoped3A_769, %dma_wait3A_801] : memref<4x10240xf32, #tpu.memory_space<hbm>> -> memref<1x10240xf32, #tpu.memory_space<hbm>>
      %dma_wait3A_803 = tpu.memref_squeeze %dma_wait3A_802 : memref<1x10240xf32, #tpu.memory_space<hbm>> -> memref<10240xf32, #tpu.memory_space<hbm>>
      %dma_wait3A_804 = tpu.memref_slice %dma_wait3A_803[%mul3A_0] : memref<10240xf32, #tpu.memory_space<hbm>> -> memref<640xf32, #tpu.memory_space<hbm>>
      tpu.wait_dma2 semaphore(%run_scoped3A_772 : memref<!tpu.dma_semaphore, #tpu.memory_space<semaphore_mem>>) src(%arg24 : memref<640xf32, #tpu.memory_space<vmem>>) dst(%dma_wait3A_804 : memref<640xf32, #tpu.memory_space<hbm>>)
      tpu.yield
    }) : () -> ()
    %run_scoped3A_770 = arith.constant 3 : i32
    "tpu.region"() ({
      %run_scoped3A_772 = tpu.sem_alloc : memref<!tpu.dma_semaphore, #tpu.memory_space<semaphore_mem>>
      %dma_start3A_773 = arith.constant 0 : i32
      %dma_start3A_774 = tpu.memref_slice %arg26[%run_scoped3A_770, %dma_start3A_773] : memref<4x10240xf32, #tpu.memory_space<vmem_shared>> -> memref<1x10240xf32, #tpu.memory_space<vmem_shared>>
      %dma_start3A_775 = tpu.memref_squeeze %dma_start3A_774 : memref<1x10240xf32, #tpu.memory_space<vmem_shared>> -> memref<10240xf32, #tpu.memory_space<vmem_shared>>
      %dma_start3A_776 = tpu.memref_slice %dma_start3A_775[%mul3A_0] : memref<10240xf32, #tpu.memory_space<vmem_shared>> -> memref<640xf32, #tpu.memory_space<vmem_shared>>
      %dma_start3A_777 = arith.constant 0 : i32
      %dma_start3A_778 = tpu.memref_slice %arg26[%run_scoped3A_770, %dma_start3A_777] : memref<4x10240xf32, #tpu.memory_space<vmem_shared>> -> memref<1x10240xf32, #tpu.memory_space<vmem_shared>>
      %dma_start3A_779 = tpu.memref_squeeze %dma_start3A_778 : memref<1x10240xf32, #tpu.memory_space<vmem_shared>> -> memref<10240xf32, #tpu.memory_space<vmem_shared>>
      %dma_start3A_780 = tpu.memref_slice %dma_start3A_779[%mul3A_0] : memref<10240xf32, #tpu.memory_space<vmem_shared>> -> memref<640xf32, #tpu.memory_space<vmem_shared>>
      tpu.enqueue_dma source(%dma_start3A_780 : memref<640xf32, #tpu.memory_space<vmem_shared>>) target(%arg24 : memref<640xf32, #tpu.memory_space<vmem>>) target_semaphore(%run_scoped3A_772 : memref<!tpu.dma_semaphore, #tpu.memory_space<semaphore_mem>>)
      %dma_wait3A_781 = arith.constant 0 : i32
      %dma_wait3A_782 = tpu.memref_slice %arg26[%run_scoped3A_770, %dma_wait3A_781] : memref<4x10240xf32, #tpu.memory_space<vmem_shared>> -> memref<1x10240xf32, #tpu.memory_space<vmem_shared>>
      %dma_wait3A_783 = tpu.memref_squeeze %dma_wait3A_782 : memref<1x10240xf32, #tpu.memory_space<vmem_shared>> -> memref<10240xf32, #tpu.memory_space<vmem_shared>>
      %dma_wait3A_784 = tpu.memref_slice %dma_wait3A_783[%mul3A_0] : memref<10240xf32, #tpu.memory_space<vmem_shared>> -> memref<640xf32, #tpu.memory_space<vmem_shared>>
      %dma_wait3A_785 = arith.constant 0 : i32
      %dma_wait3A_786 = tpu.memref_slice %arg26[%run_scoped3A_770, %dma_wait3A_785] : memref<4x10240xf32, #tpu.memory_space<vmem_shared>> -> memref<1x10240xf32, #tpu.memory_space<vmem_shared>>
      %dma_wait3A_787 = tpu.memref_squeeze %dma_wait3A_786 : memref<1x10240xf32, #tpu.memory_space<vmem_shared>> -> memref<10240xf32, #tpu.memory_space<vmem_shared>>
      %dma_wait3A_788 = tpu.memref_slice %dma_wait3A_787[%mul3A_0] : memref<10240xf32, #tpu.memory_space<vmem_shared>> -> memref<640xf32, #tpu.memory_space<vmem_shared>>
      tpu.wait_dma2 semaphore(%run_scoped3A_772 : memref<!tpu.dma_semaphore, #tpu.memory_space<semaphore_mem>>) src(%dma_wait3A_788 : memref<640xf32, #tpu.memory_space<vmem_shared>>) dst(%arg24 : memref<640xf32, #tpu.memory_space<vmem>>)
      tpu.yield
    }) : () -> ()
    %run_scoped3A_771 = arith.constant 3 : i32
    "tpu.region"() ({
      %run_scoped3A_772 = tpu.sem_alloc : memref<!tpu.dma_semaphore, #tpu.memory_space<semaphore_mem>>
      %dma_start3A_773 = arith.constant 0 : i32
      %dma_start3A_774 = arith.constant 0 : i32
      %dma_start3A_775 = tpu.memref_slice %arg11[%arg0, %dma_start3A_773, %dma_start3A_774] : memref<2x4x10240xf32, #tpu.memory_space<hbm>> -> memref<1x4x10240xf32, #tpu.memory_space<hbm>>
      %dma_start3A_776 = tpu.memref_squeeze %dma_start3A_775 : memref<1x4x10240xf32, #tpu.memory_space<hbm>> -> memref<4x10240xf32, #tpu.memory_space<hbm>>
      %dma_start3A_777 = arith.constant 0 : i32
      %dma_start3A_778 = tpu.memref_slice %dma_start3A_776[%run_scoped3A_771, %dma_start3A_777] : memref<4x10240xf32, #tpu.memory_space<hbm>> -> memref<1x10240xf32, #tpu.memory_space<hbm>>
      %dma_start3A_779 = tpu.memref_squeeze %dma_start3A_778 : memref<1x10240xf32, #tpu.memory_space<hbm>> -> memref<10240xf32, #tpu.memory_space<hbm>>
      %dma_start3A_780 = tpu.memref_slice %dma_start3A_779[%mul3A_0] : memref<10240xf32, #tpu.memory_space<hbm>> -> memref<640xf32, #tpu.memory_space<hbm>>
      %dma_start3A_781 = arith.constant 0 : i32
      %dma_start3A_782 = arith.constant 0 : i32
      %dma_start3A_783 = tpu.memref_slice %arg11[%arg0, %dma_start3A_781, %dma_start3A_782] : memref<2x4x10240xf32, #tpu.memory_space<hbm>> -> memref<1x4x10240xf32, #tpu.memory_space<hbm>>
      %dma_start3A_784 = tpu.memref_squeeze %dma_start3A_783 : memref<1x4x10240xf32, #tpu.memory_space<hbm>> -> memref<4x10240xf32, #tpu.memory_space<hbm>>
      %dma_start3A_785 = arith.constant 0 : i32
      %dma_start3A_786 = tpu.memref_slice %dma_start3A_784[%run_scoped3A_771, %dma_start3A_785] : memref<4x10240xf32, #tpu.memory_space<hbm>> -> memref<1x10240xf32, #tpu.memory_space<hbm>>
      %dma_start3A_787 = tpu.memref_squeeze %dma_start3A_786 : memref<1x10240xf32, #tpu.memory_space<hbm>> -> memref<10240xf32, #tpu.memory_space<hbm>>
      %dma_start3A_788 = tpu.memref_slice %dma_start3A_787[%mul3A_0] : memref<10240xf32, #tpu.memory_space<hbm>> -> memref<640xf32, #tpu.memory_space<hbm>>
      tpu.enqueue_dma source(%arg24 : memref<640xf32, #tpu.memory_space<vmem>>) target(%dma_start3A_788 : memref<640xf32, #tpu.memory_space<hbm>>) target_semaphore(%run_scoped3A_772 : memref<!tpu.dma_semaphore, #tpu.memory_space<semaphore_mem>>)
      %dma_wait3A_789 = arith.constant 0 : i32
      %dma_wait3A_790 = arith.constant 0 : i32
      %dma_wait3A_791 = tpu.memref_slice %arg11[%arg0, %dma_wait3A_789, %dma_wait3A_790] : memref<2x4x10240xf32, #tpu.memory_space<hbm>> -> memref<1x4x10240xf32, #tpu.memory_space<hbm>>
      %dma_wait3A_792 = tpu.memref_squeeze %dma_wait3A_791 : memref<1x4x10240xf32, #tpu.memory_space<hbm>> -> memref<4x10240xf32, #tpu.memory_space<hbm>>
      %dma_wait3A_793 = arith.constant 0 : i32
      %dma_wait3A_794 = tpu.memref_slice %dma_wait3A_792[%run_scoped3A_771, %dma_wait3A_793] : memref<4x10240xf32, #tpu.memory_space<hbm>> -> memref<1x10240xf32, #tpu.memory_space<hbm>>
      %dma_wait3A_795 = tpu.memref_squeeze %dma_wait3A_794 : memref<1x10240xf32, #tpu.memory_space<hbm>> -> memref<10240xf32, #tpu.memory_space<hbm>>
      %dma_wait3A_796 = tpu.memref_slice %dma_wait3A_795[%mul3A_0] : memref<10240xf32, #tpu.memory_space<hbm>> -> memref<640xf32, #tpu.memory_space<hbm>>
      %dma_wait3A_797 = arith.constant 0 : i32
      %dma_wait3A_798 = arith.constant 0 : i32
      %dma_wait3A_799 = tpu.memref_slice %arg11[%arg0, %dma_wait3A_797, %dma_wait3A_798] : memref<2x4x10240xf32, #tpu.memory_space<hbm>> -> memref<1x4x10240xf32, #tpu.memory_space<hbm>>
      %dma_wait3A_800 = tpu.memref_squeeze %dma_wait3A_799 : memref<1x4x10240xf32, #tpu.memory_space<hbm>> -> memref<4x10240xf32, #tpu.memory_space<hbm>>
      %dma_wait3A_801 = arith.constant 0 : i32
      %dma_wait3A_802 = tpu.memref_slice %dma_wait3A_800[%run_scoped3A_771, %dma_wait3A_801] : memref<4x10240xf32, #tpu.memory_space<hbm>> -> memref<1x10240xf32, #tpu.memory_space<hbm>>
      %dma_wait3A_803 = tpu.memref_squeeze %dma_wait3A_802 : memref<1x10240xf32, #tpu.memory_space<hbm>> -> memref<10240xf32, #tpu.memory_space<hbm>>
      %dma_wait3A_804 = tpu.memref_slice %dma_wait3A_803[%mul3A_0] : memref<10240xf32, #tpu.memory_space<hbm>> -> memref<640xf32, #tpu.memory_space<hbm>>
      tpu.wait_dma2 semaphore(%run_scoped3A_772 : memref<!tpu.dma_semaphore, #tpu.memory_space<semaphore_mem>>) src(%arg24 : memref<640xf32, #tpu.memory_space<vmem>>) dst(%dma_wait3A_804 : memref<640xf32, #tpu.memory_space<hbm>>)
      tpu.yield
    }) : () -> ()
    return
  }
}

module attributes {stable_mosaic.version = 14 : i64} {
  func.func @_tc_xw_body(%arg0: i32, %arg1: memref<1000x128xf32, #tpu.memory_space<vmem>>, %arg2: memref<128x128xf32, #tpu.memory_space<vmem>>, %arg3: memref<1000x128xf32, #tpu.memory_space<vmem>>) attributes {dimension_semantics = [#tpu.dimension_semantics<arbitrary>], iteration_bounds = array<i64: 10>, scalar_prefetch = 0 : i64, scratch_operands = 0 : i64, tpu.core_type = #tpu.core_type<tc>, window_params = [{transform_indices = @transform_0, window_bounds = array<i64: 1000, 128>}, {pipeline_mode = #tpu.pipeline_mode<synchronous>, transform_indices = @transform_1, window_bounds = array<i64: 128, 128>}, {transform_indices = @transform_2, window_bounds = array<i64: 1000, 128>}]} {
    %get3A = arith.constant 0 : index
    %get3A_0 = arith.constant 0 : index
    %get3A_1 = vector.load %arg1[%get3A, %get3A_0] : memref<1000x128xf32, #tpu.memory_space<vmem>>, vector<1000x128xf32>
    %get3A_2 = arith.constant 0 : index
    %get3A_3 = arith.constant 0 : index
    %get3A_4 = vector.load %arg2[%get3A_2, %get3A_3] : memref<128x128xf32, #tpu.memory_space<vmem>>, vector<128x128xf32>
    %dot_general3A = arith.constant dense<0.000000e+00> : vector<1000x128xf32>
    %dot_general3A_5 = tpu.matmul %get3A_1, %get3A_4, %dot_general3A {dimension_numbers = #tpu.dot_dimension_numbers<[1], [0], [0], [1], [0, 0, 1, 1], [], []>, transpose_lhs_hint = false} : vector<1000x128xf32>, vector<128x128xf32>, vector<1000x128xf32> -> vector<1000x128xf32>
    %swap3A = arith.constant 0 : index
    %swap3A_6 = arith.constant 0 : index
    %swap3A_7 = vector.load %arg3[%swap3A, %swap3A_6] : memref<1000x128xf32, #tpu.memory_space<vmem>>, vector<1000x128xf32>
    tpu.vector_store %arg3[%swap3A, %swap3A_6], %dot_general3A_5 {strides = array<i32>} : memref<1000x128xf32, #tpu.memory_space<vmem>>, vector<1000x128xf32>,
    return
  }
  func.func @transform_0(%arg0: i32) -> (i32, i32) {
    %c0_i32 = arith.constant 0 : i32
    %c0_i32_0 = arith.constant 0 : i32
    return %arg0, %c0_i32 : i32, i32
  }
  func.func @transform_1(%arg0: i32) -> (i32, i32) {
    %c0_i32 = arith.constant 0 : i32
    %c0_i32_0 = arith.constant 0 : i32
    %c0_i32_1 = arith.constant 0 : i32
    return %c0_i32, %c0_i32_0 : i32, i32
  }
  func.func @transform_2(%arg0: i32) -> (i32, i32) {
    %c0_i32 = arith.constant 0 : i32
    %c0_i32_0 = arith.constant 0 : i32
    return %arg0, %c0_i32 : i32, i32
  }
}

module attributes {stable_mosaic.version = 14 : i64} {
  func.func @_tc_body(%arg0: i32, %arg1: memref<1000x128xf32, #tpu.memory_space<vmem>>, %arg2: memref<1000x128xf32, #tpu.memory_space<vmem>>, %arg3: memref<2x1000x4xf32, #tpu.memory_space<vmem>>, %arg4: memref<1x1x1000xi32, #tpu.memory_space<vmem>>, %arg5: memref<128x128xf32, #tpu.memory_space<vmem>>, %arg6: memref<4x128xf32, #tpu.memory_space<vmem>>, %arg7: memref<128x128xf32, #tpu.memory_space<vmem>>, %arg8: memref<1x128xf32, #tpu.memory_space<vmem>>, %arg9: memref<1x128xf32, #tpu.memory_space<vmem>>, %arg10: memref<512x128xf32, #tpu.memory_space<vmem>>, %arg11: memref<512x128xf32, #tpu.memory_space<vmem>>) attributes {dimension_semantics = [#tpu.dimension_semantics<arbitrary>], iteration_bounds = array<i64: 10>, scalar_prefetch = 0 : i64, scratch_operands = 1 : i64, tpu.core_type = #tpu.core_type<tc>, window_params = [{transform_indices = @transform_0, window_bounds = array<i64: 1000, 128>}, {transform_indices = @transform_1, window_bounds = array<i64: 1000, 128>}, {transform_indices = @transform_2, window_bounds = array<i64: 2, 1000, 4>}, {transform_indices = @transform_3, window_bounds = array<i64: 1, 1, 1000>}, {pipeline_mode = #tpu.pipeline_mode<synchronous>, transform_indices = @transform_4, window_bounds = array<i64: 128, 128>}, {pipeline_mode = #tpu.pipeline_mode<synchronous>, transform_indices = @transform_5, window_bounds = array<i64: 4, 128>}, {pipeline_mode = #tpu.pipeline_mode<synchronous>, transform_indices = @transform_6, window_bounds = array<i64: 128, 128>}, {pipeline_mode = #tpu.pipeline_mode<synchronous>, transform_indices = @transform_7, window_bounds = array<i64: 1, 128>}, {pipeline_mode = #tpu.pipeline_mode<synchronous>, transform_indices = @transform_8, window_bounds = array<i64: 1, 128>}, {pipeline_mode = #tpu.pipeline_mode<synchronous>, transform_indices = @transform_9, window_bounds = array<i64: 512, 128>}]} {
    %eq3A = arith.constant 0 : i32
    %eq3A_0 = arith.cmpi eq, %arg0, %eq3A : i32
    %convert_element_type3A = arith.extui %eq3A_0 : i1 to i32
    %cond3A = arith.constant 0 : i32
    %cond3A_1 = arith.cmpi ne, %convert_element_type3A, %cond3A : i32
    scf.if %cond3A_1 {
      %broadcast_in_dim3A_76 = arith.constant 0.000000e+00 : f32
      %broadcast_in_dim3A_77 = vector.broadcast %broadcast_in_dim3A_76 : f32 to vector<512x128xf32>
      %swap3A_78 = arith.constant 0 : index
      %swap3A_79 = arith.constant 0 : index
      %swap3A_80 = vector.load %arg10[%swap3A_78, %swap3A_79] : memref<512x128xf32, #tpu.memory_space<vmem>>, vector<512x128xf32>
      tpu.vector_store %arg10[%swap3A_78, %swap3A_79], %broadcast_in_dim3A_77 {strides = array<i32>} : memref<512x128xf32, #tpu.memory_space<vmem>>, vector<512x128xf32>,
      %broadcast_in_dim3A_81 = arith.constant 0.000000e+00 : f32
      %broadcast_in_dim3A_82 = vector.broadcast %broadcast_in_dim3A_81 : f32 to vector<512x128xf32>
      %swap3A_83 = arith.constant 0 : index
      %swap3A_84 = arith.constant 0 : index
      %swap3A_85 = vector.load %arg11[%swap3A_83, %swap3A_84] : memref<512x128xf32, #tpu.memory_space<vmem>>, vector<512x128xf32>
      tpu.vector_store %arg11[%swap3A_83, %swap3A_84], %broadcast_in_dim3A_82 {strides = array<i32>} : memref<512x128xf32, #tpu.memory_space<vmem>>, vector<512x128xf32>,
    } else {
    }
    %get3A = arith.constant 0 : index
    %get3A_2 = arith.constant 0 : index
    %get3A_3 = arith.constant 0 : index
    %get3A_4 = vector.load %arg3[%get3A, %get3A_2, %get3A_3] : memref<2x1000x4xf32, #tpu.memory_space<vmem>>, vector<1x1000x4xf32>
    %get3A_5 = vector.shape_cast %get3A_4 : vector<1x1000x4xf32> to vector<1000x4xf32>
    %get3A_6 = arith.constant 1 : index
    %get3A_7 = arith.constant 0 : index
    %get3A_8 = arith.constant 0 : index
    %get3A_9 = vector.load %arg3[%get3A_6, %get3A_7, %get3A_8] : memref<2x1000x4xf32, #tpu.memory_space<vmem>>, vector<1x1000x4xf32>
    %get3A_10 = vector.shape_cast %get3A_9 : vector<1x1000x4xf32> to vector<1000x4xf32>
    %add3A = arith.addf %get3A_5, %get3A_10 : vector<1000x4xf32>
    %get3A_11 = arith.constant 0 : index
    %get3A_12 = arith.constant 0 : index
    %get3A_13 = vector.load %arg1[%get3A_11, %get3A_12] : memref<1000x128xf32, #tpu.memory_space<vmem>>, vector<1000x128xf32>
    %get3A_14 = arith.constant 0 : index
    %get3A_15 = arith.constant 0 : index
    %get3A_16 = vector.load %arg2[%get3A_14, %get3A_15] : memref<1000x128xf32, #tpu.memory_space<vmem>>, vector<1000x128xf32>
    %get3A_17 = arith.constant 0 : index
    %get3A_18 = arith.constant 0 : index
    %get3A_19 = vector.load %arg5[%get3A_17, %get3A_18] : memref<128x128xf32, #tpu.memory_space<vmem>>, vector<128x128xf32>
    %dot_general3A = arith.constant dense<0.000000e+00> : vector<1000x128xf32>
    %dot_general3A_20 = tpu.matmul %get3A_16, %get3A_19, %dot_general3A {dimension_numbers = #tpu.dot_dimension_numbers<[1], [0], [0], [1], [0, 0, 1, 1], [], []>, transpose_lhs_hint = false} : vector<1000x128xf32>, vector<128x128xf32>, vector<1000x128xf32> -> vector<1000x128xf32>
    %add3A_21 = arith.addf %get3A_13, %dot_general3A_20 : vector<1000x128xf32>
    %get3A_22 = arith.constant 0 : index
    %get3A_23 = arith.constant 0 : index
    %get3A_24 = vector.load %arg6[%get3A_22, %get3A_23] : memref<4x128xf32, #tpu.memory_space<vmem>>, vector<4x128xf32>
    %dot_general3A_25 = arith.constant dense<0.000000e+00> : vector<1000x128xf32>
    %dot_general3A_26 = tpu.matmul %add3A, %get3A_24, %dot_general3A_25 {dimension_numbers = #tpu.dot_dimension_numbers<[1], [0], [0], [1], [0, 0, 1, 1], [], []>, transpose_lhs_hint = false} : vector<1000x4xf32>, vector<4x128xf32>, vector<1000x128xf32> -> vector<1000x128xf32>
    %add3A_27 = arith.addf %add3A_21, %dot_general3A_26 : vector<1000x128xf32>
    %get3A_28 = arith.constant 0 : index
    %get3A_29 = arith.constant 0 : index
    %get3A_30 = vector.load %arg8[%get3A_28, %get3A_29] : memref<1x128xf32, #tpu.memory_space<vmem>>, vector<1x128xf32>
    %add3A_31 = vector.broadcast %get3A_30 : vector<1x128xf32> to vector<1000x128xf32>
    %add3A_32 = arith.addf %add3A_27, %add3A_31 : vector<1000x128xf32>
    %get3A_33 = arith.constant 0 : index
    %get3A_34 = arith.constant 0 : index
    %get3A_35 = vector.load %arg7[%get3A_33, %get3A_34] : memref<128x128xf32, #tpu.memory_space<vmem>>, vector<128x128xf32>
    %dot_general3A_36 = arith.constant dense<0.000000e+00> : vector<1000x128xf32>
    %dot_general3A_37 = tpu.matmul %add3A_32, %get3A_35, %dot_general3A_36 {dimension_numbers = #tpu.dot_dimension_numbers<[1], [0], [0], [1], [0, 0, 1, 1], [], []>, transpose_lhs_hint = false} : vector<1000x128xf32>, vector<128x128xf32>, vector<1000x128xf32> -> vector<1000x128xf32>
    %get3A_38 = arith.constant 0 : index
    %get3A_39 = arith.constant 0 : index
    %get3A_40 = vector.load %arg9[%get3A_38, %get3A_39] : memref<1x128xf32, #tpu.memory_space<vmem>>, vector<1x128xf32>
    %add3A_41 = vector.broadcast %get3A_40 : vector<1x128xf32> to vector<1000x128xf32>
    %add3A_42 = arith.addf %dot_general3A_37, %add3A_41 : vector<1000x128xf32>
    %max3A = arith.constant 0.000000e+00 : f32
    %max3A_43 = vector.broadcast %max3A : f32 to vector<1000x128xf32>
    %max3A_44 = arith.maximumf %add3A_42, %max3A_43 : vector<1000x128xf32>
    %get3A_45 = arith.constant 0 : index
    %get3A_46 = arith.constant 0 : index
    %get3A_47 = arith.constant 0 : index
    %get3A_48 = vector.load %arg4[%get3A_45, %get3A_46, %get3A_47] : memref<1x1x1000xi32, #tpu.memory_space<vmem>>, vector<1x1x1000xi32>
    %get3A_49 = vector.shape_cast %get3A_48 : vector<1x1x1000xi32> to vector<1x1000xi32>
    %iota3A = tpu.iota {dimensions = array<i32: 0>} : vector<512x1000xi32>
    %eq3A_50 = vector.broadcast %get3A_49 : vector<1x1000xi32> to vector<512x1000xi32>
    %eq3A_51 = arith.cmpi eq, %eq3A_50, %iota3A : vector<512x1000xi32>
    %convert_element_type3A_52 = arith.extui %eq3A_51 : vector<512x1000xi1> to vector<512x1000xi32>
    %convert_element_type3A_53 = arith.sitofp %convert_element_type3A_52 : vector<512x1000xi32> to vector<512x1000xf32>
    %get3A_54 = arith.constant 0 : index
    %get3A_55 = arith.constant 0 : index
    %get3A_56 = vector.load %arg10[%get3A_54, %get3A_55] : memref<512x128xf32, #tpu.memory_space<vmem>>, vector<512x128xf32>
    %dot_general3A_57 = arith.constant dense<0.000000e+00> : vector<512x128xf32>
    %dot_general3A_58 = tpu.matmul %convert_element_type3A_53, %max3A_44, %dot_general3A_57 {dimension_numbers = #tpu.dot_dimension_numbers<[1], [0], [0], [1], [0, 0, 1, 1], [], []>, transpose_lhs_hint = false} : vector<512x1000xf32>, vector<1000x128xf32>, vector<512x128xf32> -> vector<512x128xf32>
    %add3A_59 = arith.addf %get3A_56, %dot_general3A_58 : vector<512x128xf32>
    %swap3A = arith.constant 0 : index
    %swap3A_60 = arith.constant 0 : index
    %swap3A_61 = vector.load %arg10[%swap3A, %swap3A_60] : memref<512x128xf32, #tpu.memory_space<vmem>>, vector<512x128xf32>
    tpu.vector_store %arg10[%swap3A, %swap3A_60], %add3A_59 {strides = array<i32>} : memref<512x128xf32, #tpu.memory_space<vmem>>, vector<512x128xf32>,
    %get3A_62 = arith.constant 0 : index
    %get3A_63 = arith.constant 0 : index
    %get3A_64 = vector.load %arg11[%get3A_62, %get3A_63] : memref<512x128xf32, #tpu.memory_space<vmem>>, vector<512x128xf32>
    %reduce_sum3A = arith.constant dense<0.000000e+00> : vector<512xf32>
    %reduce_sum3A_65 = vector.multi_reduction <add>, %convert_element_type3A_53, %reduce_sum3A [1] : vector<512x1000xf32> to vector<512xf32>
    %broadcast_in_dim3A = vector.shape_cast %reduce_sum3A_65 : vector<512xf32> to vector<512x1xf32>
    %add3A_66 = vector.broadcast %broadcast_in_dim3A : vector<512x1xf32> to vector<512x128xf32>
    %add3A_67 = arith.addf %get3A_64, %add3A_66 : vector<512x128xf32>
    %swap3A_68 = arith.constant 0 : index
    %swap3A_69 = arith.constant 0 : index
    %swap3A_70 = vector.load %arg11[%swap3A_68, %swap3A_69] : memref<512x128xf32, #tpu.memory_space<vmem>>, vector<512x128xf32>
    tpu.vector_store %arg11[%swap3A_68, %swap3A_69], %add3A_67 {strides = array<i32>} : memref<512x128xf32, #tpu.memory_space<vmem>>, vector<512x128xf32>,
    %eq3A_71 = arith.constant 9 : i32
    %eq3A_72 = arith.cmpi eq, %arg0, %eq3A_71 : i32
    %convert_element_type3A_73 = arith.extui %eq3A_72 : i1 to i32
    %cond3A_74 = arith.constant 0 : i32
    %cond3A_75 = arith.cmpi ne, %convert_element_type3A_73, %cond3A_74 : i32
    scf.if %cond3A_75 {
      %get3A_76 = arith.constant 0 : index
      %get3A_77 = arith.constant 0 : index
      %get3A_78 = vector.load %arg10[%get3A_76, %get3A_77] : memref<512x128xf32, #tpu.memory_space<vmem>>, vector<512x128xf32>
      %get3A_79 = arith.constant 0 : index
      %get3A_80 = arith.constant 0 : index
      %get3A_81 = vector.load %arg11[%get3A_79, %get3A_80] : memref<512x128xf32, #tpu.memory_space<vmem>>, vector<512x128xf32>
      %max3A_82 = arith.constant 1.000000e+00 : f32
      %max3A_83 = vector.broadcast %max3A_82 : f32 to vector<512x128xf32>
      %max3A_84 = arith.maximumf %get3A_81, %max3A_83 : vector<512x128xf32>
      %div3A = arith.divf %get3A_78, %max3A_84 : vector<512x128xf32>
      %swap3A_85 = arith.constant 0 : index
      %swap3A_86 = arith.constant 0 : index
      %swap3A_87 = vector.load %arg10[%swap3A_85, %swap3A_86] : memref<512x128xf32, #tpu.memory_space<vmem>>, vector<512x128xf32>
      tpu.vector_store %arg10[%swap3A_85, %swap3A_86], %div3A {strides = array<i32>} : memref<512x128xf32, #tpu.memory_space<vmem>>, vector<512x128xf32>,
    } else {
    }
    return
  }
  func.func @transform_0(%arg0: i32) -> (i32, i32) {
    %c0_i32 = arith.constant 0 : i32
    %c0_i32_0 = arith.constant 0 : i32
    return %arg0, %c0_i32 : i32, i32
  }
  func.func @transform_1(%arg0: i32) -> (i32, i32) {
    %c0_i32 = arith.constant 0 : i32
    %c0_i32_0 = arith.constant 0 : i32
    return %arg0, %c0_i32 : i32, i32
  }
  func.func @transform_2(%arg0: i32) -> (i32, i32, i32) {
    %c0_i32 = arith.constant 0 : i32
    %c0_i32_0 = arith.constant 0 : i32
    %c0_i32_1 = arith.constant 0 : i32
    return %c0_i32, %arg0, %c0_i32_0 : i32, i32, i32
  }
  func.func @transform_3(%arg0: i32) -> (i32, i32, i32) {
    %c0_i32 = arith.constant 0 : i32
    %c0_i32_0 = arith.constant 0 : i32
    %c0_i32_1 = arith.constant 0 : i32
    return %arg0, %c0_i32, %c0_i32_0 : i32, i32, i32
  }
  func.func @transform_4(%arg0: i32) -> (i32, i32) {
    %c0_i32 = arith.constant 0 : i32
    %c0_i32_0 = arith.constant 0 : i32
    %c0_i32_1 = arith.constant 0 : i32
    return %c0_i32, %c0_i32_0 : i32, i32
  }
  func.func @transform_5(%arg0: i32) -> (i32, i32) {
    %c0_i32 = arith.constant 0 : i32
    %c0_i32_0 = arith.constant 0 : i32
    %c0_i32_1 = arith.constant 0 : i32
    return %c0_i32, %c0_i32_0 : i32, i32
  }
  func.func @transform_6(%arg0: i32) -> (i32, i32) {
    %c0_i32 = arith.constant 0 : i32
    %c0_i32_0 = arith.constant 0 : i32
    %c0_i32_1 = arith.constant 0 : i32
    return %c0_i32, %c0_i32_0 : i32, i32
  }
  func.func @transform_7(%arg0: i32) -> (i32, i32) {
    %c0_i32 = arith.constant 0 : i32
    %c0_i32_0 = arith.constant 0 : i32
    %c0_i32_1 = arith.constant 0 : i32
    return %c0_i32, %c0_i32_0 : i32, i32
  }
  func.func @transform_8(%arg0: i32) -> (i32, i32) {
    %c0_i32 = arith.constant 0 : i32
    %c0_i32_0 = arith.constant 0 : i32
    %c0_i32_1 = arith.constant 0 : i32
    return %c0_i32, %c0_i32_0 : i32, i32
  }
  func.func @transform_9(%arg0: i32) -> (i32, i32) {
    %c0_i32 = arith.constant 0 : i32
    %c0_i32_0 = arith.constant 0 : i32
    %c0_i32_1 = arith.constant 0 : i32
    return %c0_i32, %c0_i32_0 : i32, i32
  }
}

</mosaic_0001>

<sc_bundles>
// kernel: kernel.5.cloned.1.call-start
scs
__scs_entry_jumppad:
0x0: {  	(pc) =	sbr.rel $0x88, $3  }
0x1: {  	(tag) =	ssettag $0x0;
	lr =	simm.s32 $0x1  }
0x2: {  	[smem:$0x3F97] =	sst lr;
	_ =	strace $0xD0000000  }
0x3: {  	_ = 	snop  }
0x4: {  	_ = 	snop  }
0x5: {  	_ = 	snop  }
0x6: {  	_ = 	snop  }
0x7: {  	_ = 	snop  }
__scs_overlays_trampoline_lowered:
0x8: {  	[smem:$0x3FA6] =	sst s0  }
0x9: {  	[smem:$0x3FA7] =	sst s1  }
0xa: {  	[smem:$0x3FA8] =	sst s2  }
0xb: {  	[smem:$0x3FA9] =	sst s3  }
0xc: {  	[smem:$0x3FAA] =	sst s4  }
0xd: {  	[smem:$0x3FAB] =	sst s5  }
0xe: {  	[smem:$0x3FAC] =	sst s6  }
0xf: {  	[smem:$0x3FAD] =	sst s7  }
0x10: {  	[smem:$0x3FAE] =	sst s8  }
0x11: {  	[smem:$0x3FAF] =	sst s9;
	s0 =	simm.s32 @!p0 $0x0  }
0x12: {  	s1 =	sld [smem:$0x3F95];
	s0 =	simm.s32 @p0 $0x1  }
0x13: {  	[smem:$0x3FB0] =	sst s0;
	s0 =	simm.s32 @!p1 $0x0  }
0x14: {  	s2 =	sld [smem:$0x3F94];
	s0 =	simm.s32 @p1 $0x1  }
0x15: {  	[smem:$0x3FB1] =	sst s0;
	s0 =	simm.s32 @!p2 $0x0  }
0x16: {  	s3 =	sld [smem:$0x3FDB];
	s0 =	simm.s32 @p2 $0x1  }
0x17: {  	s4 =	simm.s32 $0x1BF5;
	[smem:$0x3FB3] =	sst s0  }
0x18: {  	s0 =	sld [smem:$0x3F96];
	_ =	swait.ge [sflag:s4], $0x0  }
0x19: {  	s7 =	sld [smem:$0x3F97]  }
0x1a: {  	s8 =	sadd.s32 $0xFFFFE003, lr  }
0x1b: {  	s9 =	sadd.s32 $0xFFFFFEF7, lr;
	s5 =	simm.s32 $0xFFFFFFFF;
	p2 =	slt.u32 s8, $0xFFFFF086  }
0x1c: {  	p1 =	slt.u32 s9, $0xF7A;
	s5 =	simm.s32 @!p2 $0x0  }
0x1d: {  	s5 =	simm.s32 @p1 $0x1;
	p0 =	seq.s32 s7, s2  }
0x1e: {  	s7 =	smul.u32 @!p0 $0xF7A, s2;
	p2 =	seq.s32 @!p0 s5, $0x0  }
0x1f: {  	s9 =	smul.u32 $0xF7A, s1;
	s8 =	simm.s32 @!p0 $0x1BF5;
	p2 =	por !p2, p0  }
0x20: {  	[sflag:s8] =	ssyncset.s32 @!p0 $0xFFFFF086;
	s6 =	sadd.s32 @!p0 s3, s7;
	s7 =	simm.s32 @!p0 $0x108  }
0x21: {  	s3 =	sadd.s32 s3, s9;
	s6 =	sadd.s32 @!p0 $0x88, s6;
	s7 =	simm.s32 @p2 $0x1082  }
0x22: {  	[simem:s7], [sflag:s8] =	dma.local @!p0 [hbm:s6], $0xF7A  }
0x23: {  	s9 =	sor.u32 $0xD0000000, s2;
	s6 =	simm.s32 $0x108;
	_ =	swait.ge @!p0 [sflag:s8], $0x0  }
0x24: {  	s3 =	sadd.s32 $0x88, s3;
	s6 =	simm.s32 @!p1 $0x1082;
	[sflag:s4] =	ssyncset.s32 $0xFFFFF086  }
0x25: {  	[simem:s6], [sflag:s4] =	dma.local [hbm:s3], $0xF7A  }
0x26: {  	[smem:$0x3F97] =	sst s1;
	(tag) =	ssettag s2;
	_ =	strace s9  }
0x27: {  	s1 =	sld [smem:$0x3FA7]  }
0x28: {  	s2 =	sld [smem:$0x3FA8]  }
0x29: {  	s4 =	sld [smem:$0x3FAA]  }
0x2a: {  	p0 =	seq.s32 s5, $0x0;
	s5 =	sld [smem:$0x3FAB]  }
0x2b: {  	s6 =	sld [smem:$0x3FAC]  }
0x2c: {  	s7 =	sld [smem:$0x3FAD]  }
0x2d: {  	s3 =	simm.s32 $0x108;
	s8 =	sld [smem:$0x3FAE]  }
0x2e: {  	s3 =	simm.s32 @!p0 $0x1082;
	s9 =	sld [smem:$0x3FAF]  }
0x2f: {  	lr =	sadd.s32 s0, s3;
	s0 =	sld [smem:$0x3FA6]  }
0x30: {  	s3 =	sld [smem:$0x3FA9]  }
0x31: {  	[smem:$0x3FB2] =	sst s10  }
0x32: {  	s10 =	sld [smem:$0x3FB0];
	_ =	sdelay $0x3  }
0x33: {  	p0 =	seq.s32 s10, $0x1;
	s10 =	sld [smem:$0x3FB2];
	_ =	sdelay $0x3  }
0x34: {  	[smem:$0x3FB2] =	sst s10  }
0x35: {  	s10 =	sld [smem:$0x3FB1];
	_ =	sdelay $0x3  }
0x36: {  	p1 =	seq.s32 s10, $0x1;
	s10 =	sld [smem:$0x3FB2];
	_ =	sdelay $0x3  }
0x37: {  	[smem:$0x3FB2] =	sst s10  }
0x38: {  	s10 =	sld [smem:$0x3FB3]  }
0x39: {  	_ = 	snop;
	(pc) =	sbr.ind lr, $3  }
0x3a: {  	_ = 	snop  }
0x3b: {  	_ = 	snop  }
0x3c: {  	p2 =	seq.s32 s10, $0x1;
	s10 =	sld [smem:$0x3FB2]  }
0x3d: {  	_ =	shalt  }
0x3e: {  	_ =	shalt  }
0x3f: {  	_ =	shalt  }
0x40: {  	_ =	shalt  }
0x41: {  	_ =	shalt  }
0x42: {  	_ =	shalt  }
0x43: {  	_ =	shalt  }
0x44: {  	_ =	shalt  }
0x45: {  	_ =	shalt  }
0x46: {  	_ =	shalt  }
0x47: {  	_ =	shalt  }
0x48: {  	_ =	shalt  }
0x49: {  	_ =	shalt  }
0x4a: {  	_ =	shalt  }
0x4b: {  	_ =	shalt  }
0x4c: {  	_ =	shalt  }
0x4d: {  	_ =	shalt  }
0x4e: {  	_ =	shalt  }
0x4f: {  	_ =	shalt  }
0x50: {  	_ =	shalt  }
0x51: {  	_ =	shalt  }
0x52: {  	_ =	shalt  }
0x53: {  	_ =	shalt  }
0x54: {  	_ =	shalt  }
0x55: {  	_ =	shalt  }
0x56: {  	_ =	shalt  }
0x57: {  	_ =	shalt  }
0x58: {  	_ =	shalt  }
0x59: {  	_ =	shalt  }
0x5a: {  	_ =	shalt  }
0x5b: {  	_ =	shalt  }
0x5c: {  	_ =	shalt  }
0x5d: {  	_ =	shalt  }
0x5e: {  	_ =	shalt  }
0x5f: {  	_ =	shalt  }
0x60: {  	_ =	shalt  }
0x61: {  	_ =	shalt  }
0x62: {  	_ =	shalt  }
0x63: {  	_ =	shalt  }
0x64: {  	_ =	shalt  }
0x65: {  	_ =	shalt  }
0x66: {  	_ =	shalt  }
0x67: {  	_ =	shalt  }
0x68: {  	_ =	shalt  }
0x69: {  	_ =	shalt  }
0x6a: {  	_ =	shalt  }
0x6b: {  	_ =	shalt  }
0x6c: {  	_ =	shalt  }
0x6d: {  	_ =	shalt  }
0x6e: {  	_ =	shalt  }
0x6f: {  	_ =	shalt  }
0x70: {  	_ =	shalt  }
0x71: {  	_ =	shalt  }
0x72: {  	_ =	shalt  }
0x73: {  	_ =	shalt  }
0x74: {  	_ =	shalt  }
0x75: {  	_ =	shalt  }
0x76: {  	_ =	shalt  }
0x77: {  	_ =	shalt  }
0x78: {  	_ =	shalt  }
0x79: {  	_ =	shalt  }
0x7a: {  	_ =	shalt  }
0x7b: {  	_ =	shalt  }
0x7c: {  	_ =	shalt  }
0x7d: {  	_ =	shalt  }
0x7e: {  	_ =	shalt  }
0x7f: {  	_ =	shalt  }
0x80: {  	_ =	shalt  }
0x81: {  	_ =	shalt  }
0x82: {  	_ =	shalt  }
0x83: {  	_ =	shalt  }
0x84: {  	_ =	shalt  }
0x85: {  	_ =	shalt  }
0x86: {  	_ =	shalt  }
0x87: {  	_ =	shalt  }
.Lfunc_end0:
.L_simem_size_0:
called_computation_lowered:
.L_overlay_start_0:
0x88: {  	s2 =	sld [smem:$0x3FD9]  }
0x89: {  	s3 =	sld [smem:$0x3FFE];
	_ =	sdelay $0x1  }
0x8a: {  	s1 =	srdreg.scid  }
0x8b: {  	s0 =	sand.u32 $0x1, s1  }
0x8c: {  	s17 =	sshll.u32 s0, $0xA;
	s2 =	sadd.s32 s3, s2  }
0x8d: {  	s2 =	sadd.s32 s2, s17  }
0x8e: {  	[smem:$0x3FBE] =	sst s2  }
0x8f: {  	_ = 	snop  }
0x90: {  	s2 =	sld [smem:$0x3FD0];
	(tm) =	ssettm $0x1  }
0x91: {  	s18 =	sld [smem:$0x3FFB];
	_ =	sdelay $0x3  }
0x92: {  	_ =	strace s18  }
0x93: {  	s3 =	sld [smem:$0x3FFC];
	_ =	sdelay $0x3  }
0x94: {  	_ =	strace s3  }
0x95: {  	s3 =	sld [smem:$0x3FFD];
	_ =	sdelay $0x3  }
0x96: {  	_ =	strace s3  }
0x97: {  	_ =	strace $0x8FFFFFFF  }
0x98: {  	s19 =	sld [smem:$0x3FDB];
	_ =	sdelay $0x1  }
0x99: {  	s4 =	simm.s32 $_scs_section_size  }
0x9a: {  	s5 =	simm.s32 $_size__tile_overlayer_lowered;
	s6 =	simm.s32 $_tile_overlayer_lowered  }
0x9b: {  	s22 =	simm.s32 $0x1BFF;
	s21 =	sshll.u32 s6, $0x1;
	s3 =	sadd.s32 s4, s19  }
0x9c: {  	s7 =	simm.s32 $0x0;
	s20 =	sshll.u32 s5, $0x1;
	s5 =	sadd.s32 s21, s3  }
0x9d: {  	[timem:s7], [sflag:s22] =	dma.local [hbm:s5], s20  }
0x9e: {  	_ =	swait.ge [sflag:s22], s20  }
0x9f: {  	s4 =	ssub.s32 $0x0, s20;
	[sflag:s22] =	ssyncset.done $0x0  }
0xa0: {  	[sflag:s22] =	ssyncadd.s32 s4;
	_ =	sdelay $0x1  }
0xa1: {  	s23 =	simm.s32 $0x1B8B  }
0xa2: {  	_ =	swait.ge [sflag:s23], $0x1  }
0xa3: {  	[sflag:s23] =	ssyncset.done $0x0  }
0xa4: {  	s25 =	simm.s32 $0x1B8E;
	s24 =	sld [smem:$0x3FFE];
	[sflag:s23] =	ssyncadd.s32 $0xFFFFFFFF  }
0xa5: {  	s26 =	simm.s32 $execute0_lowered;
	[smem:$0x3FD2] =	sst s25  }
0xa6: {  	s5 =	sshll.u32 s26, $0x1;
	_ =	strace $0x80000046;
	[dreg:$0x1] =	wrdreg $0xFFFFFFFF  }
0xa7: {  	s28 =	simm.s32 $_size_execute0_lowered;
	s3 =	sadd.s32 s3, s5;
	[dreg:$0x0] =	wrdreg $0x0  }
0xa8: {  	s5 =	sshll.u32 s28, $0x1;
	[dreg:$0x2] =	wrdreg s3  }
0xa9: {  	[dreg:$0x3] =	wrdreg s5  }
0xaa: {  	[dreg:$0x4] =	wrdreg $0xC0  }
0xab: {  	_ =	task [dreg:s7], $0x5FFFF  }
0xac: {  	[dreg:$0x1] =	wrdreg $0xFFFFFFFF  }
0xad: {  	[dreg:$0x0] =	wrdreg $0x60  }
0xae: {  	[dreg:$0x2] =	wrdreg s24  }
0xaf: {  	[dreg:$0x3] =	wrdreg s2  }
0xb0: {  	[dreg:$0x4] =	wrdreg $0x152200  }
0xb1: {  	[dreg:$0x5] =	wrdreg $0x1F2200  }
0xb2: {  	[dreg:$0x6] =	wrdreg $0x9  }
0xb3: {  	_ =	task.clear_ibuf [dreg:s7], $0x7FFFF;
	_ =	strace $0x90000046  }
0xb4: {  	s29 =	simm.s32 $0x9;
	_ =	strace $0x80000048  }
0xb5: {  	_ =	swait.ge [sflag:s29], $0x1  }
0xb6: {  	[sflag:s29] =	ssyncadd.s32 $0xFFFFFFFF  }
0xb7: {  	_ =	strace $0x90000048  }
0xb8: {  	_ =	sfence  }
0xb9: {  	s30 =	sld [smem:$0x0];
	_ =	sdelay $0x2  }
0xba: {  	s31 =	sshll.u32 s1, $0xD;
	s1 =	sshrl.u32 s1, $0x2  }
0xbb: {  	s3 =	sand.u32 $0x4000, s31;
	s1 =	sadd.s32 s1, s30  }
0xbc: {  	s0 =	sor.u32 s3, s0;
	s1 =	sshll.u32 s1, $0x11  }
0xbd: {  	s0 =	sor.u32 s1, s0  }
0xbe: {  	s0 =	sadd.s32 $0x8F2B, s0  }
0xbf: {  	[sflag:s0] =	ssyncadd.remote.s32 $0x1  }
0xc0: {  	_ =	sfence.sel $0xFFFF  }
0xc1: {  	[dreg:$0x0] =	wrdreg $0xFFFFFFFF;
	(pc) =	sbr.abs _section_cstart, $3  }
0xc2: {  	[dreg:$0x1] =	wrdreg $0xFFFFFFFF  }
0xc3: {  	_ =	task.clear_ibuf [dreg:s7], $0x2FFFF;
	_ =	strace $0x9FFFFFFF  }
0xc4: {  	(tm) =	ssettm $0x7FFFFFFF  }
0xc5: {  	_ =	shalt  }
tec
execute0_lowered:
.L_overlay_start_1:
0x0: {  	(tag) =	ssettag $0x1  }
0x1: {  	s0 =	rddreg [dreg:$0x0]  }
0x2: {  	s1 =	srdreg.scid;
	s6 =	rddreg [dreg:$0x1]  }
0x3: {  	s18 =	stileid.u32;
	s2 =	rddreg [dreg:$0x2]  }
0x4: {  	s3 =	rddreg [dreg:$0x3];
	s4 =	simm.s32 $0x0;
	s29 =	simm.s32 $0x127A0  }
0x5: {  	s28 =	simm.s32 $0x6220;
	s31 =	simm.s32 $0x8A20;
	s7 =	smul.u32 $0x7D, s18  }
0x6: {  	s30 =	simm.s32 $0x3;
	s5 =	sand.u32 $0x1, s1;
	s9 =	smul.u32 $0x280, s18  }
0x7: {  	[smem:$0x7FF] =	sst s4;
	s10 =	sadd.s32 $0x5A400, s0;
	s1 =	smul.u32 $0x7D0, s5  }
0x8: {  	s21 =	sadd.s32 $0x70E00, s0;
	s8 =	smul.u32 $0x13880, s5;
	_ =	strace $0x80000047  }
0x9: {  	s11 =	smul.u32 $0x1400, s5;
	s12 =	ssub.s32 $0x2, s5;
	s25 =	sxor.u32 $0x1, s5  }
0xa: {  	s5 =	sshll.u32 s5, $0x6;
	s13 =	sshrl.u32 s12, $0x1;
	s15 =	sadd.s32 $0xA0, s9  }
0xb: {  	s24 =	sadd.s32 $0x140, s9;
	s17 =	sadd.s32 $0x1E0, s9;
	s1 =	sadd.s32 s7, s1  }
0xc: {  	s12 =	ssub.s32 s12, s13;
	s23 =	sshll.u32 s15, $0x3;
	s16 =	sshll.u32 s24, $0x3  }
0xd: {  	s26 =	sshll.u32 s17, $0x3;
	s19 =	sshll.u32 s17, $0x7;
	s20 =	smul.u32 $0xA, s1  }
0xe: {  	s1 =	sadd.s32 s8, s0;
	s8 =	smul.u32 $0xA000, s18;
	s13 =	sadd.s32 s10, s23  }
0xf: {  	s16 =	sadd.s32 s10, s16;
	s18 =	smul.u32 $0x14000, s18;
	[dreg:$0x7] =	wrdreg s13  }
0x10: {  	s11 =	sadd.s32 s11, s0;
	[dreg:$0x8] =	wrdreg s16;
	s16 =	sshll.u32 s15, $0x7  }
0x11: {  	s13 =	sshll.u32 s24, $0x6;
	s14 =	sshrl.u32 s8, $0x3;
	s4 =	sor.u32 s5, s18  }
0x12: {  	s18 =	sshll.u32 s24, $0x7;
	s24 =	sshll.u32 s17, $0x6;
	[dreg:$0x5] =	wrdreg s20  }
0x13: {  	s22 =	sadd.s32 s10, s14;
	s14 =	smul.u32 $0x7D0, s25;
	s10 =	sadd.s32 s10, s26  }
0x14: {  	s25 =	sadd.s32 s8, s2;
	s23 =	sshrl.u32 s4, $0x3;
	[dreg:$0x6] =	wrdreg s22  }
0x15: {  	[dreg:$0x9] =	wrdreg s10;
	s22 =	sshll.u32 s15, $0x6;
	s8 =	sadd.s32 s21, s23  }
0x16: {  	[dreg:$0xa] =	wrdreg s25;
	s7 =	sadd.s32 s7, s14;
	s14 =	sor.u32 s5, s16  }
0x17: {  	s16 =	sor.u32 s5, s18;
	s15 =	sadd.s32 s22, s2;
	[dreg:$0xd] =	wrdreg s8  }
0x18: {  	s22 =	sadd.s32 s24, s2;
	s18 =	sadd.s32 $0x6E400, s0;
	s17 =	smov.u32 s15  }
0x19: {  	s26 =	sshrl.u32 s14, $0x3;
	s4 =	sshrl.u32 s16, $0x3;
	[dreg:$0x16] =	wrdreg s18  }
0x1a: {  	s14 =	sadd.s32 s9, s3;
	s15 =	sadd.s32 $0x46A00, s0;
	[dreg:$0x11] =	wrdreg s22  }
0x1b: {  	s16 =	sadd.s32 s20, s0;
	s0 =	sadd.s32 $0x50640, s0;
	[smem:$0x7FC] =	sst s14  }
0x1c: {  	s11 =	sadd.s32 $0x6E600, s11;
	s5 =	sor.u32 s5, s19;
	[dreg:$0x17] =	wrdreg s0  }
0x1d: {  	s5 =	sshrl.u32 s5, $0x3;
	s8 =	sadd.s32 s21, s26;
	[dreg:$0xb] =	wrdreg s17  }
0x1e: {  	s13 =	sadd.s32 s13, s2;
	s5 =	sadd.s32 s21, s5;
	[dreg:$0xe] =	wrdreg s8  }
0x1f: {  	s23 =	sadd.s32 $0x5000, s3;
	s10 =	sadd.s32 $0x32E00, s16;
	[dreg:$0x10] =	wrdreg s5  }
0x20: {  	s24 =	sadd.s32 $0x7800, s3;
	s14 =	smax.u32 s12, $0x1;
	[dreg:$0x1a] =	wrdreg s10  }
0x21: {  	s18 =	simm.s32 $0x4E20;
	s26 =	sadd.s32 s9, s24;
	[dreg:$0x1e] =	wrdreg s14  }
0x22: {  	s8 =	sadd.s32 s21, s4;
	s21 =	sadd.s32 $0x2800, s3;
	[dreg:$0x15] =	wrdreg s26  }
0x23: {  	s4 =	sadd.s32 s9, s23;
	[dreg:$0xf] =	wrdreg s8;
	s8 =	sshrl.u32 s9, $0x3  }
0x24: {  	s19 =	sadd.s32 s9, s21;
	s9 =	sadd.s32 $0x3CC00, s16;
	[dreg:$0x14] =	wrdreg s4  }
0x25: {  	s14 =	simm.s32 $0x7;
	s10 =	simm.s32 $0x4;
	[dreg:$0x19] =	wrdreg s9  }
0x26: {  	s6 =	sadd.s32 s6, s8;
	s5 =	sadd.s32 s8, s11;
	[smem:$0x7FD] =	sst s19  }
0x27: {  	s8 =	smul.u32 $0xA, s7;
	s11 =	sadd.s32 s15, s20;
	[dreg:$0x12] =	wrdreg s6  }
0x28: {  	s20 =	smov.u32 s13;
	s13 =	simm.s32 $0x14FA0;
	[dreg:$0x13] =	wrdreg s5  }
0x29: {  	s9 =	simm.s32 $0x6;
	s7 =	simm.s32 $0x2;
	[dreg:$0x1c] =	wrdreg s11  }
0x2a: {  	s6 =	sadd.s32 $0x29000, s16;
	s16 =	simm.s32 $0x12750;
	[dreg:$0xc] =	wrdreg s20  }
0x2b: {  	s5 =	simm.s32 $0x50;
	s11 =	simm.s32 $0x5;
	[dreg:$0x1b] =	wrdreg s6  }
0x2c: {  	s6 =	sadd.s32 $0x1E00, s1;
	[dreg:$0x18] =	wrdreg s8;
	s0 =	sadd.s32 s15, s8  }
0x2d: {  	s1 =	simm.s32 $0x7620;
	s15 =	simm.s32 $0x0;
	[dreg:$0x1d] =	wrdreg s0  }
0x2e: {  	s8 =	simm.s32 $0x9E20;
	s0 =	simm.s32 $0x1;
	[dreg:$0x1f] =	wrdreg s15  }
.LBB2_1:
0x2f: {  	s12 =	rddreg [dreg:$0x6];
	s15 =	simm.s32 $0x0  }
0x30: {  	[tilespmem:s29], [sflag:$0x7] =	stream.linear.gather [hbm4b:s12+s15], $0x2800, $0x38;
	[tilespmem:$0x1FC20] =	vst v63  }
0x31: {  	_ =	swait.ge [sflag:s14], $0x2800  }
0x32: {  	[sflag:s14] =	ssyncset.done $0x0  }
0x33: {  	[sflag:s14] =	ssyncadd.s32 $0xFFFFD800  }
0x34: {  	[spmem:s25] =	stream.linear.scatter [tilespmem:s29], [sflag:$0x7], $0x2800, $0x38;
	[tilespmem:$0x1FC20] =	vst v63  }
0x35: {  	_ =	swait.ge [sflag:s14], $0x2800  }
0x36: {  	[sflag:s14] =	ssyncset.done $0x0  }
0x37: {  	s25 =	rddreg [dreg:$0x7];
	[sflag:s14] =	ssyncadd.s32 $0xFFFFD800  }
0x38: {  	[tilespmem:s29], [sflag:$0x7] =	stream.linear.gather [hbm4b:s25+s15], $0x2800, $0x38;
	[tilespmem:$0x1FC20] =	vst v63  }
0x39: {  	_ =	swait.ge [sflag:s14], $0x2800  }
0x3a: {  	[sflag:s14] =	ssyncset.done $0x0  }
0x3b: {  	[sflag:s14] =	ssyncadd.s32 $0xFFFFD800  }
0x3c: {  	[spmem:s17] =	stream.linear.scatter [tilespmem:s29], [sflag:$0x7], $0x2800, $0x38;
	[tilespmem:$0x1FC20] =	vst v63  }
0x3d: {  	_ =	swait.ge [sflag:s14], $0x2800  }
0x3e: {  	[sflag:s14] =	ssyncset.done $0x0  }
0x3f: {  	s17 =	rddreg [dreg:$0x8];
	[sflag:s14] =	ssyncadd.s32 $0xFFFFD800  }
0x40: {  	[tilespmem:s29], [sflag:$0x7] =	stream.linear.gather [hbm4b:s17+s15], $0x2800, $0x38;
	[tilespmem:$0x1FC20] =	vst v63  }
0x41: {  	_ =	swait.ge [sflag:s14], $0x2800  }
0x42: {  	[sflag:s14] =	ssyncset.done $0x0  }
0x43: {  	[sflag:s14] =	ssyncadd.s32 $0xFFFFD800  }
0x44: {  	[spmem:s20] =	stream.linear.scatter [tilespmem:s29], [sflag:$0x7], $0x2800, $0x38;
	[tilespmem:$0x1FC20] =	vst v63  }
0x45: {  	_ =	swait.ge [sflag:s14], $0x2800  }
0x46: {  	[sflag:s14] =	ssyncset.done $0x0  }
0x47: {  	s25 =	rddreg [dreg:$0x9];
	[sflag:s14] =	ssyncadd.s32 $0xFFFFD800  }
0x48: {  	[tilespmem:s29], [sflag:$0x7] =	stream.linear.gather [hbm4b:s25+s15], $0x2800, $0x38;
	[tilespmem:$0x1FC20] =	vst v63  }
0x49: {  	_ =	swait.ge [sflag:s14], $0x2800  }
0x4a: {  	[sflag:s14] =	ssyncset.done $0x0  }
0x4b: {  	[sflag:s14] =	ssyncadd.s32 $0xFFFFD800  }
0x4c: {  	[spmem:s22] =	stream.linear.scatter [tilespmem:s29], [sflag:$0x7], $0x2800, $0x38;
	[tilespmem:$0x1FC20] =	vst v63  }
0x4d: {  	_ =	swait.ge [sflag:s14], $0x2800  }
0x4e: {  	[sflag:s14] =	ssyncset.done $0x0  }
0x4f: {  	s17 =	rddreg [dreg:$0x12];
	[sflag:s14] =	ssyncadd.s32 $0xFFFFD800  }
0x50: {  	[tilespmem:s13], [sflag:$0x7] =	stream.linear.gather [hbm4b:s17+s15], $0x280, $0x38;
	[tilespmem:$0x1FC20] =	vst v63  }
0x51: {  	_ =	swait.ge [sflag:s14], $0x280  }
0x52: {  	s25 =	sld [smem:$0x7FC]  }
0x53: {  	[sflag:s14] =	ssyncset.done $0x0  }
0x54: {  	[sflag:s14] =	ssyncadd.s32 $0xFFFFFD80  }
0x55: {  	[spmem:s25] =	stream.linear.scatter [tilespmem:s13], [sflag:$0x7], $0x280, $0x38;
	[tilespmem:$0x1FC20] =	vst v63  }
0x56: {  	_ =	swait.ge [sflag:s14], $0x280  }
0x57: {  	[sflag:s14] =	ssyncset.done $0x0  }
0x58: {  	[sflag:s14] =	ssyncadd.s32 $0xFFFFFD80  }
0x59: {  	[spmem:s19] =	stream.linear.scatter [tilespmem:s13], [sflag:$0x7], $0x280, $0x38;
	[tilespmem:$0x1FC20] =	vst v63  }
0x5a: {  	_ =	swait.ge [sflag:s14], $0x280  }
0x5b: {  	[sflag:s14] =	ssyncset.done $0x0  }
0x5c: {  	[sflag:s14] =	ssyncadd.s32 $0xFFFFFD80  }
0x5d: {  	[spmem:s4] =	stream.linear.scatter [tilespmem:s13], [sflag:$0x7], $0x280, $0x38;
	[tilespmem:$0x1FC20] =	vst v63  }
0x5e: {  	_ =	swait.ge [sflag:s14], $0x280  }
0x5f: {  	[sflag:s14] =	ssyncset.done $0x0  }
0x60: {  	[sflag:s14] =	ssyncadd.s32 $0xFFFFFD80  }
0x61: {  	[spmem:s26] =	stream.linear.scatter [tilespmem:s13], [sflag:$0x7], $0x280, $0x38;
	[tilespmem:$0x1FC20] =	vst v63  }
0x62: {  	_ =	swait.ge [sflag:s14], $0x280  }
0x63: {  	[sflag:s14] =	ssyncset.done $0x0  }
0x64: {  	s19 =	rddreg [dreg:$0x16];
	[sflag:s14] =	ssyncadd.s32 $0xFFFFFD80  }
0x65: {  	[tilespmem:s16], [sflag:$0x7] =	stream.linear.gather [hbm4b:s19+s15], $0x50, $0x38;
	[tilespmem:$0x1FC20] =	vst v63  }
0x66: {  	_ =	swait.ge [sflag:s14], $0x50  }
0x67: {  	[sflag:s14] =	ssyncset.done $0x0  }
0x68: {  	[sflag:s14] =	ssyncadd.s32 $0xFFFFFFB0  }
0x69: {  	[bflag:$0x0] =	sbarrier.arrive $0xFFFF  }
0x6a: {  	s20 =	rddreg [dreg:$0x1c]  }
0x6b: {  	[tilespmem:s15], [sflag:$0x7] =	stream.linear.gather [hbm4b:s20+s15], $0x2710, $0x38;
	[tilespmem:$0x1FC20] =	vst v63  }
0x6c: {  	_ =	swait.ge [sflag:s14], $0x2710  }
0x6d: {  	s22 =	rddreg [dreg:$0x5]  }
0x6e: {  	[sflag:s14] =	ssyncset.done $0x0;
	s26 =	rddreg [dreg:$0x17]  }
0x6f: {  	s4 =	simm.s32 $0x2710;
	[sflag:s14] =	ssyncadd.s32 $0xFFFFD8F0;
	s12 =	sadd.s32 s22, s26  }
0x70: {  	[tilespmem:s4], [sflag:$0x7] =	stream.linear.gather [hbm4b:s12+s15], $0x2710, $0x38;
	[tilespmem:$0x1FC20] =	vst v63  }
0x71: {  	_ =	swait.ge [sflag:s14], $0x2710  }
0x72: {  	[sflag:s14] =	ssyncset.done $0x0  }
0x73: {  	s19 =	simm.s32 $0xB220;
	s17 =	rddreg [dreg:$0x19];
	[sflag:s14] =	ssyncadd.s32 $0xFFFFD8F0  }
0x74: {  	[tilespmem:s19], [sflag:$0x7] =	stream.linear.gather [hbm4b:s17+s15], $0x2710, $0x38;
	[tilespmem:$0x1FC20] =	vst v63  }
0x75: {  	_ =	swait.ge [sflag:s14], $0x2710  }
0x76: {  	[sflag:s14] =	ssyncset.done $0x0  }
0x77: {  	s22 =	simm.s32 $0xD930;
	s20 =	rddreg [dreg:$0x1a];
	[sflag:s14] =	ssyncadd.s32 $0xFFFFD8F0  }
0x78: {  	[tilespmem:s22], [sflag:$0x7] =	stream.linear.gather [hbm4b:s20+s15], $0x2710, $0x38;
	[tilespmem:$0x1FC20] =	vst v63  }
0x79: {  	_ =	swait.ge [sflag:s14], $0x2710  }
0x7a: {  	[sflag:s14] =	ssyncset.done $0x0  }
0x7b: {  	s4 =	simm.s32 $0x10040;
	s26 =	rddreg [dreg:$0x1b];
	[sflag:s14] =	ssyncadd.s32 $0xFFFFD8F0  }
0x7c: {  	[tilespmem:s4], [sflag:$0x7] =	stream.linear.gather [hbm4b:s26+s15], $0x2710, $0x38;
	[tilespmem:$0x1FC20] =	vst v63  }
0x7d: {  	_ =	swait.ge [sflag:s14], $0x2710  }
0x7e: {  	[sflag:s14] =	ssyncset.done $0x0  }
0x7f: {  	[sflag:s14] =	ssyncadd.s32 $0xFFFFD8F0  }
0x80: {  	[tilespmem:s18], [sflag:$0x1] =	stream.indirect.gather [hbm4b:s6+s5], $0x40, s15, s5, $0xb8;
	[tilespmem:$0x1FC20] =	vst v63  }
0x81: {  	_ = 	snop  }
0x82: {  	[tilespmem:s28], [sflag:$0x2] =	stream.indirect.gather [hbm4b:s6+s5], $0x40, s5, s5, $0xb8;
	[tilespmem:$0x1FC20] =	vst v63  }
0x83: {  	s15 =	simm.s32 $0xA0  }
0x84: {  	[tilespmem:s1], [sflag:$0x3] =	stream.indirect.gather [hbm4b:s6+s5], $0x40, s15, s5, $0xb8;
	[tilespmem:$0x1FC20] =	vst v63  }
0x85: {  	s17 =	simm.s32 $0xF0  }
0x86: {  	[tilespmem:s31], [sflag:$0x4] =	stream.indirect.gather [hbm4b:s6+s5], $0x40, s17, s5, $0xb8;
	[tilespmem:$0x1FC20] =	vst v63  }
0x87: {  	s19 =	simm.s32 $0x140  }
0x88: {  	[tilespmem:s8], [sflag:$0x5] =	stream.indirect.gather [hbm4b:s6+s5], $0x40, s19, s5, $0xb8;
	[tilespmem:$0x1FC20] =	vst v63  }
0x89: {  	_ =	swait.ge [sflag:s0], $0x1400  }
0x8a: {  	[sflag:s0] =	ssyncset.done $0x0  }
0x8b: {  	s29 =	simm.s32 $0x2710;
	s20 =	simm.s32 $0xB220;
	[sflag:s0] =	ssyncadd.s32 $0xFFFFEC00  }
0x8c: {  	[spmem:s3] =	stream.indirect.scatter.add.f32 [tilespmem:s20], [sflag:$0x6], $0x1, s29, s5, $0xb8;
	[tilespmem:$0x1FC20] =	vst v63  }
0x8d: {  	s22 =	simm.s32 $0xD930  }
0x8e: {  	[spmem:s21] =	stream.indirect.scatter.add.f32 [tilespmem:s22], [sflag:$0x6], $0x1, s29, s5, $0xb8;
	[tilespmem:$0x1FC20] =	vst v63  }
0x8f: {  	s26 =	simm.s32 $0x10040  }
0x90: {  	[spmem:s23] =	stream.indirect.scatter.add.f32 [tilespmem:s26], [sflag:$0x6], $0x1, s29, s5, $0xb8;
	[tilespmem:$0x1FC20] =	vst v63  }
0x91: {  	_ = 	snop  }
0x92: {  	[spmem:s24] =	stream.indirect.scatter.add.f32 [tilespmem:s16], [sflag:$0x6], $0x1, s29, s5, $0xb8;
	[tilespmem:$0x1FC20] =	vst v63  }
0x93: {  	_ = 	snop  }
0x94: {  	[spmem:s2] =	stream.indirect.scatter.add.f32 [tilespmem:s18], [sflag:$0x7], $0x40, s29, s5, $0xb8;
	[tilespmem:$0x1FC20] =	vst v63  }
0x95: {  	_ =	swait.ge [sflag:s14], $0x1400  }
0x96: {  	[sflag:s14] =	ssyncset.done $0x0  }
0x97: {  	[sflag:s14] =	ssyncadd.s32 $0xFFFFEC00  }
0x98: {  	_ =	swait.ge [sflag:s9], $0x50  }
0x99: {  	[sflag:s9] =	ssyncset.done $0x0  }
0x9a: {  	[sflag:s9] =	ssyncadd.s32 $0xFFFFFFB0  }
0x9b: {  	_ =	swait.ge [sflag:s9], $0x50  }
0x9c: {  	[sflag:s9] =	ssyncset.done $0x0  }
0x9d: {  	[sflag:s9] =	ssyncadd.s32 $0xFFFFFFB0  }
0x9e: {  	_ =	swait.ge [sflag:s9], $0x50  }
0x9f: {  	[sflag:s9] =	ssyncset.done $0x0  }
0xa0: {  	[sflag:s9] =	ssyncadd.s32 $0xFFFFFFB0  }
0xa1: {  	_ =	swait.ge [sflag:s9], $0x50  }
0xa2: {  	[sflag:s9] =	ssyncset.done $0x0  }
0xa3: {  	s4 =	simm.s32 $0x190;
	[sflag:s9] =	ssyncadd.s32 $0xFFFFFFB0  }
0xa4: {  	[tilespmem:s18], [sflag:$0x1] =	stream.indirect.gather [hbm4b:s6+s5], $0x40, s4, s5, $0xb8;
	[tilespmem:$0x1FC20] =	vst v63  }
0xa5: {  	_ =	swait.ge [sflag:s7], $0x1400  }
0xa6: {  	[sflag:s7] =	ssyncset.done $0x0  }
0xa7: {  	s13 =	simm.s32 $0xB270;
	s29 =	simm.s32 $0x2760;
	[sflag:s7] =	ssyncadd.s32 $0xFFFFEC00  }
0xa8: {  	[spmem:s3] =	stream.indirect.scatter.add.f32 [tilespmem:s13], [sflag:$0x6], $0x1, s29, s5, $0xb8;
	[tilespmem:$0x1FC20] =	vst v63  }
0xa9: {  	s15 =	simm.s32 $0xD980  }
0xaa: {  	[spmem:s21] =	stream.indirect.scatter.add.f32 [tilespmem:s15], [sflag:$0x6], $0x1, s29, s5, $0xb8;
	[tilespmem:$0x1FC20] =	vst v63  }
0xab: {  	s17 =	simm.s32 $0x10090  }
0xac: {  	[spmem:s23] =	stream.indirect.scatter.add.f32 [tilespmem:s17], [sflag:$0x6], $0x1, s29, s5, $0xb8;
	[tilespmem:$0x1FC20] =	vst v63  }
0xad: {  	_ = 	snop  }
0xae: {  	[spmem:s24] =	stream.indirect.scatter.add.f32 [tilespmem:s16], [sflag:$0x6], $0x1, s29, s5, $0xb8;
	[tilespmem:$0x1FC20] =	vst v63  }
0xaf: {  	_ = 	snop  }
0xb0: {  	[spmem:s2] =	stream.indirect.scatter.add.f32 [tilespmem:s28], [sflag:$0x7], $0x40, s29, s5, $0xb8;
	[tilespmem:$0x1FC20] =	vst v63  }
0xb1: {  	_ =	swait.ge [sflag:s14], $0x1400  }
0xb2: {  	[sflag:s14] =	ssyncset.done $0x0  }
0xb3: {  	[sflag:s14] =	ssyncadd.s32 $0xFFFFEC00  }
0xb4: {  	_ =	swait.ge [sflag:s9], $0x50  }
0xb5: {  	[sflag:s9] =	ssyncset.done $0x0  }
0xb6: {  	[sflag:s9] =	ssyncadd.s32 $0xFFFFFFB0  }
0xb7: {  	_ =	swait.ge [sflag:s9], $0x50  }
0xb8: {  	[sflag:s9] =	ssyncset.done $0x0  }
0xb9: {  	[sflag:s9] =	ssyncadd.s32 $0xFFFFFFB0  }
0xba: {  	_ =	swait.ge [sflag:s9], $0x50  }
0xbb: {  	[sflag:s9] =	ssyncset.done $0x0  }
0xbc: {  	[sflag:s9] =	ssyncadd.s32 $0xFFFFFFB0  }
0xbd: {  	_ =	swait.ge [sflag:s9], $0x50  }
0xbe: {  	[sflag:s9] =	ssyncset.done $0x0  }
0xbf: {  	s19 =	simm.s32 $0x1E0;
	[sflag:s9] =	ssyncadd.s32 $0xFFFFFFB0  }
0xc0: {  	[tilespmem:s28], [sflag:$0x2] =	stream.indirect.gather [hbm4b:s6+s5], $0x40, s19, s5, $0xb8;
	[tilespmem:$0x1FC20] =	vst v63  }
0xc1: {  	_ =	swait.ge [sflag:s30], $0x1400  }
0xc2: {  	[sflag:s30] =	ssyncset.done $0x0  }
0xc3: {  	s20 =	simm.s32 $0xB2C0;
	s29 =	simm.s32 $0x27B0;
	[sflag:s30] =	ssyncadd.s32 $0xFFFFEC00  }
0xc4: {  	[spmem:s3] =	stream.indirect.scatter.add.f32 [tilespmem:s20], [sflag:$0x6], $0x1, s29, s5, $0xb8;
	[tilespmem:$0x1FC20] =	vst v63  }
0xc5: {  	s22 =	simm.s32 $0xD9D0  }
0xc6: {  	[spmem:s21] =	stream.indirect.scatter.add.f32 [tilespmem:s22], [sflag:$0x6], $0x1, s29, s5, $0xb8;
	[tilespmem:$0x1FC20] =	vst v63  }
0xc7: {  	s26 =	simm.s32 $0x100E0  }
0xc8: {  	[spmem:s23] =	stream.indirect.scatter.add.f32 [tilespmem:s26], [sflag:$0x6], $0x1, s29, s5, $0xb8;
	[tilespmem:$0x1FC20] =	vst v63  }
0xc9: {  	_ = 	snop  }
0xca: {  	[spmem:s24] =	stream.indirect.scatter.add.f32 [tilespmem:s16], [sflag:$0x6], $0x1, s29, s5, $0xb8;
	[tilespmem:$0x1FC20] =	vst v63  }
0xcb: {  	_ = 	snop  }
0xcc: {  	[spmem:s2] =	stream.indirect.scatter.add.f32 [tilespmem:s1], [sflag:$0x7], $0x40, s29, s5, $0xb8;
	[tilespmem:$0x1FC20] =	vst v63  }
0xcd: {  	_ =	swait.ge [sflag:s14], $0x1400  }
0xce: {  	[sflag:s14] =	ssyncset.done $0x0  }
0xcf: {  	[sflag:s14] =	ssyncadd.s32 $0xFFFFEC00  }
0xd0: {  	_ =	swait.ge [sflag:s9], $0x50  }
0xd1: {  	[sflag:s9] =	ssyncset.done $0x0  }
0xd2: {  	[sflag:s9] =	ssyncadd.s32 $0xFFFFFFB0  }
0xd3: {  	_ =	swait.ge [sflag:s9], $0x50  }
0xd4: {  	[sflag:s9] =	ssyncset.done $0x0  }
0xd5: {  	[sflag:s9] =	ssyncadd.s32 $0xFFFFFFB0  }
0xd6: {  	_ =	swait.ge [sflag:s9], $0x50  }
0xd7: {  	[sflag:s9] =	ssyncset.done $0x0  }
0xd8: {  	[sflag:s9] =	ssyncadd.s32 $0xFFFFFFB0  }
0xd9: {  	_ =	swait.ge [sflag:s9], $0x50  }
0xda: {  	[sflag:s9] =	ssyncset.done $0x0  }
0xdb: {  	s4 =	simm.s32 $0x230;
	[sflag:s9] =	ssyncadd.s32 $0xFFFFFFB0  }
0xdc: {  	[tilespmem:s1], [sflag:$0x3] =	stream.indirect.gather [hbm4b:s6+s5], $0x40, s4, s5, $0xb8;
	[tilespmem:$0x1FC20] =	vst v63  }
0xdd: {  	_ =	swait.ge [sflag:s10], $0x1400  }
0xde: {  	[sflag:s10] =	ssyncset.done $0x0  }
0xdf: {  	s13 =	simm.s32 $0xB310;
	s29 =	simm.s32 $0x2800;
	[sflag:s10] =	ssyncadd.s32 $0xFFFFEC00  }
0xe0: {  	[spmem:s3] =	stream.indirect.scatter.add.f32 [tilespmem:s13], [sflag:$0x6], $0x1, s29, s5, $0xb8;
	[tilespmem:$0x1FC20] =	vst v63  }
0xe1: {  	s15 =	simm.s32 $0xDA20  }
0xe2: {  	[spmem:s21] =	stream.indirect.scatter.add.f32 [tilespmem:s15], [sflag:$0x6], $0x1, s29, s5, $0xb8;
	[tilespmem:$0x1FC20] =	vst v63  }
0xe3: {  	s17 =	simm.s32 $0x10130  }
0xe4: {  	[spmem:s23] =	stream.indirect.scatter.add.f32 [tilespmem:s17], [sflag:$0x6], $0x1, s29, s5, $0xb8;
	[tilespmem:$0x1FC20] =	vst v63  }
0xe5: {  	_ = 	snop  }
0xe6: {  	[spmem:s24] =	stream.indirect.scatter.add.f32 [tilespmem:s16], [sflag:$0x6], $0x1, s29, s5, $0xb8;
	[tilespmem:$0x1FC20] =	vst v63  }
0xe7: {  	_ = 	snop  }
0xe8: {  	[spmem:s2] =	stream.indirect.scatter.add.f32 [tilespmem:s31], [sflag:$0x7], $0x40, s29, s5, $0xb8;
	[tilespmem:$0x1FC20] =	vst v63  }
0xe9: {  	_ =	swait.ge [sflag:s14], $0x1400  }
0xea: {  	[sflag:s14] =	ssyncset.done $0x0  }
0xeb: {  	[sflag:s14] =	ssyncadd.s32 $0xFFFFEC00  }
0xec: {  	_ =	swait.ge [sflag:s9], $0x50  }
0xed: {  	[sflag:s9] =	ssyncset.done $0x0  }
0xee: {  	[sflag:s9] =	ssyncadd.s32 $0xFFFFFFB0  }
0xef: {  	_ =	swait.ge [sflag:s9], $0x50  }
0xf0: {  	[sflag:s9] =	ssyncset.done $0x0  }
0xf1: {  	[sflag:s9] =	ssyncadd.s32 $0xFFFFFFB0  }
0xf2: {  	_ =	swait.ge [sflag:s9], $0x50  }
0xf3: {  	[sflag:s9] =	ssyncset.done $0x0  }
0xf4: {  	[sflag:s9] =	ssyncadd.s32 $0xFFFFFFB0  }
0xf5: {  	_ =	swait.ge [sflag:s9], $0x50  }
0xf6: {  	[sflag:s9] =	ssyncset.done $0x0  }
0xf7: {  	s19 =	simm.s32 $0x280;
	[sflag:s9] =	ssyncadd.s32 $0xFFFFFFB0  }
0xf8: {  	[tilespmem:s31], [sflag:$0x4] =	stream.indirect.gather [hbm4b:s6+s5], $0x40, s19, s5, $0xb8;
	[tilespmem:$0x1FC20] =	vst v63  }
0xf9: {  	_ =	swait.ge [sflag:s11], $0x1400  }
0xfa: {  	[sflag:s11] =	ssyncset.done $0x0  }
0xfb: {  	s20 =	simm.s32 $0xB360;
	s29 =	simm.s32 $0x2850;
	[sflag:s11] =	ssyncadd.s32 $0xFFFFEC00  }
0xfc: {  	[spmem:s3] =	stream.indirect.scatter.add.f32 [tilespmem:s20], [sflag:$0x6], $0x1, s29, s5, $0xb8;
	[tilespmem:$0x1FC20] =	vst v63  }
0xfd: {  	s22 =	simm.s32 $0xDA70  }
0xfe: {  	[spmem:s21] =	stream.indirect.scatter.add.f32 [tilespmem:s22], [sflag:$0x6], $0x1, s29, s5, $0xb8;
	[tilespmem:$0x1FC20] =	vst v63  }
0xff: {  	s26 =	simm.s32 $0x10180  }
0x100: {  	[spmem:s23] =	stream.indirect.scatter.add.f32 [tilespmem:s26], [sflag:$0x6], $0x1, s29, s5, $0xb8;
	[tilespmem:$0x1FC20] =	vst v63  }
0x101: {  	_ = 	snop  }
0x102: {  	[spmem:s24] =	stream.indirect.scatter.add.f32 [tilespmem:s16], [sflag:$0x6], $0x1, s29, s5, $0xb8;
	[tilespmem:$0x1FC20] =	vst v63  }
0x103: {  	_ = 	snop  }
0x104: {  	[spmem:s2] =	stream.indirect.scatter.add.f32 [tilespmem:s8], [sflag:$0x7], $0x40, s29, s5, $0xb8;
	[tilespmem:$0x1FC20] =	vst v63  }
0x105: {  	_ =	swait.ge [sflag:s14], $0x1400  }
0x106: {  	[sflag:s14] =	ssyncset.done $0x0  }
0x107: {  	[sflag:s14] =	ssyncadd.s32 $0xFFFFEC00  }
0x108: {  	_ =	swait.ge [sflag:s9], $0x50  }
0x109: {  	[sflag:s9] =	ssyncset.done $0x0  }
0x10a: {  	[sflag:s9] =	ssyncadd.s32 $0xFFFFFFB0  }
0x10b: {  	_ =	swait.ge [sflag:s9], $0x50  }
0x10c: {  	[sflag:s9] =	ssyncset.done $0x0  }
0x10d: {  	[sflag:s9] =	ssyncadd.s32 $0xFFFFFFB0  }
0x10e: {  	_ =	swait.ge [sflag:s9], $0x50  }
0x10f: {  	[sflag:s9] =	ssyncset.done $0x0  }
0x110: {  	[sflag:s9] =	ssyncadd.s32 $0xFFFFFFB0  }
0x111: {  	_ =	swait.ge [sflag:s9], $0x50  }
0x112: {  	s12 =	simm.s32 $0x2D0;
	[sflag:s9] =	ssyncset.done $0x0  }
0x113: {  	s22 =	simm.s32 $0x127A0;
	s29 =	simm.s32 $0x640;
	[sflag:s9] =	ssyncadd.s32 $0xFFFFFFB0  }
.LBB2_2:
0x114: {  	[tilespmem:s8], [sflag:$0x5] =	stream.indirect.gather [hbm4b:s6+s5], $0x40, s12, s5, $0xb8;
	[tilespmem:$0x1FC20] =	vst v63  }
0x115: {  	s12 =	smov.u32 s29  }
0x116: {  	p0 =	sne.s32 s29, $0x8FC0;
	s29 =	sadd.s32 $0x640, s29;
	_ =	swait.ge [sflag:s0], $0x1400  }
0x117: {  	s12 =	sshra.s32 s12, $0x2;
	[sflag:s0] =	ssyncset.done $0x0  }
0x118: {  	s17 =	sadd.s32 $0xB220, s12;
	s20 =	sadd.s32 $0x2710, s12;
	[sflag:s0] =	ssyncadd.s32 $0xFFFFEC00  }
0x119: {  	[spmem:s3] =	stream.indirect.scatter.add.f32 [tilespmem:s17], [sflag:$0x6], $0x1, s20, s5, $0xb8;
	[tilespmem:$0x1FC20] =	vst v63  }
0x11a: {  	s17 =	sadd.s32 $0xD930, s12  }
0x11b: {  	[spmem:s21] =	stream.indirect.scatter.add.f32 [tilespmem:s17], [sflag:$0x6], $0x1, s20, s5, $0xb8;
	[tilespmem:$0x1FC20] =	vst v63  }
0x11c: {  	s17 =	sadd.s32 $0x10040, s12  }
0x11d: {  	[spmem:s23] =	stream.indirect.scatter.add.f32 [tilespmem:s17], [sflag:$0x6], $0x1, s20, s5, $0xb8;
	[tilespmem:$0x1FC20] =	vst v63  }
0x11e: {  	_ = 	snop  }
0x11f: {  	[spmem:s24] =	stream.indirect.scatter.add.f32 [tilespmem:s16], [sflag:$0x6], $0x1, s20, s5, $0xb8;
	[tilespmem:$0x1FC20] =	vst v63  }
0x120: {  	_ = 	snop  }
0x121: {  	[spmem:s2] =	stream.indirect.scatter.add.f32 [tilespmem:s18], [sflag:$0x7], $0x40, s20, s5, $0xb8;
	[tilespmem:$0x1FC20] =	vst v63  }
0x122: {  	_ =	swait.ge [sflag:s14], $0x1400  }
0x123: {  	[sflag:s14] =	ssyncset.done $0x0  }
0x124: {  	[sflag:s14] =	ssyncadd.s32 $0xFFFFEC00  }
0x125: {  	_ =	swait.ge [sflag:s9], $0x50  }
0x126: {  	[sflag:s9] =	ssyncset.done $0x0  }
0x127: {  	[sflag:s9] =	ssyncadd.s32 $0xFFFFFFB0  }
0x128: {  	_ =	swait.ge [sflag:s9], $0x50  }
0x129: {  	[sflag:s9] =	ssyncset.done $0x0  }
0x12a: {  	[sflag:s9] =	ssyncadd.s32 $0xFFFFFFB0  }
0x12b: {  	_ =	swait.ge [sflag:s9], $0x50  }
0x12c: {  	[sflag:s9] =	ssyncset.done $0x0  }
0x12d: {  	[sflag:s9] =	ssyncadd.s32 $0xFFFFFFB0  }
0x12e: {  	_ =	swait.ge [sflag:s9], $0x50  }
0x12f: {  	[sflag:s9] =	ssyncset.done $0x0  }
0x130: {  	s17 =	sadd.s32 $0x190, s12;
	[sflag:s9] =	ssyncadd.s32 $0xFFFFFFB0  }
0x131: {  	[tilespmem:s18], [sflag:$0x1] =	stream.indirect.gather [hbm4b:s6+s5], $0x40, s17, s5, $0xb8;
	[tilespmem:$0x1FC20] =	vst v63  }
0x132: {  	_ =	swait.ge [sflag:s7], $0x1400  }
0x133: {  	[sflag:s7] =	ssyncset.done $0x0  }
0x134: {  	s20 =	sadd.s32 $0x2760, s12;
	s17 =	sadd.s32 $0xB270, s12;
	[sflag:s7] =	ssyncadd.s32 $0xFFFFEC00  }
0x135: {  	[spmem:s3] =	stream.indirect.scatter.add.f32 [tilespmem:s17], [sflag:$0x6], $0x1, s20, s5, $0xb8;
	[tilespmem:$0x1FC20] =	vst v63  }
0x136: {  	s17 =	sadd.s32 $0xD980, s12  }
0x137: {  	[spmem:s21] =	stream.indirect.scatter.add.f32 [tilespmem:s17], [sflag:$0x6], $0x1, s20, s5, $0xb8;
	[tilespmem:$0x1FC20] =	vst v63  }
0x138: {  	s17 =	sadd.s32 $0x10090, s12  }
0x139: {  	[spmem:s23] =	stream.indirect.scatter.add.f32 [tilespmem:s17], [sflag:$0x6], $0x1, s20, s5, $0xb8;
	[tilespmem:$0x1FC20] =	vst v63  }
0x13a: {  	_ = 	snop  }
0x13b: {  	[spmem:s24] =	stream.indirect.scatter.add.f32 [tilespmem:s16], [sflag:$0x6], $0x1, s20, s5, $0xb8;
	[tilespmem:$0x1FC20] =	vst v63  }
0x13c: {  	_ = 	snop  }
0x13d: {  	[spmem:s2] =	stream.indirect.scatter.add.f32 [tilespmem:s28], [sflag:$0x7], $0x40, s20, s5, $0xb8;
	[tilespmem:$0x1FC20] =	vst v63  }
0x13e: {  	_ =	swait.ge [sflag:s14], $0x1400  }
0x13f: {  	[sflag:s14] =	ssyncset.done $0x0  }
0x140: {  	[sflag:s14] =	ssyncadd.s32 $0xFFFFEC00  }
0x141: {  	_ =	swait.ge [sflag:s9], $0x50  }
0x142: {  	[sflag:s9] =	ssyncset.done $0x0  }
0x143: {  	[sflag:s9] =	ssyncadd.s32 $0xFFFFFFB0  }
0x144: {  	_ =	swait.ge [sflag:s9], $0x50  }
0x145: {  	[sflag:s9] =	ssyncset.done $0x0  }
0x146: {  	[sflag:s9] =	ssyncadd.s32 $0xFFFFFFB0  }
0x147: {  	_ =	swait.ge [sflag:s9], $0x50  }
0x148: {  	[sflag:s9] =	ssyncset.done $0x0  }
0x149: {  	[sflag:s9] =	ssyncadd.s32 $0xFFFFFFB0  }
0x14a: {  	_ =	swait.ge [sflag:s9], $0x50  }
0x14b: {  	[sflag:s9] =	ssyncset.done $0x0  }
0x14c: {  	s17 =	sadd.s32 $0x1E0, s12;
	[sflag:s9] =	ssyncadd.s32 $0xFFFFFFB0  }
0x14d: {  	[tilespmem:s28], [sflag:$0x2] =	stream.indirect.gather [hbm4b:s6+s5], $0x40, s17, s5, $0xb8;
	[tilespmem:$0x1FC20] =	vst v63  }
0x14e: {  	_ =	swait.ge [sflag:s30], $0x1400  }
0x14f: {  	[sflag:s30] =	ssyncset.done $0x0  }
0x150: {  	s20 =	sadd.s32 $0x27B0, s12;
	s17 =	sadd.s32 $0xB2C0, s12;
	[sflag:s30] =	ssyncadd.s32 $0xFFFFEC00  }
0x151: {  	[spmem:s3] =	stream.indirect.scatter.add.f32 [tilespmem:s17], [sflag:$0x6], $0x1, s20, s5, $0xb8;
	[tilespmem:$0x1FC20] =	vst v63  }
0x152: {  	s17 =	sadd.s32 $0xD9D0, s12  }
0x153: {  	[spmem:s21] =	stream.indirect.scatter.add.f32 [tilespmem:s17], [sflag:$0x6], $0x1, s20, s5, $0xb8;
	[tilespmem:$0x1FC20] =	vst v63  }
0x154: {  	s17 =	sadd.s32 $0x100E0, s12  }
0x155: {  	[spmem:s23] =	stream.indirect.scatter.add.f32 [tilespmem:s17], [sflag:$0x6], $0x1, s20, s5, $0xb8;
	[tilespmem:$0x1FC20] =	vst v63  }
0x156: {  	_ = 	snop  }
0x157: {  	[spmem:s24] =	stream.indirect.scatter.add.f32 [tilespmem:s16], [sflag:$0x6], $0x1, s20, s5, $0xb8;
	[tilespmem:$0x1FC20] =	vst v63  }
0x158: {  	_ = 	snop  }
0x159: {  	[spmem:s2] =	stream.indirect.scatter.add.f32 [tilespmem:s1], [sflag:$0x7], $0x40, s20, s5, $0xb8;
	[tilespmem:$0x1FC20] =	vst v63  }
0x15a: {  	_ =	swait.ge [sflag:s14], $0x1400  }
0x15b: {  	[sflag:s14] =	ssyncset.done $0x0  }
0x15c: {  	[sflag:s14] =	ssyncadd.s32 $0xFFFFEC00  }
0x15d: {  	_ =	swait.ge [sflag:s9], $0x50  }
0x15e: {  	[sflag:s9] =	ssyncset.done $0x0  }
0x15f: {  	[sflag:s9] =	ssyncadd.s32 $0xFFFFFFB0  }
0x160: {  	_ =	swait.ge [sflag:s9], $0x50  }
0x161: {  	[sflag:s9] =	ssyncset.done $0x0  }
0x162: {  	[sflag:s9] =	ssyncadd.s32 $0xFFFFFFB0  }
0x163: {  	_ =	swait.ge [sflag:s9], $0x50  }
0x164: {  	[sflag:s9] =	ssyncset.done $0x0  }
0x165: {  	[sflag:s9] =	ssyncadd.s32 $0xFFFFFFB0  }
0x166: {  	_ =	swait.ge [sflag:s9], $0x50  }
0x167: {  	[sflag:s9] =	ssyncset.done $0x0  }
0x168: {  	s17 =	sadd.s32 $0x230, s12;
	[sflag:s9] =	ssyncadd.s32 $0xFFFFFFB0  }
0x169: {  	[tilespmem:s1], [sflag:$0x3] =	stream.indirect.gather [hbm4b:s6+s5], $0x40, s17, s5, $0xb8;
	[tilespmem:$0x1FC20] =	vst v63  }
0x16a: {  	_ =	swait.ge [sflag:s10], $0x1400  }
0x16b: {  	[sflag:s10] =	ssyncset.done $0x0  }
0x16c: {  	s20 =	sadd.s32 $0x2800, s12;
	s17 =	sadd.s32 $0xB310, s12;
	[sflag:s10] =	ssyncadd.s32 $0xFFFFEC00  }
0x16d: {  	[spmem:s3] =	stream.indirect.scatter.add.f32 [tilespmem:s17], [sflag:$0x6], $0x1, s20, s5, $0xb8;
	[tilespmem:$0x1FC20] =	vst v63  }
0x16e: {  	s17 =	sadd.s32 $0xDA20, s12  }
0x16f: {  	[spmem:s21] =	stream.indirect.scatter.add.f32 [tilespmem:s17], [sflag:$0x6], $0x1, s20, s5, $0xb8;
	[tilespmem:$0x1FC20] =	vst v63  }
0x170: {  	s17 =	sadd.s32 $0x10130, s12  }
0x171: {  	[spmem:s23] =	stream.indirect.scatter.add.f32 [tilespmem:s17], [sflag:$0x6], $0x1, s20, s5, $0xb8;
	[tilespmem:$0x1FC20] =	vst v63  }
0x172: {  	_ = 	snop  }
0x173: {  	[spmem:s24] =	stream.indirect.scatter.add.f32 [tilespmem:s16], [sflag:$0x6], $0x1, s20, s5, $0xb8;
	[tilespmem:$0x1FC20] =	vst v63  }
0x174: {  	_ = 	snop  }
0x175: {  	[spmem:s2] =	stream.indirect.scatter.add.f32 [tilespmem:s31], [sflag:$0x7], $0x40, s20, s5, $0xb8;
	[tilespmem:$0x1FC20] =	vst v63  }
0x176: {  	_ =	swait.ge [sflag:s14], $0x1400  }
0x177: {  	[sflag:s14] =	ssyncset.done $0x0  }
0x178: {  	[sflag:s14] =	ssyncadd.s32 $0xFFFFEC00  }
0x179: {  	_ =	swait.ge [sflag:s9], $0x50  }
0x17a: {  	[sflag:s9] =	ssyncset.done $0x0  }
0x17b: {  	[sflag:s9] =	ssyncadd.s32 $0xFFFFFFB0  }
0x17c: {  	_ =	swait.ge [sflag:s9], $0x50  }
0x17d: {  	[sflag:s9] =	ssyncset.done $0x0  }
0x17e: {  	[sflag:s9] =	ssyncadd.s32 $0xFFFFFFB0  }
0x17f: {  	_ =	swait.ge [sflag:s9], $0x50  }
0x180: {  	[sflag:s9] =	ssyncset.done $0x0  }
0x181: {  	[sflag:s9] =	ssyncadd.s32 $0xFFFFFFB0  }
0x182: {  	_ =	swait.ge [sflag:s9], $0x50  }
0x183: {  	[sflag:s9] =	ssyncset.done $0x0  }
0x184: {  	s17 =	sadd.s32 $0x280, s12;
	[sflag:s9] =	ssyncadd.s32 $0xFFFFFFB0  }
0x185: {  	[tilespmem:s31], [sflag:$0x4] =	stream.indirect.gather [hbm4b:s6+s5], $0x40, s17, s5, $0xb8;
	[tilespmem:$0x1FC20] =	vst v63  }
0x186: {  	_ =	swait.ge [sflag:s11], $0x1400  }
0x187: {  	[sflag:s11] =	ssyncset.done $0x0  }
0x188: {  	s20 =	sadd.s32 $0x2850, s12;
	s17 =	sadd.s32 $0xB360, s12;
	[sflag:s11] =	ssyncadd.s32 $0xFFFFEC00  }
0x189: {  	[spmem:s3] =	stream.indirect.scatter.add.f32 [tilespmem:s17], [sflag:$0x6], $0x1, s20, s5, $0xb8;
	[tilespmem:$0x1FC20] =	vst v63  }
0x18a: {  	s17 =	sadd.s32 $0xDA70, s12  }
0x18b: {  	[spmem:s21] =	stream.indirect.scatter.add.f32 [tilespmem:s17], [sflag:$0x6], $0x1, s20, s5, $0xb8;
	[tilespmem:$0x1FC20] =	vst v63  }
0x18c: {  	s17 =	sadd.s32 $0x10180, s12  }
0x18d: {  	[spmem:s23] =	stream.indirect.scatter.add.f32 [tilespmem:s17], [sflag:$0x6], $0x1, s20, s5, $0xb8;
	[tilespmem:$0x1FC20] =	vst v63  }
0x18e: {  	_ = 	snop  }
0x18f: {  	[spmem:s24] =	stream.indirect.scatter.add.f32 [tilespmem:s16], [sflag:$0x6], $0x1, s20, s5, $0xb8;
	[tilespmem:$0x1FC20] =	vst v63  }
0x190: {  	_ = 	snop  }
0x191: {  	[spmem:s2] =	stream.indirect.scatter.add.f32 [tilespmem:s8], [sflag:$0x7], $0x40, s20, s5, $0xb8;
	[tilespmem:$0x1FC20] =	vst v63  }
0x192: {  	_ =	swait.ge [sflag:s14], $0x1400  }
0x193: {  	[sflag:s14] =	ssyncset.done $0x0  }
0x194: {  	[sflag:s14] =	ssyncadd.s32 $0xFFFFEC00  }
0x195: {  	_ =	swait.ge [sflag:s9], $0x50  }
0x196: {  	[sflag:s9] =	ssyncset.done $0x0  }
0x197: {  	[sflag:s9] =	ssyncadd.s32 $0xFFFFFFB0  }
0x198: {  	_ =	swait.ge [sflag:s9], $0x50  }
0x199: {  	[sflag:s9] =	ssyncset.done $0x0  }
0x19a: {  	[sflag:s9] =	ssyncadd.s32 $0xFFFFFFB0  }
0x19b: {  	_ =	swait.ge [sflag:s9], $0x50  }
.Ltmp0:
0x19c: {  	[sflag:s9] =	ssyncset.done $0x0;
	(pc) =	sbr.rel @p0 .LBB2_2-.Ltmp0, $4  }
0x19d: {  	[sflag:s9] =	ssyncadd.s32 $0xFFFFFFB0  }
0x19e: {  	_ =	swait.ge [sflag:s9], $0x50  }
0x19f: {  	[sflag:s9] =	ssyncset.done $0x0  }
0x1a0: {  	s12 =	sadd.s32 $0x2D0, s12;
	[sflag:s9] =	ssyncadd.s32 $0xFFFFFFB0  }
0x1a1: {  	[tilespmem:s8], [sflag:$0x5] =	stream.indirect.gather [hbm4b:s6+s5], $0x40, s12, s5, $0xb8;
	[tilespmem:$0x1FC20] =	vst v63  }
0x1a2: {  	_ =	swait.ge [sflag:s0], $0x1400  }
0x1a3: {  	[sflag:s0] =	ssyncset.done $0x0  }
0x1a4: {  	s19 =	simm.s32 $0x4C90;
	s15 =	simm.s32 $0xD7A0;
	[sflag:s0] =	ssyncadd.s32 $0xFFFFEC00  }
0x1a5: {  	[spmem:s3] =	stream.indirect.scatter.add.f32 [tilespmem:s15], [sflag:$0x6], $0x1, s19, s5, $0xb8;
	[tilespmem:$0x1FC20] =	vst v63  }
0x1a6: {  	s20 =	simm.s32 $0xFEB0  }
0x1a7: {  	[spmem:s21] =	stream.indirect.scatter.add.f32 [tilespmem:s20], [sflag:$0x6], $0x1, s19, s5, $0xb8;
	[tilespmem:$0x1FC20] =	vst v63  }
0x1a8: {  	s26 =	smov.u32 s25;
	s25 =	simm.s32 $0x125C0  }
0x1a9: {  	[spmem:s23] =	stream.indirect.scatter.add.f32 [tilespmem:s25], [sflag:$0x6], $0x1, s19, s5, $0xb8;
	[tilespmem:$0x1FC20] =	vst v63  }
0x1aa: {  	_ = 	snop  }
0x1ab: {  	[spmem:s24] =	stream.indirect.scatter.add.f32 [tilespmem:s16], [sflag:$0x6], $0x1, s19, s5, $0xb8;
	[tilespmem:$0x1FC20] =	vst v63  }
0x1ac: {  	_ = 	snop  }
0x1ad: {  	[spmem:s2] =	stream.indirect.scatter.add.f32 [tilespmem:s18], [sflag:$0x7], $0x40, s19, s5, $0xb8;
	[tilespmem:$0x1FC20] =	vst v63  }
0x1ae: {  	_ =	swait.ge [sflag:s14], $0x1400  }
0x1af: {  	[sflag:s14] =	ssyncset.done $0x0  }
0x1b0: {  	[sflag:s14] =	ssyncadd.s32 $0xFFFFEC00  }
0x1b1: {  	_ =	swait.ge [sflag:s9], $0x50  }
0x1b2: {  	[sflag:s9] =	ssyncset.done $0x0  }
0x1b3: {  	[sflag:s9] =	ssyncadd.s32 $0xFFFFFFB0  }
0x1b4: {  	_ =	swait.ge [sflag:s9], $0x50  }
0x1b5: {  	[sflag:s9] =	ssyncset.done $0x0  }
0x1b6: {  	[sflag:s9] =	ssyncadd.s32 $0xFFFFFFB0  }
0x1b7: {  	_ =	swait.ge [sflag:s9], $0x50  }
0x1b8: {  	[sflag:s9] =	ssyncset.done $0x0  }
0x1b9: {  	[sflag:s9] =	ssyncadd.s32 $0xFFFFFFB0  }
0x1ba: {  	_ =	swait.ge [sflag:s9], $0x50  }
0x1bb: {  	[sflag:s9] =	ssyncset.done $0x0  }
0x1bc: {  	[sflag:s9] =	ssyncadd.s32 $0xFFFFFFB0  }
0x1bd: {  	_ =	swait.ge [sflag:s7], $0x1400  }
0x1be: {  	[sflag:s7] =	ssyncset.done $0x0  }
0x1bf: {  	s4 =	simm.s32 $0x4CE0;
	s13 =	simm.s32 $0xD7F0;
	[sflag:s7] =	ssyncadd.s32 $0xFFFFEC00  }
0x1c0: {  	[spmem:s3] =	stream.indirect.scatter.add.f32 [tilespmem:s13], [sflag:$0x6], $0x1, s4, s5, $0xb8;
	[tilespmem:$0x1FC20] =	vst v63  }
0x1c1: {  	s17 =	simm.s32 $0xFF00  }
0x1c2: {  	[spmem:s21] =	stream.indirect.scatter.add.f32 [tilespmem:s17], [sflag:$0x6], $0x1, s4, s5, $0xb8;
	[tilespmem:$0x1FC20] =	vst v63  }
0x1c3: {  	s19 =	simm.s32 $0x12610  }
0x1c4: {  	[spmem:s23] =	stream.indirect.scatter.add.f32 [tilespmem:s19], [sflag:$0x6], $0x1, s4, s5, $0xb8;
	[tilespmem:$0x1FC20] =	vst v63  }
0x1c5: {  	_ = 	snop  }
0x1c6: {  	[spmem:s24] =	stream.indirect.scatter.add.f32 [tilespmem:s16], [sflag:$0x6], $0x1, s4, s5, $0xb8;
	[tilespmem:$0x1FC20] =	vst v63  }
0x1c7: {  	_ = 	snop  }
0x1c8: {  	[spmem:s2] =	stream.indirect.scatter.add.f32 [tilespmem:s28], [sflag:$0x7], $0x40, s4, s5, $0xb8;
	[tilespmem:$0x1FC20] =	vst v63  }
0x1c9: {  	_ =	swait.ge [sflag:s14], $0x1400  }
0x1ca: {  	[sflag:s14] =	ssyncset.done $0x0  }
0x1cb: {  	[sflag:s14] =	ssyncadd.s32 $0xFFFFEC00  }
0x1cc: {  	_ =	swait.ge [sflag:s9], $0x50  }
0x1cd: {  	[sflag:s9] =	ssyncset.done $0x0  }
0x1ce: {  	[sflag:s9] =	ssyncadd.s32 $0xFFFFFFB0  }
0x1cf: {  	_ =	swait.ge [sflag:s9], $0x50  }
0x1d0: {  	[sflag:s9] =	ssyncset.done $0x0  }
0x1d1: {  	[sflag:s9] =	ssyncadd.s32 $0xFFFFFFB0  }
0x1d2: {  	_ =	swait.ge [sflag:s9], $0x50  }
0x1d3: {  	[sflag:s9] =	ssyncset.done $0x0  }
0x1d4: {  	[sflag:s9] =	ssyncadd.s32 $0xFFFFFFB0  }
0x1d5: {  	_ =	swait.ge [sflag:s9], $0x50  }
0x1d6: {  	[sflag:s9] =	ssyncset.done $0x0  }
0x1d7: {  	[sflag:s9] =	ssyncadd.s32 $0xFFFFFFB0  }
0x1d8: {  	_ =	swait.ge [sflag:s30], $0x1400  }
0x1d9: {  	[sflag:s30] =	ssyncset.done $0x0  }
0x1da: {  	s20 =	simm.s32 $0x4D30;
	s4 =	simm.s32 $0xD840;
	[sflag:s30] =	ssyncadd.s32 $0xFFFFEC00  }
0x1db: {  	[spmem:s3] =	stream.indirect.scatter.add.f32 [tilespmem:s4], [sflag:$0x6], $0x1, s20, s5, $0xb8;
	[tilespmem:$0x1FC20] =	vst v63  }
0x1dc: {  	s13 =	simm.s32 $0xFF50  }
0x1dd: {  	[spmem:s21] =	stream.indirect.scatter.add.f32 [tilespmem:s13], [sflag:$0x6], $0x1, s20, s5, $0xb8;
	[tilespmem:$0x1FC20] =	vst v63  }
0x1de: {  	s17 =	simm.s32 $0x12660  }
0x1df: {  	[spmem:s23] =	stream.indirect.scatter.add.f32 [tilespmem:s17], [sflag:$0x6], $0x1, s20, s5, $0xb8;
	[tilespmem:$0x1FC20] =	vst v63  }
0x1e0: {  	_ = 	snop  }
0x1e1: {  	[spmem:s24] =	stream.indirect.scatter.add.f32 [tilespmem:s16], [sflag:$0x6], $0x1, s20, s5, $0xb8;
	[tilespmem:$0x1FC20] =	vst v63  }
0x1e2: {  	_ = 	snop  }
0x1e3: {  	[spmem:s2] =	stream.indirect.scatter.add.f32 [tilespmem:s1], [sflag:$0x7], $0x40, s20, s5, $0xb8;
	[tilespmem:$0x1FC20] =	vst v63  }
0x1e4: {  	_ =	swait.ge [sflag:s14], $0x1400  }
0x1e5: {  	[sflag:s14] =	ssyncset.done $0x0  }
0x1e6: {  	[sflag:s14] =	ssyncadd.s32 $0xFFFFEC00  }
0x1e7: {  	_ =	swait.ge [sflag:s9], $0x50  }
0x1e8: {  	[sflag:s9] =	ssyncset.done $0x0  }
0x1e9: {  	[sflag:s9] =	ssyncadd.s32 $0xFFFFFFB0  }
0x1ea: {  	_ =	swait.ge [sflag:s9], $0x50  }
0x1eb: {  	[sflag:s9] =	ssyncset.done $0x0  }
0x1ec: {  	[sflag:s9] =	ssyncadd.s32 $0xFFFFFFB0  }
0x1ed: {  	_ =	swait.ge [sflag:s9], $0x50  }
0x1ee: {  	[sflag:s9] =	ssyncset.done $0x0  }
0x1ef: {  	[sflag:s9] =	ssyncadd.s32 $0xFFFFFFB0  }
0x1f0: {  	_ =	swait.ge [sflag:s9], $0x50  }
0x1f1: {  	[sflag:s9] =	ssyncset.done $0x0  }
0x1f2: {  	[sflag:s9] =	ssyncadd.s32 $0xFFFFFFB0  }
0x1f3: {  	_ =	swait.ge [sflag:s10], $0x1400  }
0x1f4: {  	[sflag:s10] =	ssyncset.done $0x0  }
0x1f5: {  	s19 =	simm.s32 $0x4D80;
	s4 =	simm.s32 $0xD890;
	[sflag:s10] =	ssyncadd.s32 $0xFFFFEC00  }
0x1f6: {  	[spmem:s3] =	stream.indirect.scatter.add.f32 [tilespmem:s4], [sflag:$0x6], $0x1, s19, s5, $0xb8;
	[tilespmem:$0x1FC20] =	vst v63  }
0x1f7: {  	s13 =	simm.s32 $0xFFA0  }
0x1f8: {  	[spmem:s21] =	stream.indirect.scatter.add.f32 [tilespmem:s13], [sflag:$0x6], $0x1, s19, s5, $0xb8;
	[tilespmem:$0x1FC20] =	vst v63  }
0x1f9: {  	s17 =	simm.s32 $0x126B0  }
0x1fa: {  	[spmem:s23] =	stream.indirect.scatter.add.f32 [tilespmem:s17], [sflag:$0x6], $0x1, s19, s5, $0xb8;
	[tilespmem:$0x1FC20] =	vst v63  }
0x1fb: {  	_ = 	snop  }
0x1fc: {  	[spmem:s24] =	stream.indirect.scatter.add.f32 [tilespmem:s16], [sflag:$0x6], $0x1, s19, s5, $0xb8;
	[tilespmem:$0x1FC20] =	vst v63  }
0x1fd: {  	_ = 	snop  }
0x1fe: {  	[spmem:s2] =	stream.indirect.scatter.add.f32 [tilespmem:s31], [sflag:$0x7], $0x40, s19, s5, $0xb8;
	[tilespmem:$0x1FC20] =	vst v63  }
0x1ff: {  	_ =	swait.ge [sflag:s14], $0x1400  }
0x200: {  	[sflag:s14] =	ssyncset.done $0x0  }
0x201: {  	[sflag:s14] =	ssyncadd.s32 $0xFFFFEC00  }
0x202: {  	_ =	swait.ge [sflag:s9], $0x50  }
0x203: {  	[sflag:s9] =	ssyncset.done $0x0  }
0x204: {  	[sflag:s9] =	ssyncadd.s32 $0xFFFFFFB0  }
0x205: {  	_ =	swait.ge [sflag:s9], $0x50  }
0x206: {  	[sflag:s9] =	ssyncset.done $0x0  }
0x207: {  	[sflag:s9] =	ssyncadd.s32 $0xFFFFFFB0  }
0x208: {  	_ =	swait.ge [sflag:s9], $0x50  }
0x209: {  	[sflag:s9] =	ssyncset.done $0x0  }
0x20a: {  	[sflag:s9] =	ssyncadd.s32 $0xFFFFFFB0  }
0x20b: {  	_ =	swait.ge [sflag:s9], $0x50  }
0x20c: {  	[sflag:s9] =	ssyncset.done $0x0  }
0x20d: {  	[sflag:s9] =	ssyncadd.s32 $0xFFFFFFB0  }
0x20e: {  	_ =	swait.ge [sflag:s11], $0x1400  }
0x20f: {  	[sflag:s11] =	ssyncset.done $0x0  }
0x210: {  	s4 =	simm.s32 $0xD8E0;
	s19 =	simm.s32 $0x4DD0;
	[sflag:s11] =	ssyncadd.s32 $0xFFFFEC00  }
0x211: {  	[spmem:s3] =	stream.indirect.scatter.add.f32 [tilespmem:s4], [sflag:$0x6], $0x1, s19, s5, $0xb8;
	[tilespmem:$0x1FC20] =	vst v63  }
0x212: {  	s13 =	simm.s32 $0xFFF0  }
0x213: {  	[spmem:s21] =	stream.indirect.scatter.add.f32 [tilespmem:s13], [sflag:$0x6], $0x1, s19, s5, $0xb8;
	[tilespmem:$0x1FC20] =	vst v63  }
0x214: {  	s17 =	simm.s32 $0x12700  }
0x215: {  	[spmem:s23] =	stream.indirect.scatter.add.f32 [tilespmem:s17], [sflag:$0x6], $0x1, s19, s5, $0xb8;
	[tilespmem:$0x1FC20] =	vst v63  }
0x216: {  	_ = 	snop  }
0x217: {  	[spmem:s24] =	stream.indirect.scatter.add.f32 [tilespmem:s16], [sflag:$0x6], $0x1, s19, s5, $0xb8;
	[tilespmem:$0x1FC20] =	vst v63  }
0x218: {  	_ = 	snop  }
0x219: {  	[spmem:s2] =	stream.indirect.scatter.add.f32 [tilespmem:s8], [sflag:$0x7], $0x40, s19, s5, $0xb8;
	[tilespmem:$0x1FC20] =	vst v63  }
0x21a: {  	_ =	swait.ge [sflag:s14], $0x1400  }
0x21b: {  	[sflag:s14] =	ssyncset.done $0x0  }
0x21c: {  	[sflag:s14] =	ssyncadd.s32 $0xFFFFEC00  }
0x21d: {  	_ =	swait.ge [sflag:s9], $0x50  }
0x21e: {  	[sflag:s9] =	ssyncset.done $0x0  }
0x21f: {  	[sflag:s9] =	ssyncadd.s32 $0xFFFFFFB0  }
0x220: {  	_ =	swait.ge [sflag:s9], $0x50  }
0x221: {  	[sflag:s9] =	ssyncset.done $0x0  }
0x222: {  	[sflag:s9] =	ssyncadd.s32 $0xFFFFFFB0  }
0x223: {  	_ =	swait.ge [sflag:s9], $0x50  }
0x224: {  	[sflag:s9] =	ssyncset.done $0x0  }
0x225: {  	[sflag:s9] =	ssyncadd.s32 $0xFFFFFFB0  }
0x226: {  	_ =	swait.ge [sflag:s9], $0x50  }
0x227: {  	[sflag:s9] =	ssyncset.done $0x0  }
0x228: {  	s12 =	simm.s32 $0x0;
	s19 =	rddreg [dreg:$0x1d];
	[sflag:s9] =	ssyncadd.s32 $0xFFFFFFB0  }
0x229: {  	[tilespmem:s12], [sflag:$0x7] =	stream.linear.gather [hbm4b:s19+s12], $0x2710, $0x38;
	[tilespmem:$0x1FC20] =	vst v63  }
0x22a: {  	_ =	swait.ge [sflag:s14], $0x2710  }
0x22b: {  	s4 =	rddreg [dreg:$0x17]  }
0x22c: {  	[sflag:s14] =	ssyncset.done $0x0;
	s17 =	rddreg [dreg:$0x18]  }
0x22d: {  	s19 =	simm.s32 $0x2710;
	[sflag:s14] =	ssyncadd.s32 $0xFFFFD8F0;
	s17 =	sadd.s32 s17, s4  }
0x22e: {  	[tilespmem:s19], [sflag:$0x7] =	stream.linear.gather [hbm4b:s17+s12], $0x2710, $0x38;
	[tilespmem:$0x1FC20] =	vst v63  }
0x22f: {  	_ =	swait.ge [sflag:s14], $0x2710  }
0x230: {  	[sflag:s14] =	ssyncset.done $0x0  }
0x231: {  	[sflag:s14] =	ssyncadd.s32 $0xFFFFD8F0  }
0x232: {  	[tilespmem:s18], [sflag:$0x1] =	stream.indirect.gather [hbm4b:s6+s5], $0x40, s12, s5, $0xb8;
	[tilespmem:$0x1FC20] =	vst v63  }
0x233: {  	_ = 	snop  }
0x234: {  	[tilespmem:s28], [sflag:$0x2] =	stream.indirect.gather [hbm4b:s6+s5], $0x40, s5, s5, $0xb8;
	[tilespmem:$0x1FC20] =	vst v63  }
0x235: {  	s4 =	simm.s32 $0xA0  }
0x236: {  	[tilespmem:s1], [sflag:$0x3] =	stream.indirect.gather [hbm4b:s6+s5], $0x40, s4, s5, $0xb8;
	[tilespmem:$0x1FC20] =	vst v63  }
0x237: {  	s15 =	simm.s32 $0xF0  }
0x238: {  	[tilespmem:s31], [sflag:$0x4] =	stream.indirect.gather [hbm4b:s6+s5], $0x40, s15, s5, $0xb8;
	[tilespmem:$0x1FC20] =	vst v63  }
0x239: {  	s17 =	simm.s32 $0x140  }
0x23a: {  	[tilespmem:s8], [sflag:$0x5] =	stream.indirect.gather [hbm4b:s6+s5], $0x40, s17, s5, $0xb8;
	[tilespmem:$0x1FC20] =	vst v63  }
0x23b: {  	_ =	swait.ge [sflag:s0], $0x1400  }
0x23c: {  	[sflag:s0] =	ssyncset.done $0x0  }
0x23d: {  	s19 =	simm.s32 $0x2710;
	[sflag:s0] =	ssyncadd.s32 $0xFFFFEC00  }
0x23e: {  	[spmem:s2] =	stream.indirect.scatter.add.f32 [tilespmem:s18], [sflag:$0x7], $0x40, s19, s5, $0xb8;
	[tilespmem:$0x1FC20] =	vst v63  }
0x23f: {  	_ =	swait.ge [sflag:s14], $0x1400  }
0x240: {  	[sflag:s14] =	ssyncset.done $0x0  }
0x241: {  	s4 =	simm.s32 $0x190;
	[sflag:s14] =	ssyncadd.s32 $0xFFFFEC00  }
0x242: {  	[tilespmem:s18], [sflag:$0x1] =	stream.indirect.gather [hbm4b:s6+s5], $0x40, s4, s5, $0xb8;
	[tilespmem:$0x1FC20] =	vst v63  }
0x243: {  	_ =	swait.ge [sflag:s7], $0x1400  }
0x244: {  	[sflag:s7] =	ssyncset.done $0x0  }
0x245: {  	s15 =	simm.s32 $0x2760;
	[sflag:s7] =	ssyncadd.s32 $0xFFFFEC00  }
0x246: {  	[spmem:s2] =	stream.indirect.scatter.add.f32 [tilespmem:s28], [sflag:$0x7], $0x40, s15, s5, $0xb8;
	[tilespmem:$0x1FC20] =	vst v63  }
0x247: {  	_ =	swait.ge [sflag:s14], $0x1400  }
0x248: {  	[sflag:s14] =	ssyncset.done $0x0  }
0x249: {  	s17 =	simm.s32 $0x1E0;
	[sflag:s14] =	ssyncadd.s32 $0xFFFFEC00  }
0x24a: {  	[tilespmem:s28], [sflag:$0x2] =	stream.indirect.gather [hbm4b:s6+s5], $0x40, s17, s5, $0xb8;
	[tilespmem:$0x1FC20] =	vst v63  }
0x24b: {  	_ =	swait.ge [sflag:s30], $0x1400  }
0x24c: {  	[sflag:s30] =	ssyncset.done $0x0  }
0x24d: {  	s19 =	simm.s32 $0x27B0;
	[sflag:s30] =	ssyncadd.s32 $0xFFFFEC00  }
0x24e: {  	[spmem:s2] =	stream.indirect.scatter.add.f32 [tilespmem:s1], [sflag:$0x7], $0x40, s19, s5, $0xb8;
	[tilespmem:$0x1FC20] =	vst v63  }
0x24f: {  	_ =	swait.ge [sflag:s14], $0x1400  }
0x250: {  	[sflag:s14] =	ssyncset.done $0x0  }
0x251: {  	s4 =	simm.s32 $0x230;
	[sflag:s14] =	ssyncadd.s32 $0xFFFFEC00  }
0x252: {  	[tilespmem:s1], [sflag:$0x3] =	stream.indirect.gather [hbm4b:s6+s5], $0x40, s4, s5, $0xb8;
	[tilespmem:$0x1FC20] =	vst v63  }
0x253: {  	_ =	swait.ge [sflag:s10], $0x1400  }
0x254: {  	[sflag:s10] =	ssyncset.done $0x0  }
0x255: {  	s15 =	simm.s32 $0x2800;
	[sflag:s10] =	ssyncadd.s32 $0xFFFFEC00  }
0x256: {  	[spmem:s2] =	stream.indirect.scatter.add.f32 [tilespmem:s31], [sflag:$0x7], $0x40, s15, s5, $0xb8;
	[tilespmem:$0x1FC20] =	vst v63  }
0x257: {  	_ =	swait.ge [sflag:s14], $0x1400  }
0x258: {  	[sflag:s14] =	ssyncset.done $0x0  }
0x259: {  	s17 =	simm.s32 $0x280;
	[sflag:s14] =	ssyncadd.s32 $0xFFFFEC00  }
0x25a: {  	[tilespmem:s31], [sflag:$0x4] =	stream.indirect.gather [hbm4b:s6+s5], $0x40, s17, s5, $0xb8;
	[tilespmem:$0x1FC20] =	vst v63  }
0x25b: {  	_ =	swait.ge [sflag:s11], $0x1400  }
0x25c: {  	[sflag:s11] =	ssyncset.done $0x0  }
0x25d: {  	s19 =	simm.s32 $0x2850;
	[sflag:s11] =	ssyncadd.s32 $0xFFFFEC00  }
0x25e: {  	[spmem:s2] =	stream.indirect.scatter.add.f32 [tilespmem:s8], [sflag:$0x7], $0x40, s19, s5, $0xb8;
	[tilespmem:$0x1FC20] =	vst v63  }
0x25f: {  	s29 =	simm.s32 $0x2D0;
	_ =	swait.ge [sflag:s14], $0x1400  }
0x260: {  	s25 =	simm.s32 $0x4D30;
	s20 =	simm.s32 $0x4D80;
	[sflag:s14] =	ssyncset.done $0x0  }
0x261: {  	s13 =	simm.s32 $0x4DD0;
	s12 =	simm.s32 $0x640;
	[sflag:s14] =	ssyncadd.s32 $0xFFFFEC00  }
.LBB2_4:
0x262: {  	[tilespmem:s8], [sflag:$0x5] =	stream.indirect.gather [hbm4b:s6+s5], $0x40, s29, s5, $0xb8;
	[tilespmem:$0x1FC20] =	vst v63  }
0x263: {  	s17 =	smov.u32 s12  }
0x264: {  	p0 =	sne.s32 s12, $0x8FC0;
	s12 =	sadd.s32 $0x640, s12;
	_ =	swait.ge [sflag:s0], $0x1400  }
0x265: {  	s29 =	sshra.s32 s17, $0x2;
	[sflag:s0] =	ssyncset.done $0x0  }
0x266: {  	s17 =	sadd.s32 $0x2710, s29;
	[sflag:s0] =	ssyncadd.s32 $0xFFFFEC00  }
0x267: {  	[spmem:s2] =	stream.indirect.scatter.add.f32 [tilespmem:s18], [sflag:$0x7], $0x40, s17, s5, $0xb8;
	[tilespmem:$0x1FC20] =	vst v63  }
0x268: {  	_ =	swait.ge [sflag:s14], $0x1400  }
0x269: {  	[sflag:s14] =	ssyncset.done $0x0  }
0x26a: {  	s17 =	sadd.s32 $0x190, s29;
	[sflag:s14] =	ssyncadd.s32 $0xFFFFEC00  }
0x26b: {  	[tilespmem:s18], [sflag:$0x1] =	stream.indirect.gather [hbm4b:s6+s5], $0x40, s17, s5, $0xb8;
	[tilespmem:$0x1FC20] =	vst v63  }
0x26c: {  	_ =	swait.ge [sflag:s7], $0x1400  }
0x26d: {  	[sflag:s7] =	ssyncset.done $0x0  }
0x26e: {  	s17 =	sadd.s32 $0x2760, s29;
	[sflag:s7] =	ssyncadd.s32 $0xFFFFEC00  }
0x26f: {  	[spmem:s2] =	stream.indirect.scatter.add.f32 [tilespmem:s28], [sflag:$0x7], $0x40, s17, s5, $0xb8;
	[tilespmem:$0x1FC20] =	vst v63  }
0x270: {  	_ =	swait.ge [sflag:s14], $0x1400  }
0x271: {  	[sflag:s14] =	ssyncset.done $0x0  }
0x272: {  	s17 =	sadd.s32 $0x1E0, s29;
	[sflag:s14] =	ssyncadd.s32 $0xFFFFEC00  }
0x273: {  	[tilespmem:s28], [sflag:$0x2] =	stream.indirect.gather [hbm4b:s6+s5], $0x40, s17, s5, $0xb8;
	[tilespmem:$0x1FC20] =	vst v63  }
0x274: {  	_ =	swait.ge [sflag:s30], $0x1400  }
0x275: {  	[sflag:s30] =	ssyncset.done $0x0  }
0x276: {  	s17 =	sadd.s32 $0x27B0, s29;
	[sflag:s30] =	ssyncadd.s32 $0xFFFFEC00  }
0x277: {  	[spmem:s2] =	stream.indirect.scatter.add.f32 [tilespmem:s1], [sflag:$0x7], $0x40, s17, s5, $0xb8;
	[tilespmem:$0x1FC20] =	vst v63  }
0x278: {  	_ =	swait.ge [sflag:s14], $0x1400  }
0x279: {  	[sflag:s14] =	ssyncset.done $0x0  }
0x27a: {  	s17 =	sadd.s32 $0x230, s29;
	[sflag:s14] =	ssyncadd.s32 $0xFFFFEC00  }
0x27b: {  	[tilespmem:s1], [sflag:$0x3] =	stream.indirect.gather [hbm4b:s6+s5], $0x40, s17, s5, $0xb8;
	[tilespmem:$0x1FC20] =	vst v63  }
0x27c: {  	_ =	swait.ge [sflag:s10], $0x1400  }
0x27d: {  	[sflag:s10] =	ssyncset.done $0x0  }
0x27e: {  	s17 =	sadd.s32 $0x2800, s29;
	[sflag:s10] =	ssyncadd.s32 $0xFFFFEC00  }
0x27f: {  	[spmem:s2] =	stream.indirect.scatter.add.f32 [tilespmem:s31], [sflag:$0x7], $0x40, s17, s5, $0xb8;
	[tilespmem:$0x1FC20] =	vst v63  }
0x280: {  	_ =	swait.ge [sflag:s14], $0x1400  }
0x281: {  	[sflag:s14] =	ssyncset.done $0x0  }
0x282: {  	s17 =	sadd.s32 $0x280, s29;
	[sflag:s14] =	ssyncadd.s32 $0xFFFFEC00  }
0x283: {  	[tilespmem:s31], [sflag:$0x4] =	stream.indirect.gather [hbm4b:s6+s5], $0x40, s17, s5, $0xb8;
	[tilespmem:$0x1FC20] =	vst v63  }
0x284: {  	_ =	swait.ge [sflag:s11], $0x1400  }
0x285: {  	[sflag:s11] =	ssyncset.done $0x0  }
.Ltmp1:
0x286: {  	s17 =	sadd.s32 $0x2850, s29;
	[sflag:s11] =	ssyncadd.s32 $0xFFFFEC00;
	(pc) =	sbr.rel @p0 .LBB2_4-.Ltmp1, $4  }
0x287: {  	[spmem:s2] =	stream.indirect.scatter.add.f32 [tilespmem:s8], [sflag:$0x7], $0x40, s17, s5, $0xb8;
	[tilespmem:$0x1FC20] =	vst v63  }
0x288: {  	_ =	swait.ge [sflag:s14], $0x1400  }
0x289: {  	[sflag:s14] =	ssyncset.done $0x0  }
0x28a: {  	s29 =	sadd.s32 $0x2D0, s29;
	[sflag:s14] =	ssyncadd.s32 $0xFFFFEC00  }
0x28b: {  	[tilespmem:s8], [sflag:$0x5] =	stream.indirect.gather [hbm4b:s6+s5], $0x40, s29, s5, $0xb8;
	[tilespmem:$0x1FC20] =	vst v63  }
0x28c: {  	_ =	swait.ge [sflag:s0], $0x1400  }
0x28d: {  	[sflag:s0] =	ssyncset.done $0x0  }
0x28e: {  	s12 =	simm.s32 $0x4C90;
	[sflag:s0] =	ssyncadd.s32 $0xFFFFEC00  }
0x28f: {  	[spmem:s2] =	stream.indirect.scatter.add.f32 [tilespmem:s18], [sflag:$0x7], $0x40, s12, s5, $0xb8;
	[tilespmem:$0x1FC20] =	vst v63  }
0x290: {  	_ =	swait.ge [sflag:s14], $0x1400  }
0x291: {  	[sflag:s14] =	ssyncset.done $0x0  }
0x292: {  	[sflag:s14] =	ssyncadd.s32 $0xFFFFEC00  }
0x293: {  	_ =	swait.ge [sflag:s7], $0x1400  }
0x294: {  	[sflag:s7] =	ssyncset.done $0x0  }
0x295: {  	s17 =	simm.s32 $0x4CE0;
	[sflag:s7] =	ssyncadd.s32 $0xFFFFEC00  }
0x296: {  	[spmem:s2] =	stream.indirect.scatter.add.f32 [tilespmem:s28], [sflag:$0x7], $0x40, s17, s5, $0xb8;
	[tilespmem:$0x1FC20] =	vst v63  }
0x297: {  	_ =	swait.ge [sflag:s14], $0x1400  }
0x298: {  	[sflag:s14] =	ssyncset.done $0x0  }
0x299: {  	[sflag:s14] =	ssyncadd.s32 $0xFFFFEC00  }
0x29a: {  	_ =	swait.ge [sflag:s30], $0x1400  }
0x29b: {  	[sflag:s30] =	ssyncset.done $0x0  }
0x29c: {  	[sflag:s30] =	ssyncadd.s32 $0xFFFFEC00  }
0x29d: {  	[spmem:s2] =	stream.indirect.scatter.add.f32 [tilespmem:s1], [sflag:$0x7], $0x40, s25, s5, $0xb8;
	[tilespmem:$0x1FC20] =	vst v63  }
0x29e: {  	_ =	swait.ge [sflag:s14], $0x1400  }
0x29f: {  	[sflag:s14] =	ssyncset.done $0x0  }
0x2a0: {  	[sflag:s14] =	ssyncadd.s32 $0xFFFFEC00  }
0x2a1: {  	_ =	swait.ge [sflag:s10], $0x1400  }
0x2a2: {  	[sflag:s10] =	ssyncset.done $0x0  }
0x2a3: {  	[sflag:s10] =	ssyncadd.s32 $0xFFFFEC00  }
0x2a4: {  	[spmem:s2] =	stream.indirect.scatter.add.f32 [tilespmem:s31], [sflag:$0x7], $0x40, s20, s5, $0xb8;
	[tilespmem:$0x1FC20] =	vst v63  }
0x2a5: {  	_ =	swait.ge [sflag:s14], $0x1400  }
0x2a6: {  	[sflag:s14] =	ssyncset.done $0x0  }
0x2a7: {  	[sflag:s14] =	ssyncadd.s32 $0xFFFFEC00  }
0x2a8: {  	_ =	swait.ge [sflag:s11], $0x1400  }
0x2a9: {  	[sflag:s11] =	ssyncset.done $0x0  }
0x2aa: {  	[sflag:s11] =	ssyncadd.s32 $0xFFFFEC00  }
0x2ab: {  	[spmem:s2] =	stream.indirect.scatter.add.f32 [tilespmem:s8], [sflag:$0x7], $0x40, s13, s5, $0xb8;
	[tilespmem:$0x1FC20] =	vst v63  }
0x2ac: {  	_ =	swait.ge [sflag:s14], $0x1400  }
0x2ad: {  	[sflag:s14] =	ssyncset.done $0x0  }
0x2ae: {  	[sflag:s14] =	ssyncadd.s32 $0xFFFFEC00  }
0x2af: {  	[bflag:$0x0] =	sbarrier.arrive $0xFFFF  }
0x2b0: {  	s25 =	rddreg [dreg:$0xa]  }
0x2b1: {  	[tilespmem:s22], [sflag:$0x7] =	stream.linear.gather [spmem:s25], $0x2800, $0x38;
	[tilespmem:$0x1FC20] =	vst v63  }
0x2b2: {  	_ =	swait.ge [sflag:s14], $0x2800  }
0x2b3: {  	s15 =	simm.s32 $0x40;
	[sflag:s14] =	ssyncset.done $0x0  }
0x2b4: {  	s13 =	simm.s32 $0x80;
	s19 =	rddreg [dreg:$0xd];
	[sflag:s14] =	ssyncadd.s32 $0xFFFFD800  }
0x2b5: {  	[hbm4b:s19+s15] =	stream.strided.scatter [tilespmem:s22], [sflag:$0x7], $0x2800, s13, s15, $0x38;
	[tilespmem:$0x1FC20] =	vst v63  }
0x2b6: {  	_ =	swait.ge [sflag:s14], $0x2800  }
0x2b7: {  	[sflag:s14] =	ssyncset.done $0x0  }
0x2b8: {  	s17 =	rddreg [dreg:$0xb];
	[sflag:s14] =	ssyncadd.s32 $0xFFFFD800  }
0x2b9: {  	[tilespmem:s22], [sflag:$0x7] =	stream.linear.gather [spmem:s17], $0x2800, $0x38;
	[tilespmem:$0x1FC20] =	vst v63  }
0x2ba: {  	_ =	swait.ge [sflag:s14], $0x2800  }
0x2bb: {  	[sflag:s14] =	ssyncset.done $0x0  }
0x2bc: {  	s20 =	rddreg [dreg:$0xe];
	[sflag:s14] =	ssyncadd.s32 $0xFFFFD800  }
0x2bd: {  	[hbm4b:s20+s15] =	stream.strided.scatter [tilespmem:s22], [sflag:$0x7], $0x2800, s13, s15, $0x38;
	[tilespmem:$0x1FC20] =	vst v63  }
0x2be: {  	_ =	swait.ge [sflag:s14], $0x2800  }
0x2bf: {  	[sflag:s14] =	ssyncset.done $0x0  }
0x2c0: {  	s20 =	rddreg [dreg:$0xc];
	[sflag:s14] =	ssyncadd.s32 $0xFFFFD800  }
0x2c1: {  	[tilespmem:s22], [sflag:$0x7] =	stream.linear.gather [spmem:s20], $0x2800, $0x38;
	[tilespmem:$0x1FC20] =	vst v63  }
0x2c2: {  	_ =	swait.ge [sflag:s14], $0x2800  }
0x2c3: {  	[sflag:s14] =	ssyncset.done $0x0  }
0x2c4: {  	s4 =	rddreg [dreg:$0xf];
	[sflag:s14] =	ssyncadd.s32 $0xFFFFD800  }
0x2c5: {  	[hbm4b:s4+s15] =	stream.strided.scatter [tilespmem:s22], [sflag:$0x7], $0x2800, s13, s15, $0x38;
	[tilespmem:$0x1FC20] =	vst v63  }
0x2c6: {  	_ =	swait.ge [sflag:s14], $0x2800  }
0x2c7: {  	[sflag:s14] =	ssyncset.done $0x0  }
0x2c8: {  	s29 =	simm.s32 $0x127A0;
	s22 =	rddreg [dreg:$0x11];
	[sflag:s14] =	ssyncadd.s32 $0xFFFFD800  }
0x2c9: {  	[tilespmem:s29], [sflag:$0x7] =	stream.linear.gather [spmem:s22], $0x2800, $0x38;
	[tilespmem:$0x1FC20] =	vst v63  }
0x2ca: {  	_ =	swait.ge [sflag:s14], $0x2800  }
0x2cb: {  	[sflag:s14] =	ssyncset.done $0x0  }
0x2cc: {  	s19 =	rddreg [dreg:$0x10];
	[sflag:s14] =	ssyncadd.s32 $0xFFFFD800  }
0x2cd: {  	[hbm4b:s19+s15] =	stream.strided.scatter [tilespmem:s29], [sflag:$0x7], $0x2800, s13, s15, $0x38;
	[tilespmem:$0x1FC20] =	vst v63  }
0x2ce: {  	_ =	swait.ge [sflag:s14], $0x2800  }
0x2cf: {  	[sflag:s14] =	ssyncset.done $0x0  }
0x2d0: {  	s13 =	simm.s32 $0x14FA0;
	[sflag:s14] =	ssyncadd.s32 $0xFFFFD800  }
0x2d1: {  	[tilespmem:s13], [sflag:$0x7] =	stream.linear.gather [spmem:s26], $0x280, $0x38;
	[tilespmem:$0x1FC20] =	vst v63  }
0x2d2: {  	_ =	swait.ge [sflag:s14], $0x280  }
0x2d3: {  	[sflag:s14] =	ssyncset.done $0x0  }
0x2d4: {  	s4 =	simm.s32 $0x0;
	s15 =	rddreg [dreg:$0x13];
	[sflag:s14] =	ssyncadd.s32 $0xFFFFFD80  }
0x2d5: {  	[hbm4b:s15+s4] =	stream.linear.scatter [tilespmem:s13], [sflag:$0x7], $0x280, $0x38;
	[tilespmem:$0x1FC20] =	vst v63  }
0x2d6: {  	_ =	swait.ge [sflag:s14], $0x280  }
0x2d7: {  	s26 =	sld [smem:$0x7FD]  }
0x2d8: {  	[sflag:s14] =	ssyncset.done $0x0  }
0x2d9: {  	[sflag:s14] =	ssyncadd.s32 $0xFFFFFD80  }
0x2da: {  	[tilespmem:s13], [sflag:$0x7] =	stream.linear.gather [spmem:s26], $0x280, $0x38;
	[tilespmem:$0x1FC20] =	vst v63  }
0x2db: {  	_ =	swait.ge [sflag:s14], $0x280  }
0x2dc: {  	[sflag:s14] =	ssyncset.done $0x0  }
0x2dd: {  	s19 =	smov.u32 s26;
	s26 =	sadd.s32 $0x500, s15;
	[sflag:s14] =	ssyncadd.s32 $0xFFFFFD80  }
0x2de: {  	[hbm4b:s26+s4] =	stream.linear.scatter [tilespmem:s13], [sflag:$0x7], $0x280, $0x38;
	[tilespmem:$0x1FC20] =	vst v63  }
0x2df: {  	_ =	swait.ge [sflag:s14], $0x280  }
0x2e0: {  	[sflag:s14] =	ssyncset.done $0x0  }
0x2e1: {  	s4 =	rddreg [dreg:$0x14];
	[sflag:s14] =	ssyncadd.s32 $0xFFFFFD80  }
0x2e2: {  	[tilespmem:s13], [sflag:$0x7] =	stream.linear.gather [spmem:s4], $0x280, $0x38;
	[tilespmem:$0x1FC20] =	vst v63  }
0x2e3: {  	_ =	swait.ge [sflag:s14], $0x280  }
0x2e4: {  	[sflag:s14] =	ssyncset.done $0x0  }
0x2e5: {  	s12 =	sadd.s32 $0xA00, s15;
	s26 =	simm.s32 $0x0;
	[sflag:s14] =	ssyncadd.s32 $0xFFFFFD80  }
0x2e6: {  	[hbm4b:s12+s26] =	stream.linear.scatter [tilespmem:s13], [sflag:$0x7], $0x280, $0x38;
	[tilespmem:$0x1FC20] =	vst v63  }
0x2e7: {  	_ =	swait.ge [sflag:s14], $0x280  }
0x2e8: {  	[sflag:s14] =	ssyncset.done $0x0  }
0x2e9: {  	s26 =	rddreg [dreg:$0x15];
	[sflag:s14] =	ssyncadd.s32 $0xFFFFFD80  }
0x2ea: {  	[tilespmem:s13], [sflag:$0x7] =	stream.linear.gather [spmem:s26], $0x280, $0x38;
	[tilespmem:$0x1FC20] =	vst v63  }
0x2eb: {  	_ =	swait.ge [sflag:s14], $0x280  }
0x2ec: {  	[sflag:s14] =	ssyncset.done $0x0  }
0x2ed: {  	s12 =	sadd.s32 $0xF00, s15;
	s15 =	simm.s32 $0x0;
	[sflag:s14] =	ssyncadd.s32 $0xFFFFFD80  }
0x2ee: {  	[hbm4b:s12+s15] =	stream.linear.scatter [tilespmem:s13], [sflag:$0x7], $0x280, $0x38;
	[tilespmem:$0x1FC20] =	vst v63  }
0x2ef: {  	_ =	swait.ge [sflag:s14], $0x280  }
0x2f0: {  	s12 =	rddreg [dreg:$0x1f]  }
0x2f1: {  	s15 =	sadd.s32 $0x1, s12;
	s12 =	rddreg [dreg:$0x1e]  }
0x2f2: {  	p0 =	sne.s32 s15, s12  }
.Ltmp2:
0x2f3: {  	_ = 	snop;
	(pc) =	sbr.rel @p0 .LBB2_1-.Ltmp2, $3  }
0x2f4: {  	_ =	sdelay $0x1  }
0x2f5: {  	[sflag:s14] =	ssyncset.done $0x0  }
0x2f6: {  	[sflag:s14] =	ssyncadd.s32 $0xFFFFFD80;
	[dreg:$0x1f] =	wrdreg s15  }
0x2f7: {  	_ =	sfence.sel $0x180000  }
0x2f8: {  	[bflag:$0x0] =	sbarrier.arrive $0xFFFF  }
0x2f9: {  	_ =	strace $0x90000047  }
0x2fa: {  	s0 =	stileid.u32;
	[bflag:$0x2] =	sbarrier.arrive $0xFFFF  }
0x2fb: {  	p0 =	sne.s32 s0, $0x0;
	s0 =	rddreg [dreg:$0x4]  }
0x2fc: {  	s0 =	sadd.s32 @!p0 $0x100000, s0  }
0x2fd: {  	[sflag:s0] =	ssyncadd.tile.s32 @!p0 $0x1;
	_ =	shalt  }
.Lfunc_end2:
_tile_overlayer_lowered:
.L_overlay_start_2:
0x2fe: {  	(tag) =	ssettag $0x2  }
0x2ff: {  	s0 =	rddreg [dreg:$0x0];
	s2 =	stileid.u32  }
0x300: {  	s1 =	rddreg [dreg:$0x1];
	p0 =	sne.s32 s2, $0x0  }
0x301: {  	s3 =	rddreg [dreg:$0x2];
	[bflag:$0x3] =	sbarrier.arrive $0xFFFF;
	s2 =	simm.s32 @!p0 $0x1C07  }
0x302: {  	[timem:s3], [sflag:s2] =	dma.local @!p0 [hbm:s0], s1  }
0x303: {  	s0 =	simm.s32 @!p0 $0x7  }
0x304: {  	_ =	swait.ge @!p0 [sflag:s0], s1  }
0x305: {  	s1 =	ssub.s32 @!p0 $0x0, s1;
	[sflag:s0] =	ssyncset.done @!p0 $0x0  }
0x306: {  	[sflag:s0] =	ssyncadd.s32 @!p0 s1  }
0x307: {  	[bflag:$0x3] =	sbarrier.arrive $0xFFFF  }
0x308: {  	_ =	shalt  }

</sc_bundles>
